<compile_context>
chip_gen: v7x
topology: tpu7x:2x2x1
jax: 0.10.2.dev20260603
libtpu: 0.0.44.dev20260713+nightly
codegen_flags: <defaults>
</compile_context>

<pallas_src>
import functools

import jax
import jax.numpy as jnp
from jax import lax
from jax.experimental import pallas as pl
from jax.experimental.pallas import tpu as pltpu
from jax.experimental.pallas import tpu_sc as plsc

NC = 2
NS = 16
NW = NC * NS
RPW = 80
K = 10

_SC_PARAMS = pltpu.CompilerParams(use_tc_tiling_on_sc=False)



def _sc_degree(e3, n):
    nr = e3.shape[1]
    rl = nr - (NW - 1) * RPW
    mesh = plsc.VectorSubcoreMesh(core_axis_name="c", subcore_axis_name="s")

    @functools.partial(
        pl.kernel,
        out_type=jax.ShapeDtypeStruct((NC, n), jnp.float32),
        mesh=mesh,
        scratch_types=[
            pltpu.VMEM((RPW, 128), jnp.int32),
            pltpu.VMEM((128,), jnp.float32),
            pltpu.VMEM((640,), jnp.float32),
            pltpu.VMEM_SHARED((n,), jnp.float32),
            pltpu.SemaphoreType.DMA,
        ],
        compiler_params=_SC_PARAMS,
    )
    def deg_kernel(e_hbm, out_hbm, idx_v, ones_v, zeros_v, deg_sp, sem):
        c = lax.axis_index("c")
        s = lax.axis_index("s")
        wid = c * NS + s
        nb = lax.select(wid < NW - 1, RPW, rl)
        for i in range(128 // 16):
            ones_v[pl.ds(i * 16, 16)] = jnp.ones((16,), jnp.float32)
        for i in range(640 // 16):
            zeros_v[pl.ds(i * 16, 16)] = jnp.zeros((16,), jnp.float32)

        pltpu.sync_copy(e_hbm.at[1, pl.ds(wid * RPW, RPW)], idx_v)

        @pl.when(s < NS - 1)
        def _():
            pltpu.sync_copy(zeros_v, deg_sp.at[pl.ds(s * 640, 640)])

        @pl.when(s == NS - 1)
        def _():
            pltpu.sync_copy(zeros_v.at[pl.ds(0, 400)],
                            deg_sp.at[pl.ds((NS - 1) * 640, 400)])

        plsc.subcore_barrier()

        def fire(j, carry):
            pltpu.async_copy(ones_v, deg_sp.at[idx_v.at[j]], sem, add=True)
            return carry

        lax.fori_loop(0, nb, fire, 0)

        def drain(j, carry):
            pltpu.make_async_copy(ones_v, deg_sp.at[idx_v.at[j]], sem).wait()
            return carry

        lax.fori_loop(0, nb, drain, 0)
        plsc.subcore_barrier()

        @pl.when(s == 0)
        def _():
            pltpu.sync_copy(deg_sp, out_hbm.at[c])

    return deg_kernel(e3)


def _sc_edge_agg(gh, e3):
    _, n, dh = gh.shape
    nr = e3.shape[1]
    RPS = 160
    rl = nr - (NS - 1) * RPS
    rps = 8 * -(-n // (8 * NS))
    rlast = n - (NS - 1) * rps
    mesh = plsc.VectorSubcoreMesh(core_axis_name="c", subcore_axis_name="s")

    @functools.partial(
        pl.kernel,
        out_type=jax.ShapeDtypeStruct((n, 2 * dh), jnp.bfloat16),
        mesh=mesh,
        scratch_types=[
            pltpu.VMEM((RPS, 128), jnp.int32),
            pltpu.VMEM((RPS, 128), jnp.int32),
            pltpu.VMEM((128, dh), jnp.bfloat16),
            *[pltpu.VMEM((128, dh), jnp.bfloat16) for _ in range(K)],
            pltpu.VMEM_SHARED((n, dh), jnp.bfloat16),
            *[pltpu.SemaphoreType.DMA for _ in range(K)],
        ],
        compiler_params=_SC_PARAMS,
    )
    def agg_kernel(g_hbm, e_hbm, out_hbm, sidx, didx, zbuf, *rest):
        rows = rest[:K]
        acc_sp = rest[K]
        gsem = rest[K + 1:K + 1 + K]
        c = lax.axis_index("c")
        s = lax.axis_index("s")
        g_hbm = g_hbm.at[c]
        nb = lax.select(s < NS - 1, RPS, rl)

        @pl.when(s < NS - 1)
        def _():
            pltpu.sync_copy(e_hbm.at[0, pl.ds(s * RPS, RPS)], sidx)
            pltpu.sync_copy(e_hbm.at[1, pl.ds(s * RPS, RPS)], didx)

        @pl.when(s == NS - 1)
        def _():
            pltpu.sync_copy(e_hbm.at[0, pl.ds((NS - 1) * RPS, rl)],
                            sidx.at[pl.ds(0, rl)])
            pltpu.sync_copy(e_hbm.at[1, pl.ds((NS - 1) * RPS, rl)],
                            didx.at[pl.ds(0, rl)])

        def zfill(r, carry):
            for kk in range(dh // 32):
                zbuf[r, pl.ds(kk * 32, 32)] = jnp.zeros((32,), jnp.bfloat16)
            return carry

        lax.fori_loop(0, 128, zfill, 0)

        def zcopy(r, carry):
            pltpu.sync_copy(zbuf, acc_sp.at[pl.ds(s * rps + r * 128, 128)])
            return carry

        lax.fori_loop(0, rps // 128, zcopy, 0)
        zrem = rps - (rps // 128) * 128
        zoff = (rps // 128) * 128

        @pl.when(jnp.logical_and(s < NS - 1, zrem > 0))
        def _():
            pltpu.sync_copy(zbuf.at[pl.ds(0, max(zrem, 8))],
                            acc_sp.at[pl.ds(s * rps + zoff, max(zrem, 8))])

        @pl.when(s == NS - 1)
        def _():
            pltpu.sync_copy(
                zbuf.at[pl.ds(0, rlast - zoff)],
                acc_sp.at[pl.ds((NS - 1) * rps + zoff, rlast - zoff)])

        plsc.subcore_barrier()

        for b in range(K - 1):
            pltpu.async_copy(g_hbm.at[sidx.at[b]], rows[b], gsem[b])

        def group(gidx, carry):
            for b in range(K):
                j = gidx * K + b
                pltpu.make_async_copy(g_hbm.at[sidx.at[j]], rows[b],
                                      gsem[b]).wait()
                bn = (b + K - 1) % K

                @pl.when(j + K - 1 < nb)
                def _():
                    pltpu.async_copy(g_hbm.at[sidx.at[j + K - 1]], rows[bn],
                                     gsem[bn])

                pltpu.sync_copy(rows[b], acc_sp.at[didx.at[j]], add=True)
            return carry

        lax.fori_loop(0, nb // K, group, 0)
        plsc.subcore_barrier()
        coff = c * dh

        @pl.when(s < NS - 1)
        def _():
            pltpu.sync_copy(acc_sp.at[pl.ds(s * rps, rps)],
                            out_hbm.at[pl.ds(s * rps, rps),
                                       pl.ds(coff, dh)])

        @pl.when(s == NS - 1)
        def _():
            pltpu.sync_copy(acc_sp.at[pl.ds((NS - 1) * rps, rlast)],
                            out_hbm.at[pl.ds((NS - 1) * rps, rlast),
                                       pl.ds(coff, dh)])

    return agg_kernel(gh, e3)



def _k1_body(x_ref, w1_ref, degp_ref, dinv_ref, g1_ref):
    _, n, dh = g1_ref.shape
    deg = degp_ref[0, :] + degp_ref[1, :] + 1.0
    dinv = lax.rsqrt(deg)
    dinv_ref[...] = dinv
    h = jnp.dot(x_ref[...], w1_ref[...], preferred_element_type=jnp.float32)
    g = (h * lax.broadcast_in_dim(dinv, (n, 2 * dh), (0,))
         ).astype(jnp.bfloat16)
    g1_ref[0] = g[:, :dh]
    g1_ref[1] = g[:, dh:]


def _k2_body(acc_ref, g1_ref, dinv_ref, b1_ref, w2_ref, g2_ref):
    _, n, dh = g1_ref.shape
    d = 2 * dh
    dinvb = lax.broadcast_in_dim(dinv_ref[...], (n, d), (0,))
    g1 = jnp.concatenate([g1_ref[0], g1_ref[1]], axis=1)
    pre = acc_ref[...].astype(jnp.float32) + g1.astype(jnp.float32)
    out1 = jnp.maximum(pre * dinvb + b1_ref[...], 0.0)
    h2 = jnp.dot(out1, w2_ref[...], preferred_element_type=jnp.float32)
    g2 = (h2 * dinvb).astype(jnp.bfloat16)
    g2_ref[0] = g2[:, :dh]
    g2_ref[1] = g2[:, dh:]


def _k3_body(acc_ref, g2_ref, dinv_ref, b2_ref, fcw_ref, fcb_ref, q_ref):
    _, n, dh = g2_ref.shape
    d = 2 * dh
    dinvb = lax.broadcast_in_dim(dinv_ref[...], (n, d), (0,))
    g2 = jnp.concatenate([g2_ref[0], g2_ref[1]], axis=1)
    pre = acc_ref[...].astype(jnp.float32) + g2.astype(jnp.float32)
    out2 = jnp.maximum(pre * dinvb + b2_ref[...], 0.0)
    pooled = jnp.sum(out2, axis=0) * (1.0 / n)
    q = jnp.dot(pooled[None, :], fcw_ref[...],
                preferred_element_type=jnp.float32)[0] + fcb_ref[...]
    q_ref[...] = q



def kernel(x, edge_index, W1, b1, W2, b2, fc_W, fc_b):
    n, d_in = x.shape
    d_hid = W1.shape[1]
    d_out = fc_W.shape[1]
    e = edge_index.shape[1]
    nr = e // 128
    e3 = edge_index.reshape(2, nr, 128)

    degp = _sc_degree(e3, n)

    dinv, g1 = pl.pallas_call(
        _k1_body,
        out_shape=(
            jax.ShapeDtypeStruct((n,), jnp.float32),
            jax.ShapeDtypeStruct((NC, n, d_hid // 2), jnp.bfloat16),
        ),
    )(x, W1, degp)

    acc1 = _sc_edge_agg(g1, e3)

    g2 = pl.pallas_call(
        _k2_body,
        out_shape=jax.ShapeDtypeStruct((NC, n, d_hid // 2), jnp.bfloat16),
    )(acc1, g1, dinv, b1, W2)

    acc2 = _sc_edge_agg(g2, e3)

    q = pl.pallas_call(
        _k3_body,
        out_shape=jax.ShapeDtypeStruct((d_out,), jnp.float32),
    )(acc2, g2, dinv, b2, fc_W, fc_b)

    return q

# --- scband reference (transcript-rebuilt; emitter-appended) ---
"""Pipeline reference for scband-gcnnet-9912784519843 (READ-ONLY COPY).

The authoritative reference and input builder live on the scoring server;
editing this copy changes nothing except your own understanding.
"""

import jax, jax.numpy as jnp
import numpy as np


def gcn_conv(x, edge_index, W, b):
    n = x.shape[0]
    src = edge_index[0]
    dst = edge_index[1]
    loop = jnp.arange(n, dtype=edge_index.dtype)
    src = jnp.concatenate([src, loop])
    dst = jnp.concatenate([dst, loop])
    deg = jnp.zeros((n,), dtype=x.dtype).at[dst].add(1.0)
    dinv = jnp.where(deg > 0, jax.lax.rsqrt(jnp.maximum(deg, 1e-12)), 0.0)
    norm = dinv[src] * dinv[dst]
    h = x @ W
    msg = h[src] * norm[:, None]
    out = jnp.zeros((n, W.shape[1]), dtype=x.dtype).at[dst].add(msg)
    return out + b


def setup_inputs(seed: int = 0) -> dict:
    key = jax.random.key(seed)
    ks = jax.random.split(key, 8)
    n, d_in, d_hid, d_out = 10000, 128, 128, 64
    e = 320000
    x = jax.random.normal(ks[0], (n, d_in), dtype=jnp.float32)
    edge_index = jax.random.randint(ks[1], (2, e), 0, n, dtype=jnp.int32)
    s1 = 1.0 / np.sqrt(d_in)
    s2 = 1.0 / np.sqrt(d_hid)
    W1 = jax.random.uniform(ks[2], (d_in, d_hid), minval=-s1, maxval=s1, dtype=jnp.float32)
    b1 = jnp.zeros((d_hid,), dtype=jnp.float32)
    W2 = jax.random.uniform(ks[3], (d_hid, d_hid), minval=-s2, maxval=s2, dtype=jnp.float32)
    b2 = jnp.zeros((d_hid,), dtype=jnp.float32)
    fc_W = jax.random.uniform(ks[4], (d_hid, d_out), minval=-s2, maxval=s2, dtype=jnp.float32)
    fc_b = jax.random.uniform(ks[5], (d_out,), minval=-s2, maxval=s2, dtype=jnp.float32)
    return {"x": x, "edge_index": edge_index, "W1": W1, "b1": b1, "W2": W2, "b2": b2, "fc_W": fc_W, "fc_b": fc_b}


def reference(x, edge_index, W1, b1, W2, b2, fc_W, fc_b):
    h = jax.nn.relu(gcn_conv(x, edge_index, W1, b1))
    h = jax.nn.relu(gcn_conv(h, edge_index, W2, b2))
    pooled = jnp.mean(h, axis=0)
    q_values = pooled @ fc_W + fc_b
    return q_values

if __name__ == "__main__":
    import jax
    _d = setup_inputs()
    print(jax.jit(kernel)(*tuple(_d.values())))

</pallas_src>

<mosaic_0001>
#map = affine_map<(d0, d1) -> (0, 0, 0)>
#map1 = affine_map<(d0, d1) -> (0, 0)>
module attributes {stable_mosaic.version = 14 : i64} {
  func.func @agg_kernel(%arg0: i32, %arg1: i32, %arg2: memref<2x10000x64xbf16, #tpu.memory_space<hbm>>, %arg3: memref<2x2500x128xi32, #tpu.memory_space<hbm>>, %arg4: memref<10000x128xbf16, #tpu.memory_space<hbm>>, %arg5: memref<160x128xi32, #tpu.memory_space<vmem>>, %arg6: memref<160x128xi32, #tpu.memory_space<vmem>>, %arg7: memref<128x64xbf16, #tpu.memory_space<vmem>>, %arg8: memref<128x64xbf16, #tpu.memory_space<vmem>>, %arg9: memref<128x64xbf16, #tpu.memory_space<vmem>>, %arg10: memref<128x64xbf16, #tpu.memory_space<vmem>>, %arg11: memref<128x64xbf16, #tpu.memory_space<vmem>>, %arg12: memref<128x64xbf16, #tpu.memory_space<vmem>>, %arg13: memref<128x64xbf16, #tpu.memory_space<vmem>>, %arg14: memref<128x64xbf16, #tpu.memory_space<vmem>>, %arg15: memref<128x64xbf16, #tpu.memory_space<vmem>>, %arg16: memref<128x64xbf16, #tpu.memory_space<vmem>>, %arg17: memref<128x64xbf16, #tpu.memory_space<vmem>>, %arg18: memref<10000x64xbf16, #tpu.memory_space<vmem_shared>>, %arg19: memref<!tpu.dma_semaphore, #tpu.memory_space<semaphore_mem>>, %arg20: memref<!tpu.dma_semaphore, #tpu.memory_space<semaphore_mem>>, %arg21: memref<!tpu.dma_semaphore, #tpu.memory_space<semaphore_mem>>, %arg22: memref<!tpu.dma_semaphore, #tpu.memory_space<semaphore_mem>>, %arg23: memref<!tpu.dma_semaphore, #tpu.memory_space<semaphore_mem>>, %arg24: memref<!tpu.dma_semaphore, #tpu.memory_space<semaphore_mem>>, %arg25: memref<!tpu.dma_semaphore, #tpu.memory_space<semaphore_mem>>, %arg26: memref<!tpu.dma_semaphore, #tpu.memory_space<semaphore_mem>>, %arg27: memref<!tpu.dma_semaphore, #tpu.memory_space<semaphore_mem>>, %arg28: memref<!tpu.dma_semaphore, #tpu.memory_space<semaphore_mem>>) attributes {dimension_semantics = [#tpu.dimension_semantics<core_parallel>, #tpu.dimension_semantics<subcore_parallel>], iteration_bounds = array<i64: 2, 16>, scalar_prefetch = 0 : i64, scratch_operands = 24 : i64, tpu.core_type = #tpu.core_type<sc_vector_subcore>, window_params = [{transform_indices = #map}, {transform_indices = #map}, {transform_indices = #map1}]} {
    %lt3A = arith.constant 15 : i32
    %lt3A_0 = arith.cmpi slt, %arg1, %lt3A : i32
    %select_n3A = arith.constant 100 : i32
    %select_n3A_1 = arith.constant 160 : i32
    %select_n3A_2 = arith.select %lt3A_0, %select_n3A_1, %select_n3A : i32
    %lt3A_3 = arith.constant 15 : i32
    %lt3A_4 = arith.cmpi slt, %arg1, %lt3A_3 : i32
    %convert_element_type3A = arith.extui %lt3A_4 : i1 to i32
    %cond3A = arith.constant 0 : i32
    %cond3A_5 = arith.cmpi ne, %convert_element_type3A, %cond3A : i32
    scf.if %cond3A_5 {
      %mul3A_169 = arith.constant 160 : i32
      %mul3A_170 = arith.muli %arg1, %mul3A_169 : i32
      %run_scoped3A = arith.constant 0 : i32
      "tpu.region"() ({
        %run_scoped3A_174 = tpu.sem_alloc : memref<!tpu.dma_semaphore, #tpu.memory_space<semaphore_mem>>
        %dma_start3A_175 = arith.constant 0 : i32
        %dma_start3A_176 = tpu.memref_slice %arg3[%run_scoped3A, %mul3A_170, %dma_start3A_175] : memref<2x2500x128xi32, #tpu.memory_space<hbm>> -> memref<1x160x128xi32, #tpu.memory_space<hbm>>
        %dma_start3A_177 = tpu.memref_squeeze %dma_start3A_176 : memref<1x160x128xi32, #tpu.memory_space<hbm>> -> memref<160x128xi32, #tpu.memory_space<hbm>>
        %dma_start3A_178 = arith.constant 0 : i32
        %dma_start3A_179 = tpu.memref_slice %arg3[%run_scoped3A, %mul3A_170, %dma_start3A_178] : memref<2x2500x128xi32, #tpu.memory_space<hbm>> -> memref<1x160x128xi32, #tpu.memory_space<hbm>>
        %dma_start3A_180 = tpu.memref_squeeze %dma_start3A_179 : memref<1x160x128xi32, #tpu.memory_space<hbm>> -> memref<160x128xi32, #tpu.memory_space<hbm>>
        tpu.enqueue_dma source(%dma_start3A_180 : memref<160x128xi32, #tpu.memory_space<hbm>>) target(%arg5 : memref<160x128xi32, #tpu.memory_space<vmem>>) target_semaphore(%run_scoped3A_174 : memref<!tpu.dma_semaphore, #tpu.memory_space<semaphore_mem>>)
        %dma_wait3A = arith.constant 0 : i32
        %dma_wait3A_181 = tpu.memref_slice %arg3[%run_scoped3A, %mul3A_170, %dma_wait3A] : memref<2x2500x128xi32, #tpu.memory_space<hbm>> -> memref<1x160x128xi32, #tpu.memory_space<hbm>>
        %dma_wait3A_182 = tpu.memref_squeeze %dma_wait3A_181 : memref<1x160x128xi32, #tpu.memory_space<hbm>> -> memref<160x128xi32, #tpu.memory_space<hbm>>
        %dma_wait3A_183 = arith.constant 0 : i32
        %dma_wait3A_184 = tpu.memref_slice %arg3[%run_scoped3A, %mul3A_170, %dma_wait3A_183] : memref<2x2500x128xi32, #tpu.memory_space<hbm>> -> memref<1x160x128xi32, #tpu.memory_space<hbm>>
        %dma_wait3A_185 = tpu.memref_squeeze %dma_wait3A_184 : memref<1x160x128xi32, #tpu.memory_space<hbm>> -> memref<160x128xi32, #tpu.memory_space<hbm>>
        tpu.wait_dma2 semaphore(%run_scoped3A_174 : memref<!tpu.dma_semaphore, #tpu.memory_space<semaphore_mem>>) src(%dma_wait3A_185 : memref<160x128xi32, #tpu.memory_space<hbm>>) dst(%arg5 : memref<160x128xi32, #tpu.memory_space<vmem>>)
        tpu.yield
      }) : () -> ()
      %mul3A_171 = arith.constant 160 : i32
      %mul3A_172 = arith.muli %arg1, %mul3A_171 : i32
      %run_scoped3A_173 = arith.constant 1 : i32
      "tpu.region"() ({
        %run_scoped3A_174 = tpu.sem_alloc : memref<!tpu.dma_semaphore, #tpu.memory_space<semaphore_mem>>
        %dma_start3A_175 = arith.constant 0 : i32
        %dma_start3A_176 = tpu.memref_slice %arg3[%run_scoped3A_173, %mul3A_172, %dma_start3A_175] : memref<2x2500x128xi32, #tpu.memory_space<hbm>> -> memref<1x160x128xi32, #tpu.memory_space<hbm>>
        %dma_start3A_177 = tpu.memref_squeeze %dma_start3A_176 : memref<1x160x128xi32, #tpu.memory_space<hbm>> -> memref<160x128xi32, #tpu.memory_space<hbm>>
        %dma_start3A_178 = arith.constant 0 : i32
        %dma_start3A_179 = tpu.memref_slice %arg3[%run_scoped3A_173, %mul3A_172, %dma_start3A_178] : memref<2x2500x128xi32, #tpu.memory_space<hbm>> -> memref<1x160x128xi32, #tpu.memory_space<hbm>>
        %dma_start3A_180 = tpu.memref_squeeze %dma_start3A_179 : memref<1x160x128xi32, #tpu.memory_space<hbm>> -> memref<160x128xi32, #tpu.memory_space<hbm>>
        tpu.enqueue_dma source(%dma_start3A_180 : memref<160x128xi32, #tpu.memory_space<hbm>>) target(%arg6 : memref<160x128xi32, #tpu.memory_space<vmem>>) target_semaphore(%run_scoped3A_174 : memref<!tpu.dma_semaphore, #tpu.memory_space<semaphore_mem>>)
        %dma_wait3A = arith.constant 0 : i32
        %dma_wait3A_181 = tpu.memref_slice %arg3[%run_scoped3A_173, %mul3A_172, %dma_wait3A] : memref<2x2500x128xi32, #tpu.memory_space<hbm>> -> memref<1x160x128xi32, #tpu.memory_space<hbm>>
        %dma_wait3A_182 = tpu.memref_squeeze %dma_wait3A_181 : memref<1x160x128xi32, #tpu.memory_space<hbm>> -> memref<160x128xi32, #tpu.memory_space<hbm>>
        %dma_wait3A_183 = arith.constant 0 : i32
        %dma_wait3A_184 = tpu.memref_slice %arg3[%run_scoped3A_173, %mul3A_172, %dma_wait3A_183] : memref<2x2500x128xi32, #tpu.memory_space<hbm>> -> memref<1x160x128xi32, #tpu.memory_space<hbm>>
        %dma_wait3A_185 = tpu.memref_squeeze %dma_wait3A_184 : memref<1x160x128xi32, #tpu.memory_space<hbm>> -> memref<160x128xi32, #tpu.memory_space<hbm>>
        tpu.wait_dma2 semaphore(%run_scoped3A_174 : memref<!tpu.dma_semaphore, #tpu.memory_space<semaphore_mem>>) src(%dma_wait3A_185 : memref<160x128xi32, #tpu.memory_space<hbm>>) dst(%arg6 : memref<160x128xi32, #tpu.memory_space<vmem>>)
        tpu.yield
      }) : () -> ()
    } else {
    }
    %eq3A = arith.constant 15 : i32
    %eq3A_6 = arith.cmpi eq, %arg1, %eq3A : i32
    %convert_element_type3A_7 = arith.extui %eq3A_6 : i1 to i32
    %cond3A_8 = arith.constant 0 : i32
    %cond3A_9 = arith.cmpi ne, %convert_element_type3A_7, %cond3A_8 : i32
    scf.if %cond3A_9 {
      %run_scoped3A = arith.constant 0 : i32
      "tpu.region"() ({
        %run_scoped3A_170 = tpu.sem_alloc : memref<!tpu.dma_semaphore, #tpu.memory_space<semaphore_mem>>
        %dma_start3A_171 = arith.constant 0 : i32
        %dma_start3A_172 = arith.constant 0 : i32
        %dma_start3A_173 = tpu.memref_slice %arg5[%dma_start3A_171, %dma_start3A_172] : memref<160x128xi32, #tpu.memory_space<vmem>> -> memref<100x128xi32, #tpu.memory_space<vmem>>
        %dma_start3A_174 = arith.constant 2400 : i32
        %dma_start3A_175 = arith.constant 0 : i32
        %dma_start3A_176 = tpu.memref_slice %arg3[%run_scoped3A, %dma_start3A_174, %dma_start3A_175] : memref<2x2500x128xi32, #tpu.memory_space<hbm>> -> memref<1x100x128xi32, #tpu.memory_space<hbm>>
        %dma_start3A_177 = tpu.memref_squeeze %dma_start3A_176 : memref<1x100x128xi32, #tpu.memory_space<hbm>> -> memref<100x128xi32, #tpu.memory_space<hbm>>
        %dma_start3A_178 = arith.constant 0 : i32
        %dma_start3A_179 = arith.constant 0 : i32
        %dma_start3A_180 = tpu.memref_slice %arg5[%dma_start3A_178, %dma_start3A_179] : memref<160x128xi32, #tpu.memory_space<vmem>> -> memref<100x128xi32, #tpu.memory_space<vmem>>
        %dma_start3A_181 = arith.constant 2400 : i32
        %dma_start3A_182 = arith.constant 0 : i32
        %dma_start3A_183 = tpu.memref_slice %arg3[%run_scoped3A, %dma_start3A_181, %dma_start3A_182] : memref<2x2500x128xi32, #tpu.memory_space<hbm>> -> memref<1x100x128xi32, #tpu.memory_space<hbm>>
        %dma_start3A_184 = tpu.memref_squeeze %dma_start3A_183 : memref<1x100x128xi32, #tpu.memory_space<hbm>> -> memref<100x128xi32, #tpu.memory_space<hbm>>
        tpu.enqueue_dma source(%dma_start3A_184 : memref<100x128xi32, #tpu.memory_space<hbm>>) target(%dma_start3A_180 : memref<100x128xi32, #tpu.memory_space<vmem>>) target_semaphore(%run_scoped3A_170 : memref<!tpu.dma_semaphore, #tpu.memory_space<semaphore_mem>>)
        %dma_wait3A = arith.constant 0 : i32
        %dma_wait3A_185 = arith.constant 0 : i32
        %dma_wait3A_186 = tpu.memref_slice %arg5[%dma_wait3A, %dma_wait3A_185] : memref<160x128xi32, #tpu.memory_space<vmem>> -> memref<100x128xi32, #tpu.memory_space<vmem>>
        %dma_wait3A_187 = arith.constant 2400 : i32
        %dma_wait3A_188 = arith.constant 0 : i32
        %dma_wait3A_189 = tpu.memref_slice %arg3[%run_scoped3A, %dma_wait3A_187, %dma_wait3A_188] : memref<2x2500x128xi32, #tpu.memory_space<hbm>> -> memref<1x100x128xi32, #tpu.memory_space<hbm>>
        %dma_wait3A_190 = tpu.memref_squeeze %dma_wait3A_189 : memref<1x100x128xi32, #tpu.memory_space<hbm>> -> memref<100x128xi32, #tpu.memory_space<hbm>>
        %dma_wait3A_191 = arith.constant 0 : i32
        %dma_wait3A_192 = arith.constant 0 : i32
        %dma_wait3A_193 = tpu.memref_slice %arg5[%dma_wait3A_191, %dma_wait3A_192] : memref<160x128xi32, #tpu.memory_space<vmem>> -> memref<100x128xi32, #tpu.memory_space<vmem>>
        %dma_wait3A_194 = arith.constant 2400 : i32
        %dma_wait3A_195 = arith.constant 0 : i32
        %dma_wait3A_196 = tpu.memref_slice %arg3[%run_scoped3A, %dma_wait3A_194, %dma_wait3A_195] : memref<2x2500x128xi32, #tpu.memory_space<hbm>> -> memref<1x100x128xi32, #tpu.memory_space<hbm>>
        %dma_wait3A_197 = tpu.memref_squeeze %dma_wait3A_196 : memref<1x100x128xi32, #tpu.memory_space<hbm>> -> memref<100x128xi32, #tpu.memory_space<hbm>>
        tpu.wait_dma2 semaphore(%run_scoped3A_170 : memref<!tpu.dma_semaphore, #tpu.memory_space<semaphore_mem>>) src(%dma_wait3A_197 : memref<100x128xi32, #tpu.memory_space<hbm>>) dst(%dma_wait3A_193 : memref<100x128xi32, #tpu.memory_space<vmem>>)
        tpu.yield
      }) : () -> ()
      %run_scoped3A_169 = arith.constant 1 : i32
      "tpu.region"() ({
        %run_scoped3A_170 = tpu.sem_alloc : memref<!tpu.dma_semaphore, #tpu.memory_space<semaphore_mem>>
        %dma_start3A_171 = arith.constant 0 : i32
        %dma_start3A_172 = arith.constant 0 : i32
        %dma_start3A_173 = tpu.memref_slice %arg6[%dma_start3A_171, %dma_start3A_172] : memref<160x128xi32, #tpu.memory_space<vmem>> -> memref<100x128xi32, #tpu.memory_space<vmem>>
        %dma_start3A_174 = arith.constant 2400 : i32
        %dma_start3A_175 = arith.constant 0 : i32
        %dma_start3A_176 = tpu.memref_slice %arg3[%run_scoped3A_169, %dma_start3A_174, %dma_start3A_175] : memref<2x2500x128xi32, #tpu.memory_space<hbm>> -> memref<1x100x128xi32, #tpu.memory_space<hbm>>
        %dma_start3A_177 = tpu.memref_squeeze %dma_start3A_176 : memref<1x100x128xi32, #tpu.memory_space<hbm>> -> memref<100x128xi32, #tpu.memory_space<hbm>>
        %dma_start3A_178 = arith.constant 0 : i32
        %dma_start3A_179 = arith.constant 0 : i32
        %dma_start3A_180 = tpu.memref_slice %arg6[%dma_start3A_178, %dma_start3A_179] : memref<160x128xi32, #tpu.memory_space<vmem>> -> memref<100x128xi32, #tpu.memory_space<vmem>>
        %dma_start3A_181 = arith.constant 2400 : i32
        %dma_start3A_182 = arith.constant 0 : i32
        %dma_start3A_183 = tpu.memref_slice %arg3[%run_scoped3A_169, %dma_start3A_181, %dma_start3A_182] : memref<2x2500x128xi32, #tpu.memory_space<hbm>> -> memref<1x100x128xi32, #tpu.memory_space<hbm>>
        %dma_start3A_184 = tpu.memref_squeeze %dma_start3A_183 : memref<1x100x128xi32, #tpu.memory_space<hbm>> -> memref<100x128xi32, #tpu.memory_space<hbm>>
        tpu.enqueue_dma source(%dma_start3A_184 : memref<100x128xi32, #tpu.memory_space<hbm>>) target(%dma_start3A_180 : memref<100x128xi32, #tpu.memory_space<vmem>>) target_semaphore(%run_scoped3A_170 : memref<!tpu.dma_semaphore, #tpu.memory_space<semaphore_mem>>)
        %dma_wait3A = arith.constant 0 : i32
        %dma_wait3A_185 = arith.constant 0 : i32
        %dma_wait3A_186 = tpu.memref_slice %arg6[%dma_wait3A, %dma_wait3A_185] : memref<160x128xi32, #tpu.memory_space<vmem>> -> memref<100x128xi32, #tpu.memory_space<vmem>>
        %dma_wait3A_187 = arith.constant 2400 : i32
        %dma_wait3A_188 = arith.constant 0 : i32
        %dma_wait3A_189 = tpu.memref_slice %arg3[%run_scoped3A_169, %dma_wait3A_187, %dma_wait3A_188] : memref<2x2500x128xi32, #tpu.memory_space<hbm>> -> memref<1x100x128xi32, #tpu.memory_space<hbm>>
        %dma_wait3A_190 = tpu.memref_squeeze %dma_wait3A_189 : memref<1x100x128xi32, #tpu.memory_space<hbm>> -> memref<100x128xi32, #tpu.memory_space<hbm>>
        %dma_wait3A_191 = arith.constant 0 : i32
        %dma_wait3A_192 = arith.constant 0 : i32
        %dma_wait3A_193 = tpu.memref_slice %arg6[%dma_wait3A_191, %dma_wait3A_192] : memref<160x128xi32, #tpu.memory_space<vmem>> -> memref<100x128xi32, #tpu.memory_space<vmem>>
        %dma_wait3A_194 = arith.constant 2400 : i32
        %dma_wait3A_195 = arith.constant 0 : i32
        %dma_wait3A_196 = tpu.memref_slice %arg3[%run_scoped3A_169, %dma_wait3A_194, %dma_wait3A_195] : memref<2x2500x128xi32, #tpu.memory_space<hbm>> -> memref<1x100x128xi32, #tpu.memory_space<hbm>>
        %dma_wait3A_197 = tpu.memref_squeeze %dma_wait3A_196 : memref<1x100x128xi32, #tpu.memory_space<hbm>> -> memref<100x128xi32, #tpu.memory_space<hbm>>
        tpu.wait_dma2 semaphore(%run_scoped3A_170 : memref<!tpu.dma_semaphore, #tpu.memory_space<semaphore_mem>>) src(%dma_wait3A_197 : memref<100x128xi32, #tpu.memory_space<hbm>>) dst(%dma_wait3A_193 : memref<100x128xi32, #tpu.memory_space<vmem>>)
        tpu.yield
      }) : () -> ()
    } else {
    }
    %scan3A = arith.constant 0 : i32
    %scan3A_10 = arith.constant 0 : i32
    %scan3A_11 = arith.constant 128 : i32
    %scan3A_12 = arith.addi %scan3A_10, %scan3A_11 : i32
    %scan3A_13 = arith.constant 1 : i32
    scf.for %scan3A_169 = %scan3A_10 to %scan3A_12 step %scan3A_13  : i32 {
      %broadcast_in_dim3A = arith.constant 0.000000e+00 : bf16
      %broadcast_in_dim3A_170 = vector.broadcast %broadcast_in_dim3A : bf16 to vector<32xbf16>
      %swap3A = arith.index_cast %scan3A_169 : i32 to index
      %swap3A_171 = arith.constant 0 : index
      %swap3A_172 = tpu.vector_load %arg7[%swap3A, %swap3A_171] {strides = array<i32>} : memref<128x64xbf16, #tpu.memory_space<vmem>>, vector<1x32xbf16>,
      %swap3A_173 = vector.shape_cast %swap3A_172 : vector<1x32xbf16> to vector<32xbf16>
      %swap3A_174 = vector.shape_cast %broadcast_in_dim3A_170 : vector<32xbf16> to vector<1x32xbf16>
      tpu.vector_store %arg7[%swap3A, %swap3A_171], %swap3A_174 {strides = array<i32>} : memref<128x64xbf16, #tpu.memory_space<vmem>>, vector<1x32xbf16>,
      %broadcast_in_dim3A_175 = arith.constant 0.000000e+00 : bf16
      %broadcast_in_dim3A_176 = vector.broadcast %broadcast_in_dim3A_175 : bf16 to vector<32xbf16>
      %swap3A_177 = arith.index_cast %scan3A_169 : i32 to index
      %swap3A_178 = arith.constant 32 : index
      %swap3A_179 = tpu.vector_load %arg7[%swap3A_177, %swap3A_178] {strides = array<i32>} : memref<128x64xbf16, #tpu.memory_space<vmem>>, vector<1x32xbf16>,
      %swap3A_180 = vector.shape_cast %swap3A_179 : vector<1x32xbf16> to vector<32xbf16>
      %swap3A_181 = vector.shape_cast %broadcast_in_dim3A_176 : vector<32xbf16> to vector<1x32xbf16>
      tpu.vector_store %arg7[%swap3A_177, %swap3A_178], %swap3A_181 {strides = array<i32>} : memref<128x64xbf16, #tpu.memory_space<vmem>>, vector<1x32xbf16>,
    }
    %scan3A_14 = arith.constant 128 : i32
    %scan3A_15 = arith.constant 0 : i32
    %scan3A_16 = arith.constant 0 : i32
    %scan3A_17 = arith.constant 4 : i32
    %scan3A_18 = arith.addi %scan3A_16, %scan3A_17 : i32
    %scan3A_19 = arith.constant 1 : i32
    scf.for %scan3A_169 = %scan3A_16 to %scan3A_18 step %scan3A_19  : i32 {
      %mul3A_170 = arith.constant 632 : i32
      %mul3A_171 = arith.muli %arg1, %mul3A_170 : i32
      %mul3A_172 = arith.constant 128 : i32
      %mul3A_173 = arith.muli %scan3A_169, %mul3A_172 : i32
      %add3A = arith.addi %mul3A_171, %mul3A_173 : i32
      "tpu.region"() ({
        %run_scoped3A = tpu.sem_alloc : memref<!tpu.dma_semaphore, #tpu.memory_space<semaphore_mem>>
        %dma_start3A_174 = arith.constant 0 : i32
        %dma_start3A_175 = tpu.memref_slice %arg18[%add3A, %dma_start3A_174] : memref<10000x64xbf16, #tpu.memory_space<vmem_shared>> -> memref<128x64xbf16, #tpu.memory_space<vmem_shared>>
        %dma_start3A_176 = arith.constant 0 : i32
        %dma_start3A_177 = tpu.memref_slice %arg18[%add3A, %dma_start3A_176] : memref<10000x64xbf16, #tpu.memory_space<vmem_shared>> -> memref<128x64xbf16, #tpu.memory_space<vmem_shared>>
        tpu.enqueue_dma source(%arg7 : memref<128x64xbf16, #tpu.memory_space<vmem>>) target(%dma_start3A_177 : memref<128x64xbf16, #tpu.memory_space<vmem_shared>>) target_semaphore(%run_scoped3A : memref<!tpu.dma_semaphore, #tpu.memory_space<semaphore_mem>>)
        %dma_wait3A = arith.constant 0 : i32
        %dma_wait3A_178 = tpu.memref_slice %arg18[%add3A, %dma_wait3A] : memref<10000x64xbf16, #tpu.memory_space<vmem_shared>> -> memref<128x64xbf16, #tpu.memory_space<vmem_shared>>
        %dma_wait3A_179 = arith.constant 0 : i32
        %dma_wait3A_180 = tpu.memref_slice %arg18[%add3A, %dma_wait3A_179] : memref<10000x64xbf16, #tpu.memory_space<vmem_shared>> -> memref<128x64xbf16, #tpu.memory_space<vmem_shared>>
        tpu.wait_dma2 semaphore(%run_scoped3A : memref<!tpu.dma_semaphore, #tpu.memory_space<semaphore_mem>>) src(%arg7 : memref<128x64xbf16, #tpu.memory_space<vmem>>) dst(%dma_wait3A_180 : memref<128x64xbf16, #tpu.memory_space<vmem_shared>>)
        tpu.yield
      }) : () -> ()
    }
    %scan3A_20 = arith.constant 4 : i32
    %lt3A_21 = arith.constant 15 : i32
    %lt3A_22 = arith.cmpi slt, %arg1, %lt3A_21 : i32
    %and3A = arith.constant true
    %and3A_23 = arith.andi %lt3A_22, %and3A : i1
    %convert_element_type3A_24 = arith.extui %and3A_23 : i1 to i32
    %cond3A_25 = arith.constant 0 : i32
    %cond3A_26 = arith.cmpi ne, %convert_element_type3A_24, %cond3A_25 : i32
    scf.if %cond3A_26 {
      %mul3A_169 = arith.constant 632 : i32
      %mul3A_170 = arith.muli %arg1, %mul3A_169 : i32
      %add3A = arith.constant 512 : i32
      %add3A_171 = arith.addi %mul3A_170, %add3A : i32
      "tpu.region"() ({
        %run_scoped3A = tpu.sem_alloc : memref<!tpu.dma_semaphore, #tpu.memory_space<semaphore_mem>>
        %dma_start3A_172 = arith.constant 0 : i32
        %dma_start3A_173 = arith.constant 0 : i32
        %dma_start3A_174 = tpu.memref_slice %arg7[%dma_start3A_172, %dma_start3A_173] : memref<128x64xbf16, #tpu.memory_space<vmem>> -> memref<120x64xbf16, #tpu.memory_space<vmem>>
        %dma_start3A_175 = arith.constant 0 : i32
        %dma_start3A_176 = tpu.memref_slice %arg18[%add3A_171, %dma_start3A_175] : memref<10000x64xbf16, #tpu.memory_space<vmem_shared>> -> memref<120x64xbf16, #tpu.memory_space<vmem_shared>>
        %dma_start3A_177 = arith.constant 0 : i32
        %dma_start3A_178 = tpu.memref_slice %arg18[%add3A_171, %dma_start3A_177] : memref<10000x64xbf16, #tpu.memory_space<vmem_shared>> -> memref<120x64xbf16, #tpu.memory_space<vmem_shared>>
        %dma_start3A_179 = arith.constant 0 : i32
        %dma_start3A_180 = arith.constant 0 : i32
        %dma_start3A_181 = tpu.memref_slice %arg7[%dma_start3A_179, %dma_start3A_180] : memref<128x64xbf16, #tpu.memory_space<vmem>> -> memref<120x64xbf16, #tpu.memory_space<vmem>>
        tpu.enqueue_dma source(%dma_start3A_181 : memref<120x64xbf16, #tpu.memory_space<vmem>>) target(%dma_start3A_178 : memref<120x64xbf16, #tpu.memory_space<vmem_shared>>) target_semaphore(%run_scoped3A : memref<!tpu.dma_semaphore, #tpu.memory_space<semaphore_mem>>)
        %dma_wait3A = arith.constant 0 : i32
        %dma_wait3A_182 = arith.constant 0 : i32
        %dma_wait3A_183 = tpu.memref_slice %arg7[%dma_wait3A, %dma_wait3A_182] : memref<128x64xbf16, #tpu.memory_space<vmem>> -> memref<120x64xbf16, #tpu.memory_space<vmem>>
        %dma_wait3A_184 = arith.constant 0 : i32
        %dma_wait3A_185 = tpu.memref_slice %arg18[%add3A_171, %dma_wait3A_184] : memref<10000x64xbf16, #tpu.memory_space<vmem_shared>> -> memref<120x64xbf16, #tpu.memory_space<vmem_shared>>
        %dma_wait3A_186 = arith.constant 0 : i32
        %dma_wait3A_187 = tpu.memref_slice %arg18[%add3A_171, %dma_wait3A_186] : memref<10000x64xbf16, #tpu.memory_space<vmem_shared>> -> memref<120x64xbf16, #tpu.memory_space<vmem_shared>>
        %dma_wait3A_188 = arith.constant 0 : i32
        %dma_wait3A_189 = arith.constant 0 : i32
        %dma_wait3A_190 = tpu.memref_slice %arg7[%dma_wait3A_188, %dma_wait3A_189] : memref<128x64xbf16, #tpu.memory_space<vmem>> -> memref<120x64xbf16, #tpu.memory_space<vmem>>
        tpu.wait_dma2 semaphore(%run_scoped3A : memref<!tpu.dma_semaphore, #tpu.memory_space<semaphore_mem>>) src(%dma_wait3A_190 : memref<120x64xbf16, #tpu.memory_space<vmem>>) dst(%dma_wait3A_187 : memref<120x64xbf16, #tpu.memory_space<vmem_shared>>)
        tpu.yield
      }) : () -> ()
    } else {
    }
    %eq3A_27 = arith.constant 15 : i32
    %eq3A_28 = arith.cmpi eq, %arg1, %eq3A_27 : i32
    %convert_element_type3A_29 = arith.extui %eq3A_28 : i1 to i32
    %cond3A_30 = arith.constant 0 : i32
    %cond3A_31 = arith.cmpi ne, %convert_element_type3A_29, %cond3A_30 : i32
    scf.if %cond3A_31 {
      "tpu.region"() ({
        %run_scoped3A = tpu.sem_alloc : memref<!tpu.dma_semaphore, #tpu.memory_space<semaphore_mem>>
        %dma_start3A_169 = arith.constant 0 : i32
        %dma_start3A_170 = arith.constant 0 : i32
        %dma_start3A_171 = tpu.memref_slice %arg7[%dma_start3A_169, %dma_start3A_170] : memref<128x64xbf16, #tpu.memory_space<vmem>> -> memref<8x64xbf16, #tpu.memory_space<vmem>>
        %dma_start3A_172 = arith.constant 9992 : i32
        %dma_start3A_173 = arith.constant 0 : i32
        %dma_start3A_174 = tpu.memref_slice %arg18[%dma_start3A_172, %dma_start3A_173] : memref<10000x64xbf16, #tpu.memory_space<vmem_shared>> -> memref<8x64xbf16, #tpu.memory_space<vmem_shared>>
        %dma_start3A_175 = arith.constant 9992 : i32
        %dma_start3A_176 = arith.constant 0 : i32
        %dma_start3A_177 = tpu.memref_slice %arg18[%dma_start3A_175, %dma_start3A_176] : memref<10000x64xbf16, #tpu.memory_space<vmem_shared>> -> memref<8x64xbf16, #tpu.memory_space<vmem_shared>>
        %dma_start3A_178 = arith.constant 0 : i32
        %dma_start3A_179 = arith.constant 0 : i32
        %dma_start3A_180 = tpu.memref_slice %arg7[%dma_start3A_178, %dma_start3A_179] : memref<128x64xbf16, #tpu.memory_space<vmem>> -> memref<8x64xbf16, #tpu.memory_space<vmem>>
        tpu.enqueue_dma source(%dma_start3A_180 : memref<8x64xbf16, #tpu.memory_space<vmem>>) target(%dma_start3A_177 : memref<8x64xbf16, #tpu.memory_space<vmem_shared>>) target_semaphore(%run_scoped3A : memref<!tpu.dma_semaphore, #tpu.memory_space<semaphore_mem>>)
        %dma_wait3A = arith.constant 0 : i32
        %dma_wait3A_181 = arith.constant 0 : i32
        %dma_wait3A_182 = tpu.memref_slice %arg7[%dma_wait3A, %dma_wait3A_181] : memref<128x64xbf16, #tpu.memory_space<vmem>> -> memref<8x64xbf16, #tpu.memory_space<vmem>>
        %dma_wait3A_183 = arith.constant 9992 : i32
        %dma_wait3A_184 = arith.constant 0 : i32
        %dma_wait3A_185 = tpu.memref_slice %arg18[%dma_wait3A_183, %dma_wait3A_184] : memref<10000x64xbf16, #tpu.memory_space<vmem_shared>> -> memref<8x64xbf16, #tpu.memory_space<vmem_shared>>
        %dma_wait3A_186 = arith.constant 9992 : i32
        %dma_wait3A_187 = arith.constant 0 : i32
        %dma_wait3A_188 = tpu.memref_slice %arg18[%dma_wait3A_186, %dma_wait3A_187] : memref<10000x64xbf16, #tpu.memory_space<vmem_shared>> -> memref<8x64xbf16, #tpu.memory_space<vmem_shared>>
        %dma_wait3A_189 = arith.constant 0 : i32
        %dma_wait3A_190 = arith.constant 0 : i32
        %dma_wait3A_191 = tpu.memref_slice %arg7[%dma_wait3A_189, %dma_wait3A_190] : memref<128x64xbf16, #tpu.memory_space<vmem>> -> memref<8x64xbf16, #tpu.memory_space<vmem>>
        tpu.wait_dma2 semaphore(%run_scoped3A : memref<!tpu.dma_semaphore, #tpu.memory_space<semaphore_mem>>) src(%dma_wait3A_191 : memref<8x64xbf16, #tpu.memory_space<vmem>>) dst(%dma_wait3A_188 : memref<8x64xbf16, #tpu.memory_space<vmem_shared>>)
        tpu.yield
      }) : () -> ()
    } else {
    }
    %barrier3A = arith.constant 0 : index
    tpu.barrier barrier_id(%barrier3A)
    %dma_start3A = arith.constant 0 : i32
    %dma_start3A_32 = arith.constant 0 : i32
    %dma_start3A_33 = tpu.memref_slice %arg5[%dma_start3A, %dma_start3A_32] : memref<160x128xi32, #tpu.memory_space<vmem>> -> memref<1x128xi32, #tpu.memory_space<vmem>>
    %dma_start3A_34 = tpu.memref_squeeze %dma_start3A_33 : memref<1x128xi32, #tpu.memory_space<vmem>> -> memref<128xi32, #tpu.memory_space<vmem>>
    %dma_start3A_35 = arith.constant 0 : i32
    %dma_start3A_36 = arith.constant 0 : i32
    %dma_start3A_37 = tpu.memref_slice %arg2[%arg0, %dma_start3A_35, %dma_start3A_36] : memref<2x10000x64xbf16, #tpu.memory_space<hbm>> -> memref<1x10000x64xbf16, #tpu.memory_space<hbm>>
    %dma_start3A_38 = tpu.memref_squeeze %dma_start3A_37 : memref<1x10000x64xbf16, #tpu.memory_space<hbm>> -> memref<10000x64xbf16, #tpu.memory_space<hbm>>
    %dma_start3A_39 = arith.constant 0 : i32
    %dma_start3A_40 = arith.constant 0 : i32
    %dma_start3A_41 = tpu.memref_slice %dma_start3A_38[%dma_start3A_39, %dma_start3A_40] : memref<10000x64xbf16, #tpu.memory_space<hbm>> -> memref<10000x64xbf16, #tpu.memory_space<hbm>>
    tpu.enqueue_indirect_dma source(%dma_start3A_41 : memref<10000x64xbf16, #tpu.memory_space<hbm>>) target(%arg8 : memref<128x64xbf16, #tpu.memory_space<vmem>>) offsets(%dma_start3A_34 : memref<128xi32, #tpu.memory_space<vmem>>) semaphore(%arg19 : memref<!tpu.dma_semaphore, #tpu.memory_space<semaphore_mem>>)
    %dma_start3A_42 = arith.constant 1 : i32
    %dma_start3A_43 = arith.constant 0 : i32
    %dma_start3A_44 = tpu.memref_slice %arg5[%dma_start3A_42, %dma_start3A_43] : memref<160x128xi32, #tpu.memory_space<vmem>> -> memref<1x128xi32, #tpu.memory_space<vmem>>
    %dma_start3A_45 = tpu.memref_squeeze %dma_start3A_44 : memref<1x128xi32, #tpu.memory_space<vmem>> -> memref<128xi32, #tpu.memory_space<vmem>>
    %dma_start3A_46 = arith.constant 0 : i32
    %dma_start3A_47 = arith.constant 0 : i32
    %dma_start3A_48 = tpu.memref_slice %arg2[%arg0, %dma_start3A_46, %dma_start3A_47] : memref<2x10000x64xbf16, #tpu.memory_space<hbm>> -> memref<1x10000x64xbf16, #tpu.memory_space<hbm>>
    %dma_start3A_49 = tpu.memref_squeeze %dma_start3A_48 : memref<1x10000x64xbf16, #tpu.memory_space<hbm>> -> memref<10000x64xbf16, #tpu.memory_space<hbm>>
    %dma_start3A_50 = arith.constant 0 : i32
    %dma_start3A_51 = arith.constant 0 : i32
    %dma_start3A_52 = tpu.memref_slice %dma_start3A_49[%dma_start3A_50, %dma_start3A_51] : memref<10000x64xbf16, #tpu.memory_space<hbm>> -> memref<10000x64xbf16, #tpu.memory_space<hbm>>
    tpu.enqueue_indirect_dma source(%dma_start3A_52 : memref<10000x64xbf16, #tpu.memory_space<hbm>>) target(%arg9 : memref<128x64xbf16, #tpu.memory_space<vmem>>) offsets(%dma_start3A_45 : memref<128xi32, #tpu.memory_space<vmem>>) semaphore(%arg20 : memref<!tpu.dma_semaphore, #tpu.memory_space<semaphore_mem>>)
    %dma_start3A_53 = arith.constant 2 : i32
    %dma_start3A_54 = arith.constant 0 : i32
    %dma_start3A_55 = tpu.memref_slice %arg5[%dma_start3A_53, %dma_start3A_54] : memref<160x128xi32, #tpu.memory_space<vmem>> -> memref<1x128xi32, #tpu.memory_space<vmem>>
    %dma_start3A_56 = tpu.memref_squeeze %dma_start3A_55 : memref<1x128xi32, #tpu.memory_space<vmem>> -> memref<128xi32, #tpu.memory_space<vmem>>
    %dma_start3A_57 = arith.constant 0 : i32
    %dma_start3A_58 = arith.constant 0 : i32
    %dma_start3A_59 = tpu.memref_slice %arg2[%arg0, %dma_start3A_57, %dma_start3A_58] : memref<2x10000x64xbf16, #tpu.memory_space<hbm>> -> memref<1x10000x64xbf16, #tpu.memory_space<hbm>>
    %dma_start3A_60 = tpu.memref_squeeze %dma_start3A_59 : memref<1x10000x64xbf16, #tpu.memory_space<hbm>> -> memref<10000x64xbf16, #tpu.memory_space<hbm>>
    %dma_start3A_61 = arith.constant 0 : i32
    %dma_start3A_62 = arith.constant 0 : i32
    %dma_start3A_63 = tpu.memref_slice %dma_start3A_60[%dma_start3A_61, %dma_start3A_62] : memref<10000x64xbf16, #tpu.memory_space<hbm>> -> memref<10000x64xbf16, #tpu.memory_space<hbm>>
    tpu.enqueue_indirect_dma source(%dma_start3A_63 : memref<10000x64xbf16, #tpu.memory_space<hbm>>) target(%arg10 : memref<128x64xbf16, #tpu.memory_space<vmem>>) offsets(%dma_start3A_56 : memref<128xi32, #tpu.memory_space<vmem>>) semaphore(%arg21 : memref<!tpu.dma_semaphore, #tpu.memory_space<semaphore_mem>>)
    %dma_start3A_64 = arith.constant 3 : i32
    %dma_start3A_65 = arith.constant 0 : i32
    %dma_start3A_66 = tpu.memref_slice %arg5[%dma_start3A_64, %dma_start3A_65] : memref<160x128xi32, #tpu.memory_space<vmem>> -> memref<1x128xi32, #tpu.memory_space<vmem>>
    %dma_start3A_67 = tpu.memref_squeeze %dma_start3A_66 : memref<1x128xi32, #tpu.memory_space<vmem>> -> memref<128xi32, #tpu.memory_space<vmem>>
    %dma_start3A_68 = arith.constant 0 : i32
    %dma_start3A_69 = arith.constant 0 : i32
    %dma_start3A_70 = tpu.memref_slice %arg2[%arg0, %dma_start3A_68, %dma_start3A_69] : memref<2x10000x64xbf16, #tpu.memory_space<hbm>> -> memref<1x10000x64xbf16, #tpu.memory_space<hbm>>
    %dma_start3A_71 = tpu.memref_squeeze %dma_start3A_70 : memref<1x10000x64xbf16, #tpu.memory_space<hbm>> -> memref<10000x64xbf16, #tpu.memory_space<hbm>>
    %dma_start3A_72 = arith.constant 0 : i32
    %dma_start3A_73 = arith.constant 0 : i32
    %dma_start3A_74 = tpu.memref_slice %dma_start3A_71[%dma_start3A_72, %dma_start3A_73] : memref<10000x64xbf16, #tpu.memory_space<hbm>> -> memref<10000x64xbf16, #tpu.memory_space<hbm>>
    tpu.enqueue_indirect_dma source(%dma_start3A_74 : memref<10000x64xbf16, #tpu.memory_space<hbm>>) target(%arg11 : memref<128x64xbf16, #tpu.memory_space<vmem>>) offsets(%dma_start3A_67 : memref<128xi32, #tpu.memory_space<vmem>>) semaphore(%arg22 : memref<!tpu.dma_semaphore, #tpu.memory_space<semaphore_mem>>)
    %dma_start3A_75 = arith.constant 4 : i32
    %dma_start3A_76 = arith.constant 0 : i32
    %dma_start3A_77 = tpu.memref_slice %arg5[%dma_start3A_75, %dma_start3A_76] : memref<160x128xi32, #tpu.memory_space<vmem>> -> memref<1x128xi32, #tpu.memory_space<vmem>>
    %dma_start3A_78 = tpu.memref_squeeze %dma_start3A_77 : memref<1x128xi32, #tpu.memory_space<vmem>> -> memref<128xi32, #tpu.memory_space<vmem>>
    %dma_start3A_79 = arith.constant 0 : i32
    %dma_start3A_80 = arith.constant 0 : i32
    %dma_start3A_81 = tpu.memref_slice %arg2[%arg0, %dma_start3A_79, %dma_start3A_80] : memref<2x10000x64xbf16, #tpu.memory_space<hbm>> -> memref<1x10000x64xbf16, #tpu.memory_space<hbm>>
    %dma_start3A_82 = tpu.memref_squeeze %dma_start3A_81 : memref<1x10000x64xbf16, #tpu.memory_space<hbm>> -> memref<10000x64xbf16, #tpu.memory_space<hbm>>
    %dma_start3A_83 = arith.constant 0 : i32
    %dma_start3A_84 = arith.constant 0 : i32
    %dma_start3A_85 = tpu.memref_slice %dma_start3A_82[%dma_start3A_83, %dma_start3A_84] : memref<10000x64xbf16, #tpu.memory_space<hbm>> -> memref<10000x64xbf16, #tpu.memory_space<hbm>>
    tpu.enqueue_indirect_dma source(%dma_start3A_85 : memref<10000x64xbf16, #tpu.memory_space<hbm>>) target(%arg12 : memref<128x64xbf16, #tpu.memory_space<vmem>>) offsets(%dma_start3A_78 : memref<128xi32, #tpu.memory_space<vmem>>) semaphore(%arg23 : memref<!tpu.dma_semaphore, #tpu.memory_space<semaphore_mem>>)
    %dma_start3A_86 = arith.constant 5 : i32
    %dma_start3A_87 = arith.constant 0 : i32
    %dma_start3A_88 = tpu.memref_slice %arg5[%dma_start3A_86, %dma_start3A_87] : memref<160x128xi32, #tpu.memory_space<vmem>> -> memref<1x128xi32, #tpu.memory_space<vmem>>
    %dma_start3A_89 = tpu.memref_squeeze %dma_start3A_88 : memref<1x128xi32, #tpu.memory_space<vmem>> -> memref<128xi32, #tpu.memory_space<vmem>>
    %dma_start3A_90 = arith.constant 0 : i32
    %dma_start3A_91 = arith.constant 0 : i32
    %dma_start3A_92 = tpu.memref_slice %arg2[%arg0, %dma_start3A_90, %dma_start3A_91] : memref<2x10000x64xbf16, #tpu.memory_space<hbm>> -> memref<1x10000x64xbf16, #tpu.memory_space<hbm>>
    %dma_start3A_93 = tpu.memref_squeeze %dma_start3A_92 : memref<1x10000x64xbf16, #tpu.memory_space<hbm>> -> memref<10000x64xbf16, #tpu.memory_space<hbm>>
    %dma_start3A_94 = arith.constant 0 : i32
    %dma_start3A_95 = arith.constant 0 : i32
    %dma_start3A_96 = tpu.memref_slice %dma_start3A_93[%dma_start3A_94, %dma_start3A_95] : memref<10000x64xbf16, #tpu.memory_space<hbm>> -> memref<10000x64xbf16, #tpu.memory_space<hbm>>
    tpu.enqueue_indirect_dma source(%dma_start3A_96 : memref<10000x64xbf16, #tpu.memory_space<hbm>>) target(%arg13 : memref<128x64xbf16, #tpu.memory_space<vmem>>) offsets(%dma_start3A_89 : memref<128xi32, #tpu.memory_space<vmem>>) semaphore(%arg24 : memref<!tpu.dma_semaphore, #tpu.memory_space<semaphore_mem>>)
    %dma_start3A_97 = arith.constant 6 : i32
    %dma_start3A_98 = arith.constant 0 : i32
    %dma_start3A_99 = tpu.memref_slice %arg5[%dma_start3A_97, %dma_start3A_98] : memref<160x128xi32, #tpu.memory_space<vmem>> -> memref<1x128xi32, #tpu.memory_space<vmem>>
    %dma_start3A_100 = tpu.memref_squeeze %dma_start3A_99 : memref<1x128xi32, #tpu.memory_space<vmem>> -> memref<128xi32, #tpu.memory_space<vmem>>
    %dma_start3A_101 = arith.constant 0 : i32
    %dma_start3A_102 = arith.constant 0 : i32
    %dma_start3A_103 = tpu.memref_slice %arg2[%arg0, %dma_start3A_101, %dma_start3A_102] : memref<2x10000x64xbf16, #tpu.memory_space<hbm>> -> memref<1x10000x64xbf16, #tpu.memory_space<hbm>>
    %dma_start3A_104 = tpu.memref_squeeze %dma_start3A_103 : memref<1x10000x64xbf16, #tpu.memory_space<hbm>> -> memref<10000x64xbf16, #tpu.memory_space<hbm>>
    %dma_start3A_105 = arith.constant 0 : i32
    %dma_start3A_106 = arith.constant 0 : i32
    %dma_start3A_107 = tpu.memref_slice %dma_start3A_104[%dma_start3A_105, %dma_start3A_106] : memref<10000x64xbf16, #tpu.memory_space<hbm>> -> memref<10000x64xbf16, #tpu.memory_space<hbm>>
    tpu.enqueue_indirect_dma source(%dma_start3A_107 : memref<10000x64xbf16, #tpu.memory_space<hbm>>) target(%arg14 : memref<128x64xbf16, #tpu.memory_space<vmem>>) offsets(%dma_start3A_100 : memref<128xi32, #tpu.memory_space<vmem>>) semaphore(%arg25 : memref<!tpu.dma_semaphore, #tpu.memory_space<semaphore_mem>>)
    %dma_start3A_108 = arith.constant 7 : i32
    %dma_start3A_109 = arith.constant 0 : i32
    %dma_start3A_110 = tpu.memref_slice %arg5[%dma_start3A_108, %dma_start3A_109] : memref<160x128xi32, #tpu.memory_space<vmem>> -> memref<1x128xi32, #tpu.memory_space<vmem>>
    %dma_start3A_111 = tpu.memref_squeeze %dma_start3A_110 : memref<1x128xi32, #tpu.memory_space<vmem>> -> memref<128xi32, #tpu.memory_space<vmem>>
    %dma_start3A_112 = arith.constant 0 : i32
    %dma_start3A_113 = arith.constant 0 : i32
    %dma_start3A_114 = tpu.memref_slice %arg2[%arg0, %dma_start3A_112, %dma_start3A_113] : memref<2x10000x64xbf16, #tpu.memory_space<hbm>> -> memref<1x10000x64xbf16, #tpu.memory_space<hbm>>
    %dma_start3A_115 = tpu.memref_squeeze %dma_start3A_114 : memref<1x10000x64xbf16, #tpu.memory_space<hbm>> -> memref<10000x64xbf16, #tpu.memory_space<hbm>>
    %dma_start3A_116 = arith.constant 0 : i32
    %dma_start3A_117 = arith.constant 0 : i32
    %dma_start3A_118 = tpu.memref_slice %dma_start3A_115[%dma_start3A_116, %dma_start3A_117] : memref<10000x64xbf16, #tpu.memory_space<hbm>> -> memref<10000x64xbf16, #tpu.memory_space<hbm>>
    tpu.enqueue_indirect_dma source(%dma_start3A_118 : memref<10000x64xbf16, #tpu.memory_space<hbm>>) target(%arg15 : memref<128x64xbf16, #tpu.memory_space<vmem>>) offsets(%dma_start3A_111 : memref<128xi32, #tpu.memory_space<vmem>>) semaphore(%arg26 : memref<!tpu.dma_semaphore, #tpu.memory_space<semaphore_mem>>)
    %dma_start3A_119 = arith.constant 8 : i32
    %dma_start3A_120 = arith.constant 0 : i32
    %dma_start3A_121 = tpu.memref_slice %arg5[%dma_start3A_119, %dma_start3A_120] : memref<160x128xi32, #tpu.memory_space<vmem>> -> memref<1x128xi32, #tpu.memory_space<vmem>>
    %dma_start3A_122 = tpu.memref_squeeze %dma_start3A_121 : memref<1x128xi32, #tpu.memory_space<vmem>> -> memref<128xi32, #tpu.memory_space<vmem>>
    %dma_start3A_123 = arith.constant 0 : i32
    %dma_start3A_124 = arith.constant 0 : i32
    %dma_start3A_125 = tpu.memref_slice %arg2[%arg0, %dma_start3A_123, %dma_start3A_124] : memref<2x10000x64xbf16, #tpu.memory_space<hbm>> -> memref<1x10000x64xbf16, #tpu.memory_space<hbm>>
    %dma_start3A_126 = tpu.memref_squeeze %dma_start3A_125 : memref<1x10000x64xbf16, #tpu.memory_space<hbm>> -> memref<10000x64xbf16, #tpu.memory_space<hbm>>
    %dma_start3A_127 = arith.constant 0 : i32
    %dma_start3A_128 = arith.constant 0 : i32
    %dma_start3A_129 = tpu.memref_slice %dma_start3A_126[%dma_start3A_127, %dma_start3A_128] : memref<10000x64xbf16, #tpu.memory_space<hbm>> -> memref<10000x64xbf16, #tpu.memory_space<hbm>>
    tpu.enqueue_indirect_dma source(%dma_start3A_129 : memref<10000x64xbf16, #tpu.memory_space<hbm>>) target(%arg16 : memref<128x64xbf16, #tpu.memory_space<vmem>>) offsets(%dma_start3A_122 : memref<128xi32, #tpu.memory_space<vmem>>) semaphore(%arg27 : memref<!tpu.dma_semaphore, #tpu.memory_space<semaphore_mem>>)
    %jit3A = arith.constant 10 : i32
    %div3A = arith.divsi %select_n3A_2, %jit3A : i32
    %sign3A = arith.constant 0 : i32
    %sign3A_130 = arith.cmpi sgt, %select_n3A_2, %sign3A : i32
    %sign3A_131 = arith.extui %sign3A_130 : i1 to i32
    %sign3A_132 = arith.constant 0 : i32
    %sign3A_133 = arith.cmpi slt, %select_n3A_2, %sign3A_132 : i32
    %sign3A_134 = arith.extui %sign3A_133 : i1 to i32
    %sign3A_135 = arith.subi %sign3A_131, %sign3A_134 : i32
    %sign3A_136 = arith.constant 0 : i32
    %sign3A_137 = arith.cmpi sgt, %jit3A, %sign3A_136 : i32
    %sign3A_138 = arith.extui %sign3A_137 : i1 to i32
    %sign3A_139 = arith.constant 0 : i32
    %sign3A_140 = arith.cmpi slt, %jit3A, %sign3A_139 : i32
    %sign3A_141 = arith.extui %sign3A_140 : i1 to i32
    %sign3A_142 = arith.subi %sign3A_138, %sign3A_141 : i32
    %ne3A = arith.cmpi ne, %sign3A_135, %sign3A_142 : i32
    %rem3A = arith.remsi %select_n3A_2, %jit3A : i32
    %ne3A_143 = arith.constant 0 : i32
    %ne3A_144 = arith.cmpi ne, %rem3A, %ne3A_143 : i32
    %and3A_145 = arith.andi %ne3A, %ne3A_144 : i1
    %sub3A = arith.constant 1 : i32
    %sub3A_146 = arith.subi %div3A, %sub3A : i32
    %select_n3A_147 = arith.select %and3A_145, %sub3A_146, %div3A : i32
    %while3A = arith.constant 0 : i32
    %while3A_148 = arith.constant 0 : i32
    %while3A_149 = arith.subi %select_n3A_147, %while3A_148 : i32
    %while3A_150 = arith.addi %while3A_148, %while3A_149 : i32
    %while3A_151 = arith.constant 1 : i32
    %while3A_152 = arith.divsi %while3A_149, %while3A_151 : i32
    %while3A_153 = arith.muli %while3A_152, %while3A_151 : i32
    %while3A_154 = arith.addi %while3A_148, %while3A_153 : i32
    %while3A_155 = arith.constant 1 : i32
    scf.for %while3A_169 = %while3A_148 to %while3A_154 step %while3A_155  : i32 {
      %mul3A_170 = arith.constant 10 : i32
      %mul3A_171 = arith.muli %while3A_169, %mul3A_170 : i32
      %add3A = arith.constant 0 : i32
      %add3A_172 = arith.addi %mul3A_171, %add3A : i32
      %dma_wait3A = arith.constant 0 : i32
      %dma_wait3A_173 = tpu.memref_slice %arg5[%add3A_172, %dma_wait3A] : memref<160x128xi32, #tpu.memory_space<vmem>> -> memref<1x128xi32, #tpu.memory_space<vmem>>
      %dma_wait3A_174 = tpu.memref_squeeze %dma_wait3A_173 : memref<1x128xi32, #tpu.memory_space<vmem>> -> memref<128xi32, #tpu.memory_space<vmem>>
      %dma_wait3A_175 = arith.constant 0 : i32
      %dma_wait3A_176 = arith.constant 0 : i32
      %dma_wait3A_177 = tpu.memref_slice %arg2[%arg0, %dma_wait3A_175, %dma_wait3A_176] : memref<2x10000x64xbf16, #tpu.memory_space<hbm>> -> memref<1x10000x64xbf16, #tpu.memory_space<hbm>>
      %dma_wait3A_178 = tpu.memref_squeeze %dma_wait3A_177 : memref<1x10000x64xbf16, #tpu.memory_space<hbm>> -> memref<10000x64xbf16, #tpu.memory_space<hbm>>
      %dma_wait3A_179 = arith.constant 0 : i32
      %dma_wait3A_180 = arith.constant 0 : i32
      %dma_wait3A_181 = tpu.memref_slice %dma_wait3A_178[%dma_wait3A_179, %dma_wait3A_180] : memref<10000x64xbf16, #tpu.memory_space<hbm>> -> memref<10000x64xbf16, #tpu.memory_space<hbm>>
      tpu.wait_indirect_dma semaphore(%arg19 : memref<!tpu.dma_semaphore, #tpu.memory_space<semaphore_mem>>) src(%dma_wait3A_181 : memref<10000x64xbf16, #tpu.memory_space<hbm>>) dst(%arg8 : memref<128x64xbf16, #tpu.memory_space<vmem>>)
      %add3A_182 = arith.constant 10 : i32
      %add3A_183 = arith.addi %add3A_172, %add3A_182 : i32
      %sub3A_184 = arith.constant 1 : i32
      %sub3A_185 = arith.subi %add3A_183, %sub3A_184 : i32
      %lt3A_186 = arith.cmpi slt, %sub3A_185, %select_n3A_2 : i32
      %convert_element_type3A_187 = arith.extui %lt3A_186 : i1 to i32
      %cond3A_188 = arith.constant 0 : i32
      %cond3A_189 = arith.cmpi ne, %convert_element_type3A_187, %cond3A_188 : i32
      scf.if %cond3A_189 {
        %add3A_388 = arith.constant 10 : i32
        %add3A_389 = arith.addi %add3A_172, %add3A_388 : i32
        %sub3A_390 = arith.constant 1 : i32
        %sub3A_391 = arith.subi %add3A_389, %sub3A_390 : i32
        %dma_start3A_392 = arith.constant 0 : i32
        %dma_start3A_393 = tpu.memref_slice %arg5[%sub3A_391, %dma_start3A_392] : memref<160x128xi32, #tpu.memory_space<vmem>> -> memref<1x128xi32, #tpu.memory_space<vmem>>
        %dma_start3A_394 = tpu.memref_squeeze %dma_start3A_393 : memref<1x128xi32, #tpu.memory_space<vmem>> -> memref<128xi32, #tpu.memory_space<vmem>>
        %dma_start3A_395 = arith.constant 0 : i32
        %dma_start3A_396 = arith.constant 0 : i32
        %dma_start3A_397 = tpu.memref_slice %arg2[%arg0, %dma_start3A_395, %dma_start3A_396] : memref<2x10000x64xbf16, #tpu.memory_space<hbm>> -> memref<1x10000x64xbf16, #tpu.memory_space<hbm>>
        %dma_start3A_398 = tpu.memref_squeeze %dma_start3A_397 : memref<1x10000x64xbf16, #tpu.memory_space<hbm>> -> memref<10000x64xbf16, #tpu.memory_space<hbm>>
        %dma_start3A_399 = arith.constant 0 : i32
        %dma_start3A_400 = arith.constant 0 : i32
        %dma_start3A_401 = tpu.memref_slice %dma_start3A_398[%dma_start3A_399, %dma_start3A_400] : memref<10000x64xbf16, #tpu.memory_space<hbm>> -> memref<10000x64xbf16, #tpu.memory_space<hbm>>
        tpu.enqueue_indirect_dma source(%dma_start3A_401 : memref<10000x64xbf16, #tpu.memory_space<hbm>>) target(%arg17 : memref<128x64xbf16, #tpu.memory_space<vmem>>) offsets(%dma_start3A_394 : memref<128xi32, #tpu.memory_space<vmem>>) semaphore(%arg28 : memref<!tpu.dma_semaphore, #tpu.memory_space<semaphore_mem>>)
      } else {
      }
      "tpu.region"() ({
        %run_scoped3A = tpu.sem_alloc : memref<!tpu.dma_semaphore, #tpu.memory_space<semaphore_mem>>
        %dma_start3A_388 = arith.constant 0 : i32
        %dma_start3A_389 = tpu.memref_slice %arg6[%add3A_172, %dma_start3A_388] : memref<160x128xi32, #tpu.memory_space<vmem>> -> memref<1x128xi32, #tpu.memory_space<vmem>>
        %dma_start3A_390 = tpu.memref_squeeze %dma_start3A_389 : memref<1x128xi32, #tpu.memory_space<vmem>> -> memref<128xi32, #tpu.memory_space<vmem>>
        %dma_start3A_391 = arith.constant 0 : i32
        %dma_start3A_392 = arith.constant 0 : i32
        %dma_start3A_393 = tpu.memref_slice %arg18[%dma_start3A_391, %dma_start3A_392] : memref<10000x64xbf16, #tpu.memory_space<vmem_shared>> -> memref<10000x64xbf16, #tpu.memory_space<vmem_shared>>
        tpu.enqueue_indirect_dma source(%arg8 : memref<128x64xbf16, #tpu.memory_space<vmem>>) target(%dma_start3A_393 : memref<10000x64xbf16, #tpu.memory_space<vmem_shared>>) offsets(%dma_start3A_390 : memref<128xi32, #tpu.memory_space<vmem>>) semaphore(%run_scoped3A : memref<!tpu.dma_semaphore, #tpu.memory_space<semaphore_mem>>) {add = true}
        %dma_wait3A_394 = arith.constant 0 : i32
        %dma_wait3A_395 = tpu.memref_slice %arg6[%add3A_172, %dma_wait3A_394] : memref<160x128xi32, #tpu.memory_space<vmem>> -> memref<1x128xi32, #tpu.memory_space<vmem>>
        %dma_wait3A_396 = tpu.memref_squeeze %dma_wait3A_395 : memref<1x128xi32, #tpu.memory_space<vmem>> -> memref<128xi32, #tpu.memory_space<vmem>>
        %dma_wait3A_397 = arith.constant 0 : i32
        %dma_wait3A_398 = arith.constant 0 : i32
        %dma_wait3A_399 = tpu.memref_slice %arg18[%dma_wait3A_397, %dma_wait3A_398] : memref<10000x64xbf16, #tpu.memory_space<vmem_shared>> -> memref<10000x64xbf16, #tpu.memory_space<vmem_shared>>
        tpu.wait_indirect_dma semaphore(%run_scoped3A : memref<!tpu.dma_semaphore, #tpu.memory_space<semaphore_mem>>) src(%arg8 : memref<128x64xbf16, #tpu.memory_space<vmem>>) dst(%dma_wait3A_399 : memref<10000x64xbf16, #tpu.memory_space<vmem_shared>>)
        tpu.yield
      }) : () -> ()
      %mul3A_190 = arith.constant 10 : i32
      %mul3A_191 = arith.muli %while3A_169, %mul3A_190 : i32
      %add3A_192 = arith.constant 1 : i32
      %add3A_193 = arith.addi %mul3A_191, %add3A_192 : i32
      %dma_wait3A_194 = arith.constant 0 : i32
      %dma_wait3A_195 = tpu.memref_slice %arg5[%add3A_193, %dma_wait3A_194] : memref<160x128xi32, #tpu.memory_space<vmem>> -> memref<1x128xi32, #tpu.memory_space<vmem>>
      %dma_wait3A_196 = tpu.memref_squeeze %dma_wait3A_195 : memref<1x128xi32, #tpu.memory_space<vmem>> -> memref<128xi32, #tpu.memory_space<vmem>>
      %dma_wait3A_197 = arith.constant 0 : i32
      %dma_wait3A_198 = arith.constant 0 : i32
      %dma_wait3A_199 = tpu.memref_slice %arg2[%arg0, %dma_wait3A_197, %dma_wait3A_198] : memref<2x10000x64xbf16, #tpu.memory_space<hbm>> -> memref<1x10000x64xbf16, #tpu.memory_space<hbm>>
      %dma_wait3A_200 = tpu.memref_squeeze %dma_wait3A_199 : memref<1x10000x64xbf16, #tpu.memory_space<hbm>> -> memref<10000x64xbf16, #tpu.memory_space<hbm>>
      %dma_wait3A_201 = arith.constant 0 : i32
      %dma_wait3A_202 = arith.constant 0 : i32
      %dma_wait3A_203 = tpu.memref_slice %dma_wait3A_200[%dma_wait3A_201, %dma_wait3A_202] : memref<10000x64xbf16, #tpu.memory_space<hbm>> -> memref<10000x64xbf16, #tpu.memory_space<hbm>>
      tpu.wait_indirect_dma semaphore(%arg20 : memref<!tpu.dma_semaphore, #tpu.memory_space<semaphore_mem>>) src(%dma_wait3A_203 : memref<10000x64xbf16, #tpu.memory_space<hbm>>) dst(%arg9 : memref<128x64xbf16, #tpu.memory_space<vmem>>)
      %add3A_204 = arith.constant 10 : i32
      %add3A_205 = arith.addi %add3A_193, %add3A_204 : i32
      %sub3A_206 = arith.constant 1 : i32
      %sub3A_207 = arith.subi %add3A_205, %sub3A_206 : i32
      %lt3A_208 = arith.cmpi slt, %sub3A_207, %select_n3A_2 : i32
      %convert_element_type3A_209 = arith.extui %lt3A_208 : i1 to i32
      %cond3A_210 = arith.constant 0 : i32
      %cond3A_211 = arith.cmpi ne, %convert_element_type3A_209, %cond3A_210 : i32
      scf.if %cond3A_211 {
        %add3A_388 = arith.constant 10 : i32
        %add3A_389 = arith.addi %add3A_193, %add3A_388 : i32
        %sub3A_390 = arith.constant 1 : i32
        %sub3A_391 = arith.subi %add3A_389, %sub3A_390 : i32
        %dma_start3A_392 = arith.constant 0 : i32
        %dma_start3A_393 = tpu.memref_slice %arg5[%sub3A_391, %dma_start3A_392] : memref<160x128xi32, #tpu.memory_space<vmem>> -> memref<1x128xi32, #tpu.memory_space<vmem>>
        %dma_start3A_394 = tpu.memref_squeeze %dma_start3A_393 : memref<1x128xi32, #tpu.memory_space<vmem>> -> memref<128xi32, #tpu.memory_space<vmem>>
        %dma_start3A_395 = arith.constant 0 : i32
        %dma_start3A_396 = arith.constant 0 : i32
        %dma_start3A_397 = tpu.memref_slice %arg2[%arg0, %dma_start3A_395, %dma_start3A_396] : memref<2x10000x64xbf16, #tpu.memory_space<hbm>> -> memref<1x10000x64xbf16, #tpu.memory_space<hbm>>
        %dma_start3A_398 = tpu.memref_squeeze %dma_start3A_397 : memref<1x10000x64xbf16, #tpu.memory_space<hbm>> -> memref<10000x64xbf16, #tpu.memory_space<hbm>>
        %dma_start3A_399 = arith.constant 0 : i32
        %dma_start3A_400 = arith.constant 0 : i32
        %dma_start3A_401 = tpu.memref_slice %dma_start3A_398[%dma_start3A_399, %dma_start3A_400] : memref<10000x64xbf16, #tpu.memory_space<hbm>> -> memref<10000x64xbf16, #tpu.memory_space<hbm>>
        tpu.enqueue_indirect_dma source(%dma_start3A_401 : memref<10000x64xbf16, #tpu.memory_space<hbm>>) target(%arg8 : memref<128x64xbf16, #tpu.memory_space<vmem>>) offsets(%dma_start3A_394 : memref<128xi32, #tpu.memory_space<vmem>>) semaphore(%arg19 : memref<!tpu.dma_semaphore, #tpu.memory_space<semaphore_mem>>)
      } else {
      }
      "tpu.region"() ({
        %run_scoped3A = tpu.sem_alloc : memref<!tpu.dma_semaphore, #tpu.memory_space<semaphore_mem>>
        %dma_start3A_388 = arith.constant 0 : i32
        %dma_start3A_389 = tpu.memref_slice %arg6[%add3A_193, %dma_start3A_388] : memref<160x128xi32, #tpu.memory_space<vmem>> -> memref<1x128xi32, #tpu.memory_space<vmem>>
        %dma_start3A_390 = tpu.memref_squeeze %dma_start3A_389 : memref<1x128xi32, #tpu.memory_space<vmem>> -> memref<128xi32, #tpu.memory_space<vmem>>
        %dma_start3A_391 = arith.constant 0 : i32
        %dma_start3A_392 = arith.constant 0 : i32
        %dma_start3A_393 = tpu.memref_slice %arg18[%dma_start3A_391, %dma_start3A_392] : memref<10000x64xbf16, #tpu.memory_space<vmem_shared>> -> memref<10000x64xbf16, #tpu.memory_space<vmem_shared>>
        tpu.enqueue_indirect_dma source(%arg9 : memref<128x64xbf16, #tpu.memory_space<vmem>>) target(%dma_start3A_393 : memref<10000x64xbf16, #tpu.memory_space<vmem_shared>>) offsets(%dma_start3A_390 : memref<128xi32, #tpu.memory_space<vmem>>) semaphore(%run_scoped3A : memref<!tpu.dma_semaphore, #tpu.memory_space<semaphore_mem>>) {add = true}
        %dma_wait3A_394 = arith.constant 0 : i32
        %dma_wait3A_395 = tpu.memref_slice %arg6[%add3A_193, %dma_wait3A_394] : memref<160x128xi32, #tpu.memory_space<vmem>> -> memref<1x128xi32, #tpu.memory_space<vmem>>
        %dma_wait3A_396 = tpu.memref_squeeze %dma_wait3A_395 : memref<1x128xi32, #tpu.memory_space<vmem>> -> memref<128xi32, #tpu.memory_space<vmem>>
        %dma_wait3A_397 = arith.constant 0 : i32
        %dma_wait3A_398 = arith.constant 0 : i32
        %dma_wait3A_399 = tpu.memref_slice %arg18[%dma_wait3A_397, %dma_wait3A_398] : memref<10000x64xbf16, #tpu.memory_space<vmem_shared>> -> memref<10000x64xbf16, #tpu.memory_space<vmem_shared>>
        tpu.wait_indirect_dma semaphore(%run_scoped3A : memref<!tpu.dma_semaphore, #tpu.memory_space<semaphore_mem>>) src(%arg9 : memref<128x64xbf16, #tpu.memory_space<vmem>>) dst(%dma_wait3A_399 : memref<10000x64xbf16, #tpu.memory_space<vmem_shared>>)
        tpu.yield
      }) : () -> ()
      %mul3A_212 = arith.constant 10 : i32
      %mul3A_213 = arith.muli %while3A_169, %mul3A_212 : i32
      %add3A_214 = arith.constant 2 : i32
      %add3A_215 = arith.addi %mul3A_213, %add3A_214 : i32
      %dma_wait3A_216 = arith.constant 0 : i32
      %dma_wait3A_217 = tpu.memref_slice %arg5[%add3A_215, %dma_wait3A_216] : memref<160x128xi32, #tpu.memory_space<vmem>> -> memref<1x128xi32, #tpu.memory_space<vmem>>
      %dma_wait3A_218 = tpu.memref_squeeze %dma_wait3A_217 : memref<1x128xi32, #tpu.memory_space<vmem>> -> memref<128xi32, #tpu.memory_space<vmem>>
      %dma_wait3A_219 = arith.constant 0 : i32
      %dma_wait3A_220 = arith.constant 0 : i32
      %dma_wait3A_221 = tpu.memref_slice %arg2[%arg0, %dma_wait3A_219, %dma_wait3A_220] : memref<2x10000x64xbf16, #tpu.memory_space<hbm>> -> memref<1x10000x64xbf16, #tpu.memory_space<hbm>>
      %dma_wait3A_222 = tpu.memref_squeeze %dma_wait3A_221 : memref<1x10000x64xbf16, #tpu.memory_space<hbm>> -> memref<10000x64xbf16, #tpu.memory_space<hbm>>
      %dma_wait3A_223 = arith.constant 0 : i32
      %dma_wait3A_224 = arith.constant 0 : i32
      %dma_wait3A_225 = tpu.memref_slice %dma_wait3A_222[%dma_wait3A_223, %dma_wait3A_224] : memref<10000x64xbf16, #tpu.memory_space<hbm>> -> memref<10000x64xbf16, #tpu.memory_space<hbm>>
      tpu.wait_indirect_dma semaphore(%arg21 : memref<!tpu.dma_semaphore, #tpu.memory_space<semaphore_mem>>) src(%dma_wait3A_225 : memref<10000x64xbf16, #tpu.memory_space<hbm>>) dst(%arg10 : memref<128x64xbf16, #tpu.memory_space<vmem>>)
      %add3A_226 = arith.constant 10 : i32
      %add3A_227 = arith.addi %add3A_215, %add3A_226 : i32
      %sub3A_228 = arith.constant 1 : i32
      %sub3A_229 = arith.subi %add3A_227, %sub3A_228 : i32
      %lt3A_230 = arith.cmpi slt, %sub3A_229, %select_n3A_2 : i32
      %convert_element_type3A_231 = arith.extui %lt3A_230 : i1 to i32
      %cond3A_232 = arith.constant 0 : i32
      %cond3A_233 = arith.cmpi ne, %convert_element_type3A_231, %cond3A_232 : i32
      scf.if %cond3A_233 {
        %add3A_388 = arith.constant 10 : i32
        %add3A_389 = arith.addi %add3A_215, %add3A_388 : i32
        %sub3A_390 = arith.constant 1 : i32
        %sub3A_391 = arith.subi %add3A_389, %sub3A_390 : i32
        %dma_start3A_392 = arith.constant 0 : i32
        %dma_start3A_393 = tpu.memref_slice %arg5[%sub3A_391, %dma_start3A_392] : memref<160x128xi32, #tpu.memory_space<vmem>> -> memref<1x128xi32, #tpu.memory_space<vmem>>
        %dma_start3A_394 = tpu.memref_squeeze %dma_start3A_393 : memref<1x128xi32, #tpu.memory_space<vmem>> -> memref<128xi32, #tpu.memory_space<vmem>>
        %dma_start3A_395 = arith.constant 0 : i32
        %dma_start3A_396 = arith.constant 0 : i32
        %dma_start3A_397 = tpu.memref_slice %arg2[%arg0, %dma_start3A_395, %dma_start3A_396] : memref<2x10000x64xbf16, #tpu.memory_space<hbm>> -> memref<1x10000x64xbf16, #tpu.memory_space<hbm>>
        %dma_start3A_398 = tpu.memref_squeeze %dma_start3A_397 : memref<1x10000x64xbf16, #tpu.memory_space<hbm>> -> memref<10000x64xbf16, #tpu.memory_space<hbm>>
        %dma_start3A_399 = arith.constant 0 : i32
        %dma_start3A_400 = arith.constant 0 : i32
        %dma_start3A_401 = tpu.memref_slice %dma_start3A_398[%dma_start3A_399, %dma_start3A_400] : memref<10000x64xbf16, #tpu.memory_space<hbm>> -> memref<10000x64xbf16, #tpu.memory_space<hbm>>
        tpu.enqueue_indirect_dma source(%dma_start3A_401 : memref<10000x64xbf16, #tpu.memory_space<hbm>>) target(%arg9 : memref<128x64xbf16, #tpu.memory_space<vmem>>) offsets(%dma_start3A_394 : memref<128xi32, #tpu.memory_space<vmem>>) semaphore(%arg20 : memref<!tpu.dma_semaphore, #tpu.memory_space<semaphore_mem>>)
      } else {
      }
      "tpu.region"() ({
        %run_scoped3A = tpu.sem_alloc : memref<!tpu.dma_semaphore, #tpu.memory_space<semaphore_mem>>
        %dma_start3A_388 = arith.constant 0 : i32
        %dma_start3A_389 = tpu.memref_slice %arg6[%add3A_215, %dma_start3A_388] : memref<160x128xi32, #tpu.memory_space<vmem>> -> memref<1x128xi32, #tpu.memory_space<vmem>>
        %dma_start3A_390 = tpu.memref_squeeze %dma_start3A_389 : memref<1x128xi32, #tpu.memory_space<vmem>> -> memref<128xi32, #tpu.memory_space<vmem>>
        %dma_start3A_391 = arith.constant 0 : i32
        %dma_start3A_392 = arith.constant 0 : i32
        %dma_start3A_393 = tpu.memref_slice %arg18[%dma_start3A_391, %dma_start3A_392] : memref<10000x64xbf16, #tpu.memory_space<vmem_shared>> -> memref<10000x64xbf16, #tpu.memory_space<vmem_shared>>
        tpu.enqueue_indirect_dma source(%arg10 : memref<128x64xbf16, #tpu.memory_space<vmem>>) target(%dma_start3A_393 : memref<10000x64xbf16, #tpu.memory_space<vmem_shared>>) offsets(%dma_start3A_390 : memref<128xi32, #tpu.memory_space<vmem>>) semaphore(%run_scoped3A : memref<!tpu.dma_semaphore, #tpu.memory_space<semaphore_mem>>) {add = true}
        %dma_wait3A_394 = arith.constant 0 : i32
        %dma_wait3A_395 = tpu.memref_slice %arg6[%add3A_215, %dma_wait3A_394] : memref<160x128xi32, #tpu.memory_space<vmem>> -> memref<1x128xi32, #tpu.memory_space<vmem>>
        %dma_wait3A_396 = tpu.memref_squeeze %dma_wait3A_395 : memref<1x128xi32, #tpu.memory_space<vmem>> -> memref<128xi32, #tpu.memory_space<vmem>>
        %dma_wait3A_397 = arith.constant 0 : i32
        %dma_wait3A_398 = arith.constant 0 : i32
        %dma_wait3A_399 = tpu.memref_slice %arg18[%dma_wait3A_397, %dma_wait3A_398] : memref<10000x64xbf16, #tpu.memory_space<vmem_shared>> -> memref<10000x64xbf16, #tpu.memory_space<vmem_shared>>
        tpu.wait_indirect_dma semaphore(%run_scoped3A : memref<!tpu.dma_semaphore, #tpu.memory_space<semaphore_mem>>) src(%arg10 : memref<128x64xbf16, #tpu.memory_space<vmem>>) dst(%dma_wait3A_399 : memref<10000x64xbf16, #tpu.memory_space<vmem_shared>>)
        tpu.yield
      }) : () -> ()
      %mul3A_234 = arith.constant 10 : i32
      %mul3A_235 = arith.muli %while3A_169, %mul3A_234 : i32
      %add3A_236 = arith.constant 3 : i32
      %add3A_237 = arith.addi %mul3A_235, %add3A_236 : i32
      %dma_wait3A_238 = arith.constant 0 : i32
      %dma_wait3A_239 = tpu.memref_slice %arg5[%add3A_237, %dma_wait3A_238] : memref<160x128xi32, #tpu.memory_space<vmem>> -> memref<1x128xi32, #tpu.memory_space<vmem>>
      %dma_wait3A_240 = tpu.memref_squeeze %dma_wait3A_239 : memref<1x128xi32, #tpu.memory_space<vmem>> -> memref<128xi32, #tpu.memory_space<vmem>>
      %dma_wait3A_241 = arith.constant 0 : i32
      %dma_wait3A_242 = arith.constant 0 : i32
      %dma_wait3A_243 = tpu.memref_slice %arg2[%arg0, %dma_wait3A_241, %dma_wait3A_242] : memref<2x10000x64xbf16, #tpu.memory_space<hbm>> -> memref<1x10000x64xbf16, #tpu.memory_space<hbm>>
      %dma_wait3A_244 = tpu.memref_squeeze %dma_wait3A_243 : memref<1x10000x64xbf16, #tpu.memory_space<hbm>> -> memref<10000x64xbf16, #tpu.memory_space<hbm>>
      %dma_wait3A_245 = arith.constant 0 : i32
      %dma_wait3A_246 = arith.constant 0 : i32
      %dma_wait3A_247 = tpu.memref_slice %dma_wait3A_244[%dma_wait3A_245, %dma_wait3A_246] : memref<10000x64xbf16, #tpu.memory_space<hbm>> -> memref<10000x64xbf16, #tpu.memory_space<hbm>>
      tpu.wait_indirect_dma semaphore(%arg22 : memref<!tpu.dma_semaphore, #tpu.memory_space<semaphore_mem>>) src(%dma_wait3A_247 : memref<10000x64xbf16, #tpu.memory_space<hbm>>) dst(%arg11 : memref<128x64xbf16, #tpu.memory_space<vmem>>)
      %add3A_248 = arith.constant 10 : i32
      %add3A_249 = arith.addi %add3A_237, %add3A_248 : i32
      %sub3A_250 = arith.constant 1 : i32
      %sub3A_251 = arith.subi %add3A_249, %sub3A_250 : i32
      %lt3A_252 = arith.cmpi slt, %sub3A_251, %select_n3A_2 : i32
      %convert_element_type3A_253 = arith.extui %lt3A_252 : i1 to i32
      %cond3A_254 = arith.constant 0 : i32
      %cond3A_255 = arith.cmpi ne, %convert_element_type3A_253, %cond3A_254 : i32
      scf.if %cond3A_255 {
        %add3A_388 = arith.constant 10 : i32
        %add3A_389 = arith.addi %add3A_237, %add3A_388 : i32
        %sub3A_390 = arith.constant 1 : i32
        %sub3A_391 = arith.subi %add3A_389, %sub3A_390 : i32
        %dma_start3A_392 = arith.constant 0 : i32
        %dma_start3A_393 = tpu.memref_slice %arg5[%sub3A_391, %dma_start3A_392] : memref<160x128xi32, #tpu.memory_space<vmem>> -> memref<1x128xi32, #tpu.memory_space<vmem>>
        %dma_start3A_394 = tpu.memref_squeeze %dma_start3A_393 : memref<1x128xi32, #tpu.memory_space<vmem>> -> memref<128xi32, #tpu.memory_space<vmem>>
        %dma_start3A_395 = arith.constant 0 : i32
        %dma_start3A_396 = arith.constant 0 : i32
        %dma_start3A_397 = tpu.memref_slice %arg2[%arg0, %dma_start3A_395, %dma_start3A_396] : memref<2x10000x64xbf16, #tpu.memory_space<hbm>> -> memref<1x10000x64xbf16, #tpu.memory_space<hbm>>
        %dma_start3A_398 = tpu.memref_squeeze %dma_start3A_397 : memref<1x10000x64xbf16, #tpu.memory_space<hbm>> -> memref<10000x64xbf16, #tpu.memory_space<hbm>>
        %dma_start3A_399 = arith.constant 0 : i32
        %dma_start3A_400 = arith.constant 0 : i32
        %dma_start3A_401 = tpu.memref_slice %dma_start3A_398[%dma_start3A_399, %dma_start3A_400] : memref<10000x64xbf16, #tpu.memory_space<hbm>> -> memref<10000x64xbf16, #tpu.memory_space<hbm>>
        tpu.enqueue_indirect_dma source(%dma_start3A_401 : memref<10000x64xbf16, #tpu.memory_space<hbm>>) target(%arg10 : memref<128x64xbf16, #tpu.memory_space<vmem>>) offsets(%dma_start3A_394 : memref<128xi32, #tpu.memory_space<vmem>>) semaphore(%arg21 : memref<!tpu.dma_semaphore, #tpu.memory_space<semaphore_mem>>)
      } else {
      }
      "tpu.region"() ({
        %run_scoped3A = tpu.sem_alloc : memref<!tpu.dma_semaphore, #tpu.memory_space<semaphore_mem>>
        %dma_start3A_388 = arith.constant 0 : i32
        %dma_start3A_389 = tpu.memref_slice %arg6[%add3A_237, %dma_start3A_388] : memref<160x128xi32, #tpu.memory_space<vmem>> -> memref<1x128xi32, #tpu.memory_space<vmem>>
        %dma_start3A_390 = tpu.memref_squeeze %dma_start3A_389 : memref<1x128xi32, #tpu.memory_space<vmem>> -> memref<128xi32, #tpu.memory_space<vmem>>
        %dma_start3A_391 = arith.constant 0 : i32
        %dma_start3A_392 = arith.constant 0 : i32
        %dma_start3A_393 = tpu.memref_slice %arg18[%dma_start3A_391, %dma_start3A_392] : memref<10000x64xbf16, #tpu.memory_space<vmem_shared>> -> memref<10000x64xbf16, #tpu.memory_space<vmem_shared>>
        tpu.enqueue_indirect_dma source(%arg11 : memref<128x64xbf16, #tpu.memory_space<vmem>>) target(%dma_start3A_393 : memref<10000x64xbf16, #tpu.memory_space<vmem_shared>>) offsets(%dma_start3A_390 : memref<128xi32, #tpu.memory_space<vmem>>) semaphore(%run_scoped3A : memref<!tpu.dma_semaphore, #tpu.memory_space<semaphore_mem>>) {add = true}
        %dma_wait3A_394 = arith.constant 0 : i32
        %dma_wait3A_395 = tpu.memref_slice %arg6[%add3A_237, %dma_wait3A_394] : memref<160x128xi32, #tpu.memory_space<vmem>> -> memref<1x128xi32, #tpu.memory_space<vmem>>
        %dma_wait3A_396 = tpu.memref_squeeze %dma_wait3A_395 : memref<1x128xi32, #tpu.memory_space<vmem>> -> memref<128xi32, #tpu.memory_space<vmem>>
        %dma_wait3A_397 = arith.constant 0 : i32
        %dma_wait3A_398 = arith.constant 0 : i32
        %dma_wait3A_399 = tpu.memref_slice %arg18[%dma_wait3A_397, %dma_wait3A_398] : memref<10000x64xbf16, #tpu.memory_space<vmem_shared>> -> memref<10000x64xbf16, #tpu.memory_space<vmem_shared>>
        tpu.wait_indirect_dma semaphore(%run_scoped3A : memref<!tpu.dma_semaphore, #tpu.memory_space<semaphore_mem>>) src(%arg11 : memref<128x64xbf16, #tpu.memory_space<vmem>>) dst(%dma_wait3A_399 : memref<10000x64xbf16, #tpu.memory_space<vmem_shared>>)
        tpu.yield
      }) : () -> ()
      %mul3A_256 = arith.constant 10 : i32
      %mul3A_257 = arith.muli %while3A_169, %mul3A_256 : i32
      %add3A_258 = arith.constant 4 : i32
      %add3A_259 = arith.addi %mul3A_257, %add3A_258 : i32
      %dma_wait3A_260 = arith.constant 0 : i32
      %dma_wait3A_261 = tpu.memref_slice %arg5[%add3A_259, %dma_wait3A_260] : memref<160x128xi32, #tpu.memory_space<vmem>> -> memref<1x128xi32, #tpu.memory_space<vmem>>
      %dma_wait3A_262 = tpu.memref_squeeze %dma_wait3A_261 : memref<1x128xi32, #tpu.memory_space<vmem>> -> memref<128xi32, #tpu.memory_space<vmem>>
      %dma_wait3A_263 = arith.constant 0 : i32
      %dma_wait3A_264 = arith.constant 0 : i32
      %dma_wait3A_265 = tpu.memref_slice %arg2[%arg0, %dma_wait3A_263, %dma_wait3A_264] : memref<2x10000x64xbf16, #tpu.memory_space<hbm>> -> memref<1x10000x64xbf16, #tpu.memory_space<hbm>>
      %dma_wait3A_266 = tpu.memref_squeeze %dma_wait3A_265 : memref<1x10000x64xbf16, #tpu.memory_space<hbm>> -> memref<10000x64xbf16, #tpu.memory_space<hbm>>
      %dma_wait3A_267 = arith.constant 0 : i32
      %dma_wait3A_268 = arith.constant 0 : i32
      %dma_wait3A_269 = tpu.memref_slice %dma_wait3A_266[%dma_wait3A_267, %dma_wait3A_268] : memref<10000x64xbf16, #tpu.memory_space<hbm>> -> memref<10000x64xbf16, #tpu.memory_space<hbm>>
      tpu.wait_indirect_dma semaphore(%arg23 : memref<!tpu.dma_semaphore, #tpu.memory_space<semaphore_mem>>) src(%dma_wait3A_269 : memref<10000x64xbf16, #tpu.memory_space<hbm>>) dst(%arg12 : memref<128x64xbf16, #tpu.memory_space<vmem>>)
      %add3A_270 = arith.constant 10 : i32
      %add3A_271 = arith.addi %add3A_259, %add3A_270 : i32
      %sub3A_272 = arith.constant 1 : i32
      %sub3A_273 = arith.subi %add3A_271, %sub3A_272 : i32
      %lt3A_274 = arith.cmpi slt, %sub3A_273, %select_n3A_2 : i32
      %convert_element_type3A_275 = arith.extui %lt3A_274 : i1 to i32
      %cond3A_276 = arith.constant 0 : i32
      %cond3A_277 = arith.cmpi ne, %convert_element_type3A_275, %cond3A_276 : i32
      scf.if %cond3A_277 {
        %add3A_388 = arith.constant 10 : i32
        %add3A_389 = arith.addi %add3A_259, %add3A_388 : i32
        %sub3A_390 = arith.constant 1 : i32
        %sub3A_391 = arith.subi %add3A_389, %sub3A_390 : i32
        %dma_start3A_392 = arith.constant 0 : i32
        %dma_start3A_393 = tpu.memref_slice %arg5[%sub3A_391, %dma_start3A_392] : memref<160x128xi32, #tpu.memory_space<vmem>> -> memref<1x128xi32, #tpu.memory_space<vmem>>
        %dma_start3A_394 = tpu.memref_squeeze %dma_start3A_393 : memref<1x128xi32, #tpu.memory_space<vmem>> -> memref<128xi32, #tpu.memory_space<vmem>>
        %dma_start3A_395 = arith.constant 0 : i32
        %dma_start3A_396 = arith.constant 0 : i32
        %dma_start3A_397 = tpu.memref_slice %arg2[%arg0, %dma_start3A_395, %dma_start3A_396] : memref<2x10000x64xbf16, #tpu.memory_space<hbm>> -> memref<1x10000x64xbf16, #tpu.memory_space<hbm>>
        %dma_start3A_398 = tpu.memref_squeeze %dma_start3A_397 : memref<1x10000x64xbf16, #tpu.memory_space<hbm>> -> memref<10000x64xbf16, #tpu.memory_space<hbm>>
        %dma_start3A_399 = arith.constant 0 : i32
        %dma_start3A_400 = arith.constant 0 : i32
        %dma_start3A_401 = tpu.memref_slice %dma_start3A_398[%dma_start3A_399, %dma_start3A_400] : memref<10000x64xbf16, #tpu.memory_space<hbm>> -> memref<10000x64xbf16, #tpu.memory_space<hbm>>
        tpu.enqueue_indirect_dma source(%dma_start3A_401 : memref<10000x64xbf16, #tpu.memory_space<hbm>>) target(%arg11 : memref<128x64xbf16, #tpu.memory_space<vmem>>) offsets(%dma_start3A_394 : memref<128xi32, #tpu.memory_space<vmem>>) semaphore(%arg22 : memref<!tpu.dma_semaphore, #tpu.memory_space<semaphore_mem>>)
      } else {
      }
      "tpu.region"() ({
        %run_scoped3A = tpu.sem_alloc : memref<!tpu.dma_semaphore, #tpu.memory_space<semaphore_mem>>
        %dma_start3A_388 = arith.constant 0 : i32
        %dma_start3A_389 = tpu.memref_slice %arg6[%add3A_259, %dma_start3A_388] : memref<160x128xi32, #tpu.memory_space<vmem>> -> memref<1x128xi32, #tpu.memory_space<vmem>>
        %dma_start3A_390 = tpu.memref_squeeze %dma_start3A_389 : memref<1x128xi32, #tpu.memory_space<vmem>> -> memref<128xi32, #tpu.memory_space<vmem>>
        %dma_start3A_391 = arith.constant 0 : i32
        %dma_start3A_392 = arith.constant 0 : i32
        %dma_start3A_393 = tpu.memref_slice %arg18[%dma_start3A_391, %dma_start3A_392] : memref<10000x64xbf16, #tpu.memory_space<vmem_shared>> -> memref<10000x64xbf16, #tpu.memory_space<vmem_shared>>
        tpu.enqueue_indirect_dma source(%arg12 : memref<128x64xbf16, #tpu.memory_space<vmem>>) target(%dma_start3A_393 : memref<10000x64xbf16, #tpu.memory_space<vmem_shared>>) offsets(%dma_start3A_390 : memref<128xi32, #tpu.memory_space<vmem>>) semaphore(%run_scoped3A : memref<!tpu.dma_semaphore, #tpu.memory_space<semaphore_mem>>) {add = true}
        %dma_wait3A_394 = arith.constant 0 : i32
        %dma_wait3A_395 = tpu.memref_slice %arg6[%add3A_259, %dma_wait3A_394] : memref<160x128xi32, #tpu.memory_space<vmem>> -> memref<1x128xi32, #tpu.memory_space<vmem>>
        %dma_wait3A_396 = tpu.memref_squeeze %dma_wait3A_395 : memref<1x128xi32, #tpu.memory_space<vmem>> -> memref<128xi32, #tpu.memory_space<vmem>>
        %dma_wait3A_397 = arith.constant 0 : i32
        %dma_wait3A_398 = arith.constant 0 : i32
        %dma_wait3A_399 = tpu.memref_slice %arg18[%dma_wait3A_397, %dma_wait3A_398] : memref<10000x64xbf16, #tpu.memory_space<vmem_shared>> -> memref<10000x64xbf16, #tpu.memory_space<vmem_shared>>
        tpu.wait_indirect_dma semaphore(%run_scoped3A : memref<!tpu.dma_semaphore, #tpu.memory_space<semaphore_mem>>) src(%arg12 : memref<128x64xbf16, #tpu.memory_space<vmem>>) dst(%dma_wait3A_399 : memref<10000x64xbf16, #tpu.memory_space<vmem_shared>>)
        tpu.yield
      }) : () -> ()
      %mul3A_278 = arith.constant 10 : i32
      %mul3A_279 = arith.muli %while3A_169, %mul3A_278 : i32
      %add3A_280 = arith.constant 5 : i32
      %add3A_281 = arith.addi %mul3A_279, %add3A_280 : i32
      %dma_wait3A_282 = arith.constant 0 : i32
      %dma_wait3A_283 = tpu.memref_slice %arg5[%add3A_281, %dma_wait3A_282] : memref<160x128xi32, #tpu.memory_space<vmem>> -> memref<1x128xi32, #tpu.memory_space<vmem>>
      %dma_wait3A_284 = tpu.memref_squeeze %dma_wait3A_283 : memref<1x128xi32, #tpu.memory_space<vmem>> -> memref<128xi32, #tpu.memory_space<vmem>>
      %dma_wait3A_285 = arith.constant 0 : i32
      %dma_wait3A_286 = arith.constant 0 : i32
      %dma_wait3A_287 = tpu.memref_slice %arg2[%arg0, %dma_wait3A_285, %dma_wait3A_286] : memref<2x10000x64xbf16, #tpu.memory_space<hbm>> -> memref<1x10000x64xbf16, #tpu.memory_space<hbm>>
      %dma_wait3A_288 = tpu.memref_squeeze %dma_wait3A_287 : memref<1x10000x64xbf16, #tpu.memory_space<hbm>> -> memref<10000x64xbf16, #tpu.memory_space<hbm>>
      %dma_wait3A_289 = arith.constant 0 : i32
      %dma_wait3A_290 = arith.constant 0 : i32
      %dma_wait3A_291 = tpu.memref_slice %dma_wait3A_288[%dma_wait3A_289, %dma_wait3A_290] : memref<10000x64xbf16, #tpu.memory_space<hbm>> -> memref<10000x64xbf16, #tpu.memory_space<hbm>>
      tpu.wait_indirect_dma semaphore(%arg24 : memref<!tpu.dma_semaphore, #tpu.memory_space<semaphore_mem>>) src(%dma_wait3A_291 : memref<10000x64xbf16, #tpu.memory_space<hbm>>) dst(%arg13 : memref<128x64xbf16, #tpu.memory_space<vmem>>)
      %add3A_292 = arith.constant 10 : i32
      %add3A_293 = arith.addi %add3A_281, %add3A_292 : i32
      %sub3A_294 = arith.constant 1 : i32
      %sub3A_295 = arith.subi %add3A_293, %sub3A_294 : i32
      %lt3A_296 = arith.cmpi slt, %sub3A_295, %select_n3A_2 : i32
      %convert_element_type3A_297 = arith.extui %lt3A_296 : i1 to i32
      %cond3A_298 = arith.constant 0 : i32
      %cond3A_299 = arith.cmpi ne, %convert_element_type3A_297, %cond3A_298 : i32
      scf.if %cond3A_299 {
        %add3A_388 = arith.constant 10 : i32
        %add3A_389 = arith.addi %add3A_281, %add3A_388 : i32
        %sub3A_390 = arith.constant 1 : i32
        %sub3A_391 = arith.subi %add3A_389, %sub3A_390 : i32
        %dma_start3A_392 = arith.constant 0 : i32
        %dma_start3A_393 = tpu.memref_slice %arg5[%sub3A_391, %dma_start3A_392] : memref<160x128xi32, #tpu.memory_space<vmem>> -> memref<1x128xi32, #tpu.memory_space<vmem>>
        %dma_start3A_394 = tpu.memref_squeeze %dma_start3A_393 : memref<1x128xi32, #tpu.memory_space<vmem>> -> memref<128xi32, #tpu.memory_space<vmem>>
        %dma_start3A_395 = arith.constant 0 : i32
        %dma_start3A_396 = arith.constant 0 : i32
        %dma_start3A_397 = tpu.memref_slice %arg2[%arg0, %dma_start3A_395, %dma_start3A_396] : memref<2x10000x64xbf16, #tpu.memory_space<hbm>> -> memref<1x10000x64xbf16, #tpu.memory_space<hbm>>
        %dma_start3A_398 = tpu.memref_squeeze %dma_start3A_397 : memref<1x10000x64xbf16, #tpu.memory_space<hbm>> -> memref<10000x64xbf16, #tpu.memory_space<hbm>>
        %dma_start3A_399 = arith.constant 0 : i32
        %dma_start3A_400 = arith.constant 0 : i32
        %dma_start3A_401 = tpu.memref_slice %dma_start3A_398[%dma_start3A_399, %dma_start3A_400] : memref<10000x64xbf16, #tpu.memory_space<hbm>> -> memref<10000x64xbf16, #tpu.memory_space<hbm>>
        tpu.enqueue_indirect_dma source(%dma_start3A_401 : memref<10000x64xbf16, #tpu.memory_space<hbm>>) target(%arg12 : memref<128x64xbf16, #tpu.memory_space<vmem>>) offsets(%dma_start3A_394 : memref<128xi32, #tpu.memory_space<vmem>>) semaphore(%arg23 : memref<!tpu.dma_semaphore, #tpu.memory_space<semaphore_mem>>)
      } else {
      }
      "tpu.region"() ({
        %run_scoped3A = tpu.sem_alloc : memref<!tpu.dma_semaphore, #tpu.memory_space<semaphore_mem>>
        %dma_start3A_388 = arith.constant 0 : i32
        %dma_start3A_389 = tpu.memref_slice %arg6[%add3A_281, %dma_start3A_388] : memref<160x128xi32, #tpu.memory_space<vmem>> -> memref<1x128xi32, #tpu.memory_space<vmem>>
        %dma_start3A_390 = tpu.memref_squeeze %dma_start3A_389 : memref<1x128xi32, #tpu.memory_space<vmem>> -> memref<128xi32, #tpu.memory_space<vmem>>
        %dma_start3A_391 = arith.constant 0 : i32
        %dma_start3A_392 = arith.constant 0 : i32
        %dma_start3A_393 = tpu.memref_slice %arg18[%dma_start3A_391, %dma_start3A_392] : memref<10000x64xbf16, #tpu.memory_space<vmem_shared>> -> memref<10000x64xbf16, #tpu.memory_space<vmem_shared>>
        tpu.enqueue_indirect_dma source(%arg13 : memref<128x64xbf16, #tpu.memory_space<vmem>>) target(%dma_start3A_393 : memref<10000x64xbf16, #tpu.memory_space<vmem_shared>>) offsets(%dma_start3A_390 : memref<128xi32, #tpu.memory_space<vmem>>) semaphore(%run_scoped3A : memref<!tpu.dma_semaphore, #tpu.memory_space<semaphore_mem>>) {add = true}
        %dma_wait3A_394 = arith.constant 0 : i32
        %dma_wait3A_395 = tpu.memref_slice %arg6[%add3A_281, %dma_wait3A_394] : memref<160x128xi32, #tpu.memory_space<vmem>> -> memref<1x128xi32, #tpu.memory_space<vmem>>
        %dma_wait3A_396 = tpu.memref_squeeze %dma_wait3A_395 : memref<1x128xi32, #tpu.memory_space<vmem>> -> memref<128xi32, #tpu.memory_space<vmem>>
        %dma_wait3A_397 = arith.constant 0 : i32
        %dma_wait3A_398 = arith.constant 0 : i32
        %dma_wait3A_399 = tpu.memref_slice %arg18[%dma_wait3A_397, %dma_wait3A_398] : memref<10000x64xbf16, #tpu.memory_space<vmem_shared>> -> memref<10000x64xbf16, #tpu.memory_space<vmem_shared>>
        tpu.wait_indirect_dma semaphore(%run_scoped3A : memref<!tpu.dma_semaphore, #tpu.memory_space<semaphore_mem>>) src(%arg13 : memref<128x64xbf16, #tpu.memory_space<vmem>>) dst(%dma_wait3A_399 : memref<10000x64xbf16, #tpu.memory_space<vmem_shared>>)
        tpu.yield
      }) : () -> ()
      %mul3A_300 = arith.constant 10 : i32
      %mul3A_301 = arith.muli %while3A_169, %mul3A_300 : i32
      %add3A_302 = arith.constant 6 : i32
      %add3A_303 = arith.addi %mul3A_301, %add3A_302 : i32
      %dma_wait3A_304 = arith.constant 0 : i32
      %dma_wait3A_305 = tpu.memref_slice %arg5[%add3A_303, %dma_wait3A_304] : memref<160x128xi32, #tpu.memory_space<vmem>> -> memref<1x128xi32, #tpu.memory_space<vmem>>
      %dma_wait3A_306 = tpu.memref_squeeze %dma_wait3A_305 : memref<1x128xi32, #tpu.memory_space<vmem>> -> memref<128xi32, #tpu.memory_space<vmem>>
      %dma_wait3A_307 = arith.constant 0 : i32
      %dma_wait3A_308 = arith.constant 0 : i32
      %dma_wait3A_309 = tpu.memref_slice %arg2[%arg0, %dma_wait3A_307, %dma_wait3A_308] : memref<2x10000x64xbf16, #tpu.memory_space<hbm>> -> memref<1x10000x64xbf16, #tpu.memory_space<hbm>>
      %dma_wait3A_310 = tpu.memref_squeeze %dma_wait3A_309 : memref<1x10000x64xbf16, #tpu.memory_space<hbm>> -> memref<10000x64xbf16, #tpu.memory_space<hbm>>
      %dma_wait3A_311 = arith.constant 0 : i32
      %dma_wait3A_312 = arith.constant 0 : i32
      %dma_wait3A_313 = tpu.memref_slice %dma_wait3A_310[%dma_wait3A_311, %dma_wait3A_312] : memref<10000x64xbf16, #tpu.memory_space<hbm>> -> memref<10000x64xbf16, #tpu.memory_space<hbm>>
      tpu.wait_indirect_dma semaphore(%arg25 : memref<!tpu.dma_semaphore, #tpu.memory_space<semaphore_mem>>) src(%dma_wait3A_313 : memref<10000x64xbf16, #tpu.memory_space<hbm>>) dst(%arg14 : memref<128x64xbf16, #tpu.memory_space<vmem>>)
      %add3A_314 = arith.constant 10 : i32
      %add3A_315 = arith.addi %add3A_303, %add3A_314 : i32
      %sub3A_316 = arith.constant 1 : i32
      %sub3A_317 = arith.subi %add3A_315, %sub3A_316 : i32
      %lt3A_318 = arith.cmpi slt, %sub3A_317, %select_n3A_2 : i32
      %convert_element_type3A_319 = arith.extui %lt3A_318 : i1 to i32
      %cond3A_320 = arith.constant 0 : i32
      %cond3A_321 = arith.cmpi ne, %convert_element_type3A_319, %cond3A_320 : i32
      scf.if %cond3A_321 {
        %add3A_388 = arith.constant 10 : i32
        %add3A_389 = arith.addi %add3A_303, %add3A_388 : i32
        %sub3A_390 = arith.constant 1 : i32
        %sub3A_391 = arith.subi %add3A_389, %sub3A_390 : i32
        %dma_start3A_392 = arith.constant 0 : i32
        %dma_start3A_393 = tpu.memref_slice %arg5[%sub3A_391, %dma_start3A_392] : memref<160x128xi32, #tpu.memory_space<vmem>> -> memref<1x128xi32, #tpu.memory_space<vmem>>
        %dma_start3A_394 = tpu.memref_squeeze %dma_start3A_393 : memref<1x128xi32, #tpu.memory_space<vmem>> -> memref<128xi32, #tpu.memory_space<vmem>>
        %dma_start3A_395 = arith.constant 0 : i32
        %dma_start3A_396 = arith.constant 0 : i32
        %dma_start3A_397 = tpu.memref_slice %arg2[%arg0, %dma_start3A_395, %dma_start3A_396] : memref<2x10000x64xbf16, #tpu.memory_space<hbm>> -> memref<1x10000x64xbf16, #tpu.memory_space<hbm>>
        %dma_start3A_398 = tpu.memref_squeeze %dma_start3A_397 : memref<1x10000x64xbf16, #tpu.memory_space<hbm>> -> memref<10000x64xbf16, #tpu.memory_space<hbm>>
        %dma_start3A_399 = arith.constant 0 : i32
        %dma_start3A_400 = arith.constant 0 : i32
        %dma_start3A_401 = tpu.memref_slice %dma_start3A_398[%dma_start3A_399, %dma_start3A_400] : memref<10000x64xbf16, #tpu.memory_space<hbm>> -> memref<10000x64xbf16, #tpu.memory_space<hbm>>
        tpu.enqueue_indirect_dma source(%dma_start3A_401 : memref<10000x64xbf16, #tpu.memory_space<hbm>>) target(%arg13 : memref<128x64xbf16, #tpu.memory_space<vmem>>) offsets(%dma_start3A_394 : memref<128xi32, #tpu.memory_space<vmem>>) semaphore(%arg24 : memref<!tpu.dma_semaphore, #tpu.memory_space<semaphore_mem>>)
      } else {
      }
      "tpu.region"() ({
        %run_scoped3A = tpu.sem_alloc : memref<!tpu.dma_semaphore, #tpu.memory_space<semaphore_mem>>
        %dma_start3A_388 = arith.constant 0 : i32
        %dma_start3A_389 = tpu.memref_slice %arg6[%add3A_303, %dma_start3A_388] : memref<160x128xi32, #tpu.memory_space<vmem>> -> memref<1x128xi32, #tpu.memory_space<vmem>>
        %dma_start3A_390 = tpu.memref_squeeze %dma_start3A_389 : memref<1x128xi32, #tpu.memory_space<vmem>> -> memref<128xi32, #tpu.memory_space<vmem>>
        %dma_start3A_391 = arith.constant 0 : i32
        %dma_start3A_392 = arith.constant 0 : i32
        %dma_start3A_393 = tpu.memref_slice %arg18[%dma_start3A_391, %dma_start3A_392] : memref<10000x64xbf16, #tpu.memory_space<vmem_shared>> -> memref<10000x64xbf16, #tpu.memory_space<vmem_shared>>
        tpu.enqueue_indirect_dma source(%arg14 : memref<128x64xbf16, #tpu.memory_space<vmem>>) target(%dma_start3A_393 : memref<10000x64xbf16, #tpu.memory_space<vmem_shared>>) offsets(%dma_start3A_390 : memref<128xi32, #tpu.memory_space<vmem>>) semaphore(%run_scoped3A : memref<!tpu.dma_semaphore, #tpu.memory_space<semaphore_mem>>) {add = true}
        %dma_wait3A_394 = arith.constant 0 : i32
        %dma_wait3A_395 = tpu.memref_slice %arg6[%add3A_303, %dma_wait3A_394] : memref<160x128xi32, #tpu.memory_space<vmem>> -> memref<1x128xi32, #tpu.memory_space<vmem>>
        %dma_wait3A_396 = tpu.memref_squeeze %dma_wait3A_395 : memref<1x128xi32, #tpu.memory_space<vmem>> -> memref<128xi32, #tpu.memory_space<vmem>>
        %dma_wait3A_397 = arith.constant 0 : i32
        %dma_wait3A_398 = arith.constant 0 : i32
        %dma_wait3A_399 = tpu.memref_slice %arg18[%dma_wait3A_397, %dma_wait3A_398] : memref<10000x64xbf16, #tpu.memory_space<vmem_shared>> -> memref<10000x64xbf16, #tpu.memory_space<vmem_shared>>
        tpu.wait_indirect_dma semaphore(%run_scoped3A : memref<!tpu.dma_semaphore, #tpu.memory_space<semaphore_mem>>) src(%arg14 : memref<128x64xbf16, #tpu.memory_space<vmem>>) dst(%dma_wait3A_399 : memref<10000x64xbf16, #tpu.memory_space<vmem_shared>>)
        tpu.yield
      }) : () -> ()
      %mul3A_322 = arith.constant 10 : i32
      %mul3A_323 = arith.muli %while3A_169, %mul3A_322 : i32
      %add3A_324 = arith.constant 7 : i32
      %add3A_325 = arith.addi %mul3A_323, %add3A_324 : i32
      %dma_wait3A_326 = arith.constant 0 : i32
      %dma_wait3A_327 = tpu.memref_slice %arg5[%add3A_325, %dma_wait3A_326] : memref<160x128xi32, #tpu.memory_space<vmem>> -> memref<1x128xi32, #tpu.memory_space<vmem>>
      %dma_wait3A_328 = tpu.memref_squeeze %dma_wait3A_327 : memref<1x128xi32, #tpu.memory_space<vmem>> -> memref<128xi32, #tpu.memory_space<vmem>>
      %dma_wait3A_329 = arith.constant 0 : i32
      %dma_wait3A_330 = arith.constant 0 : i32
      %dma_wait3A_331 = tpu.memref_slice %arg2[%arg0, %dma_wait3A_329, %dma_wait3A_330] : memref<2x10000x64xbf16, #tpu.memory_space<hbm>> -> memref<1x10000x64xbf16, #tpu.memory_space<hbm>>
      %dma_wait3A_332 = tpu.memref_squeeze %dma_wait3A_331 : memref<1x10000x64xbf16, #tpu.memory_space<hbm>> -> memref<10000x64xbf16, #tpu.memory_space<hbm>>
      %dma_wait3A_333 = arith.constant 0 : i32
      %dma_wait3A_334 = arith.constant 0 : i32
      %dma_wait3A_335 = tpu.memref_slice %dma_wait3A_332[%dma_wait3A_333, %dma_wait3A_334] : memref<10000x64xbf16, #tpu.memory_space<hbm>> -> memref<10000x64xbf16, #tpu.memory_space<hbm>>
      tpu.wait_indirect_dma semaphore(%arg26 : memref<!tpu.dma_semaphore, #tpu.memory_space<semaphore_mem>>) src(%dma_wait3A_335 : memref<10000x64xbf16, #tpu.memory_space<hbm>>) dst(%arg15 : memref<128x64xbf16, #tpu.memory_space<vmem>>)
      %add3A_336 = arith.constant 10 : i32
      %add3A_337 = arith.addi %add3A_325, %add3A_336 : i32
      %sub3A_338 = arith.constant 1 : i32
      %sub3A_339 = arith.subi %add3A_337, %sub3A_338 : i32
      %lt3A_340 = arith.cmpi slt, %sub3A_339, %select_n3A_2 : i32
      %convert_element_type3A_341 = arith.extui %lt3A_340 : i1 to i32
      %cond3A_342 = arith.constant 0 : i32
      %cond3A_343 = arith.cmpi ne, %convert_element_type3A_341, %cond3A_342 : i32
      scf.if %cond3A_343 {
        %add3A_388 = arith.constant 10 : i32
        %add3A_389 = arith.addi %add3A_325, %add3A_388 : i32
        %sub3A_390 = arith.constant 1 : i32
        %sub3A_391 = arith.subi %add3A_389, %sub3A_390 : i32
        %dma_start3A_392 = arith.constant 0 : i32
        %dma_start3A_393 = tpu.memref_slice %arg5[%sub3A_391, %dma_start3A_392] : memref<160x128xi32, #tpu.memory_space<vmem>> -> memref<1x128xi32, #tpu.memory_space<vmem>>
        %dma_start3A_394 = tpu.memref_squeeze %dma_start3A_393 : memref<1x128xi32, #tpu.memory_space<vmem>> -> memref<128xi32, #tpu.memory_space<vmem>>
        %dma_start3A_395 = arith.constant 0 : i32
        %dma_start3A_396 = arith.constant 0 : i32
        %dma_start3A_397 = tpu.memref_slice %arg2[%arg0, %dma_start3A_395, %dma_start3A_396] : memref<2x10000x64xbf16, #tpu.memory_space<hbm>> -> memref<1x10000x64xbf16, #tpu.memory_space<hbm>>
        %dma_start3A_398 = tpu.memref_squeeze %dma_start3A_397 : memref<1x10000x64xbf16, #tpu.memory_space<hbm>> -> memref<10000x64xbf16, #tpu.memory_space<hbm>>
        %dma_start3A_399 = arith.constant 0 : i32
        %dma_start3A_400 = arith.constant 0 : i32
        %dma_start3A_401 = tpu.memref_slice %dma_start3A_398[%dma_start3A_399, %dma_start3A_400] : memref<10000x64xbf16, #tpu.memory_space<hbm>> -> memref<10000x64xbf16, #tpu.memory_space<hbm>>
        tpu.enqueue_indirect_dma source(%dma_start3A_401 : memref<10000x64xbf16, #tpu.memory_space<hbm>>) target(%arg14 : memref<128x64xbf16, #tpu.memory_space<vmem>>) offsets(%dma_start3A_394 : memref<128xi32, #tpu.memory_space<vmem>>) semaphore(%arg25 : memref<!tpu.dma_semaphore, #tpu.memory_space<semaphore_mem>>)
      } else {
      }
      "tpu.region"() ({
        %run_scoped3A = tpu.sem_alloc : memref<!tpu.dma_semaphore, #tpu.memory_space<semaphore_mem>>
        %dma_start3A_388 = arith.constant 0 : i32
        %dma_start3A_389 = tpu.memref_slice %arg6[%add3A_325, %dma_start3A_388] : memref<160x128xi32, #tpu.memory_space<vmem>> -> memref<1x128xi32, #tpu.memory_space<vmem>>
        %dma_start3A_390 = tpu.memref_squeeze %dma_start3A_389 : memref<1x128xi32, #tpu.memory_space<vmem>> -> memref<128xi32, #tpu.memory_space<vmem>>
        %dma_start3A_391 = arith.constant 0 : i32
        %dma_start3A_392 = arith.constant 0 : i32
        %dma_start3A_393 = tpu.memref_slice %arg18[%dma_start3A_391, %dma_start3A_392] : memref<10000x64xbf16, #tpu.memory_space<vmem_shared>> -> memref<10000x64xbf16, #tpu.memory_space<vmem_shared>>
        tpu.enqueue_indirect_dma source(%arg15 : memref<128x64xbf16, #tpu.memory_space<vmem>>) target(%dma_start3A_393 : memref<10000x64xbf16, #tpu.memory_space<vmem_shared>>) offsets(%dma_start3A_390 : memref<128xi32, #tpu.memory_space<vmem>>) semaphore(%run_scoped3A : memref<!tpu.dma_semaphore, #tpu.memory_space<semaphore_mem>>) {add = true}
        %dma_wait3A_394 = arith.constant 0 : i32
        %dma_wait3A_395 = tpu.memref_slice %arg6[%add3A_325, %dma_wait3A_394] : memref<160x128xi32, #tpu.memory_space<vmem>> -> memref<1x128xi32, #tpu.memory_space<vmem>>
        %dma_wait3A_396 = tpu.memref_squeeze %dma_wait3A_395 : memref<1x128xi32, #tpu.memory_space<vmem>> -> memref<128xi32, #tpu.memory_space<vmem>>
        %dma_wait3A_397 = arith.constant 0 : i32
        %dma_wait3A_398 = arith.constant 0 : i32
        %dma_wait3A_399 = tpu.memref_slice %arg18[%dma_wait3A_397, %dma_wait3A_398] : memref<10000x64xbf16, #tpu.memory_space<vmem_shared>> -> memref<10000x64xbf16, #tpu.memory_space<vmem_shared>>
        tpu.wait_indirect_dma semaphore(%run_scoped3A : memref<!tpu.dma_semaphore, #tpu.memory_space<semaphore_mem>>) src(%arg15 : memref<128x64xbf16, #tpu.memory_space<vmem>>) dst(%dma_wait3A_399 : memref<10000x64xbf16, #tpu.memory_space<vmem_shared>>)
        tpu.yield
      }) : () -> ()
      %mul3A_344 = arith.constant 10 : i32
      %mul3A_345 = arith.muli %while3A_169, %mul3A_344 : i32
      %add3A_346 = arith.constant 8 : i32
      %add3A_347 = arith.addi %mul3A_345, %add3A_346 : i32
      %dma_wait3A_348 = arith.constant 0 : i32
      %dma_wait3A_349 = tpu.memref_slice %arg5[%add3A_347, %dma_wait3A_348] : memref<160x128xi32, #tpu.memory_space<vmem>> -> memref<1x128xi32, #tpu.memory_space<vmem>>
      %dma_wait3A_350 = tpu.memref_squeeze %dma_wait3A_349 : memref<1x128xi32, #tpu.memory_space<vmem>> -> memref<128xi32, #tpu.memory_space<vmem>>
      %dma_wait3A_351 = arith.constant 0 : i32
      %dma_wait3A_352 = arith.constant 0 : i32
      %dma_wait3A_353 = tpu.memref_slice %arg2[%arg0, %dma_wait3A_351, %dma_wait3A_352] : memref<2x10000x64xbf16, #tpu.memory_space<hbm>> -> memref<1x10000x64xbf16, #tpu.memory_space<hbm>>
      %dma_wait3A_354 = tpu.memref_squeeze %dma_wait3A_353 : memref<1x10000x64xbf16, #tpu.memory_space<hbm>> -> memref<10000x64xbf16, #tpu.memory_space<hbm>>
      %dma_wait3A_355 = arith.constant 0 : i32
      %dma_wait3A_356 = arith.constant 0 : i32
      %dma_wait3A_357 = tpu.memref_slice %dma_wait3A_354[%dma_wait3A_355, %dma_wait3A_356] : memref<10000x64xbf16, #tpu.memory_space<hbm>> -> memref<10000x64xbf16, #tpu.memory_space<hbm>>
      tpu.wait_indirect_dma semaphore(%arg27 : memref<!tpu.dma_semaphore, #tpu.memory_space<semaphore_mem>>) src(%dma_wait3A_357 : memref<10000x64xbf16, #tpu.memory_space<hbm>>) dst(%arg16 : memref<128x64xbf16, #tpu.memory_space<vmem>>)
      %add3A_358 = arith.constant 10 : i32
      %add3A_359 = arith.addi %add3A_347, %add3A_358 : i32
      %sub3A_360 = arith.constant 1 : i32
      %sub3A_361 = arith.subi %add3A_359, %sub3A_360 : i32
      %lt3A_362 = arith.cmpi slt, %sub3A_361, %select_n3A_2 : i32
      %convert_element_type3A_363 = arith.extui %lt3A_362 : i1 to i32
      %cond3A_364 = arith.constant 0 : i32
      %cond3A_365 = arith.cmpi ne, %convert_element_type3A_363, %cond3A_364 : i32
      scf.if %cond3A_365 {
        %add3A_388 = arith.constant 10 : i32
        %add3A_389 = arith.addi %add3A_347, %add3A_388 : i32
        %sub3A_390 = arith.constant 1 : i32
        %sub3A_391 = arith.subi %add3A_389, %sub3A_390 : i32
        %dma_start3A_392 = arith.constant 0 : i32
        %dma_start3A_393 = tpu.memref_slice %arg5[%sub3A_391, %dma_start3A_392] : memref<160x128xi32, #tpu.memory_space<vmem>> -> memref<1x128xi32, #tpu.memory_space<vmem>>
        %dma_start3A_394 = tpu.memref_squeeze %dma_start3A_393 : memref<1x128xi32, #tpu.memory_space<vmem>> -> memref<128xi32, #tpu.memory_space<vmem>>
        %dma_start3A_395 = arith.constant 0 : i32
        %dma_start3A_396 = arith.constant 0 : i32
        %dma_start3A_397 = tpu.memref_slice %arg2[%arg0, %dma_start3A_395, %dma_start3A_396] : memref<2x10000x64xbf16, #tpu.memory_space<hbm>> -> memref<1x10000x64xbf16, #tpu.memory_space<hbm>>
        %dma_start3A_398 = tpu.memref_squeeze %dma_start3A_397 : memref<1x10000x64xbf16, #tpu.memory_space<hbm>> -> memref<10000x64xbf16, #tpu.memory_space<hbm>>
        %dma_start3A_399 = arith.constant 0 : i32
        %dma_start3A_400 = arith.constant 0 : i32
        %dma_start3A_401 = tpu.memref_slice %dma_start3A_398[%dma_start3A_399, %dma_start3A_400] : memref<10000x64xbf16, #tpu.memory_space<hbm>> -> memref<10000x64xbf16, #tpu.memory_space<hbm>>
        tpu.enqueue_indirect_dma source(%dma_start3A_401 : memref<10000x64xbf16, #tpu.memory_space<hbm>>) target(%arg15 : memref<128x64xbf16, #tpu.memory_space<vmem>>) offsets(%dma_start3A_394 : memref<128xi32, #tpu.memory_space<vmem>>) semaphore(%arg26 : memref<!tpu.dma_semaphore, #tpu.memory_space<semaphore_mem>>)
      } else {
      }
      "tpu.region"() ({
        %run_scoped3A = tpu.sem_alloc : memref<!tpu.dma_semaphore, #tpu.memory_space<semaphore_mem>>
        %dma_start3A_388 = arith.constant 0 : i32
        %dma_start3A_389 = tpu.memref_slice %arg6[%add3A_347, %dma_start3A_388] : memref<160x128xi32, #tpu.memory_space<vmem>> -> memref<1x128xi32, #tpu.memory_space<vmem>>
        %dma_start3A_390 = tpu.memref_squeeze %dma_start3A_389 : memref<1x128xi32, #tpu.memory_space<vmem>> -> memref<128xi32, #tpu.memory_space<vmem>>
        %dma_start3A_391 = arith.constant 0 : i32
        %dma_start3A_392 = arith.constant 0 : i32
        %dma_start3A_393 = tpu.memref_slice %arg18[%dma_start3A_391, %dma_start3A_392] : memref<10000x64xbf16, #tpu.memory_space<vmem_shared>> -> memref<10000x64xbf16, #tpu.memory_space<vmem_shared>>
        tpu.enqueue_indirect_dma source(%arg16 : memref<128x64xbf16, #tpu.memory_space<vmem>>) target(%dma_start3A_393 : memref<10000x64xbf16, #tpu.memory_space<vmem_shared>>) offsets(%dma_start3A_390 : memref<128xi32, #tpu.memory_space<vmem>>) semaphore(%run_scoped3A : memref<!tpu.dma_semaphore, #tpu.memory_space<semaphore_mem>>) {add = true}
        %dma_wait3A_394 = arith.constant 0 : i32
        %dma_wait3A_395 = tpu.memref_slice %arg6[%add3A_347, %dma_wait3A_394] : memref<160x128xi32, #tpu.memory_space<vmem>> -> memref<1x128xi32, #tpu.memory_space<vmem>>
        %dma_wait3A_396 = tpu.memref_squeeze %dma_wait3A_395 : memref<1x128xi32, #tpu.memory_space<vmem>> -> memref<128xi32, #tpu.memory_space<vmem>>
        %dma_wait3A_397 = arith.constant 0 : i32
        %dma_wait3A_398 = arith.constant 0 : i32
        %dma_wait3A_399 = tpu.memref_slice %arg18[%dma_wait3A_397, %dma_wait3A_398] : memref<10000x64xbf16, #tpu.memory_space<vmem_shared>> -> memref<10000x64xbf16, #tpu.memory_space<vmem_shared>>
        tpu.wait_indirect_dma semaphore(%run_scoped3A : memref<!tpu.dma_semaphore, #tpu.memory_space<semaphore_mem>>) src(%arg16 : memref<128x64xbf16, #tpu.memory_space<vmem>>) dst(%dma_wait3A_399 : memref<10000x64xbf16, #tpu.memory_space<vmem_shared>>)
        tpu.yield
      }) : () -> ()
      %mul3A_366 = arith.constant 10 : i32
      %mul3A_367 = arith.muli %while3A_169, %mul3A_366 : i32
      %add3A_368 = arith.constant 9 : i32
      %add3A_369 = arith.addi %mul3A_367, %add3A_368 : i32
      %dma_wait3A_370 = arith.constant 0 : i32
      %dma_wait3A_371 = tpu.memref_slice %arg5[%add3A_369, %dma_wait3A_370] : memref<160x128xi32, #tpu.memory_space<vmem>> -> memref<1x128xi32, #tpu.memory_space<vmem>>
      %dma_wait3A_372 = tpu.memref_squeeze %dma_wait3A_371 : memref<1x128xi32, #tpu.memory_space<vmem>> -> memref<128xi32, #tpu.memory_space<vmem>>
      %dma_wait3A_373 = arith.constant 0 : i32
      %dma_wait3A_374 = arith.constant 0 : i32
      %dma_wait3A_375 = tpu.memref_slice %arg2[%arg0, %dma_wait3A_373, %dma_wait3A_374] : memref<2x10000x64xbf16, #tpu.memory_space<hbm>> -> memref<1x10000x64xbf16, #tpu.memory_space<hbm>>
      %dma_wait3A_376 = tpu.memref_squeeze %dma_wait3A_375 : memref<1x10000x64xbf16, #tpu.memory_space<hbm>> -> memref<10000x64xbf16, #tpu.memory_space<hbm>>
      %dma_wait3A_377 = arith.constant 0 : i32
      %dma_wait3A_378 = arith.constant 0 : i32
      %dma_wait3A_379 = tpu.memref_slice %dma_wait3A_376[%dma_wait3A_377, %dma_wait3A_378] : memref<10000x64xbf16, #tpu.memory_space<hbm>> -> memref<10000x64xbf16, #tpu.memory_space<hbm>>
      tpu.wait_indirect_dma semaphore(%arg28 : memref<!tpu.dma_semaphore, #tpu.memory_space<semaphore_mem>>) src(%dma_wait3A_379 : memref<10000x64xbf16, #tpu.memory_space<hbm>>) dst(%arg17 : memref<128x64xbf16, #tpu.memory_space<vmem>>)
      %add3A_380 = arith.constant 10 : i32
      %add3A_381 = arith.addi %add3A_369, %add3A_380 : i32
      %sub3A_382 = arith.constant 1 : i32
      %sub3A_383 = arith.subi %add3A_381, %sub3A_382 : i32
      %lt3A_384 = arith.cmpi slt, %sub3A_383, %select_n3A_2 : i32
      %convert_element_type3A_385 = arith.extui %lt3A_384 : i1 to i32
      %cond3A_386 = arith.constant 0 : i32
      %cond3A_387 = arith.cmpi ne, %convert_element_type3A_385, %cond3A_386 : i32
      scf.if %cond3A_387 {
        %add3A_388 = arith.constant 10 : i32
        %add3A_389 = arith.addi %add3A_369, %add3A_388 : i32
        %sub3A_390 = arith.constant 1 : i32
        %sub3A_391 = arith.subi %add3A_389, %sub3A_390 : i32
        %dma_start3A_392 = arith.constant 0 : i32
        %dma_start3A_393 = tpu.memref_slice %arg5[%sub3A_391, %dma_start3A_392] : memref<160x128xi32, #tpu.memory_space<vmem>> -> memref<1x128xi32, #tpu.memory_space<vmem>>
        %dma_start3A_394 = tpu.memref_squeeze %dma_start3A_393 : memref<1x128xi32, #tpu.memory_space<vmem>> -> memref<128xi32, #tpu.memory_space<vmem>>
        %dma_start3A_395 = arith.constant 0 : i32
        %dma_start3A_396 = arith.constant 0 : i32
        %dma_start3A_397 = tpu.memref_slice %arg2[%arg0, %dma_start3A_395, %dma_start3A_396] : memref<2x10000x64xbf16, #tpu.memory_space<hbm>> -> memref<1x10000x64xbf16, #tpu.memory_space<hbm>>
        %dma_start3A_398 = tpu.memref_squeeze %dma_start3A_397 : memref<1x10000x64xbf16, #tpu.memory_space<hbm>> -> memref<10000x64xbf16, #tpu.memory_space<hbm>>
        %dma_start3A_399 = arith.constant 0 : i32
        %dma_start3A_400 = arith.constant 0 : i32
        %dma_start3A_401 = tpu.memref_slice %dma_start3A_398[%dma_start3A_399, %dma_start3A_400] : memref<10000x64xbf16, #tpu.memory_space<hbm>> -> memref<10000x64xbf16, #tpu.memory_space<hbm>>
        tpu.enqueue_indirect_dma source(%dma_start3A_401 : memref<10000x64xbf16, #tpu.memory_space<hbm>>) target(%arg16 : memref<128x64xbf16, #tpu.memory_space<vmem>>) offsets(%dma_start3A_394 : memref<128xi32, #tpu.memory_space<vmem>>) semaphore(%arg27 : memref<!tpu.dma_semaphore, #tpu.memory_space<semaphore_mem>>)
      } else {
      }
      "tpu.region"() ({
        %run_scoped3A = tpu.sem_alloc : memref<!tpu.dma_semaphore, #tpu.memory_space<semaphore_mem>>
        %dma_start3A_388 = arith.constant 0 : i32
        %dma_start3A_389 = tpu.memref_slice %arg6[%add3A_369, %dma_start3A_388] : memref<160x128xi32, #tpu.memory_space<vmem>> -> memref<1x128xi32, #tpu.memory_space<vmem>>
        %dma_start3A_390 = tpu.memref_squeeze %dma_start3A_389 : memref<1x128xi32, #tpu.memory_space<vmem>> -> memref<128xi32, #tpu.memory_space<vmem>>
        %dma_start3A_391 = arith.constant 0 : i32
        %dma_start3A_392 = arith.constant 0 : i32
        %dma_start3A_393 = tpu.memref_slice %arg18[%dma_start3A_391, %dma_start3A_392] : memref<10000x64xbf16, #tpu.memory_space<vmem_shared>> -> memref<10000x64xbf16, #tpu.memory_space<vmem_shared>>
        tpu.enqueue_indirect_dma source(%arg17 : memref<128x64xbf16, #tpu.memory_space<vmem>>) target(%dma_start3A_393 : memref<10000x64xbf16, #tpu.memory_space<vmem_shared>>) offsets(%dma_start3A_390 : memref<128xi32, #tpu.memory_space<vmem>>) semaphore(%run_scoped3A : memref<!tpu.dma_semaphore, #tpu.memory_space<semaphore_mem>>) {add = true}
        %dma_wait3A_394 = arith.constant 0 : i32
        %dma_wait3A_395 = tpu.memref_slice %arg6[%add3A_369, %dma_wait3A_394] : memref<160x128xi32, #tpu.memory_space<vmem>> -> memref<1x128xi32, #tpu.memory_space<vmem>>
        %dma_wait3A_396 = tpu.memref_squeeze %dma_wait3A_395 : memref<1x128xi32, #tpu.memory_space<vmem>> -> memref<128xi32, #tpu.memory_space<vmem>>
        %dma_wait3A_397 = arith.constant 0 : i32
        %dma_wait3A_398 = arith.constant 0 : i32
        %dma_wait3A_399 = tpu.memref_slice %arg18[%dma_wait3A_397, %dma_wait3A_398] : memref<10000x64xbf16, #tpu.memory_space<vmem_shared>> -> memref<10000x64xbf16, #tpu.memory_space<vmem_shared>>
        tpu.wait_indirect_dma semaphore(%run_scoped3A : memref<!tpu.dma_semaphore, #tpu.memory_space<semaphore_mem>>) src(%arg17 : memref<128x64xbf16, #tpu.memory_space<vmem>>) dst(%dma_wait3A_399 : memref<10000x64xbf16, #tpu.memory_space<vmem_shared>>)
        tpu.yield
      }) : () -> ()
    }
    %while3A_156 = arith.constant 1 : i32
    scf.for %while3A_169 = %while3A_154 to %while3A_150 step %while3A_156  : i32 {
      %mul3A_170 = arith.constant 10 : i32
      %mul3A_171 = arith.muli %while3A_169, %mul3A_170 : i32
      %add3A = arith.constant 0 : i32
      %add3A_172 = arith.addi %mul3A_171, %add3A : i32
      %dma_wait3A = arith.constant 0 : i32
      %dma_wait3A_173 = tpu.memref_slice %arg5[%add3A_172, %dma_wait3A] : memref<160x128xi32, #tpu.memory_space<vmem>> -> memref<1x128xi32, #tpu.memory_space<vmem>>
      %dma_wait3A_174 = tpu.memref_squeeze %dma_wait3A_173 : memref<1x128xi32, #tpu.memory_space<vmem>> -> memref<128xi32, #tpu.memory_space<vmem>>
      %dma_wait3A_175 = arith.constant 0 : i32
      %dma_wait3A_176 = arith.constant 0 : i32
      %dma_wait3A_177 = tpu.memref_slice %arg2[%arg0, %dma_wait3A_175, %dma_wait3A_176] : memref<2x10000x64xbf16, #tpu.memory_space<hbm>> -> memref<1x10000x64xbf16, #tpu.memory_space<hbm>>
      %dma_wait3A_178 = tpu.memref_squeeze %dma_wait3A_177 : memref<1x10000x64xbf16, #tpu.memory_space<hbm>> -> memref<10000x64xbf16, #tpu.memory_space<hbm>>
      %dma_wait3A_179 = arith.constant 0 : i32
      %dma_wait3A_180 = arith.constant 0 : i32
      %dma_wait3A_181 = tpu.memref_slice %dma_wait3A_178[%dma_wait3A_179, %dma_wait3A_180] : memref<10000x64xbf16, #tpu.memory_space<hbm>> -> memref<10000x64xbf16, #tpu.memory_space<hbm>>
      tpu.wait_indirect_dma semaphore(%arg19 : memref<!tpu.dma_semaphore, #tpu.memory_space<semaphore_mem>>) src(%dma_wait3A_181 : memref<10000x64xbf16, #tpu.memory_space<hbm>>) dst(%arg8 : memref<128x64xbf16, #tpu.memory_space<vmem>>)
      %add3A_182 = arith.constant 10 : i32
      %add3A_183 = arith.addi %add3A_172, %add3A_182 : i32
      %sub3A_184 = arith.constant 1 : i32
      %sub3A_185 = arith.subi %add3A_183, %sub3A_184 : i32
      %lt3A_186 = arith.cmpi slt, %sub3A_185, %select_n3A_2 : i32
      %convert_element_type3A_187 = arith.extui %lt3A_186 : i1 to i32
      %cond3A_188 = arith.constant 0 : i32
      %cond3A_189 = arith.cmpi ne, %convert_element_type3A_187, %cond3A_188 : i32
      scf.if %cond3A_189 {
        %add3A_388 = arith.constant 10 : i32
        %add3A_389 = arith.addi %add3A_172, %add3A_388 : i32
        %sub3A_390 = arith.constant 1 : i32
        %sub3A_391 = arith.subi %add3A_389, %sub3A_390 : i32
        %dma_start3A_392 = arith.constant 0 : i32
        %dma_start3A_393 = tpu.memref_slice %arg5[%sub3A_391, %dma_start3A_392] : memref<160x128xi32, #tpu.memory_space<vmem>> -> memref<1x128xi32, #tpu.memory_space<vmem>>
        %dma_start3A_394 = tpu.memref_squeeze %dma_start3A_393 : memref<1x128xi32, #tpu.memory_space<vmem>> -> memref<128xi32, #tpu.memory_space<vmem>>
        %dma_start3A_395 = arith.constant 0 : i32
        %dma_start3A_396 = arith.constant 0 : i32
        %dma_start3A_397 = tpu.memref_slice %arg2[%arg0, %dma_start3A_395, %dma_start3A_396] : memref<2x10000x64xbf16, #tpu.memory_space<hbm>> -> memref<1x10000x64xbf16, #tpu.memory_space<hbm>>
        %dma_start3A_398 = tpu.memref_squeeze %dma_start3A_397 : memref<1x10000x64xbf16, #tpu.memory_space<hbm>> -> memref<10000x64xbf16, #tpu.memory_space<hbm>>
        %dma_start3A_399 = arith.constant 0 : i32
        %dma_start3A_400 = arith.constant 0 : i32
        %dma_start3A_401 = tpu.memref_slice %dma_start3A_398[%dma_start3A_399, %dma_start3A_400] : memref<10000x64xbf16, #tpu.memory_space<hbm>> -> memref<10000x64xbf16, #tpu.memory_space<hbm>>
        tpu.enqueue_indirect_dma source(%dma_start3A_401 : memref<10000x64xbf16, #tpu.memory_space<hbm>>) target(%arg17 : memref<128x64xbf16, #tpu.memory_space<vmem>>) offsets(%dma_start3A_394 : memref<128xi32, #tpu.memory_space<vmem>>) semaphore(%arg28 : memref<!tpu.dma_semaphore, #tpu.memory_space<semaphore_mem>>)
      } else {
      }
      "tpu.region"() ({
        %run_scoped3A = tpu.sem_alloc : memref<!tpu.dma_semaphore, #tpu.memory_space<semaphore_mem>>
        %dma_start3A_388 = arith.constant 0 : i32
        %dma_start3A_389 = tpu.memref_slice %arg6[%add3A_172, %dma_start3A_388] : memref<160x128xi32, #tpu.memory_space<vmem>> -> memref<1x128xi32, #tpu.memory_space<vmem>>
        %dma_start3A_390 = tpu.memref_squeeze %dma_start3A_389 : memref<1x128xi32, #tpu.memory_space<vmem>> -> memref<128xi32, #tpu.memory_space<vmem>>
        %dma_start3A_391 = arith.constant 0 : i32
        %dma_start3A_392 = arith.constant 0 : i32
        %dma_start3A_393 = tpu.memref_slice %arg18[%dma_start3A_391, %dma_start3A_392] : memref<10000x64xbf16, #tpu.memory_space<vmem_shared>> -> memref<10000x64xbf16, #tpu.memory_space<vmem_shared>>
        tpu.enqueue_indirect_dma source(%arg8 : memref<128x64xbf16, #tpu.memory_space<vmem>>) target(%dma_start3A_393 : memref<10000x64xbf16, #tpu.memory_space<vmem_shared>>) offsets(%dma_start3A_390 : memref<128xi32, #tpu.memory_space<vmem>>) semaphore(%run_scoped3A : memref<!tpu.dma_semaphore, #tpu.memory_space<semaphore_mem>>) {add = true}
        %dma_wait3A_394 = arith.constant 0 : i32
        %dma_wait3A_395 = tpu.memref_slice %arg6[%add3A_172, %dma_wait3A_394] : memref<160x128xi32, #tpu.memory_space<vmem>> -> memref<1x128xi32, #tpu.memory_space<vmem>>
        %dma_wait3A_396 = tpu.memref_squeeze %dma_wait3A_395 : memref<1x128xi32, #tpu.memory_space<vmem>> -> memref<128xi32, #tpu.memory_space<vmem>>
        %dma_wait3A_397 = arith.constant 0 : i32
        %dma_wait3A_398 = arith.constant 0 : i32
        %dma_wait3A_399 = tpu.memref_slice %arg18[%dma_wait3A_397, %dma_wait3A_398] : memref<10000x64xbf16, #tpu.memory_space<vmem_shared>> -> memref<10000x64xbf16, #tpu.memory_space<vmem_shared>>
        tpu.wait_indirect_dma semaphore(%run_scoped3A : memref<!tpu.dma_semaphore, #tpu.memory_space<semaphore_mem>>) src(%arg8 : memref<128x64xbf16, #tpu.memory_space<vmem>>) dst(%dma_wait3A_399 : memref<10000x64xbf16, #tpu.memory_space<vmem_shared>>)
        tpu.yield
      }) : () -> ()
      %mul3A_190 = arith.constant 10 : i32
      %mul3A_191 = arith.muli %while3A_169, %mul3A_190 : i32
      %add3A_192 = arith.constant 1 : i32
      %add3A_193 = arith.addi %mul3A_191, %add3A_192 : i32
      %dma_wait3A_194 = arith.constant 0 : i32
      %dma_wait3A_195 = tpu.memref_slice %arg5[%add3A_193, %dma_wait3A_194] : memref<160x128xi32, #tpu.memory_space<vmem>> -> memref<1x128xi32, #tpu.memory_space<vmem>>
      %dma_wait3A_196 = tpu.memref_squeeze %dma_wait3A_195 : memref<1x128xi32, #tpu.memory_space<vmem>> -> memref<128xi32, #tpu.memory_space<vmem>>
      %dma_wait3A_197 = arith.constant 0 : i32
      %dma_wait3A_198 = arith.constant 0 : i32
      %dma_wait3A_199 = tpu.memref_slice %arg2[%arg0, %dma_wait3A_197, %dma_wait3A_198] : memref<2x10000x64xbf16, #tpu.memory_space<hbm>> -> memref<1x10000x64xbf16, #tpu.memory_space<hbm>>
      %dma_wait3A_200 = tpu.memref_squeeze %dma_wait3A_199 : memref<1x10000x64xbf16, #tpu.memory_space<hbm>> -> memref<10000x64xbf16, #tpu.memory_space<hbm>>
      %dma_wait3A_201 = arith.constant 0 : i32
      %dma_wait3A_202 = arith.constant 0 : i32
      %dma_wait3A_203 = tpu.memref_slice %dma_wait3A_200[%dma_wait3A_201, %dma_wait3A_202] : memref<10000x64xbf16, #tpu.memory_space<hbm>> -> memref<10000x64xbf16, #tpu.memory_space<hbm>>
      tpu.wait_indirect_dma semaphore(%arg20 : memref<!tpu.dma_semaphore, #tpu.memory_space<semaphore_mem>>) src(%dma_wait3A_203 : memref<10000x64xbf16, #tpu.memory_space<hbm>>) dst(%arg9 : memref<128x64xbf16, #tpu.memory_space<vmem>>)
      %add3A_204 = arith.constant 10 : i32
      %add3A_205 = arith.addi %add3A_193, %add3A_204 : i32
      %sub3A_206 = arith.constant 1 : i32
      %sub3A_207 = arith.subi %add3A_205, %sub3A_206 : i32
      %lt3A_208 = arith.cmpi slt, %sub3A_207, %select_n3A_2 : i32
      %convert_element_type3A_209 = arith.extui %lt3A_208 : i1 to i32
      %cond3A_210 = arith.constant 0 : i32
      %cond3A_211 = arith.cmpi ne, %convert_element_type3A_209, %cond3A_210 : i32
      scf.if %cond3A_211 {
        %add3A_388 = arith.constant 10 : i32
        %add3A_389 = arith.addi %add3A_193, %add3A_388 : i32
        %sub3A_390 = arith.constant 1 : i32
        %sub3A_391 = arith.subi %add3A_389, %sub3A_390 : i32
        %dma_start3A_392 = arith.constant 0 : i32
        %dma_start3A_393 = tpu.memref_slice %arg5[%sub3A_391, %dma_start3A_392] : memref<160x128xi32, #tpu.memory_space<vmem>> -> memref<1x128xi32, #tpu.memory_space<vmem>>
        %dma_start3A_394 = tpu.memref_squeeze %dma_start3A_393 : memref<1x128xi32, #tpu.memory_space<vmem>> -> memref<128xi32, #tpu.memory_space<vmem>>
        %dma_start3A_395 = arith.constant 0 : i32
        %dma_start3A_396 = arith.constant 0 : i32
        %dma_start3A_397 = tpu.memref_slice %arg2[%arg0, %dma_start3A_395, %dma_start3A_396] : memref<2x10000x64xbf16, #tpu.memory_space<hbm>> -> memref<1x10000x64xbf16, #tpu.memory_space<hbm>>
        %dma_start3A_398 = tpu.memref_squeeze %dma_start3A_397 : memref<1x10000x64xbf16, #tpu.memory_space<hbm>> -> memref<10000x64xbf16, #tpu.memory_space<hbm>>
        %dma_start3A_399 = arith.constant 0 : i32
        %dma_start3A_400 = arith.constant 0 : i32
        %dma_start3A_401 = tpu.memref_slice %dma_start3A_398[%dma_start3A_399, %dma_start3A_400] : memref<10000x64xbf16, #tpu.memory_space<hbm>> -> memref<10000x64xbf16, #tpu.memory_space<hbm>>
        tpu.enqueue_indirect_dma source(%dma_start3A_401 : memref<10000x64xbf16, #tpu.memory_space<hbm>>) target(%arg8 : memref<128x64xbf16, #tpu.memory_space<vmem>>) offsets(%dma_start3A_394 : memref<128xi32, #tpu.memory_space<vmem>>) semaphore(%arg19 : memref<!tpu.dma_semaphore, #tpu.memory_space<semaphore_mem>>)
      } else {
      }
      "tpu.region"() ({
        %run_scoped3A = tpu.sem_alloc : memref<!tpu.dma_semaphore, #tpu.memory_space<semaphore_mem>>
        %dma_start3A_388 = arith.constant 0 : i32
        %dma_start3A_389 = tpu.memref_slice %arg6[%add3A_193, %dma_start3A_388] : memref<160x128xi32, #tpu.memory_space<vmem>> -> memref<1x128xi32, #tpu.memory_space<vmem>>
        %dma_start3A_390 = tpu.memref_squeeze %dma_start3A_389 : memref<1x128xi32, #tpu.memory_space<vmem>> -> memref<128xi32, #tpu.memory_space<vmem>>
        %dma_start3A_391 = arith.constant 0 : i32
        %dma_start3A_392 = arith.constant 0 : i32
        %dma_start3A_393 = tpu.memref_slice %arg18[%dma_start3A_391, %dma_start3A_392] : memref<10000x64xbf16, #tpu.memory_space<vmem_shared>> -> memref<10000x64xbf16, #tpu.memory_space<vmem_shared>>
        tpu.enqueue_indirect_dma source(%arg9 : memref<128x64xbf16, #tpu.memory_space<vmem>>) target(%dma_start3A_393 : memref<10000x64xbf16, #tpu.memory_space<vmem_shared>>) offsets(%dma_start3A_390 : memref<128xi32, #tpu.memory_space<vmem>>) semaphore(%run_scoped3A : memref<!tpu.dma_semaphore, #tpu.memory_space<semaphore_mem>>) {add = true}
        %dma_wait3A_394 = arith.constant 0 : i32
        %dma_wait3A_395 = tpu.memref_slice %arg6[%add3A_193, %dma_wait3A_394] : memref<160x128xi32, #tpu.memory_space<vmem>> -> memref<1x128xi32, #tpu.memory_space<vmem>>
        %dma_wait3A_396 = tpu.memref_squeeze %dma_wait3A_395 : memref<1x128xi32, #tpu.memory_space<vmem>> -> memref<128xi32, #tpu.memory_space<vmem>>
        %dma_wait3A_397 = arith.constant 0 : i32
        %dma_wait3A_398 = arith.constant 0 : i32
        %dma_wait3A_399 = tpu.memref_slice %arg18[%dma_wait3A_397, %dma_wait3A_398] : memref<10000x64xbf16, #tpu.memory_space<vmem_shared>> -> memref<10000x64xbf16, #tpu.memory_space<vmem_shared>>
        tpu.wait_indirect_dma semaphore(%run_scoped3A : memref<!tpu.dma_semaphore, #tpu.memory_space<semaphore_mem>>) src(%arg9 : memref<128x64xbf16, #tpu.memory_space<vmem>>) dst(%dma_wait3A_399 : memref<10000x64xbf16, #tpu.memory_space<vmem_shared>>)
        tpu.yield
      }) : () -> ()
      %mul3A_212 = arith.constant 10 : i32
      %mul3A_213 = arith.muli %while3A_169, %mul3A_212 : i32
      %add3A_214 = arith.constant 2 : i32
      %add3A_215 = arith.addi %mul3A_213, %add3A_214 : i32
      %dma_wait3A_216 = arith.constant 0 : i32
      %dma_wait3A_217 = tpu.memref_slice %arg5[%add3A_215, %dma_wait3A_216] : memref<160x128xi32, #tpu.memory_space<vmem>> -> memref<1x128xi32, #tpu.memory_space<vmem>>
      %dma_wait3A_218 = tpu.memref_squeeze %dma_wait3A_217 : memref<1x128xi32, #tpu.memory_space<vmem>> -> memref<128xi32, #tpu.memory_space<vmem>>
      %dma_wait3A_219 = arith.constant 0 : i32
      %dma_wait3A_220 = arith.constant 0 : i32
      %dma_wait3A_221 = tpu.memref_slice %arg2[%arg0, %dma_wait3A_219, %dma_wait3A_220] : memref<2x10000x64xbf16, #tpu.memory_space<hbm>> -> memref<1x10000x64xbf16, #tpu.memory_space<hbm>>
      %dma_wait3A_222 = tpu.memref_squeeze %dma_wait3A_221 : memref<1x10000x64xbf16, #tpu.memory_space<hbm>> -> memref<10000x64xbf16, #tpu.memory_space<hbm>>
      %dma_wait3A_223 = arith.constant 0 : i32
      %dma_wait3A_224 = arith.constant 0 : i32
      %dma_wait3A_225 = tpu.memref_slice %dma_wait3A_222[%dma_wait3A_223, %dma_wait3A_224] : memref<10000x64xbf16, #tpu.memory_space<hbm>> -> memref<10000x64xbf16, #tpu.memory_space<hbm>>
      tpu.wait_indirect_dma semaphore(%arg21 : memref<!tpu.dma_semaphore, #tpu.memory_space<semaphore_mem>>) src(%dma_wait3A_225 : memref<10000x64xbf16, #tpu.memory_space<hbm>>) dst(%arg10 : memref<128x64xbf16, #tpu.memory_space<vmem>>)
      %add3A_226 = arith.constant 10 : i32
      %add3A_227 = arith.addi %add3A_215, %add3A_226 : i32
      %sub3A_228 = arith.constant 1 : i32
      %sub3A_229 = arith.subi %add3A_227, %sub3A_228 : i32
      %lt3A_230 = arith.cmpi slt, %sub3A_229, %select_n3A_2 : i32
      %convert_element_type3A_231 = arith.extui %lt3A_230 : i1 to i32
      %cond3A_232 = arith.constant 0 : i32
      %cond3A_233 = arith.cmpi ne, %convert_element_type3A_231, %cond3A_232 : i32
      scf.if %cond3A_233 {
        %add3A_388 = arith.constant 10 : i32
        %add3A_389 = arith.addi %add3A_215, %add3A_388 : i32
        %sub3A_390 = arith.constant 1 : i32
        %sub3A_391 = arith.subi %add3A_389, %sub3A_390 : i32
        %dma_start3A_392 = arith.constant 0 : i32
        %dma_start3A_393 = tpu.memref_slice %arg5[%sub3A_391, %dma_start3A_392] : memref<160x128xi32, #tpu.memory_space<vmem>> -> memref<1x128xi32, #tpu.memory_space<vmem>>
        %dma_start3A_394 = tpu.memref_squeeze %dma_start3A_393 : memref<1x128xi32, #tpu.memory_space<vmem>> -> memref<128xi32, #tpu.memory_space<vmem>>
        %dma_start3A_395 = arith.constant 0 : i32
        %dma_start3A_396 = arith.constant 0 : i32
        %dma_start3A_397 = tpu.memref_slice %arg2[%arg0, %dma_start3A_395, %dma_start3A_396] : memref<2x10000x64xbf16, #tpu.memory_space<hbm>> -> memref<1x10000x64xbf16, #tpu.memory_space<hbm>>
        %dma_start3A_398 = tpu.memref_squeeze %dma_start3A_397 : memref<1x10000x64xbf16, #tpu.memory_space<hbm>> -> memref<10000x64xbf16, #tpu.memory_space<hbm>>
        %dma_start3A_399 = arith.constant 0 : i32
        %dma_start3A_400 = arith.constant 0 : i32
        %dma_start3A_401 = tpu.memref_slice %dma_start3A_398[%dma_start3A_399, %dma_start3A_400] : memref<10000x64xbf16, #tpu.memory_space<hbm>> -> memref<10000x64xbf16, #tpu.memory_space<hbm>>
        tpu.enqueue_indirect_dma source(%dma_start3A_401 : memref<10000x64xbf16, #tpu.memory_space<hbm>>) target(%arg9 : memref<128x64xbf16, #tpu.memory_space<vmem>>) offsets(%dma_start3A_394 : memref<128xi32, #tpu.memory_space<vmem>>) semaphore(%arg20 : memref<!tpu.dma_semaphore, #tpu.memory_space<semaphore_mem>>)
      } else {
      }
      "tpu.region"() ({
        %run_scoped3A = tpu.sem_alloc : memref<!tpu.dma_semaphore, #tpu.memory_space<semaphore_mem>>
        %dma_start3A_388 = arith.constant 0 : i32
        %dma_start3A_389 = tpu.memref_slice %arg6[%add3A_215, %dma_start3A_388] : memref<160x128xi32, #tpu.memory_space<vmem>> -> memref<1x128xi32, #tpu.memory_space<vmem>>
        %dma_start3A_390 = tpu.memref_squeeze %dma_start3A_389 : memref<1x128xi32, #tpu.memory_space<vmem>> -> memref<128xi32, #tpu.memory_space<vmem>>
        %dma_start3A_391 = arith.constant 0 : i32
        %dma_start3A_392 = arith.constant 0 : i32
        %dma_start3A_393 = tpu.memref_slice %arg18[%dma_start3A_391, %dma_start3A_392] : memref<10000x64xbf16, #tpu.memory_space<vmem_shared>> -> memref<10000x64xbf16, #tpu.memory_space<vmem_shared>>
        tpu.enqueue_indirect_dma source(%arg10 : memref<128x64xbf16, #tpu.memory_space<vmem>>) target(%dma_start3A_393 : memref<10000x64xbf16, #tpu.memory_space<vmem_shared>>) offsets(%dma_start3A_390 : memref<128xi32, #tpu.memory_space<vmem>>) semaphore(%run_scoped3A : memref<!tpu.dma_semaphore, #tpu.memory_space<semaphore_mem>>) {add = true}
        %dma_wait3A_394 = arith.constant 0 : i32
        %dma_wait3A_395 = tpu.memref_slice %arg6[%add3A_215, %dma_wait3A_394] : memref<160x128xi32, #tpu.memory_space<vmem>> -> memref<1x128xi32, #tpu.memory_space<vmem>>
        %dma_wait3A_396 = tpu.memref_squeeze %dma_wait3A_395 : memref<1x128xi32, #tpu.memory_space<vmem>> -> memref<128xi32, #tpu.memory_space<vmem>>
        %dma_wait3A_397 = arith.constant 0 : i32
        %dma_wait3A_398 = arith.constant 0 : i32
        %dma_wait3A_399 = tpu.memref_slice %arg18[%dma_wait3A_397, %dma_wait3A_398] : memref<10000x64xbf16, #tpu.memory_space<vmem_shared>> -> memref<10000x64xbf16, #tpu.memory_space<vmem_shared>>
        tpu.wait_indirect_dma semaphore(%run_scoped3A : memref<!tpu.dma_semaphore, #tpu.memory_space<semaphore_mem>>) src(%arg10 : memref<128x64xbf16, #tpu.memory_space<vmem>>) dst(%dma_wait3A_399 : memref<10000x64xbf16, #tpu.memory_space<vmem_shared>>)
        tpu.yield
      }) : () -> ()
      %mul3A_234 = arith.constant 10 : i32
      %mul3A_235 = arith.muli %while3A_169, %mul3A_234 : i32
      %add3A_236 = arith.constant 3 : i32
      %add3A_237 = arith.addi %mul3A_235, %add3A_236 : i32
      %dma_wait3A_238 = arith.constant 0 : i32
      %dma_wait3A_239 = tpu.memref_slice %arg5[%add3A_237, %dma_wait3A_238] : memref<160x128xi32, #tpu.memory_space<vmem>> -> memref<1x128xi32, #tpu.memory_space<vmem>>
      %dma_wait3A_240 = tpu.memref_squeeze %dma_wait3A_239 : memref<1x128xi32, #tpu.memory_space<vmem>> -> memref<128xi32, #tpu.memory_space<vmem>>
      %dma_wait3A_241 = arith.constant 0 : i32
      %dma_wait3A_242 = arith.constant 0 : i32
      %dma_wait3A_243 = tpu.memref_slice %arg2[%arg0, %dma_wait3A_241, %dma_wait3A_242] : memref<2x10000x64xbf16, #tpu.memory_space<hbm>> -> memref<1x10000x64xbf16, #tpu.memory_space<hbm>>
      %dma_wait3A_244 = tpu.memref_squeeze %dma_wait3A_243 : memref<1x10000x64xbf16, #tpu.memory_space<hbm>> -> memref<10000x64xbf16, #tpu.memory_space<hbm>>
      %dma_wait3A_245 = arith.constant 0 : i32
      %dma_wait3A_246 = arith.constant 0 : i32
      %dma_wait3A_247 = tpu.memref_slice %dma_wait3A_244[%dma_wait3A_245, %dma_wait3A_246] : memref<10000x64xbf16, #tpu.memory_space<hbm>> -> memref<10000x64xbf16, #tpu.memory_space<hbm>>
      tpu.wait_indirect_dma semaphore(%arg22 : memref<!tpu.dma_semaphore, #tpu.memory_space<semaphore_mem>>) src(%dma_wait3A_247 : memref<10000x64xbf16, #tpu.memory_space<hbm>>) dst(%arg11 : memref<128x64xbf16, #tpu.memory_space<vmem>>)
      %add3A_248 = arith.constant 10 : i32
      %add3A_249 = arith.addi %add3A_237, %add3A_248 : i32
      %sub3A_250 = arith.constant 1 : i32
      %sub3A_251 = arith.subi %add3A_249, %sub3A_250 : i32
      %lt3A_252 = arith.cmpi slt, %sub3A_251, %select_n3A_2 : i32
      %convert_element_type3A_253 = arith.extui %lt3A_252 : i1 to i32
      %cond3A_254 = arith.constant 0 : i32
      %cond3A_255 = arith.cmpi ne, %convert_element_type3A_253, %cond3A_254 : i32
      scf.if %cond3A_255 {
        %add3A_388 = arith.constant 10 : i32
        %add3A_389 = arith.addi %add3A_237, %add3A_388 : i32
        %sub3A_390 = arith.constant 1 : i32
        %sub3A_391 = arith.subi %add3A_389, %sub3A_390 : i32
        %dma_start3A_392 = arith.constant 0 : i32
        %dma_start3A_393 = tpu.memref_slice %arg5[%sub3A_391, %dma_start3A_392] : memref<160x128xi32, #tpu.memory_space<vmem>> -> memref<1x128xi32, #tpu.memory_space<vmem>>
        %dma_start3A_394 = tpu.memref_squeeze %dma_start3A_393 : memref<1x128xi32, #tpu.memory_space<vmem>> -> memref<128xi32, #tpu.memory_space<vmem>>
        %dma_start3A_395 = arith.constant 0 : i32
        %dma_start3A_396 = arith.constant 0 : i32
        %dma_start3A_397 = tpu.memref_slice %arg2[%arg0, %dma_start3A_395, %dma_start3A_396] : memref<2x10000x64xbf16, #tpu.memory_space<hbm>> -> memref<1x10000x64xbf16, #tpu.memory_space<hbm>>
        %dma_start3A_398 = tpu.memref_squeeze %dma_start3A_397 : memref<1x10000x64xbf16, #tpu.memory_space<hbm>> -> memref<10000x64xbf16, #tpu.memory_space<hbm>>
        %dma_start3A_399 = arith.constant 0 : i32
        %dma_start3A_400 = arith.constant 0 : i32
        %dma_start3A_401 = tpu.memref_slice %dma_start3A_398[%dma_start3A_399, %dma_start3A_400] : memref<10000x64xbf16, #tpu.memory_space<hbm>> -> memref<10000x64xbf16, #tpu.memory_space<hbm>>
        tpu.enqueue_indirect_dma source(%dma_start3A_401 : memref<10000x64xbf16, #tpu.memory_space<hbm>>) target(%arg10 : memref<128x64xbf16, #tpu.memory_space<vmem>>) offsets(%dma_start3A_394 : memref<128xi32, #tpu.memory_space<vmem>>) semaphore(%arg21 : memref<!tpu.dma_semaphore, #tpu.memory_space<semaphore_mem>>)
      } else {
      }
      "tpu.region"() ({
        %run_scoped3A = tpu.sem_alloc : memref<!tpu.dma_semaphore, #tpu.memory_space<semaphore_mem>>
        %dma_start3A_388 = arith.constant 0 : i32
        %dma_start3A_389 = tpu.memref_slice %arg6[%add3A_237, %dma_start3A_388] : memref<160x128xi32, #tpu.memory_space<vmem>> -> memref<1x128xi32, #tpu.memory_space<vmem>>
        %dma_start3A_390 = tpu.memref_squeeze %dma_start3A_389 : memref<1x128xi32, #tpu.memory_space<vmem>> -> memref<128xi32, #tpu.memory_space<vmem>>
        %dma_start3A_391 = arith.constant 0 : i32
        %dma_start3A_392 = arith.constant 0 : i32
        %dma_start3A_393 = tpu.memref_slice %arg18[%dma_start3A_391, %dma_start3A_392] : memref<10000x64xbf16, #tpu.memory_space<vmem_shared>> -> memref<10000x64xbf16, #tpu.memory_space<vmem_shared>>
        tpu.enqueue_indirect_dma source(%arg11 : memref<128x64xbf16, #tpu.memory_space<vmem>>) target(%dma_start3A_393 : memref<10000x64xbf16, #tpu.memory_space<vmem_shared>>) offsets(%dma_start3A_390 : memref<128xi32, #tpu.memory_space<vmem>>) semaphore(%run_scoped3A : memref<!tpu.dma_semaphore, #tpu.memory_space<semaphore_mem>>) {add = true}
        %dma_wait3A_394 = arith.constant 0 : i32
        %dma_wait3A_395 = tpu.memref_slice %arg6[%add3A_237, %dma_wait3A_394] : memref<160x128xi32, #tpu.memory_space<vmem>> -> memref<1x128xi32, #tpu.memory_space<vmem>>
        %dma_wait3A_396 = tpu.memref_squeeze %dma_wait3A_395 : memref<1x128xi32, #tpu.memory_space<vmem>> -> memref<128xi32, #tpu.memory_space<vmem>>
        %dma_wait3A_397 = arith.constant 0 : i32
        %dma_wait3A_398 = arith.constant 0 : i32
        %dma_wait3A_399 = tpu.memref_slice %arg18[%dma_wait3A_397, %dma_wait3A_398] : memref<10000x64xbf16, #tpu.memory_space<vmem_shared>> -> memref<10000x64xbf16, #tpu.memory_space<vmem_shared>>
        tpu.wait_indirect_dma semaphore(%run_scoped3A : memref<!tpu.dma_semaphore, #tpu.memory_space<semaphore_mem>>) src(%arg11 : memref<128x64xbf16, #tpu.memory_space<vmem>>) dst(%dma_wait3A_399 : memref<10000x64xbf16, #tpu.memory_space<vmem_shared>>)
        tpu.yield
      }) : () -> ()
      %mul3A_256 = arith.constant 10 : i32
      %mul3A_257 = arith.muli %while3A_169, %mul3A_256 : i32
      %add3A_258 = arith.constant 4 : i32
      %add3A_259 = arith.addi %mul3A_257, %add3A_258 : i32
      %dma_wait3A_260 = arith.constant 0 : i32
      %dma_wait3A_261 = tpu.memref_slice %arg5[%add3A_259, %dma_wait3A_260] : memref<160x128xi32, #tpu.memory_space<vmem>> -> memref<1x128xi32, #tpu.memory_space<vmem>>
      %dma_wait3A_262 = tpu.memref_squeeze %dma_wait3A_261 : memref<1x128xi32, #tpu.memory_space<vmem>> -> memref<128xi32, #tpu.memory_space<vmem>>
      %dma_wait3A_263 = arith.constant 0 : i32
      %dma_wait3A_264 = arith.constant 0 : i32
      %dma_wait3A_265 = tpu.memref_slice %arg2[%arg0, %dma_wait3A_263, %dma_wait3A_264] : memref<2x10000x64xbf16, #tpu.memory_space<hbm>> -> memref<1x10000x64xbf16, #tpu.memory_space<hbm>>
      %dma_wait3A_266 = tpu.memref_squeeze %dma_wait3A_265 : memref<1x10000x64xbf16, #tpu.memory_space<hbm>> -> memref<10000x64xbf16, #tpu.memory_space<hbm>>
      %dma_wait3A_267 = arith.constant 0 : i32
      %dma_wait3A_268 = arith.constant 0 : i32
      %dma_wait3A_269 = tpu.memref_slice %dma_wait3A_266[%dma_wait3A_267, %dma_wait3A_268] : memref<10000x64xbf16, #tpu.memory_space<hbm>> -> memref<10000x64xbf16, #tpu.memory_space<hbm>>
      tpu.wait_indirect_dma semaphore(%arg23 : memref<!tpu.dma_semaphore, #tpu.memory_space<semaphore_mem>>) src(%dma_wait3A_269 : memref<10000x64xbf16, #tpu.memory_space<hbm>>) dst(%arg12 : memref<128x64xbf16, #tpu.memory_space<vmem>>)
      %add3A_270 = arith.constant 10 : i32
      %add3A_271 = arith.addi %add3A_259, %add3A_270 : i32
      %sub3A_272 = arith.constant 1 : i32
      %sub3A_273 = arith.subi %add3A_271, %sub3A_272 : i32
      %lt3A_274 = arith.cmpi slt, %sub3A_273, %select_n3A_2 : i32
      %convert_element_type3A_275 = arith.extui %lt3A_274 : i1 to i32
      %cond3A_276 = arith.constant 0 : i32
      %cond3A_277 = arith.cmpi ne, %convert_element_type3A_275, %cond3A_276 : i32
      scf.if %cond3A_277 {
        %add3A_388 = arith.constant 10 : i32
        %add3A_389 = arith.addi %add3A_259, %add3A_388 : i32
        %sub3A_390 = arith.constant 1 : i32
        %sub3A_391 = arith.subi %add3A_389, %sub3A_390 : i32
        %dma_start3A_392 = arith.constant 0 : i32
        %dma_start3A_393 = tpu.memref_slice %arg5[%sub3A_391, %dma_start3A_392] : memref<160x128xi32, #tpu.memory_space<vmem>> -> memref<1x128xi32, #tpu.memory_space<vmem>>
        %dma_start3A_394 = tpu.memref_squeeze %dma_start3A_393 : memref<1x128xi32, #tpu.memory_space<vmem>> -> memref<128xi32, #tpu.memory_space<vmem>>
        %dma_start3A_395 = arith.constant 0 : i32
        %dma_start3A_396 = arith.constant 0 : i32
        %dma_start3A_397 = tpu.memref_slice %arg2[%arg0, %dma_start3A_395, %dma_start3A_396] : memref<2x10000x64xbf16, #tpu.memory_space<hbm>> -> memref<1x10000x64xbf16, #tpu.memory_space<hbm>>
        %dma_start3A_398 = tpu.memref_squeeze %dma_start3A_397 : memref<1x10000x64xbf16, #tpu.memory_space<hbm>> -> memref<10000x64xbf16, #tpu.memory_space<hbm>>
        %dma_start3A_399 = arith.constant 0 : i32
        %dma_start3A_400 = arith.constant 0 : i32
        %dma_start3A_401 = tpu.memref_slice %dma_start3A_398[%dma_start3A_399, %dma_start3A_400] : memref<10000x64xbf16, #tpu.memory_space<hbm>> -> memref<10000x64xbf16, #tpu.memory_space<hbm>>
        tpu.enqueue_indirect_dma source(%dma_start3A_401 : memref<10000x64xbf16, #tpu.memory_space<hbm>>) target(%arg11 : memref<128x64xbf16, #tpu.memory_space<vmem>>) offsets(%dma_start3A_394 : memref<128xi32, #tpu.memory_space<vmem>>) semaphore(%arg22 : memref<!tpu.dma_semaphore, #tpu.memory_space<semaphore_mem>>)
      } else {
      }
      "tpu.region"() ({
        %run_scoped3A = tpu.sem_alloc : memref<!tpu.dma_semaphore, #tpu.memory_space<semaphore_mem>>
        %dma_start3A_388 = arith.constant 0 : i32
        %dma_start3A_389 = tpu.memref_slice %arg6[%add3A_259, %dma_start3A_388] : memref<160x128xi32, #tpu.memory_space<vmem>> -> memref<1x128xi32, #tpu.memory_space<vmem>>
        %dma_start3A_390 = tpu.memref_squeeze %dma_start3A_389 : memref<1x128xi32, #tpu.memory_space<vmem>> -> memref<128xi32, #tpu.memory_space<vmem>>
        %dma_start3A_391 = arith.constant 0 : i32
        %dma_start3A_392 = arith.constant 0 : i32
        %dma_start3A_393 = tpu.memref_slice %arg18[%dma_start3A_391, %dma_start3A_392] : memref<10000x64xbf16, #tpu.memory_space<vmem_shared>> -> memref<10000x64xbf16, #tpu.memory_space<vmem_shared>>
        tpu.enqueue_indirect_dma source(%arg12 : memref<128x64xbf16, #tpu.memory_space<vmem>>) target(%dma_start3A_393 : memref<10000x64xbf16, #tpu.memory_space<vmem_shared>>) offsets(%dma_start3A_390 : memref<128xi32, #tpu.memory_space<vmem>>) semaphore(%run_scoped3A : memref<!tpu.dma_semaphore, #tpu.memory_space<semaphore_mem>>) {add = true}
        %dma_wait3A_394 = arith.constant 0 : i32
        %dma_wait3A_395 = tpu.memref_slice %arg6[%add3A_259, %dma_wait3A_394] : memref<160x128xi32, #tpu.memory_space<vmem>> -> memref<1x128xi32, #tpu.memory_space<vmem>>
        %dma_wait3A_396 = tpu.memref_squeeze %dma_wait3A_395 : memref<1x128xi32, #tpu.memory_space<vmem>> -> memref<128xi32, #tpu.memory_space<vmem>>
        %dma_wait3A_397 = arith.constant 0 : i32
        %dma_wait3A_398 = arith.constant 0 : i32
        %dma_wait3A_399 = tpu.memref_slice %arg18[%dma_wait3A_397, %dma_wait3A_398] : memref<10000x64xbf16, #tpu.memory_space<vmem_shared>> -> memref<10000x64xbf16, #tpu.memory_space<vmem_shared>>
        tpu.wait_indirect_dma semaphore(%run_scoped3A : memref<!tpu.dma_semaphore, #tpu.memory_space<semaphore_mem>>) src(%arg12 : memref<128x64xbf16, #tpu.memory_space<vmem>>) dst(%dma_wait3A_399 : memref<10000x64xbf16, #tpu.memory_space<vmem_shared>>)
        tpu.yield
      }) : () -> ()
      %mul3A_278 = arith.constant 10 : i32
      %mul3A_279 = arith.muli %while3A_169, %mul3A_278 : i32
      %add3A_280 = arith.constant 5 : i32
      %add3A_281 = arith.addi %mul3A_279, %add3A_280 : i32
      %dma_wait3A_282 = arith.constant 0 : i32
      %dma_wait3A_283 = tpu.memref_slice %arg5[%add3A_281, %dma_wait3A_282] : memref<160x128xi32, #tpu.memory_space<vmem>> -> memref<1x128xi32, #tpu.memory_space<vmem>>
      %dma_wait3A_284 = tpu.memref_squeeze %dma_wait3A_283 : memref<1x128xi32, #tpu.memory_space<vmem>> -> memref<128xi32, #tpu.memory_space<vmem>>
      %dma_wait3A_285 = arith.constant 0 : i32
      %dma_wait3A_286 = arith.constant 0 : i32
      %dma_wait3A_287 = tpu.memref_slice %arg2[%arg0, %dma_wait3A_285, %dma_wait3A_286] : memref<2x10000x64xbf16, #tpu.memory_space<hbm>> -> memref<1x10000x64xbf16, #tpu.memory_space<hbm>>
      %dma_wait3A_288 = tpu.memref_squeeze %dma_wait3A_287 : memref<1x10000x64xbf16, #tpu.memory_space<hbm>> -> memref<10000x64xbf16, #tpu.memory_space<hbm>>
      %dma_wait3A_289 = arith.constant 0 : i32
      %dma_wait3A_290 = arith.constant 0 : i32
      %dma_wait3A_291 = tpu.memref_slice %dma_wait3A_288[%dma_wait3A_289, %dma_wait3A_290] : memref<10000x64xbf16, #tpu.memory_space<hbm>> -> memref<10000x64xbf16, #tpu.memory_space<hbm>>
      tpu.wait_indirect_dma semaphore(%arg24 : memref<!tpu.dma_semaphore, #tpu.memory_space<semaphore_mem>>) src(%dma_wait3A_291 : memref<10000x64xbf16, #tpu.memory_space<hbm>>) dst(%arg13 : memref<128x64xbf16, #tpu.memory_space<vmem>>)
      %add3A_292 = arith.constant 10 : i32
      %add3A_293 = arith.addi %add3A_281, %add3A_292 : i32
      %sub3A_294 = arith.constant 1 : i32
      %sub3A_295 = arith.subi %add3A_293, %sub3A_294 : i32
      %lt3A_296 = arith.cmpi slt, %sub3A_295, %select_n3A_2 : i32
      %convert_element_type3A_297 = arith.extui %lt3A_296 : i1 to i32
      %cond3A_298 = arith.constant 0 : i32
      %cond3A_299 = arith.cmpi ne, %convert_element_type3A_297, %cond3A_298 : i32
      scf.if %cond3A_299 {
        %add3A_388 = arith.constant 10 : i32
        %add3A_389 = arith.addi %add3A_281, %add3A_388 : i32
        %sub3A_390 = arith.constant 1 : i32
        %sub3A_391 = arith.subi %add3A_389, %sub3A_390 : i32
        %dma_start3A_392 = arith.constant 0 : i32
        %dma_start3A_393 = tpu.memref_slice %arg5[%sub3A_391, %dma_start3A_392] : memref<160x128xi32, #tpu.memory_space<vmem>> -> memref<1x128xi32, #tpu.memory_space<vmem>>
        %dma_start3A_394 = tpu.memref_squeeze %dma_start3A_393 : memref<1x128xi32, #tpu.memory_space<vmem>> -> memref<128xi32, #tpu.memory_space<vmem>>
        %dma_start3A_395 = arith.constant 0 : i32
        %dma_start3A_396 = arith.constant 0 : i32
        %dma_start3A_397 = tpu.memref_slice %arg2[%arg0, %dma_start3A_395, %dma_start3A_396] : memref<2x10000x64xbf16, #tpu.memory_space<hbm>> -> memref<1x10000x64xbf16, #tpu.memory_space<hbm>>
        %dma_start3A_398 = tpu.memref_squeeze %dma_start3A_397 : memref<1x10000x64xbf16, #tpu.memory_space<hbm>> -> memref<10000x64xbf16, #tpu.memory_space<hbm>>
        %dma_start3A_399 = arith.constant 0 : i32
        %dma_start3A_400 = arith.constant 0 : i32
        %dma_start3A_401 = tpu.memref_slice %dma_start3A_398[%dma_start3A_399, %dma_start3A_400] : memref<10000x64xbf16, #tpu.memory_space<hbm>> -> memref<10000x64xbf16, #tpu.memory_space<hbm>>
        tpu.enqueue_indirect_dma source(%dma_start3A_401 : memref<10000x64xbf16, #tpu.memory_space<hbm>>) target(%arg12 : memref<128x64xbf16, #tpu.memory_space<vmem>>) offsets(%dma_start3A_394 : memref<128xi32, #tpu.memory_space<vmem>>) semaphore(%arg23 : memref<!tpu.dma_semaphore, #tpu.memory_space<semaphore_mem>>)
      } else {
      }
      "tpu.region"() ({
        %run_scoped3A = tpu.sem_alloc : memref<!tpu.dma_semaphore, #tpu.memory_space<semaphore_mem>>
        %dma_start3A_388 = arith.constant 0 : i32
        %dma_start3A_389 = tpu.memref_slice %arg6[%add3A_281, %dma_start3A_388] : memref<160x128xi32, #tpu.memory_space<vmem>> -> memref<1x128xi32, #tpu.memory_space<vmem>>
        %dma_start3A_390 = tpu.memref_squeeze %dma_start3A_389 : memref<1x128xi32, #tpu.memory_space<vmem>> -> memref<128xi32, #tpu.memory_space<vmem>>
        %dma_start3A_391 = arith.constant 0 : i32
        %dma_start3A_392 = arith.constant 0 : i32
        %dma_start3A_393 = tpu.memref_slice %arg18[%dma_start3A_391, %dma_start3A_392] : memref<10000x64xbf16, #tpu.memory_space<vmem_shared>> -> memref<10000x64xbf16, #tpu.memory_space<vmem_shared>>
        tpu.enqueue_indirect_dma source(%arg13 : memref<128x64xbf16, #tpu.memory_space<vmem>>) target(%dma_start3A_393 : memref<10000x64xbf16, #tpu.memory_space<vmem_shared>>) offsets(%dma_start3A_390 : memref<128xi32, #tpu.memory_space<vmem>>) semaphore(%run_scoped3A : memref<!tpu.dma_semaphore, #tpu.memory_space<semaphore_mem>>) {add = true}
        %dma_wait3A_394 = arith.constant 0 : i32
        %dma_wait3A_395 = tpu.memref_slice %arg6[%add3A_281, %dma_wait3A_394] : memref<160x128xi32, #tpu.memory_space<vmem>> -> memref<1x128xi32, #tpu.memory_space<vmem>>
        %dma_wait3A_396 = tpu.memref_squeeze %dma_wait3A_395 : memref<1x128xi32, #tpu.memory_space<vmem>> -> memref<128xi32, #tpu.memory_space<vmem>>
        %dma_wait3A_397 = arith.constant 0 : i32
        %dma_wait3A_398 = arith.constant 0 : i32
        %dma_wait3A_399 = tpu.memref_slice %arg18[%dma_wait3A_397, %dma_wait3A_398] : memref<10000x64xbf16, #tpu.memory_space<vmem_shared>> -> memref<10000x64xbf16, #tpu.memory_space<vmem_shared>>
        tpu.wait_indirect_dma semaphore(%run_scoped3A : memref<!tpu.dma_semaphore, #tpu.memory_space<semaphore_mem>>) src(%arg13 : memref<128x64xbf16, #tpu.memory_space<vmem>>) dst(%dma_wait3A_399 : memref<10000x64xbf16, #tpu.memory_space<vmem_shared>>)
        tpu.yield
      }) : () -> ()
      %mul3A_300 = arith.constant 10 : i32
      %mul3A_301 = arith.muli %while3A_169, %mul3A_300 : i32
      %add3A_302 = arith.constant 6 : i32
      %add3A_303 = arith.addi %mul3A_301, %add3A_302 : i32
      %dma_wait3A_304 = arith.constant 0 : i32
      %dma_wait3A_305 = tpu.memref_slice %arg5[%add3A_303, %dma_wait3A_304] : memref<160x128xi32, #tpu.memory_space<vmem>> -> memref<1x128xi32, #tpu.memory_space<vmem>>
      %dma_wait3A_306 = tpu.memref_squeeze %dma_wait3A_305 : memref<1x128xi32, #tpu.memory_space<vmem>> -> memref<128xi32, #tpu.memory_space<vmem>>
      %dma_wait3A_307 = arith.constant 0 : i32
      %dma_wait3A_308 = arith.constant 0 : i32
      %dma_wait3A_309 = tpu.memref_slice %arg2[%arg0, %dma_wait3A_307, %dma_wait3A_308] : memref<2x10000x64xbf16, #tpu.memory_space<hbm>> -> memref<1x10000x64xbf16, #tpu.memory_space<hbm>>
      %dma_wait3A_310 = tpu.memref_squeeze %dma_wait3A_309 : memref<1x10000x64xbf16, #tpu.memory_space<hbm>> -> memref<10000x64xbf16, #tpu.memory_space<hbm>>
      %dma_wait3A_311 = arith.constant 0 : i32
      %dma_wait3A_312 = arith.constant 0 : i32
      %dma_wait3A_313 = tpu.memref_slice %dma_wait3A_310[%dma_wait3A_311, %dma_wait3A_312] : memref<10000x64xbf16, #tpu.memory_space<hbm>> -> memref<10000x64xbf16, #tpu.memory_space<hbm>>
      tpu.wait_indirect_dma semaphore(%arg25 : memref<!tpu.dma_semaphore, #tpu.memory_space<semaphore_mem>>) src(%dma_wait3A_313 : memref<10000x64xbf16, #tpu.memory_space<hbm>>) dst(%arg14 : memref<128x64xbf16, #tpu.memory_space<vmem>>)
      %add3A_314 = arith.constant 10 : i32
      %add3A_315 = arith.addi %add3A_303, %add3A_314 : i32
      %sub3A_316 = arith.constant 1 : i32
      %sub3A_317 = arith.subi %add3A_315, %sub3A_316 : i32
      %lt3A_318 = arith.cmpi slt, %sub3A_317, %select_n3A_2 : i32
      %convert_element_type3A_319 = arith.extui %lt3A_318 : i1 to i32
      %cond3A_320 = arith.constant 0 : i32
      %cond3A_321 = arith.cmpi ne, %convert_element_type3A_319, %cond3A_320 : i32
      scf.if %cond3A_321 {
        %add3A_388 = arith.constant 10 : i32
        %add3A_389 = arith.addi %add3A_303, %add3A_388 : i32
        %sub3A_390 = arith.constant 1 : i32
        %sub3A_391 = arith.subi %add3A_389, %sub3A_390 : i32
        %dma_start3A_392 = arith.constant 0 : i32
        %dma_start3A_393 = tpu.memref_slice %arg5[%sub3A_391, %dma_start3A_392] : memref<160x128xi32, #tpu.memory_space<vmem>> -> memref<1x128xi32, #tpu.memory_space<vmem>>
        %dma_start3A_394 = tpu.memref_squeeze %dma_start3A_393 : memref<1x128xi32, #tpu.memory_space<vmem>> -> memref<128xi32, #tpu.memory_space<vmem>>
        %dma_start3A_395 = arith.constant 0 : i32
        %dma_start3A_396 = arith.constant 0 : i32
        %dma_start3A_397 = tpu.memref_slice %arg2[%arg0, %dma_start3A_395, %dma_start3A_396] : memref<2x10000x64xbf16, #tpu.memory_space<hbm>> -> memref<1x10000x64xbf16, #tpu.memory_space<hbm>>
        %dma_start3A_398 = tpu.memref_squeeze %dma_start3A_397 : memref<1x10000x64xbf16, #tpu.memory_space<hbm>> -> memref<10000x64xbf16, #tpu.memory_space<hbm>>
        %dma_start3A_399 = arith.constant 0 : i32
        %dma_start3A_400 = arith.constant 0 : i32
        %dma_start3A_401 = tpu.memref_slice %dma_start3A_398[%dma_start3A_399, %dma_start3A_400] : memref<10000x64xbf16, #tpu.memory_space<hbm>> -> memref<10000x64xbf16, #tpu.memory_space<hbm>>
        tpu.enqueue_indirect_dma source(%dma_start3A_401 : memref<10000x64xbf16, #tpu.memory_space<hbm>>) target(%arg13 : memref<128x64xbf16, #tpu.memory_space<vmem>>) offsets(%dma_start3A_394 : memref<128xi32, #tpu.memory_space<vmem>>) semaphore(%arg24 : memref<!tpu.dma_semaphore, #tpu.memory_space<semaphore_mem>>)
      } else {
      }
      "tpu.region"() ({
        %run_scoped3A = tpu.sem_alloc : memref<!tpu.dma_semaphore, #tpu.memory_space<semaphore_mem>>
        %dma_start3A_388 = arith.constant 0 : i32
        %dma_start3A_389 = tpu.memref_slice %arg6[%add3A_303, %dma_start3A_388] : memref<160x128xi32, #tpu.memory_space<vmem>> -> memref<1x128xi32, #tpu.memory_space<vmem>>
        %dma_start3A_390 = tpu.memref_squeeze %dma_start3A_389 : memref<1x128xi32, #tpu.memory_space<vmem>> -> memref<128xi32, #tpu.memory_space<vmem>>
        %dma_start3A_391 = arith.constant 0 : i32
        %dma_start3A_392 = arith.constant 0 : i32
        %dma_start3A_393 = tpu.memref_slice %arg18[%dma_start3A_391, %dma_start3A_392] : memref<10000x64xbf16, #tpu.memory_space<vmem_shared>> -> memref<10000x64xbf16, #tpu.memory_space<vmem_shared>>
        tpu.enqueue_indirect_dma source(%arg14 : memref<128x64xbf16, #tpu.memory_space<vmem>>) target(%dma_start3A_393 : memref<10000x64xbf16, #tpu.memory_space<vmem_shared>>) offsets(%dma_start3A_390 : memref<128xi32, #tpu.memory_space<vmem>>) semaphore(%run_scoped3A : memref<!tpu.dma_semaphore, #tpu.memory_space<semaphore_mem>>) {add = true}
        %dma_wait3A_394 = arith.constant 0 : i32
        %dma_wait3A_395 = tpu.memref_slice %arg6[%add3A_303, %dma_wait3A_394] : memref<160x128xi32, #tpu.memory_space<vmem>> -> memref<1x128xi32, #tpu.memory_space<vmem>>
        %dma_wait3A_396 = tpu.memref_squeeze %dma_wait3A_395 : memref<1x128xi32, #tpu.memory_space<vmem>> -> memref<128xi32, #tpu.memory_space<vmem>>
        %dma_wait3A_397 = arith.constant 0 : i32
        %dma_wait3A_398 = arith.constant 0 : i32
        %dma_wait3A_399 = tpu.memref_slice %arg18[%dma_wait3A_397, %dma_wait3A_398] : memref<10000x64xbf16, #tpu.memory_space<vmem_shared>> -> memref<10000x64xbf16, #tpu.memory_space<vmem_shared>>
        tpu.wait_indirect_dma semaphore(%run_scoped3A : memref<!tpu.dma_semaphore, #tpu.memory_space<semaphore_mem>>) src(%arg14 : memref<128x64xbf16, #tpu.memory_space<vmem>>) dst(%dma_wait3A_399 : memref<10000x64xbf16, #tpu.memory_space<vmem_shared>>)
        tpu.yield
      }) : () -> ()
      %mul3A_322 = arith.constant 10 : i32
      %mul3A_323 = arith.muli %while3A_169, %mul3A_322 : i32
      %add3A_324 = arith.constant 7 : i32
      %add3A_325 = arith.addi %mul3A_323, %add3A_324 : i32
      %dma_wait3A_326 = arith.constant 0 : i32
      %dma_wait3A_327 = tpu.memref_slice %arg5[%add3A_325, %dma_wait3A_326] : memref<160x128xi32, #tpu.memory_space<vmem>> -> memref<1x128xi32, #tpu.memory_space<vmem>>
      %dma_wait3A_328 = tpu.memref_squeeze %dma_wait3A_327 : memref<1x128xi32, #tpu.memory_space<vmem>> -> memref<128xi32, #tpu.memory_space<vmem>>
      %dma_wait3A_329 = arith.constant 0 : i32
      %dma_wait3A_330 = arith.constant 0 : i32
      %dma_wait3A_331 = tpu.memref_slice %arg2[%arg0, %dma_wait3A_329, %dma_wait3A_330] : memref<2x10000x64xbf16, #tpu.memory_space<hbm>> -> memref<1x10000x64xbf16, #tpu.memory_space<hbm>>
      %dma_wait3A_332 = tpu.memref_squeeze %dma_wait3A_331 : memref<1x10000x64xbf16, #tpu.memory_space<hbm>> -> memref<10000x64xbf16, #tpu.memory_space<hbm>>
      %dma_wait3A_333 = arith.constant 0 : i32
      %dma_wait3A_334 = arith.constant 0 : i32
      %dma_wait3A_335 = tpu.memref_slice %dma_wait3A_332[%dma_wait3A_333, %dma_wait3A_334] : memref<10000x64xbf16, #tpu.memory_space<hbm>> -> memref<10000x64xbf16, #tpu.memory_space<hbm>>
      tpu.wait_indirect_dma semaphore(%arg26 : memref<!tpu.dma_semaphore, #tpu.memory_space<semaphore_mem>>) src(%dma_wait3A_335 : memref<10000x64xbf16, #tpu.memory_space<hbm>>) dst(%arg15 : memref<128x64xbf16, #tpu.memory_space<vmem>>)
      %add3A_336 = arith.constant 10 : i32
      %add3A_337 = arith.addi %add3A_325, %add3A_336 : i32
      %sub3A_338 = arith.constant 1 : i32
      %sub3A_339 = arith.subi %add3A_337, %sub3A_338 : i32
      %lt3A_340 = arith.cmpi slt, %sub3A_339, %select_n3A_2 : i32
      %convert_element_type3A_341 = arith.extui %lt3A_340 : i1 to i32
      %cond3A_342 = arith.constant 0 : i32
      %cond3A_343 = arith.cmpi ne, %convert_element_type3A_341, %cond3A_342 : i32
      scf.if %cond3A_343 {
        %add3A_388 = arith.constant 10 : i32
        %add3A_389 = arith.addi %add3A_325, %add3A_388 : i32
        %sub3A_390 = arith.constant 1 : i32
        %sub3A_391 = arith.subi %add3A_389, %sub3A_390 : i32
        %dma_start3A_392 = arith.constant 0 : i32
        %dma_start3A_393 = tpu.memref_slice %arg5[%sub3A_391, %dma_start3A_392] : memref<160x128xi32, #tpu.memory_space<vmem>> -> memref<1x128xi32, #tpu.memory_space<vmem>>
        %dma_start3A_394 = tpu.memref_squeeze %dma_start3A_393 : memref<1x128xi32, #tpu.memory_space<vmem>> -> memref<128xi32, #tpu.memory_space<vmem>>
        %dma_start3A_395 = arith.constant 0 : i32
        %dma_start3A_396 = arith.constant 0 : i32
        %dma_start3A_397 = tpu.memref_slice %arg2[%arg0, %dma_start3A_395, %dma_start3A_396] : memref<2x10000x64xbf16, #tpu.memory_space<hbm>> -> memref<1x10000x64xbf16, #tpu.memory_space<hbm>>
        %dma_start3A_398 = tpu.memref_squeeze %dma_start3A_397 : memref<1x10000x64xbf16, #tpu.memory_space<hbm>> -> memref<10000x64xbf16, #tpu.memory_space<hbm>>
        %dma_start3A_399 = arith.constant 0 : i32
        %dma_start3A_400 = arith.constant 0 : i32
        %dma_start3A_401 = tpu.memref_slice %dma_start3A_398[%dma_start3A_399, %dma_start3A_400] : memref<10000x64xbf16, #tpu.memory_space<hbm>> -> memref<10000x64xbf16, #tpu.memory_space<hbm>>
        tpu.enqueue_indirect_dma source(%dma_start3A_401 : memref<10000x64xbf16, #tpu.memory_space<hbm>>) target(%arg14 : memref<128x64xbf16, #tpu.memory_space<vmem>>) offsets(%dma_start3A_394 : memref<128xi32, #tpu.memory_space<vmem>>) semaphore(%arg25 : memref<!tpu.dma_semaphore, #tpu.memory_space<semaphore_mem>>)
      } else {
      }
      "tpu.region"() ({
        %run_scoped3A = tpu.sem_alloc : memref<!tpu.dma_semaphore, #tpu.memory_space<semaphore_mem>>
        %dma_start3A_388 = arith.constant 0 : i32
        %dma_start3A_389 = tpu.memref_slice %arg6[%add3A_325, %dma_start3A_388] : memref<160x128xi32, #tpu.memory_space<vmem>> -> memref<1x128xi32, #tpu.memory_space<vmem>>
        %dma_start3A_390 = tpu.memref_squeeze %dma_start3A_389 : memref<1x128xi32, #tpu.memory_space<vmem>> -> memref<128xi32, #tpu.memory_space<vmem>>
        %dma_start3A_391 = arith.constant 0 : i32
        %dma_start3A_392 = arith.constant 0 : i32
        %dma_start3A_393 = tpu.memref_slice %arg18[%dma_start3A_391, %dma_start3A_392] : memref<10000x64xbf16, #tpu.memory_space<vmem_shared>> -> memref<10000x64xbf16, #tpu.memory_space<vmem_shared>>
        tpu.enqueue_indirect_dma source(%arg15 : memref<128x64xbf16, #tpu.memory_space<vmem>>) target(%dma_start3A_393 : memref<10000x64xbf16, #tpu.memory_space<vmem_shared>>) offsets(%dma_start3A_390 : memref<128xi32, #tpu.memory_space<vmem>>) semaphore(%run_scoped3A : memref<!tpu.dma_semaphore, #tpu.memory_space<semaphore_mem>>) {add = true}
        %dma_wait3A_394 = arith.constant 0 : i32
        %dma_wait3A_395 = tpu.memref_slice %arg6[%add3A_325, %dma_wait3A_394] : memref<160x128xi32, #tpu.memory_space<vmem>> -> memref<1x128xi32, #tpu.memory_space<vmem>>
        %dma_wait3A_396 = tpu.memref_squeeze %dma_wait3A_395 : memref<1x128xi32, #tpu.memory_space<vmem>> -> memref<128xi32, #tpu.memory_space<vmem>>
        %dma_wait3A_397 = arith.constant 0 : i32
        %dma_wait3A_398 = arith.constant 0 : i32
        %dma_wait3A_399 = tpu.memref_slice %arg18[%dma_wait3A_397, %dma_wait3A_398] : memref<10000x64xbf16, #tpu.memory_space<vmem_shared>> -> memref<10000x64xbf16, #tpu.memory_space<vmem_shared>>
        tpu.wait_indirect_dma semaphore(%run_scoped3A : memref<!tpu.dma_semaphore, #tpu.memory_space<semaphore_mem>>) src(%arg15 : memref<128x64xbf16, #tpu.memory_space<vmem>>) dst(%dma_wait3A_399 : memref<10000x64xbf16, #tpu.memory_space<vmem_shared>>)
        tpu.yield
      }) : () -> ()
      %mul3A_344 = arith.constant 10 : i32
      %mul3A_345 = arith.muli %while3A_169, %mul3A_344 : i32
      %add3A_346 = arith.constant 8 : i32
      %add3A_347 = arith.addi %mul3A_345, %add3A_346 : i32
      %dma_wait3A_348 = arith.constant 0 : i32
      %dma_wait3A_349 = tpu.memref_slice %arg5[%add3A_347, %dma_wait3A_348] : memref<160x128xi32, #tpu.memory_space<vmem>> -> memref<1x128xi32, #tpu.memory_space<vmem>>
      %dma_wait3A_350 = tpu.memref_squeeze %dma_wait3A_349 : memref<1x128xi32, #tpu.memory_space<vmem>> -> memref<128xi32, #tpu.memory_space<vmem>>
      %dma_wait3A_351 = arith.constant 0 : i32
      %dma_wait3A_352 = arith.constant 0 : i32
      %dma_wait3A_353 = tpu.memref_slice %arg2[%arg0, %dma_wait3A_351, %dma_wait3A_352] : memref<2x10000x64xbf16, #tpu.memory_space<hbm>> -> memref<1x10000x64xbf16, #tpu.memory_space<hbm>>
      %dma_wait3A_354 = tpu.memref_squeeze %dma_wait3A_353 : memref<1x10000x64xbf16, #tpu.memory_space<hbm>> -> memref<10000x64xbf16, #tpu.memory_space<hbm>>
      %dma_wait3A_355 = arith.constant 0 : i32
      %dma_wait3A_356 = arith.constant 0 : i32
      %dma_wait3A_357 = tpu.memref_slice %dma_wait3A_354[%dma_wait3A_355, %dma_wait3A_356] : memref<10000x64xbf16, #tpu.memory_space<hbm>> -> memref<10000x64xbf16, #tpu.memory_space<hbm>>
      tpu.wait_indirect_dma semaphore(%arg27 : memref<!tpu.dma_semaphore, #tpu.memory_space<semaphore_mem>>) src(%dma_wait3A_357 : memref<10000x64xbf16, #tpu.memory_space<hbm>>) dst(%arg16 : memref<128x64xbf16, #tpu.memory_space<vmem>>)
      %add3A_358 = arith.constant 10 : i32
      %add3A_359 = arith.addi %add3A_347, %add3A_358 : i32
      %sub3A_360 = arith.constant 1 : i32
      %sub3A_361 = arith.subi %add3A_359, %sub3A_360 : i32
      %lt3A_362 = arith.cmpi slt, %sub3A_361, %select_n3A_2 : i32
      %convert_element_type3A_363 = arith.extui %lt3A_362 : i1 to i32
      %cond3A_364 = arith.constant 0 : i32
      %cond3A_365 = arith.cmpi ne, %convert_element_type3A_363, %cond3A_364 : i32
      scf.if %cond3A_365 {
        %add3A_388 = arith.constant 10 : i32
        %add3A_389 = arith.addi %add3A_347, %add3A_388 : i32
        %sub3A_390 = arith.constant 1 : i32
        %sub3A_391 = arith.subi %add3A_389, %sub3A_390 : i32
        %dma_start3A_392 = arith.constant 0 : i32
        %dma_start3A_393 = tpu.memref_slice %arg5[%sub3A_391, %dma_start3A_392] : memref<160x128xi32, #tpu.memory_space<vmem>> -> memref<1x128xi32, #tpu.memory_space<vmem>>
        %dma_start3A_394 = tpu.memref_squeeze %dma_start3A_393 : memref<1x128xi32, #tpu.memory_space<vmem>> -> memref<128xi32, #tpu.memory_space<vmem>>
        %dma_start3A_395 = arith.constant 0 : i32
        %dma_start3A_396 = arith.constant 0 : i32
        %dma_start3A_397 = tpu.memref_slice %arg2[%arg0, %dma_start3A_395, %dma_start3A_396] : memref<2x10000x64xbf16, #tpu.memory_space<hbm>> -> memref<1x10000x64xbf16, #tpu.memory_space<hbm>>
        %dma_start3A_398 = tpu.memref_squeeze %dma_start3A_397 : memref<1x10000x64xbf16, #tpu.memory_space<hbm>> -> memref<10000x64xbf16, #tpu.memory_space<hbm>>
        %dma_start3A_399 = arith.constant 0 : i32
        %dma_start3A_400 = arith.constant 0 : i32
        %dma_start3A_401 = tpu.memref_slice %dma_start3A_398[%dma_start3A_399, %dma_start3A_400] : memref<10000x64xbf16, #tpu.memory_space<hbm>> -> memref<10000x64xbf16, #tpu.memory_space<hbm>>
        tpu.enqueue_indirect_dma source(%dma_start3A_401 : memref<10000x64xbf16, #tpu.memory_space<hbm>>) target(%arg15 : memref<128x64xbf16, #tpu.memory_space<vmem>>) offsets(%dma_start3A_394 : memref<128xi32, #tpu.memory_space<vmem>>) semaphore(%arg26 : memref<!tpu.dma_semaphore, #tpu.memory_space<semaphore_mem>>)
      } else {
      }
      "tpu.region"() ({
        %run_scoped3A = tpu.sem_alloc : memref<!tpu.dma_semaphore, #tpu.memory_space<semaphore_mem>>
        %dma_start3A_388 = arith.constant 0 : i32
        %dma_start3A_389 = tpu.memref_slice %arg6[%add3A_347, %dma_start3A_388] : memref<160x128xi32, #tpu.memory_space<vmem>> -> memref<1x128xi32, #tpu.memory_space<vmem>>
        %dma_start3A_390 = tpu.memref_squeeze %dma_start3A_389 : memref<1x128xi32, #tpu.memory_space<vmem>> -> memref<128xi32, #tpu.memory_space<vmem>>
        %dma_start3A_391 = arith.constant 0 : i32
        %dma_start3A_392 = arith.constant 0 : i32
        %dma_start3A_393 = tpu.memref_slice %arg18[%dma_start3A_391, %dma_start3A_392] : memref<10000x64xbf16, #tpu.memory_space<vmem_shared>> -> memref<10000x64xbf16, #tpu.memory_space<vmem_shared>>
        tpu.enqueue_indirect_dma source(%arg16 : memref<128x64xbf16, #tpu.memory_space<vmem>>) target(%dma_start3A_393 : memref<10000x64xbf16, #tpu.memory_space<vmem_shared>>) offsets(%dma_start3A_390 : memref<128xi32, #tpu.memory_space<vmem>>) semaphore(%run_scoped3A : memref<!tpu.dma_semaphore, #tpu.memory_space<semaphore_mem>>) {add = true}
        %dma_wait3A_394 = arith.constant 0 : i32
        %dma_wait3A_395 = tpu.memref_slice %arg6[%add3A_347, %dma_wait3A_394] : memref<160x128xi32, #tpu.memory_space<vmem>> -> memref<1x128xi32, #tpu.memory_space<vmem>>
        %dma_wait3A_396 = tpu.memref_squeeze %dma_wait3A_395 : memref<1x128xi32, #tpu.memory_space<vmem>> -> memref<128xi32, #tpu.memory_space<vmem>>
        %dma_wait3A_397 = arith.constant 0 : i32
        %dma_wait3A_398 = arith.constant 0 : i32
        %dma_wait3A_399 = tpu.memref_slice %arg18[%dma_wait3A_397, %dma_wait3A_398] : memref<10000x64xbf16, #tpu.memory_space<vmem_shared>> -> memref<10000x64xbf16, #tpu.memory_space<vmem_shared>>
        tpu.wait_indirect_dma semaphore(%run_scoped3A : memref<!tpu.dma_semaphore, #tpu.memory_space<semaphore_mem>>) src(%arg16 : memref<128x64xbf16, #tpu.memory_space<vmem>>) dst(%dma_wait3A_399 : memref<10000x64xbf16, #tpu.memory_space<vmem_shared>>)
        tpu.yield
      }) : () -> ()
      %mul3A_366 = arith.constant 10 : i32
      %mul3A_367 = arith.muli %while3A_169, %mul3A_366 : i32
      %add3A_368 = arith.constant 9 : i32
      %add3A_369 = arith.addi %mul3A_367, %add3A_368 : i32
      %dma_wait3A_370 = arith.constant 0 : i32
      %dma_wait3A_371 = tpu.memref_slice %arg5[%add3A_369, %dma_wait3A_370] : memref<160x128xi32, #tpu.memory_space<vmem>> -> memref<1x128xi32, #tpu.memory_space<vmem>>
      %dma_wait3A_372 = tpu.memref_squeeze %dma_wait3A_371 : memref<1x128xi32, #tpu.memory_space<vmem>> -> memref<128xi32, #tpu.memory_space<vmem>>
      %dma_wait3A_373 = arith.constant 0 : i32
      %dma_wait3A_374 = arith.constant 0 : i32
      %dma_wait3A_375 = tpu.memref_slice %arg2[%arg0, %dma_wait3A_373, %dma_wait3A_374] : memref<2x10000x64xbf16, #tpu.memory_space<hbm>> -> memref<1x10000x64xbf16, #tpu.memory_space<hbm>>
      %dma_wait3A_376 = tpu.memref_squeeze %dma_wait3A_375 : memref<1x10000x64xbf16, #tpu.memory_space<hbm>> -> memref<10000x64xbf16, #tpu.memory_space<hbm>>
      %dma_wait3A_377 = arith.constant 0 : i32
      %dma_wait3A_378 = arith.constant 0 : i32
      %dma_wait3A_379 = tpu.memref_slice %dma_wait3A_376[%dma_wait3A_377, %dma_wait3A_378] : memref<10000x64xbf16, #tpu.memory_space<hbm>> -> memref<10000x64xbf16, #tpu.memory_space<hbm>>
      tpu.wait_indirect_dma semaphore(%arg28 : memref<!tpu.dma_semaphore, #tpu.memory_space<semaphore_mem>>) src(%dma_wait3A_379 : memref<10000x64xbf16, #tpu.memory_space<hbm>>) dst(%arg17 : memref<128x64xbf16, #tpu.memory_space<vmem>>)
      %add3A_380 = arith.constant 10 : i32
      %add3A_381 = arith.addi %add3A_369, %add3A_380 : i32
      %sub3A_382 = arith.constant 1 : i32
      %sub3A_383 = arith.subi %add3A_381, %sub3A_382 : i32
      %lt3A_384 = arith.cmpi slt, %sub3A_383, %select_n3A_2 : i32
      %convert_element_type3A_385 = arith.extui %lt3A_384 : i1 to i32
      %cond3A_386 = arith.constant 0 : i32
      %cond3A_387 = arith.cmpi ne, %convert_element_type3A_385, %cond3A_386 : i32
      scf.if %cond3A_387 {
        %add3A_388 = arith.constant 10 : i32
        %add3A_389 = arith.addi %add3A_369, %add3A_388 : i32
        %sub3A_390 = arith.constant 1 : i32
        %sub3A_391 = arith.subi %add3A_389, %sub3A_390 : i32
        %dma_start3A_392 = arith.constant 0 : i32
        %dma_start3A_393 = tpu.memref_slice %arg5[%sub3A_391, %dma_start3A_392] : memref<160x128xi32, #tpu.memory_space<vmem>> -> memref<1x128xi32, #tpu.memory_space<vmem>>
        %dma_start3A_394 = tpu.memref_squeeze %dma_start3A_393 : memref<1x128xi32, #tpu.memory_space<vmem>> -> memref<128xi32, #tpu.memory_space<vmem>>
        %dma_start3A_395 = arith.constant 0 : i32
        %dma_start3A_396 = arith.constant 0 : i32
        %dma_start3A_397 = tpu.memref_slice %arg2[%arg0, %dma_start3A_395, %dma_start3A_396] : memref<2x10000x64xbf16, #tpu.memory_space<hbm>> -> memref<1x10000x64xbf16, #tpu.memory_space<hbm>>
        %dma_start3A_398 = tpu.memref_squeeze %dma_start3A_397 : memref<1x10000x64xbf16, #tpu.memory_space<hbm>> -> memref<10000x64xbf16, #tpu.memory_space<hbm>>
        %dma_start3A_399 = arith.constant 0 : i32
        %dma_start3A_400 = arith.constant 0 : i32
        %dma_start3A_401 = tpu.memref_slice %dma_start3A_398[%dma_start3A_399, %dma_start3A_400] : memref<10000x64xbf16, #tpu.memory_space<hbm>> -> memref<10000x64xbf16, #tpu.memory_space<hbm>>
        tpu.enqueue_indirect_dma source(%dma_start3A_401 : memref<10000x64xbf16, #tpu.memory_space<hbm>>) target(%arg16 : memref<128x64xbf16, #tpu.memory_space<vmem>>) offsets(%dma_start3A_394 : memref<128xi32, #tpu.memory_space<vmem>>) semaphore(%arg27 : memref<!tpu.dma_semaphore, #tpu.memory_space<semaphore_mem>>)
      } else {
      }
      "tpu.region"() ({
        %run_scoped3A = tpu.sem_alloc : memref<!tpu.dma_semaphore, #tpu.memory_space<semaphore_mem>>
        %dma_start3A_388 = arith.constant 0 : i32
        %dma_start3A_389 = tpu.memref_slice %arg6[%add3A_369, %dma_start3A_388] : memref<160x128xi32, #tpu.memory_space<vmem>> -> memref<1x128xi32, #tpu.memory_space<vmem>>
        %dma_start3A_390 = tpu.memref_squeeze %dma_start3A_389 : memref<1x128xi32, #tpu.memory_space<vmem>> -> memref<128xi32, #tpu.memory_space<vmem>>
        %dma_start3A_391 = arith.constant 0 : i32
        %dma_start3A_392 = arith.constant 0 : i32
        %dma_start3A_393 = tpu.memref_slice %arg18[%dma_start3A_391, %dma_start3A_392] : memref<10000x64xbf16, #tpu.memory_space<vmem_shared>> -> memref<10000x64xbf16, #tpu.memory_space<vmem_shared>>
        tpu.enqueue_indirect_dma source(%arg17 : memref<128x64xbf16, #tpu.memory_space<vmem>>) target(%dma_start3A_393 : memref<10000x64xbf16, #tpu.memory_space<vmem_shared>>) offsets(%dma_start3A_390 : memref<128xi32, #tpu.memory_space<vmem>>) semaphore(%run_scoped3A : memref<!tpu.dma_semaphore, #tpu.memory_space<semaphore_mem>>) {add = true}
        %dma_wait3A_394 = arith.constant 0 : i32
        %dma_wait3A_395 = tpu.memref_slice %arg6[%add3A_369, %dma_wait3A_394] : memref<160x128xi32, #tpu.memory_space<vmem>> -> memref<1x128xi32, #tpu.memory_space<vmem>>
        %dma_wait3A_396 = tpu.memref_squeeze %dma_wait3A_395 : memref<1x128xi32, #tpu.memory_space<vmem>> -> memref<128xi32, #tpu.memory_space<vmem>>
        %dma_wait3A_397 = arith.constant 0 : i32
        %dma_wait3A_398 = arith.constant 0 : i32
        %dma_wait3A_399 = tpu.memref_slice %arg18[%dma_wait3A_397, %dma_wait3A_398] : memref<10000x64xbf16, #tpu.memory_space<vmem_shared>> -> memref<10000x64xbf16, #tpu.memory_space<vmem_shared>>
        tpu.wait_indirect_dma semaphore(%run_scoped3A : memref<!tpu.dma_semaphore, #tpu.memory_space<semaphore_mem>>) src(%arg17 : memref<128x64xbf16, #tpu.memory_space<vmem>>) dst(%dma_wait3A_399 : memref<10000x64xbf16, #tpu.memory_space<vmem_shared>>)
        tpu.yield
      }) : () -> ()
    }
    %barrier3A_157 = arith.constant 0 : index
    tpu.barrier barrier_id(%barrier3A_157)
    %mul3A = arith.constant 64 : i32
    %mul3A_158 = arith.muli %arg0, %mul3A : i32
    %lt3A_159 = arith.constant 15 : i32
    %lt3A_160 = arith.cmpi slt, %arg1, %lt3A_159 : i32
    %convert_element_type3A_161 = arith.extui %lt3A_160 : i1 to i32
    %cond3A_162 = arith.constant 0 : i32
    %cond3A_163 = arith.cmpi ne, %convert_element_type3A_161, %cond3A_162 : i32
    scf.if %cond3A_163 {
      %mul3A_169 = arith.constant 632 : i32
      %mul3A_170 = arith.muli %arg1, %mul3A_169 : i32
      %mul3A_171 = arith.constant 632 : i32
      %mul3A_172 = arith.muli %arg1, %mul3A_171 : i32
      "tpu.region"() ({
        %run_scoped3A = tpu.sem_alloc : memref<!tpu.dma_semaphore, #tpu.memory_space<semaphore_mem>>
        %dma_start3A_173 = tpu.memref_slice %arg4[%mul3A_172, %mul3A_158] : memref<10000x128xbf16, #tpu.memory_space<hbm>> -> memref<632x64xbf16, #tpu.memory_space<hbm>>
        %dma_start3A_174 = arith.constant 0 : i32
        %dma_start3A_175 = tpu.memref_slice %arg18[%mul3A_170, %dma_start3A_174] : memref<10000x64xbf16, #tpu.memory_space<vmem_shared>> -> memref<632x64xbf16, #tpu.memory_space<vmem_shared>>
        tpu.enqueue_dma source(%dma_start3A_175 : memref<632x64xbf16, #tpu.memory_space<vmem_shared>>) target(%dma_start3A_173 : memref<632x64xbf16, #tpu.memory_space<hbm>>) target_semaphore(%run_scoped3A : memref<!tpu.dma_semaphore, #tpu.memory_space<semaphore_mem>>)
        %dma_wait3A = tpu.memref_slice %arg4[%mul3A_172, %mul3A_158] : memref<10000x128xbf16, #tpu.memory_space<hbm>> -> memref<632x64xbf16, #tpu.memory_space<hbm>>
        %dma_wait3A_176 = arith.constant 0 : i32
        %dma_wait3A_177 = tpu.memref_slice %arg18[%mul3A_170, %dma_wait3A_176] : memref<10000x64xbf16, #tpu.memory_space<vmem_shared>> -> memref<632x64xbf16, #tpu.memory_space<vmem_shared>>
        tpu.wait_dma2 semaphore(%run_scoped3A : memref<!tpu.dma_semaphore, #tpu.memory_space<semaphore_mem>>) src(%dma_wait3A_177 : memref<632x64xbf16, #tpu.memory_space<vmem_shared>>) dst(%dma_wait3A : memref<632x64xbf16, #tpu.memory_space<hbm>>)
        tpu.yield
      }) : () -> ()
    } else {
    }
    %eq3A_164 = arith.constant 15 : i32
    %eq3A_165 = arith.cmpi eq, %arg1, %eq3A_164 : i32
    %convert_element_type3A_166 = arith.extui %eq3A_165 : i1 to i32
    %cond3A_167 = arith.constant 0 : i32
    %cond3A_168 = arith.cmpi ne, %convert_element_type3A_166, %cond3A_167 : i32
    scf.if %cond3A_168 {
      "tpu.region"() ({
        %run_scoped3A = tpu.sem_alloc : memref<!tpu.dma_semaphore, #tpu.memory_space<semaphore_mem>>
        %dma_start3A_169 = arith.constant 9480 : i32
        %dma_start3A_170 = tpu.memref_slice %arg4[%dma_start3A_169, %mul3A_158] : memref<10000x128xbf16, #tpu.memory_space<hbm>> -> memref<520x64xbf16, #tpu.memory_space<hbm>>
        %dma_start3A_171 = arith.constant 9480 : i32
        %dma_start3A_172 = arith.constant 0 : i32
        %dma_start3A_173 = tpu.memref_slice %arg18[%dma_start3A_171, %dma_start3A_172] : memref<10000x64xbf16, #tpu.memory_space<vmem_shared>> -> memref<520x64xbf16, #tpu.memory_space<vmem_shared>>
        tpu.enqueue_dma source(%dma_start3A_173 : memref<520x64xbf16, #tpu.memory_space<vmem_shared>>) target(%dma_start3A_170 : memref<520x64xbf16, #tpu.memory_space<hbm>>) target_semaphore(%run_scoped3A : memref<!tpu.dma_semaphore, #tpu.memory_space<semaphore_mem>>)
        %dma_wait3A = arith.constant 9480 : i32
        %dma_wait3A_174 = tpu.memref_slice %arg4[%dma_wait3A, %mul3A_158] : memref<10000x128xbf16, #tpu.memory_space<hbm>> -> memref<520x64xbf16, #tpu.memory_space<hbm>>
        %dma_wait3A_175 = arith.constant 9480 : i32
        %dma_wait3A_176 = arith.constant 0 : i32
        %dma_wait3A_177 = tpu.memref_slice %arg18[%dma_wait3A_175, %dma_wait3A_176] : memref<10000x64xbf16, #tpu.memory_space<vmem_shared>> -> memref<520x64xbf16, #tpu.memory_space<vmem_shared>>
        tpu.wait_dma2 semaphore(%run_scoped3A : memref<!tpu.dma_semaphore, #tpu.memory_space<semaphore_mem>>) src(%dma_wait3A_177 : memref<520x64xbf16, #tpu.memory_space<vmem_shared>>) dst(%dma_wait3A_174 : memref<520x64xbf16, #tpu.memory_space<hbm>>)
        tpu.yield
      }) : () -> ()
    } else {
    }
    return
  }
}

#map = affine_map<(d0, d1) -> (0, 0, 0)>
#map1 = affine_map<(d0, d1) -> (0, 0)>
module attributes {stable_mosaic.version = 14 : i64} {
  func.func @agg_kernel(%arg0: i32, %arg1: i32, %arg2: memref<2x10000x64xbf16, #tpu.memory_space<hbm>>, %arg3: memref<2x2500x128xi32, #tpu.memory_space<hbm>>, %arg4: memref<10000x128xbf16, #tpu.memory_space<hbm>>, %arg5: memref<160x128xi32, #tpu.memory_space<vmem>>, %arg6: memref<160x128xi32, #tpu.memory_space<vmem>>, %arg7: memref<128x64xbf16, #tpu.memory_space<vmem>>, %arg8: memref<128x64xbf16, #tpu.memory_space<vmem>>, %arg9: memref<128x64xbf16, #tpu.memory_space<vmem>>, %arg10: memref<128x64xbf16, #tpu.memory_space<vmem>>, %arg11: memref<128x64xbf16, #tpu.memory_space<vmem>>, %arg12: memref<128x64xbf16, #tpu.memory_space<vmem>>, %arg13: memref<128x64xbf16, #tpu.memory_space<vmem>>, %arg14: memref<128x64xbf16, #tpu.memory_space<vmem>>, %arg15: memref<128x64xbf16, #tpu.memory_space<vmem>>, %arg16: memref<128x64xbf16, #tpu.memory_space<vmem>>, %arg17: memref<128x64xbf16, #tpu.memory_space<vmem>>, %arg18: memref<10000x64xbf16, #tpu.memory_space<vmem_shared>>, %arg19: memref<!tpu.dma_semaphore, #tpu.memory_space<semaphore_mem>>, %arg20: memref<!tpu.dma_semaphore, #tpu.memory_space<semaphore_mem>>, %arg21: memref<!tpu.dma_semaphore, #tpu.memory_space<semaphore_mem>>, %arg22: memref<!tpu.dma_semaphore, #tpu.memory_space<semaphore_mem>>, %arg23: memref<!tpu.dma_semaphore, #tpu.memory_space<semaphore_mem>>, %arg24: memref<!tpu.dma_semaphore, #tpu.memory_space<semaphore_mem>>, %arg25: memref<!tpu.dma_semaphore, #tpu.memory_space<semaphore_mem>>, %arg26: memref<!tpu.dma_semaphore, #tpu.memory_space<semaphore_mem>>, %arg27: memref<!tpu.dma_semaphore, #tpu.memory_space<semaphore_mem>>, %arg28: memref<!tpu.dma_semaphore, #tpu.memory_space<semaphore_mem>>) attributes {dimension_semantics = [#tpu.dimension_semantics<core_parallel>, #tpu.dimension_semantics<subcore_parallel>], iteration_bounds = array<i64: 2, 16>, scalar_prefetch = 0 : i64, scratch_operands = 24 : i64, tpu.core_type = #tpu.core_type<sc_vector_subcore>, window_params = [{transform_indices = #map}, {transform_indices = #map}, {transform_indices = #map1}]} {
    %lt3A = arith.constant 15 : i32
    %lt3A_0 = arith.cmpi slt, %arg1, %lt3A : i32
    %select_n3A = arith.constant 100 : i32
    %select_n3A_1 = arith.constant 160 : i32
    %select_n3A_2 = arith.select %lt3A_0, %select_n3A_1, %select_n3A : i32
    %lt3A_3 = arith.constant 15 : i32
    %lt3A_4 = arith.cmpi slt, %arg1, %lt3A_3 : i32
    %convert_element_type3A = arith.extui %lt3A_4 : i1 to i32
    %cond3A = arith.constant 0 : i32
    %cond3A_5 = arith.cmpi ne, %convert_element_type3A, %cond3A : i32
    scf.if %cond3A_5 {
      %mul3A_169 = arith.constant 160 : i32
      %mul3A_170 = arith.muli %arg1, %mul3A_169 : i32
      %run_scoped3A = arith.constant 0 : i32
      "tpu.region"() ({
        %run_scoped3A_174 = tpu.sem_alloc : memref<!tpu.dma_semaphore, #tpu.memory_space<semaphore_mem>>
        %dma_start3A_175 = arith.constant 0 : i32
        %dma_start3A_176 = tpu.memref_slice %arg3[%run_scoped3A, %mul3A_170, %dma_start3A_175] : memref<2x2500x128xi32, #tpu.memory_space<hbm>> -> memref<1x160x128xi32, #tpu.memory_space<hbm>>
        %dma_start3A_177 = tpu.memref_squeeze %dma_start3A_176 : memref<1x160x128xi32, #tpu.memory_space<hbm>> -> memref<160x128xi32, #tpu.memory_space<hbm>>
        %dma_start3A_178 = arith.constant 0 : i32
        %dma_start3A_179 = tpu.memref_slice %arg3[%run_scoped3A, %mul3A_170, %dma_start3A_178] : memref<2x2500x128xi32, #tpu.memory_space<hbm>> -> memref<1x160x128xi32, #tpu.memory_space<hbm>>
        %dma_start3A_180 = tpu.memref_squeeze %dma_start3A_179 : memref<1x160x128xi32, #tpu.memory_space<hbm>> -> memref<160x128xi32, #tpu.memory_space<hbm>>
        tpu.enqueue_dma source(%dma_start3A_180 : memref<160x128xi32, #tpu.memory_space<hbm>>) target(%arg5 : memref<160x128xi32, #tpu.memory_space<vmem>>) target_semaphore(%run_scoped3A_174 : memref<!tpu.dma_semaphore, #tpu.memory_space<semaphore_mem>>)
        %dma_wait3A = arith.constant 0 : i32
        %dma_wait3A_181 = tpu.memref_slice %arg3[%run_scoped3A, %mul3A_170, %dma_wait3A] : memref<2x2500x128xi32, #tpu.memory_space<hbm>> -> memref<1x160x128xi32, #tpu.memory_space<hbm>>
        %dma_wait3A_182 = tpu.memref_squeeze %dma_wait3A_181 : memref<1x160x128xi32, #tpu.memory_space<hbm>> -> memref<160x128xi32, #tpu.memory_space<hbm>>
        %dma_wait3A_183 = arith.constant 0 : i32
        %dma_wait3A_184 = tpu.memref_slice %arg3[%run_scoped3A, %mul3A_170, %dma_wait3A_183] : memref<2x2500x128xi32, #tpu.memory_space<hbm>> -> memref<1x160x128xi32, #tpu.memory_space<hbm>>
        %dma_wait3A_185 = tpu.memref_squeeze %dma_wait3A_184 : memref<1x160x128xi32, #tpu.memory_space<hbm>> -> memref<160x128xi32, #tpu.memory_space<hbm>>
        tpu.wait_dma2 semaphore(%run_scoped3A_174 : memref<!tpu.dma_semaphore, #tpu.memory_space<semaphore_mem>>) src(%dma_wait3A_185 : memref<160x128xi32, #tpu.memory_space<hbm>>) dst(%arg5 : memref<160x128xi32, #tpu.memory_space<vmem>>)
        tpu.yield
      }) : () -> ()
      %mul3A_171 = arith.constant 160 : i32
      %mul3A_172 = arith.muli %arg1, %mul3A_171 : i32
      %run_scoped3A_173 = arith.constant 1 : i32
      "tpu.region"() ({
        %run_scoped3A_174 = tpu.sem_alloc : memref<!tpu.dma_semaphore, #tpu.memory_space<semaphore_mem>>
        %dma_start3A_175 = arith.constant 0 : i32
        %dma_start3A_176 = tpu.memref_slice %arg3[%run_scoped3A_173, %mul3A_172, %dma_start3A_175] : memref<2x2500x128xi32, #tpu.memory_space<hbm>> -> memref<1x160x128xi32, #tpu.memory_space<hbm>>
        %dma_start3A_177 = tpu.memref_squeeze %dma_start3A_176 : memref<1x160x128xi32, #tpu.memory_space<hbm>> -> memref<160x128xi32, #tpu.memory_space<hbm>>
        %dma_start3A_178 = arith.constant 0 : i32
        %dma_start3A_179 = tpu.memref_slice %arg3[%run_scoped3A_173, %mul3A_172, %dma_start3A_178] : memref<2x2500x128xi32, #tpu.memory_space<hbm>> -> memref<1x160x128xi32, #tpu.memory_space<hbm>>
        %dma_start3A_180 = tpu.memref_squeeze %dma_start3A_179 : memref<1x160x128xi32, #tpu.memory_space<hbm>> -> memref<160x128xi32, #tpu.memory_space<hbm>>
        tpu.enqueue_dma source(%dma_start3A_180 : memref<160x128xi32, #tpu.memory_space<hbm>>) target(%arg6 : memref<160x128xi32, #tpu.memory_space<vmem>>) target_semaphore(%run_scoped3A_174 : memref<!tpu.dma_semaphore, #tpu.memory_space<semaphore_mem>>)
        %dma_wait3A = arith.constant 0 : i32
        %dma_wait3A_181 = tpu.memref_slice %arg3[%run_scoped3A_173, %mul3A_172, %dma_wait3A] : memref<2x2500x128xi32, #tpu.memory_space<hbm>> -> memref<1x160x128xi32, #tpu.memory_space<hbm>>
        %dma_wait3A_182 = tpu.memref_squeeze %dma_wait3A_181 : memref<1x160x128xi32, #tpu.memory_space<hbm>> -> memref<160x128xi32, #tpu.memory_space<hbm>>
        %dma_wait3A_183 = arith.constant 0 : i32
        %dma_wait3A_184 = tpu.memref_slice %arg3[%run_scoped3A_173, %mul3A_172, %dma_wait3A_183] : memref<2x2500x128xi32, #tpu.memory_space<hbm>> -> memref<1x160x128xi32, #tpu.memory_space<hbm>>
        %dma_wait3A_185 = tpu.memref_squeeze %dma_wait3A_184 : memref<1x160x128xi32, #tpu.memory_space<hbm>> -> memref<160x128xi32, #tpu.memory_space<hbm>>
        tpu.wait_dma2 semaphore(%run_scoped3A_174 : memref<!tpu.dma_semaphore, #tpu.memory_space<semaphore_mem>>) src(%dma_wait3A_185 : memref<160x128xi32, #tpu.memory_space<hbm>>) dst(%arg6 : memref<160x128xi32, #tpu.memory_space<vmem>>)
        tpu.yield
      }) : () -> ()
    } else {
    }
    %eq3A = arith.constant 15 : i32
    %eq3A_6 = arith.cmpi eq, %arg1, %eq3A : i32
    %convert_element_type3A_7 = arith.extui %eq3A_6 : i1 to i32
    %cond3A_8 = arith.constant 0 : i32
    %cond3A_9 = arith.cmpi ne, %convert_element_type3A_7, %cond3A_8 : i32
    scf.if %cond3A_9 {
      %run_scoped3A = arith.constant 0 : i32
      "tpu.region"() ({
        %run_scoped3A_170 = tpu.sem_alloc : memref<!tpu.dma_semaphore, #tpu.memory_space<semaphore_mem>>
        %dma_start3A_171 = arith.constant 0 : i32
        %dma_start3A_172 = arith.constant 0 : i32
        %dma_start3A_173 = tpu.memref_slice %arg5[%dma_start3A_171, %dma_start3A_172] : memref<160x128xi32, #tpu.memory_space<vmem>> -> memref<100x128xi32, #tpu.memory_space<vmem>>
        %dma_start3A_174 = arith.constant 2400 : i32
        %dma_start3A_175 = arith.constant 0 : i32
        %dma_start3A_176 = tpu.memref_slice %arg3[%run_scoped3A, %dma_start3A_174, %dma_start3A_175] : memref<2x2500x128xi32, #tpu.memory_space<hbm>> -> memref<1x100x128xi32, #tpu.memory_space<hbm>>
        %dma_start3A_177 = tpu.memref_squeeze %dma_start3A_176 : memref<1x100x128xi32, #tpu.memory_space<hbm>> -> memref<100x128xi32, #tpu.memory_space<hbm>>
        %dma_start3A_178 = arith.constant 0 : i32
        %dma_start3A_179 = arith.constant 0 : i32
        %dma_start3A_180 = tpu.memref_slice %arg5[%dma_start3A_178, %dma_start3A_179] : memref<160x128xi32, #tpu.memory_space<vmem>> -> memref<100x128xi32, #tpu.memory_space<vmem>>
        %dma_start3A_181 = arith.constant 2400 : i32
        %dma_start3A_182 = arith.constant 0 : i32
        %dma_start3A_183 = tpu.memref_slice %arg3[%run_scoped3A, %dma_start3A_181, %dma_start3A_182] : memref<2x2500x128xi32, #tpu.memory_space<hbm>> -> memref<1x100x128xi32, #tpu.memory_space<hbm>>
        %dma_start3A_184 = tpu.memref_squeeze %dma_start3A_183 : memref<1x100x128xi32, #tpu.memory_space<hbm>> -> memref<100x128xi32, #tpu.memory_space<hbm>>
        tpu.enqueue_dma source(%dma_start3A_184 : memref<100x128xi32, #tpu.memory_space<hbm>>) target(%dma_start3A_180 : memref<100x128xi32, #tpu.memory_space<vmem>>) target_semaphore(%run_scoped3A_170 : memref<!tpu.dma_semaphore, #tpu.memory_space<semaphore_mem>>)
        %dma_wait3A = arith.constant 0 : i32
        %dma_wait3A_185 = arith.constant 0 : i32
        %dma_wait3A_186 = tpu.memref_slice %arg5[%dma_wait3A, %dma_wait3A_185] : memref<160x128xi32, #tpu.memory_space<vmem>> -> memref<100x128xi32, #tpu.memory_space<vmem>>
        %dma_wait3A_187 = arith.constant 2400 : i32
        %dma_wait3A_188 = arith.constant 0 : i32
        %dma_wait3A_189 = tpu.memref_slice %arg3[%run_scoped3A, %dma_wait3A_187, %dma_wait3A_188] : memref<2x2500x128xi32, #tpu.memory_space<hbm>> -> memref<1x100x128xi32, #tpu.memory_space<hbm>>
        %dma_wait3A_190 = tpu.memref_squeeze %dma_wait3A_189 : memref<1x100x128xi32, #tpu.memory_space<hbm>> -> memref<100x128xi32, #tpu.memory_space<hbm>>
        %dma_wait3A_191 = arith.constant 0 : i32
        %dma_wait3A_192 = arith.constant 0 : i32
        %dma_wait3A_193 = tpu.memref_slice %arg5[%dma_wait3A_191, %dma_wait3A_192] : memref<160x128xi32, #tpu.memory_space<vmem>> -> memref<100x128xi32, #tpu.memory_space<vmem>>
        %dma_wait3A_194 = arith.constant 2400 : i32
        %dma_wait3A_195 = arith.constant 0 : i32
        %dma_wait3A_196 = tpu.memref_slice %arg3[%run_scoped3A, %dma_wait3A_194, %dma_wait3A_195] : memref<2x2500x128xi32, #tpu.memory_space<hbm>> -> memref<1x100x128xi32, #tpu.memory_space<hbm>>
        %dma_wait3A_197 = tpu.memref_squeeze %dma_wait3A_196 : memref<1x100x128xi32, #tpu.memory_space<hbm>> -> memref<100x128xi32, #tpu.memory_space<hbm>>
        tpu.wait_dma2 semaphore(%run_scoped3A_170 : memref<!tpu.dma_semaphore, #tpu.memory_space<semaphore_mem>>) src(%dma_wait3A_197 : memref<100x128xi32, #tpu.memory_space<hbm>>) dst(%dma_wait3A_193 : memref<100x128xi32, #tpu.memory_space<vmem>>)
        tpu.yield
      }) : () -> ()
      %run_scoped3A_169 = arith.constant 1 : i32
      "tpu.region"() ({
        %run_scoped3A_170 = tpu.sem_alloc : memref<!tpu.dma_semaphore, #tpu.memory_space<semaphore_mem>>
        %dma_start3A_171 = arith.constant 0 : i32
        %dma_start3A_172 = arith.constant 0 : i32
        %dma_start3A_173 = tpu.memref_slice %arg6[%dma_start3A_171, %dma_start3A_172] : memref<160x128xi32, #tpu.memory_space<vmem>> -> memref<100x128xi32, #tpu.memory_space<vmem>>
        %dma_start3A_174 = arith.constant 2400 : i32
        %dma_start3A_175 = arith.constant 0 : i32
        %dma_start3A_176 = tpu.memref_slice %arg3[%run_scoped3A_169, %dma_start3A_174, %dma_start3A_175] : memref<2x2500x128xi32, #tpu.memory_space<hbm>> -> memref<1x100x128xi32, #tpu.memory_space<hbm>>
        %dma_start3A_177 = tpu.memref_squeeze %dma_start3A_176 : memref<1x100x128xi32, #tpu.memory_space<hbm>> -> memref<100x128xi32, #tpu.memory_space<hbm>>
        %dma_start3A_178 = arith.constant 0 : i32
        %dma_start3A_179 = arith.constant 0 : i32
        %dma_start3A_180 = tpu.memref_slice %arg6[%dma_start3A_178, %dma_start3A_179] : memref<160x128xi32, #tpu.memory_space<vmem>> -> memref<100x128xi32, #tpu.memory_space<vmem>>
        %dma_start3A_181 = arith.constant 2400 : i32
        %dma_start3A_182 = arith.constant 0 : i32
        %dma_start3A_183 = tpu.memref_slice %arg3[%run_scoped3A_169, %dma_start3A_181, %dma_start3A_182] : memref<2x2500x128xi32, #tpu.memory_space<hbm>> -> memref<1x100x128xi32, #tpu.memory_space<hbm>>
        %dma_start3A_184 = tpu.memref_squeeze %dma_start3A_183 : memref<1x100x128xi32, #tpu.memory_space<hbm>> -> memref<100x128xi32, #tpu.memory_space<hbm>>
        tpu.enqueue_dma source(%dma_start3A_184 : memref<100x128xi32, #tpu.memory_space<hbm>>) target(%dma_start3A_180 : memref<100x128xi32, #tpu.memory_space<vmem>>) target_semaphore(%run_scoped3A_170 : memref<!tpu.dma_semaphore, #tpu.memory_space<semaphore_mem>>)
        %dma_wait3A = arith.constant 0 : i32
        %dma_wait3A_185 = arith.constant 0 : i32
        %dma_wait3A_186 = tpu.memref_slice %arg6[%dma_wait3A, %dma_wait3A_185] : memref<160x128xi32, #tpu.memory_space<vmem>> -> memref<100x128xi32, #tpu.memory_space<vmem>>
        %dma_wait3A_187 = arith.constant 2400 : i32
        %dma_wait3A_188 = arith.constant 0 : i32
        %dma_wait3A_189 = tpu.memref_slice %arg3[%run_scoped3A_169, %dma_wait3A_187, %dma_wait3A_188] : memref<2x2500x128xi32, #tpu.memory_space<hbm>> -> memref<1x100x128xi32, #tpu.memory_space<hbm>>
        %dma_wait3A_190 = tpu.memref_squeeze %dma_wait3A_189 : memref<1x100x128xi32, #tpu.memory_space<hbm>> -> memref<100x128xi32, #tpu.memory_space<hbm>>
        %dma_wait3A_191 = arith.constant 0 : i32
        %dma_wait3A_192 = arith.constant 0 : i32
        %dma_wait3A_193 = tpu.memref_slice %arg6[%dma_wait3A_191, %dma_wait3A_192] : memref<160x128xi32, #tpu.memory_space<vmem>> -> memref<100x128xi32, #tpu.memory_space<vmem>>
        %dma_wait3A_194 = arith.constant 2400 : i32
        %dma_wait3A_195 = arith.constant 0 : i32
        %dma_wait3A_196 = tpu.memref_slice %arg3[%run_scoped3A_169, %dma_wait3A_194, %dma_wait3A_195] : memref<2x2500x128xi32, #tpu.memory_space<hbm>> -> memref<1x100x128xi32, #tpu.memory_space<hbm>>
        %dma_wait3A_197 = tpu.memref_squeeze %dma_wait3A_196 : memref<1x100x128xi32, #tpu.memory_space<hbm>> -> memref<100x128xi32, #tpu.memory_space<hbm>>
        tpu.wait_dma2 semaphore(%run_scoped3A_170 : memref<!tpu.dma_semaphore, #tpu.memory_space<semaphore_mem>>) src(%dma_wait3A_197 : memref<100x128xi32, #tpu.memory_space<hbm>>) dst(%dma_wait3A_193 : memref<100x128xi32, #tpu.memory_space<vmem>>)
        tpu.yield
      }) : () -> ()
    } else {
    }
    %scan3A = arith.constant 0 : i32
    %scan3A_10 = arith.constant 0 : i32
    %scan3A_11 = arith.constant 128 : i32
    %scan3A_12 = arith.addi %scan3A_10, %scan3A_11 : i32
    %scan3A_13 = arith.constant 1 : i32
    scf.for %scan3A_169 = %scan3A_10 to %scan3A_12 step %scan3A_13  : i32 {
      %broadcast_in_dim3A = arith.constant 0.000000e+00 : bf16
      %broadcast_in_dim3A_170 = vector.broadcast %broadcast_in_dim3A : bf16 to vector<32xbf16>
      %swap3A = arith.index_cast %scan3A_169 : i32 to index
      %swap3A_171 = arith.constant 0 : index
      %swap3A_172 = tpu.vector_load %arg7[%swap3A, %swap3A_171] {strides = array<i32>} : memref<128x64xbf16, #tpu.memory_space<vmem>>, vector<1x32xbf16>,
      %swap3A_173 = vector.shape_cast %swap3A_172 : vector<1x32xbf16> to vector<32xbf16>
      %swap3A_174 = vector.shape_cast %broadcast_in_dim3A_170 : vector<32xbf16> to vector<1x32xbf16>
      tpu.vector_store %arg7[%swap3A, %swap3A_171], %swap3A_174 {strides = array<i32>} : memref<128x64xbf16, #tpu.memory_space<vmem>>, vector<1x32xbf16>,
      %broadcast_in_dim3A_175 = arith.constant 0.000000e+00 : bf16
      %broadcast_in_dim3A_176 = vector.broadcast %broadcast_in_dim3A_175 : bf16 to vector<32xbf16>
      %swap3A_177 = arith.index_cast %scan3A_169 : i32 to index
      %swap3A_178 = arith.constant 32 : index
      %swap3A_179 = tpu.vector_load %arg7[%swap3A_177, %swap3A_178] {strides = array<i32>} : memref<128x64xbf16, #tpu.memory_space<vmem>>, vector<1x32xbf16>,
      %swap3A_180 = vector.shape_cast %swap3A_179 : vector<1x32xbf16> to vector<32xbf16>
      %swap3A_181 = vector.shape_cast %broadcast_in_dim3A_176 : vector<32xbf16> to vector<1x32xbf16>
      tpu.vector_store %arg7[%swap3A_177, %swap3A_178], %swap3A_181 {strides = array<i32>} : memref<128x64xbf16, #tpu.memory_space<vmem>>, vector<1x32xbf16>,
    }
    %scan3A_14 = arith.constant 128 : i32
    %scan3A_15 = arith.constant 0 : i32
    %scan3A_16 = arith.constant 0 : i32
    %scan3A_17 = arith.constant 4 : i32
    %scan3A_18 = arith.addi %scan3A_16, %scan3A_17 : i32
    %scan3A_19 = arith.constant 1 : i32
    scf.for %scan3A_169 = %scan3A_16 to %scan3A_18 step %scan3A_19  : i32 {
      %mul3A_170 = arith.constant 632 : i32
      %mul3A_171 = arith.muli %arg1, %mul3A_170 : i32
      %mul3A_172 = arith.constant 128 : i32
      %mul3A_173 = arith.muli %scan3A_169, %mul3A_172 : i32
      %add3A = arith.addi %mul3A_171, %mul3A_173 : i32
      "tpu.region"() ({
        %run_scoped3A = tpu.sem_alloc : memref<!tpu.dma_semaphore, #tpu.memory_space<semaphore_mem>>
        %dma_start3A_174 = arith.constant 0 : i32
        %dma_start3A_175 = tpu.memref_slice %arg18[%add3A, %dma_start3A_174] : memref<10000x64xbf16, #tpu.memory_space<vmem_shared>> -> memref<128x64xbf16, #tpu.memory_space<vmem_shared>>
        %dma_start3A_176 = arith.constant 0 : i32
        %dma_start3A_177 = tpu.memref_slice %arg18[%add3A, %dma_start3A_176] : memref<10000x64xbf16, #tpu.memory_space<vmem_shared>> -> memref<128x64xbf16, #tpu.memory_space<vmem_shared>>
        tpu.enqueue_dma source(%arg7 : memref<128x64xbf16, #tpu.memory_space<vmem>>) target(%dma_start3A_177 : memref<128x64xbf16, #tpu.memory_space<vmem_shared>>) target_semaphore(%run_scoped3A : memref<!tpu.dma_semaphore, #tpu.memory_space<semaphore_mem>>)
        %dma_wait3A = arith.constant 0 : i32
        %dma_wait3A_178 = tpu.memref_slice %arg18[%add3A, %dma_wait3A] : memref<10000x64xbf16, #tpu.memory_space<vmem_shared>> -> memref<128x64xbf16, #tpu.memory_space<vmem_shared>>
        %dma_wait3A_179 = arith.constant 0 : i32
        %dma_wait3A_180 = tpu.memref_slice %arg18[%add3A, %dma_wait3A_179] : memref<10000x64xbf16, #tpu.memory_space<vmem_shared>> -> memref<128x64xbf16, #tpu.memory_space<vmem_shared>>
        tpu.wait_dma2 semaphore(%run_scoped3A : memref<!tpu.dma_semaphore, #tpu.memory_space<semaphore_mem>>) src(%arg7 : memref<128x64xbf16, #tpu.memory_space<vmem>>) dst(%dma_wait3A_180 : memref<128x64xbf16, #tpu.memory_space<vmem_shared>>)
        tpu.yield
      }) : () -> ()
    }
    %scan3A_20 = arith.constant 4 : i32
    %lt3A_21 = arith.constant 15 : i32
    %lt3A_22 = arith.cmpi slt, %arg1, %lt3A_21 : i32
    %and3A = arith.constant true
    %and3A_23 = arith.andi %lt3A_22, %and3A : i1
    %convert_element_type3A_24 = arith.extui %and3A_23 : i1 to i32
    %cond3A_25 = arith.constant 0 : i32
    %cond3A_26 = arith.cmpi ne, %convert_element_type3A_24, %cond3A_25 : i32
    scf.if %cond3A_26 {
      %mul3A_169 = arith.constant 632 : i32
      %mul3A_170 = arith.muli %arg1, %mul3A_169 : i32
      %add3A = arith.constant 512 : i32
      %add3A_171 = arith.addi %mul3A_170, %add3A : i32
      "tpu.region"() ({
        %run_scoped3A = tpu.sem_alloc : memref<!tpu.dma_semaphore, #tpu.memory_space<semaphore_mem>>
        %dma_start3A_172 = arith.constant 0 : i32
        %dma_start3A_173 = arith.constant 0 : i32
        %dma_start3A_174 = tpu.memref_slice %arg7[%dma_start3A_172, %dma_start3A_173] : memref<128x64xbf16, #tpu.memory_space<vmem>> -> memref<120x64xbf16, #tpu.memory_space<vmem>>
        %dma_start3A_175 = arith.constant 0 : i32
        %dma_start3A_176 = tpu.memref_slice %arg18[%add3A_171, %dma_start3A_175] : memref<10000x64xbf16, #tpu.memory_space<vmem_shared>> -> memref<120x64xbf16, #tpu.memory_space<vmem_shared>>
        %dma_start3A_177 = arith.constant 0 : i32
        %dma_start3A_178 = tpu.memref_slice %arg18[%add3A_171, %dma_start3A_177] : memref<10000x64xbf16, #tpu.memory_space<vmem_shared>> -> memref<120x64xbf16, #tpu.memory_space<vmem_shared>>
        %dma_start3A_179 = arith.constant 0 : i32
        %dma_start3A_180 = arith.constant 0 : i32
        %dma_start3A_181 = tpu.memref_slice %arg7[%dma_start3A_179, %dma_start3A_180] : memref<128x64xbf16, #tpu.memory_space<vmem>> -> memref<120x64xbf16, #tpu.memory_space<vmem>>
        tpu.enqueue_dma source(%dma_start3A_181 : memref<120x64xbf16, #tpu.memory_space<vmem>>) target(%dma_start3A_178 : memref<120x64xbf16, #tpu.memory_space<vmem_shared>>) target_semaphore(%run_scoped3A : memref<!tpu.dma_semaphore, #tpu.memory_space<semaphore_mem>>)
        %dma_wait3A = arith.constant 0 : i32
        %dma_wait3A_182 = arith.constant 0 : i32
        %dma_wait3A_183 = tpu.memref_slice %arg7[%dma_wait3A, %dma_wait3A_182] : memref<128x64xbf16, #tpu.memory_space<vmem>> -> memref<120x64xbf16, #tpu.memory_space<vmem>>
        %dma_wait3A_184 = arith.constant 0 : i32
        %dma_wait3A_185 = tpu.memref_slice %arg18[%add3A_171, %dma_wait3A_184] : memref<10000x64xbf16, #tpu.memory_space<vmem_shared>> -> memref<120x64xbf16, #tpu.memory_space<vmem_shared>>
        %dma_wait3A_186 = arith.constant 0 : i32
        %dma_wait3A_187 = tpu.memref_slice %arg18[%add3A_171, %dma_wait3A_186] : memref<10000x64xbf16, #tpu.memory_space<vmem_shared>> -> memref<120x64xbf16, #tpu.memory_space<vmem_shared>>
        %dma_wait3A_188 = arith.constant 0 : i32
        %dma_wait3A_189 = arith.constant 0 : i32
        %dma_wait3A_190 = tpu.memref_slice %arg7[%dma_wait3A_188, %dma_wait3A_189] : memref<128x64xbf16, #tpu.memory_space<vmem>> -> memref<120x64xbf16, #tpu.memory_space<vmem>>
        tpu.wait_dma2 semaphore(%run_scoped3A : memref<!tpu.dma_semaphore, #tpu.memory_space<semaphore_mem>>) src(%dma_wait3A_190 : memref<120x64xbf16, #tpu.memory_space<vmem>>) dst(%dma_wait3A_187 : memref<120x64xbf16, #tpu.memory_space<vmem_shared>>)
        tpu.yield
      }) : () -> ()
    } else {
    }
    %eq3A_27 = arith.constant 15 : i32
    %eq3A_28 = arith.cmpi eq, %arg1, %eq3A_27 : i32
    %convert_element_type3A_29 = arith.extui %eq3A_28 : i1 to i32
    %cond3A_30 = arith.constant 0 : i32
    %cond3A_31 = arith.cmpi ne, %convert_element_type3A_29, %cond3A_30 : i32
    scf.if %cond3A_31 {
      "tpu.region"() ({
        %run_scoped3A = tpu.sem_alloc : memref<!tpu.dma_semaphore, #tpu.memory_space<semaphore_mem>>
        %dma_start3A_169 = arith.constant 0 : i32
        %dma_start3A_170 = arith.constant 0 : i32
        %dma_start3A_171 = tpu.memref_slice %arg7[%dma_start3A_169, %dma_start3A_170] : memref<128x64xbf16, #tpu.memory_space<vmem>> -> memref<8x64xbf16, #tpu.memory_space<vmem>>
        %dma_start3A_172 = arith.constant 9992 : i32
        %dma_start3A_173 = arith.constant 0 : i32
        %dma_start3A_174 = tpu.memref_slice %arg18[%dma_start3A_172, %dma_start3A_173] : memref<10000x64xbf16, #tpu.memory_space<vmem_shared>> -> memref<8x64xbf16, #tpu.memory_space<vmem_shared>>
        %dma_start3A_175 = arith.constant 9992 : i32
        %dma_start3A_176 = arith.constant 0 : i32
        %dma_start3A_177 = tpu.memref_slice %arg18[%dma_start3A_175, %dma_start3A_176] : memref<10000x64xbf16, #tpu.memory_space<vmem_shared>> -> memref<8x64xbf16, #tpu.memory_space<vmem_shared>>
        %dma_start3A_178 = arith.constant 0 : i32
        %dma_start3A_179 = arith.constant 0 : i32
        %dma_start3A_180 = tpu.memref_slice %arg7[%dma_start3A_178, %dma_start3A_179] : memref<128x64xbf16, #tpu.memory_space<vmem>> -> memref<8x64xbf16, #tpu.memory_space<vmem>>
        tpu.enqueue_dma source(%dma_start3A_180 : memref<8x64xbf16, #tpu.memory_space<vmem>>) target(%dma_start3A_177 : memref<8x64xbf16, #tpu.memory_space<vmem_shared>>) target_semaphore(%run_scoped3A : memref<!tpu.dma_semaphore, #tpu.memory_space<semaphore_mem>>)
        %dma_wait3A = arith.constant 0 : i32
        %dma_wait3A_181 = arith.constant 0 : i32
        %dma_wait3A_182 = tpu.memref_slice %arg7[%dma_wait3A, %dma_wait3A_181] : memref<128x64xbf16, #tpu.memory_space<vmem>> -> memref<8x64xbf16, #tpu.memory_space<vmem>>
        %dma_wait3A_183 = arith.constant 9992 : i32
        %dma_wait3A_184 = arith.constant 0 : i32
        %dma_wait3A_185 = tpu.memref_slice %arg18[%dma_wait3A_183, %dma_wait3A_184] : memref<10000x64xbf16, #tpu.memory_space<vmem_shared>> -> memref<8x64xbf16, #tpu.memory_space<vmem_shared>>
        %dma_wait3A_186 = arith.constant 9992 : i32
        %dma_wait3A_187 = arith.constant 0 : i32
        %dma_wait3A_188 = tpu.memref_slice %arg18[%dma_wait3A_186, %dma_wait3A_187] : memref<10000x64xbf16, #tpu.memory_space<vmem_shared>> -> memref<8x64xbf16, #tpu.memory_space<vmem_shared>>
        %dma_wait3A_189 = arith.constant 0 : i32
        %dma_wait3A_190 = arith.constant 0 : i32
        %dma_wait3A_191 = tpu.memref_slice %arg7[%dma_wait3A_189, %dma_wait3A_190] : memref<128x64xbf16, #tpu.memory_space<vmem>> -> memref<8x64xbf16, #tpu.memory_space<vmem>>
        tpu.wait_dma2 semaphore(%run_scoped3A : memref<!tpu.dma_semaphore, #tpu.memory_space<semaphore_mem>>) src(%dma_wait3A_191 : memref<8x64xbf16, #tpu.memory_space<vmem>>) dst(%dma_wait3A_188 : memref<8x64xbf16, #tpu.memory_space<vmem_shared>>)
        tpu.yield
      }) : () -> ()
    } else {
    }
    %barrier3A = arith.constant 0 : index
    tpu.barrier barrier_id(%barrier3A)
    %dma_start3A = arith.constant 0 : i32
    %dma_start3A_32 = arith.constant 0 : i32
    %dma_start3A_33 = tpu.memref_slice %arg5[%dma_start3A, %dma_start3A_32] : memref<160x128xi32, #tpu.memory_space<vmem>> -> memref<1x128xi32, #tpu.memory_space<vmem>>
    %dma_start3A_34 = tpu.memref_squeeze %dma_start3A_33 : memref<1x128xi32, #tpu.memory_space<vmem>> -> memref<128xi32, #tpu.memory_space<vmem>>
    %dma_start3A_35 = arith.constant 0 : i32
    %dma_start3A_36 = arith.constant 0 : i32
    %dma_start3A_37 = tpu.memref_slice %arg2[%arg0, %dma_start3A_35, %dma_start3A_36] : memref<2x10000x64xbf16, #tpu.memory_space<hbm>> -> memref<1x10000x64xbf16, #tpu.memory_space<hbm>>
    %dma_start3A_38 = tpu.memref_squeeze %dma_start3A_37 : memref<1x10000x64xbf16, #tpu.memory_space<hbm>> -> memref<10000x64xbf16, #tpu.memory_space<hbm>>
    %dma_start3A_39 = arith.constant 0 : i32
    %dma_start3A_40 = arith.constant 0 : i32
    %dma_start3A_41 = tpu.memref_slice %dma_start3A_38[%dma_start3A_39, %dma_start3A_40] : memref<10000x64xbf16, #tpu.memory_space<hbm>> -> memref<10000x64xbf16, #tpu.memory_space<hbm>>
    tpu.enqueue_indirect_dma source(%dma_start3A_41 : memref<10000x64xbf16, #tpu.memory_space<hbm>>) target(%arg8 : memref<128x64xbf16, #tpu.memory_space<vmem>>) offsets(%dma_start3A_34 : memref<128xi32, #tpu.memory_space<vmem>>) semaphore(%arg19 : memref<!tpu.dma_semaphore, #tpu.memory_space<semaphore_mem>>)
    %dma_start3A_42 = arith.constant 1 : i32
    %dma_start3A_43 = arith.constant 0 : i32
    %dma_start3A_44 = tpu.memref_slice %arg5[%dma_start3A_42, %dma_start3A_43] : memref<160x128xi32, #tpu.memory_space<vmem>> -> memref<1x128xi32, #tpu.memory_space<vmem>>
    %dma_start3A_45 = tpu.memref_squeeze %dma_start3A_44 : memref<1x128xi32, #tpu.memory_space<vmem>> -> memref<128xi32, #tpu.memory_space<vmem>>
    %dma_start3A_46 = arith.constant 0 : i32
    %dma_start3A_47 = arith.constant 0 : i32
    %dma_start3A_48 = tpu.memref_slice %arg2[%arg0, %dma_start3A_46, %dma_start3A_47] : memref<2x10000x64xbf16, #tpu.memory_space<hbm>> -> memref<1x10000x64xbf16, #tpu.memory_space<hbm>>
    %dma_start3A_49 = tpu.memref_squeeze %dma_start3A_48 : memref<1x10000x64xbf16, #tpu.memory_space<hbm>> -> memref<10000x64xbf16, #tpu.memory_space<hbm>>
    %dma_start3A_50 = arith.constant 0 : i32
    %dma_start3A_51 = arith.constant 0 : i32
    %dma_start3A_52 = tpu.memref_slice %dma_start3A_49[%dma_start3A_50, %dma_start3A_51] : memref<10000x64xbf16, #tpu.memory_space<hbm>> -> memref<10000x64xbf16, #tpu.memory_space<hbm>>
    tpu.enqueue_indirect_dma source(%dma_start3A_52 : memref<10000x64xbf16, #tpu.memory_space<hbm>>) target(%arg9 : memref<128x64xbf16, #tpu.memory_space<vmem>>) offsets(%dma_start3A_45 : memref<128xi32, #tpu.memory_space<vmem>>) semaphore(%arg20 : memref<!tpu.dma_semaphore, #tpu.memory_space<semaphore_mem>>)
    %dma_start3A_53 = arith.constant 2 : i32
    %dma_start3A_54 = arith.constant 0 : i32
    %dma_start3A_55 = tpu.memref_slice %arg5[%dma_start3A_53, %dma_start3A_54] : memref<160x128xi32, #tpu.memory_space<vmem>> -> memref<1x128xi32, #tpu.memory_space<vmem>>
    %dma_start3A_56 = tpu.memref_squeeze %dma_start3A_55 : memref<1x128xi32, #tpu.memory_space<vmem>> -> memref<128xi32, #tpu.memory_space<vmem>>
    %dma_start3A_57 = arith.constant 0 : i32
    %dma_start3A_58 = arith.constant 0 : i32
    %dma_start3A_59 = tpu.memref_slice %arg2[%arg0, %dma_start3A_57, %dma_start3A_58] : memref<2x10000x64xbf16, #tpu.memory_space<hbm>> -> memref<1x10000x64xbf16, #tpu.memory_space<hbm>>
    %dma_start3A_60 = tpu.memref_squeeze %dma_start3A_59 : memref<1x10000x64xbf16, #tpu.memory_space<hbm>> -> memref<10000x64xbf16, #tpu.memory_space<hbm>>
    %dma_start3A_61 = arith.constant 0 : i32
    %dma_start3A_62 = arith.constant 0 : i32
    %dma_start3A_63 = tpu.memref_slice %dma_start3A_60[%dma_start3A_61, %dma_start3A_62] : memref<10000x64xbf16, #tpu.memory_space<hbm>> -> memref<10000x64xbf16, #tpu.memory_space<hbm>>
    tpu.enqueue_indirect_dma source(%dma_start3A_63 : memref<10000x64xbf16, #tpu.memory_space<hbm>>) target(%arg10 : memref<128x64xbf16, #tpu.memory_space<vmem>>) offsets(%dma_start3A_56 : memref<128xi32, #tpu.memory_space<vmem>>) semaphore(%arg21 : memref<!tpu.dma_semaphore, #tpu.memory_space<semaphore_mem>>)
    %dma_start3A_64 = arith.constant 3 : i32
    %dma_start3A_65 = arith.constant 0 : i32
    %dma_start3A_66 = tpu.memref_slice %arg5[%dma_start3A_64, %dma_start3A_65] : memref<160x128xi32, #tpu.memory_space<vmem>> -> memref<1x128xi32, #tpu.memory_space<vmem>>
    %dma_start3A_67 = tpu.memref_squeeze %dma_start3A_66 : memref<1x128xi32, #tpu.memory_space<vmem>> -> memref<128xi32, #tpu.memory_space<vmem>>
    %dma_start3A_68 = arith.constant 0 : i32
    %dma_start3A_69 = arith.constant 0 : i32
    %dma_start3A_70 = tpu.memref_slice %arg2[%arg0, %dma_start3A_68, %dma_start3A_69] : memref<2x10000x64xbf16, #tpu.memory_space<hbm>> -> memref<1x10000x64xbf16, #tpu.memory_space<hbm>>
    %dma_start3A_71 = tpu.memref_squeeze %dma_start3A_70 : memref<1x10000x64xbf16, #tpu.memory_space<hbm>> -> memref<10000x64xbf16, #tpu.memory_space<hbm>>
    %dma_start3A_72 = arith.constant 0 : i32
    %dma_start3A_73 = arith.constant 0 : i32
    %dma_start3A_74 = tpu.memref_slice %dma_start3A_71[%dma_start3A_72, %dma_start3A_73] : memref<10000x64xbf16, #tpu.memory_space<hbm>> -> memref<10000x64xbf16, #tpu.memory_space<hbm>>
    tpu.enqueue_indirect_dma source(%dma_start3A_74 : memref<10000x64xbf16, #tpu.memory_space<hbm>>) target(%arg11 : memref<128x64xbf16, #tpu.memory_space<vmem>>) offsets(%dma_start3A_67 : memref<128xi32, #tpu.memory_space<vmem>>) semaphore(%arg22 : memref<!tpu.dma_semaphore, #tpu.memory_space<semaphore_mem>>)
    %dma_start3A_75 = arith.constant 4 : i32
    %dma_start3A_76 = arith.constant 0 : i32
    %dma_start3A_77 = tpu.memref_slice %arg5[%dma_start3A_75, %dma_start3A_76] : memref<160x128xi32, #tpu.memory_space<vmem>> -> memref<1x128xi32, #tpu.memory_space<vmem>>
    %dma_start3A_78 = tpu.memref_squeeze %dma_start3A_77 : memref<1x128xi32, #tpu.memory_space<vmem>> -> memref<128xi32, #tpu.memory_space<vmem>>
    %dma_start3A_79 = arith.constant 0 : i32
    %dma_start3A_80 = arith.constant 0 : i32
    %dma_start3A_81 = tpu.memref_slice %arg2[%arg0, %dma_start3A_79, %dma_start3A_80] : memref<2x10000x64xbf16, #tpu.memory_space<hbm>> -> memref<1x10000x64xbf16, #tpu.memory_space<hbm>>
    %dma_start3A_82 = tpu.memref_squeeze %dma_start3A_81 : memref<1x10000x64xbf16, #tpu.memory_space<hbm>> -> memref<10000x64xbf16, #tpu.memory_space<hbm>>
    %dma_start3A_83 = arith.constant 0 : i32
    %dma_start3A_84 = arith.constant 0 : i32
    %dma_start3A_85 = tpu.memref_slice %dma_start3A_82[%dma_start3A_83, %dma_start3A_84] : memref<10000x64xbf16, #tpu.memory_space<hbm>> -> memref<10000x64xbf16, #tpu.memory_space<hbm>>
    tpu.enqueue_indirect_dma source(%dma_start3A_85 : memref<10000x64xbf16, #tpu.memory_space<hbm>>) target(%arg12 : memref<128x64xbf16, #tpu.memory_space<vmem>>) offsets(%dma_start3A_78 : memref<128xi32, #tpu.memory_space<vmem>>) semaphore(%arg23 : memref<!tpu.dma_semaphore, #tpu.memory_space<semaphore_mem>>)
    %dma_start3A_86 = arith.constant 5 : i32
    %dma_start3A_87 = arith.constant 0 : i32
    %dma_start3A_88 = tpu.memref_slice %arg5[%dma_start3A_86, %dma_start3A_87] : memref<160x128xi32, #tpu.memory_space<vmem>> -> memref<1x128xi32, #tpu.memory_space<vmem>>
    %dma_start3A_89 = tpu.memref_squeeze %dma_start3A_88 : memref<1x128xi32, #tpu.memory_space<vmem>> -> memref<128xi32, #tpu.memory_space<vmem>>
    %dma_start3A_90 = arith.constant 0 : i32
    %dma_start3A_91 = arith.constant 0 : i32
    %dma_start3A_92 = tpu.memref_slice %arg2[%arg0, %dma_start3A_90, %dma_start3A_91] : memref<2x10000x64xbf16, #tpu.memory_space<hbm>> -> memref<1x10000x64xbf16, #tpu.memory_space<hbm>>
    %dma_start3A_93 = tpu.memref_squeeze %dma_start3A_92 : memref<1x10000x64xbf16, #tpu.memory_space<hbm>> -> memref<10000x64xbf16, #tpu.memory_space<hbm>>
    %dma_start3A_94 = arith.constant 0 : i32
    %dma_start3A_95 = arith.constant 0 : i32
    %dma_start3A_96 = tpu.memref_slice %dma_start3A_93[%dma_start3A_94, %dma_start3A_95] : memref<10000x64xbf16, #tpu.memory_space<hbm>> -> memref<10000x64xbf16, #tpu.memory_space<hbm>>
    tpu.enqueue_indirect_dma source(%dma_start3A_96 : memref<10000x64xbf16, #tpu.memory_space<hbm>>) target(%arg13 : memref<128x64xbf16, #tpu.memory_space<vmem>>) offsets(%dma_start3A_89 : memref<128xi32, #tpu.memory_space<vmem>>) semaphore(%arg24 : memref<!tpu.dma_semaphore, #tpu.memory_space<semaphore_mem>>)
    %dma_start3A_97 = arith.constant 6 : i32
    %dma_start3A_98 = arith.constant 0 : i32
    %dma_start3A_99 = tpu.memref_slice %arg5[%dma_start3A_97, %dma_start3A_98] : memref<160x128xi32, #tpu.memory_space<vmem>> -> memref<1x128xi32, #tpu.memory_space<vmem>>
    %dma_start3A_100 = tpu.memref_squeeze %dma_start3A_99 : memref<1x128xi32, #tpu.memory_space<vmem>> -> memref<128xi32, #tpu.memory_space<vmem>>
    %dma_start3A_101 = arith.constant 0 : i32
    %dma_start3A_102 = arith.constant 0 : i32
    %dma_start3A_103 = tpu.memref_slice %arg2[%arg0, %dma_start3A_101, %dma_start3A_102] : memref<2x10000x64xbf16, #tpu.memory_space<hbm>> -> memref<1x10000x64xbf16, #tpu.memory_space<hbm>>
    %dma_start3A_104 = tpu.memref_squeeze %dma_start3A_103 : memref<1x10000x64xbf16, #tpu.memory_space<hbm>> -> memref<10000x64xbf16, #tpu.memory_space<hbm>>
    %dma_start3A_105 = arith.constant 0 : i32
    %dma_start3A_106 = arith.constant 0 : i32
    %dma_start3A_107 = tpu.memref_slice %dma_start3A_104[%dma_start3A_105, %dma_start3A_106] : memref<10000x64xbf16, #tpu.memory_space<hbm>> -> memref<10000x64xbf16, #tpu.memory_space<hbm>>
    tpu.enqueue_indirect_dma source(%dma_start3A_107 : memref<10000x64xbf16, #tpu.memory_space<hbm>>) target(%arg14 : memref<128x64xbf16, #tpu.memory_space<vmem>>) offsets(%dma_start3A_100 : memref<128xi32, #tpu.memory_space<vmem>>) semaphore(%arg25 : memref<!tpu.dma_semaphore, #tpu.memory_space<semaphore_mem>>)
    %dma_start3A_108 = arith.constant 7 : i32
    %dma_start3A_109 = arith.constant 0 : i32
    %dma_start3A_110 = tpu.memref_slice %arg5[%dma_start3A_108, %dma_start3A_109] : memref<160x128xi32, #tpu.memory_space<vmem>> -> memref<1x128xi32, #tpu.memory_space<vmem>>
    %dma_start3A_111 = tpu.memref_squeeze %dma_start3A_110 : memref<1x128xi32, #tpu.memory_space<vmem>> -> memref<128xi32, #tpu.memory_space<vmem>>
    %dma_start3A_112 = arith.constant 0 : i32
    %dma_start3A_113 = arith.constant 0 : i32
    %dma_start3A_114 = tpu.memref_slice %arg2[%arg0, %dma_start3A_112, %dma_start3A_113] : memref<2x10000x64xbf16, #tpu.memory_space<hbm>> -> memref<1x10000x64xbf16, #tpu.memory_space<hbm>>
    %dma_start3A_115 = tpu.memref_squeeze %dma_start3A_114 : memref<1x10000x64xbf16, #tpu.memory_space<hbm>> -> memref<10000x64xbf16, #tpu.memory_space<hbm>>
    %dma_start3A_116 = arith.constant 0 : i32
    %dma_start3A_117 = arith.constant 0 : i32
    %dma_start3A_118 = tpu.memref_slice %dma_start3A_115[%dma_start3A_116, %dma_start3A_117] : memref<10000x64xbf16, #tpu.memory_space<hbm>> -> memref<10000x64xbf16, #tpu.memory_space<hbm>>
    tpu.enqueue_indirect_dma source(%dma_start3A_118 : memref<10000x64xbf16, #tpu.memory_space<hbm>>) target(%arg15 : memref<128x64xbf16, #tpu.memory_space<vmem>>) offsets(%dma_start3A_111 : memref<128xi32, #tpu.memory_space<vmem>>) semaphore(%arg26 : memref<!tpu.dma_semaphore, #tpu.memory_space<semaphore_mem>>)
    %dma_start3A_119 = arith.constant 8 : i32
    %dma_start3A_120 = arith.constant 0 : i32
    %dma_start3A_121 = tpu.memref_slice %arg5[%dma_start3A_119, %dma_start3A_120] : memref<160x128xi32, #tpu.memory_space<vmem>> -> memref<1x128xi32, #tpu.memory_space<vmem>>
    %dma_start3A_122 = tpu.memref_squeeze %dma_start3A_121 : memref<1x128xi32, #tpu.memory_space<vmem>> -> memref<128xi32, #tpu.memory_space<vmem>>
    %dma_start3A_123 = arith.constant 0 : i32
    %dma_start3A_124 = arith.constant 0 : i32
    %dma_start3A_125 = tpu.memref_slice %arg2[%arg0, %dma_start3A_123, %dma_start3A_124] : memref<2x10000x64xbf16, #tpu.memory_space<hbm>> -> memref<1x10000x64xbf16, #tpu.memory_space<hbm>>
    %dma_start3A_126 = tpu.memref_squeeze %dma_start3A_125 : memref<1x10000x64xbf16, #tpu.memory_space<hbm>> -> memref<10000x64xbf16, #tpu.memory_space<hbm>>
    %dma_start3A_127 = arith.constant 0 : i32
    %dma_start3A_128 = arith.constant 0 : i32
    %dma_start3A_129 = tpu.memref_slice %dma_start3A_126[%dma_start3A_127, %dma_start3A_128] : memref<10000x64xbf16, #tpu.memory_space<hbm>> -> memref<10000x64xbf16, #tpu.memory_space<hbm>>
    tpu.enqueue_indirect_dma source(%dma_start3A_129 : memref<10000x64xbf16, #tpu.memory_space<hbm>>) target(%arg16 : memref<128x64xbf16, #tpu.memory_space<vmem>>) offsets(%dma_start3A_122 : memref<128xi32, #tpu.memory_space<vmem>>) semaphore(%arg27 : memref<!tpu.dma_semaphore, #tpu.memory_space<semaphore_mem>>)
    %jit3A = arith.constant 10 : i32
    %div3A = arith.divsi %select_n3A_2, %jit3A : i32
    %sign3A = arith.constant 0 : i32
    %sign3A_130 = arith.cmpi sgt, %select_n3A_2, %sign3A : i32
    %sign3A_131 = arith.extui %sign3A_130 : i1 to i32
    %sign3A_132 = arith.constant 0 : i32
    %sign3A_133 = arith.cmpi slt, %select_n3A_2, %sign3A_132 : i32
    %sign3A_134 = arith.extui %sign3A_133 : i1 to i32
    %sign3A_135 = arith.subi %sign3A_131, %sign3A_134 : i32
    %sign3A_136 = arith.constant 0 : i32
    %sign3A_137 = arith.cmpi sgt, %jit3A, %sign3A_136 : i32
    %sign3A_138 = arith.extui %sign3A_137 : i1 to i32
    %sign3A_139 = arith.constant 0 : i32
    %sign3A_140 = arith.cmpi slt, %jit3A, %sign3A_139 : i32
    %sign3A_141 = arith.extui %sign3A_140 : i1 to i32
    %sign3A_142 = arith.subi %sign3A_138, %sign3A_141 : i32
    %ne3A = arith.cmpi ne, %sign3A_135, %sign3A_142 : i32
    %rem3A = arith.remsi %select_n3A_2, %jit3A : i32
    %ne3A_143 = arith.constant 0 : i32
    %ne3A_144 = arith.cmpi ne, %rem3A, %ne3A_143 : i32
    %and3A_145 = arith.andi %ne3A, %ne3A_144 : i1
    %sub3A = arith.constant 1 : i32
    %sub3A_146 = arith.subi %div3A, %sub3A : i32
    %select_n3A_147 = arith.select %and3A_145, %sub3A_146, %div3A : i32
    %while3A = arith.constant 0 : i32
    %while3A_148 = arith.constant 0 : i32
    %while3A_149 = arith.subi %select_n3A_147, %while3A_148 : i32
    %while3A_150 = arith.addi %while3A_148, %while3A_149 : i32
    %while3A_151 = arith.constant 1 : i32
    %while3A_152 = arith.divsi %while3A_149, %while3A_151 : i32
    %while3A_153 = arith.muli %while3A_152, %while3A_151 : i32
    %while3A_154 = arith.addi %while3A_148, %while3A_153 : i32
    %while3A_155 = arith.constant 1 : i32
    scf.for %while3A_169 = %while3A_148 to %while3A_154 step %while3A_155  : i32 {
      %mul3A_170 = arith.constant 10 : i32
      %mul3A_171 = arith.muli %while3A_169, %mul3A_170 : i32
      %add3A = arith.constant 0 : i32
      %add3A_172 = arith.addi %mul3A_171, %add3A : i32
      %dma_wait3A = arith.constant 0 : i32
      %dma_wait3A_173 = tpu.memref_slice %arg5[%add3A_172, %dma_wait3A] : memref<160x128xi32, #tpu.memory_space<vmem>> -> memref<1x128xi32, #tpu.memory_space<vmem>>
      %dma_wait3A_174 = tpu.memref_squeeze %dma_wait3A_173 : memref<1x128xi32, #tpu.memory_space<vmem>> -> memref<128xi32, #tpu.memory_space<vmem>>
      %dma_wait3A_175 = arith.constant 0 : i32
      %dma_wait3A_176 = arith.constant 0 : i32
      %dma_wait3A_177 = tpu.memref_slice %arg2[%arg0, %dma_wait3A_175, %dma_wait3A_176] : memref<2x10000x64xbf16, #tpu.memory_space<hbm>> -> memref<1x10000x64xbf16, #tpu.memory_space<hbm>>
      %dma_wait3A_178 = tpu.memref_squeeze %dma_wait3A_177 : memref<1x10000x64xbf16, #tpu.memory_space<hbm>> -> memref<10000x64xbf16, #tpu.memory_space<hbm>>
      %dma_wait3A_179 = arith.constant 0 : i32
      %dma_wait3A_180 = arith.constant 0 : i32
      %dma_wait3A_181 = tpu.memref_slice %dma_wait3A_178[%dma_wait3A_179, %dma_wait3A_180] : memref<10000x64xbf16, #tpu.memory_space<hbm>> -> memref<10000x64xbf16, #tpu.memory_space<hbm>>
      tpu.wait_indirect_dma semaphore(%arg19 : memref<!tpu.dma_semaphore, #tpu.memory_space<semaphore_mem>>) src(%dma_wait3A_181 : memref<10000x64xbf16, #tpu.memory_space<hbm>>) dst(%arg8 : memref<128x64xbf16, #tpu.memory_space<vmem>>)
      %add3A_182 = arith.constant 10 : i32
      %add3A_183 = arith.addi %add3A_172, %add3A_182 : i32
      %sub3A_184 = arith.constant 1 : i32
      %sub3A_185 = arith.subi %add3A_183, %sub3A_184 : i32
      %lt3A_186 = arith.cmpi slt, %sub3A_185, %select_n3A_2 : i32
      %convert_element_type3A_187 = arith.extui %lt3A_186 : i1 to i32
      %cond3A_188 = arith.constant 0 : i32
      %cond3A_189 = arith.cmpi ne, %convert_element_type3A_187, %cond3A_188 : i32
      scf.if %cond3A_189 {
        %add3A_388 = arith.constant 10 : i32
        %add3A_389 = arith.addi %add3A_172, %add3A_388 : i32
        %sub3A_390 = arith.constant 1 : i32
        %sub3A_391 = arith.subi %add3A_389, %sub3A_390 : i32
        %dma_start3A_392 = arith.constant 0 : i32
        %dma_start3A_393 = tpu.memref_slice %arg5[%sub3A_391, %dma_start3A_392] : memref<160x128xi32, #tpu.memory_space<vmem>> -> memref<1x128xi32, #tpu.memory_space<vmem>>
        %dma_start3A_394 = tpu.memref_squeeze %dma_start3A_393 : memref<1x128xi32, #tpu.memory_space<vmem>> -> memref<128xi32, #tpu.memory_space<vmem>>
        %dma_start3A_395 = arith.constant 0 : i32
        %dma_start3A_396 = arith.constant 0 : i32
        %dma_start3A_397 = tpu.memref_slice %arg2[%arg0, %dma_start3A_395, %dma_start3A_396] : memref<2x10000x64xbf16, #tpu.memory_space<hbm>> -> memref<1x10000x64xbf16, #tpu.memory_space<hbm>>
        %dma_start3A_398 = tpu.memref_squeeze %dma_start3A_397 : memref<1x10000x64xbf16, #tpu.memory_space<hbm>> -> memref<10000x64xbf16, #tpu.memory_space<hbm>>
        %dma_start3A_399 = arith.constant 0 : i32
        %dma_start3A_400 = arith.constant 0 : i32
        %dma_start3A_401 = tpu.memref_slice %dma_start3A_398[%dma_start3A_399, %dma_start3A_400] : memref<10000x64xbf16, #tpu.memory_space<hbm>> -> memref<10000x64xbf16, #tpu.memory_space<hbm>>
        tpu.enqueue_indirect_dma source(%dma_start3A_401 : memref<10000x64xbf16, #tpu.memory_space<hbm>>) target(%arg17 : memref<128x64xbf16, #tpu.memory_space<vmem>>) offsets(%dma_start3A_394 : memref<128xi32, #tpu.memory_space<vmem>>) semaphore(%arg28 : memref<!tpu.dma_semaphore, #tpu.memory_space<semaphore_mem>>)
      } else {
      }
      "tpu.region"() ({
        %run_scoped3A = tpu.sem_alloc : memref<!tpu.dma_semaphore, #tpu.memory_space<semaphore_mem>>
        %dma_start3A_388 = arith.constant 0 : i32
        %dma_start3A_389 = tpu.memref_slice %arg6[%add3A_172, %dma_start3A_388] : memref<160x128xi32, #tpu.memory_space<vmem>> -> memref<1x128xi32, #tpu.memory_space<vmem>>
        %dma_start3A_390 = tpu.memref_squeeze %dma_start3A_389 : memref<1x128xi32, #tpu.memory_space<vmem>> -> memref<128xi32, #tpu.memory_space<vmem>>
        %dma_start3A_391 = arith.constant 0 : i32
        %dma_start3A_392 = arith.constant 0 : i32
        %dma_start3A_393 = tpu.memref_slice %arg18[%dma_start3A_391, %dma_start3A_392] : memref<10000x64xbf16, #tpu.memory_space<vmem_shared>> -> memref<10000x64xbf16, #tpu.memory_space<vmem_shared>>
        tpu.enqueue_indirect_dma source(%arg8 : memref<128x64xbf16, #tpu.memory_space<vmem>>) target(%dma_start3A_393 : memref<10000x64xbf16, #tpu.memory_space<vmem_shared>>) offsets(%dma_start3A_390 : memref<128xi32, #tpu.memory_space<vmem>>) semaphore(%run_scoped3A : memref<!tpu.dma_semaphore, #tpu.memory_space<semaphore_mem>>) {add = true}
        %dma_wait3A_394 = arith.constant 0 : i32
        %dma_wait3A_395 = tpu.memref_slice %arg6[%add3A_172, %dma_wait3A_394] : memref<160x128xi32, #tpu.memory_space<vmem>> -> memref<1x128xi32, #tpu.memory_space<vmem>>
        %dma_wait3A_396 = tpu.memref_squeeze %dma_wait3A_395 : memref<1x128xi32, #tpu.memory_space<vmem>> -> memref<128xi32, #tpu.memory_space<vmem>>
        %dma_wait3A_397 = arith.constant 0 : i32
        %dma_wait3A_398 = arith.constant 0 : i32
        %dma_wait3A_399 = tpu.memref_slice %arg18[%dma_wait3A_397, %dma_wait3A_398] : memref<10000x64xbf16, #tpu.memory_space<vmem_shared>> -> memref<10000x64xbf16, #tpu.memory_space<vmem_shared>>
        tpu.wait_indirect_dma semaphore(%run_scoped3A : memref<!tpu.dma_semaphore, #tpu.memory_space<semaphore_mem>>) src(%arg8 : memref<128x64xbf16, #tpu.memory_space<vmem>>) dst(%dma_wait3A_399 : memref<10000x64xbf16, #tpu.memory_space<vmem_shared>>)
        tpu.yield
      }) : () -> ()
      %mul3A_190 = arith.constant 10 : i32
      %mul3A_191 = arith.muli %while3A_169, %mul3A_190 : i32
      %add3A_192 = arith.constant 1 : i32
      %add3A_193 = arith.addi %mul3A_191, %add3A_192 : i32
      %dma_wait3A_194 = arith.constant 0 : i32
      %dma_wait3A_195 = tpu.memref_slice %arg5[%add3A_193, %dma_wait3A_194] : memref<160x128xi32, #tpu.memory_space<vmem>> -> memref<1x128xi32, #tpu.memory_space<vmem>>
      %dma_wait3A_196 = tpu.memref_squeeze %dma_wait3A_195 : memref<1x128xi32, #tpu.memory_space<vmem>> -> memref<128xi32, #tpu.memory_space<vmem>>
      %dma_wait3A_197 = arith.constant 0 : i32
      %dma_wait3A_198 = arith.constant 0 : i32
      %dma_wait3A_199 = tpu.memref_slice %arg2[%arg0, %dma_wait3A_197, %dma_wait3A_198] : memref<2x10000x64xbf16, #tpu.memory_space<hbm>> -> memref<1x10000x64xbf16, #tpu.memory_space<hbm>>
      %dma_wait3A_200 = tpu.memref_squeeze %dma_wait3A_199 : memref<1x10000x64xbf16, #tpu.memory_space<hbm>> -> memref<10000x64xbf16, #tpu.memory_space<hbm>>
      %dma_wait3A_201 = arith.constant 0 : i32
      %dma_wait3A_202 = arith.constant 0 : i32
      %dma_wait3A_203 = tpu.memref_slice %dma_wait3A_200[%dma_wait3A_201, %dma_wait3A_202] : memref<10000x64xbf16, #tpu.memory_space<hbm>> -> memref<10000x64xbf16, #tpu.memory_space<hbm>>
      tpu.wait_indirect_dma semaphore(%arg20 : memref<!tpu.dma_semaphore, #tpu.memory_space<semaphore_mem>>) src(%dma_wait3A_203 : memref<10000x64xbf16, #tpu.memory_space<hbm>>) dst(%arg9 : memref<128x64xbf16, #tpu.memory_space<vmem>>)
      %add3A_204 = arith.constant 10 : i32
      %add3A_205 = arith.addi %add3A_193, %add3A_204 : i32
      %sub3A_206 = arith.constant 1 : i32
      %sub3A_207 = arith.subi %add3A_205, %sub3A_206 : i32
      %lt3A_208 = arith.cmpi slt, %sub3A_207, %select_n3A_2 : i32
      %convert_element_type3A_209 = arith.extui %lt3A_208 : i1 to i32
      %cond3A_210 = arith.constant 0 : i32
      %cond3A_211 = arith.cmpi ne, %convert_element_type3A_209, %cond3A_210 : i32
      scf.if %cond3A_211 {
        %add3A_388 = arith.constant 10 : i32
        %add3A_389 = arith.addi %add3A_193, %add3A_388 : i32
        %sub3A_390 = arith.constant 1 : i32
        %sub3A_391 = arith.subi %add3A_389, %sub3A_390 : i32
        %dma_start3A_392 = arith.constant 0 : i32
        %dma_start3A_393 = tpu.memref_slice %arg5[%sub3A_391, %dma_start3A_392] : memref<160x128xi32, #tpu.memory_space<vmem>> -> memref<1x128xi32, #tpu.memory_space<vmem>>
        %dma_start3A_394 = tpu.memref_squeeze %dma_start3A_393 : memref<1x128xi32, #tpu.memory_space<vmem>> -> memref<128xi32, #tpu.memory_space<vmem>>
        %dma_start3A_395 = arith.constant 0 : i32
        %dma_start3A_396 = arith.constant 0 : i32
        %dma_start3A_397 = tpu.memref_slice %arg2[%arg0, %dma_start3A_395, %dma_start3A_396] : memref<2x10000x64xbf16, #tpu.memory_space<hbm>> -> memref<1x10000x64xbf16, #tpu.memory_space<hbm>>
        %dma_start3A_398 = tpu.memref_squeeze %dma_start3A_397 : memref<1x10000x64xbf16, #tpu.memory_space<hbm>> -> memref<10000x64xbf16, #tpu.memory_space<hbm>>
        %dma_start3A_399 = arith.constant 0 : i32
        %dma_start3A_400 = arith.constant 0 : i32
        %dma_start3A_401 = tpu.memref_slice %dma_start3A_398[%dma_start3A_399, %dma_start3A_400] : memref<10000x64xbf16, #tpu.memory_space<hbm>> -> memref<10000x64xbf16, #tpu.memory_space<hbm>>
        tpu.enqueue_indirect_dma source(%dma_start3A_401 : memref<10000x64xbf16, #tpu.memory_space<hbm>>) target(%arg8 : memref<128x64xbf16, #tpu.memory_space<vmem>>) offsets(%dma_start3A_394 : memref<128xi32, #tpu.memory_space<vmem>>) semaphore(%arg19 : memref<!tpu.dma_semaphore, #tpu.memory_space<semaphore_mem>>)
      } else {
      }
      "tpu.region"() ({
        %run_scoped3A = tpu.sem_alloc : memref<!tpu.dma_semaphore, #tpu.memory_space<semaphore_mem>>
        %dma_start3A_388 = arith.constant 0 : i32
        %dma_start3A_389 = tpu.memref_slice %arg6[%add3A_193, %dma_start3A_388] : memref<160x128xi32, #tpu.memory_space<vmem>> -> memref<1x128xi32, #tpu.memory_space<vmem>>
        %dma_start3A_390 = tpu.memref_squeeze %dma_start3A_389 : memref<1x128xi32, #tpu.memory_space<vmem>> -> memref<128xi32, #tpu.memory_space<vmem>>
        %dma_start3A_391 = arith.constant 0 : i32
        %dma_start3A_392 = arith.constant 0 : i32
        %dma_start3A_393 = tpu.memref_slice %arg18[%dma_start3A_391, %dma_start3A_392] : memref<10000x64xbf16, #tpu.memory_space<vmem_shared>> -> memref<10000x64xbf16, #tpu.memory_space<vmem_shared>>
        tpu.enqueue_indirect_dma source(%arg9 : memref<128x64xbf16, #tpu.memory_space<vmem>>) target(%dma_start3A_393 : memref<10000x64xbf16, #tpu.memory_space<vmem_shared>>) offsets(%dma_start3A_390 : memref<128xi32, #tpu.memory_space<vmem>>) semaphore(%run_scoped3A : memref<!tpu.dma_semaphore, #tpu.memory_space<semaphore_mem>>) {add = true}
        %dma_wait3A_394 = arith.constant 0 : i32
        %dma_wait3A_395 = tpu.memref_slice %arg6[%add3A_193, %dma_wait3A_394] : memref<160x128xi32, #tpu.memory_space<vmem>> -> memref<1x128xi32, #tpu.memory_space<vmem>>
        %dma_wait3A_396 = tpu.memref_squeeze %dma_wait3A_395 : memref<1x128xi32, #tpu.memory_space<vmem>> -> memref<128xi32, #tpu.memory_space<vmem>>
        %dma_wait3A_397 = arith.constant 0 : i32
        %dma_wait3A_398 = arith.constant 0 : i32
        %dma_wait3A_399 = tpu.memref_slice %arg18[%dma_wait3A_397, %dma_wait3A_398] : memref<10000x64xbf16, #tpu.memory_space<vmem_shared>> -> memref<10000x64xbf16, #tpu.memory_space<vmem_shared>>
        tpu.wait_indirect_dma semaphore(%run_scoped3A : memref<!tpu.dma_semaphore, #tpu.memory_space<semaphore_mem>>) src(%arg9 : memref<128x64xbf16, #tpu.memory_space<vmem>>) dst(%dma_wait3A_399 : memref<10000x64xbf16, #tpu.memory_space<vmem_shared>>)
        tpu.yield
      }) : () -> ()
      %mul3A_212 = arith.constant 10 : i32
      %mul3A_213 = arith.muli %while3A_169, %mul3A_212 : i32
      %add3A_214 = arith.constant 2 : i32
      %add3A_215 = arith.addi %mul3A_213, %add3A_214 : i32
      %dma_wait3A_216 = arith.constant 0 : i32
      %dma_wait3A_217 = tpu.memref_slice %arg5[%add3A_215, %dma_wait3A_216] : memref<160x128xi32, #tpu.memory_space<vmem>> -> memref<1x128xi32, #tpu.memory_space<vmem>>
      %dma_wait3A_218 = tpu.memref_squeeze %dma_wait3A_217 : memref<1x128xi32, #tpu.memory_space<vmem>> -> memref<128xi32, #tpu.memory_space<vmem>>
      %dma_wait3A_219 = arith.constant 0 : i32
      %dma_wait3A_220 = arith.constant 0 : i32
      %dma_wait3A_221 = tpu.memref_slice %arg2[%arg0, %dma_wait3A_219, %dma_wait3A_220] : memref<2x10000x64xbf16, #tpu.memory_space<hbm>> -> memref<1x10000x64xbf16, #tpu.memory_space<hbm>>
      %dma_wait3A_222 = tpu.memref_squeeze %dma_wait3A_221 : memref<1x10000x64xbf16, #tpu.memory_space<hbm>> -> memref<10000x64xbf16, #tpu.memory_space<hbm>>
      %dma_wait3A_223 = arith.constant 0 : i32
      %dma_wait3A_224 = arith.constant 0 : i32
      %dma_wait3A_225 = tpu.memref_slice %dma_wait3A_222[%dma_wait3A_223, %dma_wait3A_224] : memref<10000x64xbf16, #tpu.memory_space<hbm>> -> memref<10000x64xbf16, #tpu.memory_space<hbm>>
      tpu.wait_indirect_dma semaphore(%arg21 : memref<!tpu.dma_semaphore, #tpu.memory_space<semaphore_mem>>) src(%dma_wait3A_225 : memref<10000x64xbf16, #tpu.memory_space<hbm>>) dst(%arg10 : memref<128x64xbf16, #tpu.memory_space<vmem>>)
      %add3A_226 = arith.constant 10 : i32
      %add3A_227 = arith.addi %add3A_215, %add3A_226 : i32
      %sub3A_228 = arith.constant 1 : i32
      %sub3A_229 = arith.subi %add3A_227, %sub3A_228 : i32
      %lt3A_230 = arith.cmpi slt, %sub3A_229, %select_n3A_2 : i32
      %convert_element_type3A_231 = arith.extui %lt3A_230 : i1 to i32
      %cond3A_232 = arith.constant 0 : i32
      %cond3A_233 = arith.cmpi ne, %convert_element_type3A_231, %cond3A_232 : i32
      scf.if %cond3A_233 {
        %add3A_388 = arith.constant 10 : i32
        %add3A_389 = arith.addi %add3A_215, %add3A_388 : i32
        %sub3A_390 = arith.constant 1 : i32
        %sub3A_391 = arith.subi %add3A_389, %sub3A_390 : i32
        %dma_start3A_392 = arith.constant 0 : i32
        %dma_start3A_393 = tpu.memref_slice %arg5[%sub3A_391, %dma_start3A_392] : memref<160x128xi32, #tpu.memory_space<vmem>> -> memref<1x128xi32, #tpu.memory_space<vmem>>
        %dma_start3A_394 = tpu.memref_squeeze %dma_start3A_393 : memref<1x128xi32, #tpu.memory_space<vmem>> -> memref<128xi32, #tpu.memory_space<vmem>>
        %dma_start3A_395 = arith.constant 0 : i32
        %dma_start3A_396 = arith.constant 0 : i32
        %dma_start3A_397 = tpu.memref_slice %arg2[%arg0, %dma_start3A_395, %dma_start3A_396] : memref<2x10000x64xbf16, #tpu.memory_space<hbm>> -> memref<1x10000x64xbf16, #tpu.memory_space<hbm>>
        %dma_start3A_398 = tpu.memref_squeeze %dma_start3A_397 : memref<1x10000x64xbf16, #tpu.memory_space<hbm>> -> memref<10000x64xbf16, #tpu.memory_space<hbm>>
        %dma_start3A_399 = arith.constant 0 : i32
        %dma_start3A_400 = arith.constant 0 : i32
        %dma_start3A_401 = tpu.memref_slice %dma_start3A_398[%dma_start3A_399, %dma_start3A_400] : memref<10000x64xbf16, #tpu.memory_space<hbm>> -> memref<10000x64xbf16, #tpu.memory_space<hbm>>
        tpu.enqueue_indirect_dma source(%dma_start3A_401 : memref<10000x64xbf16, #tpu.memory_space<hbm>>) target(%arg9 : memref<128x64xbf16, #tpu.memory_space<vmem>>) offsets(%dma_start3A_394 : memref<128xi32, #tpu.memory_space<vmem>>) semaphore(%arg20 : memref<!tpu.dma_semaphore, #tpu.memory_space<semaphore_mem>>)
      } else {
      }
      "tpu.region"() ({
        %run_scoped3A = tpu.sem_alloc : memref<!tpu.dma_semaphore, #tpu.memory_space<semaphore_mem>>
        %dma_start3A_388 = arith.constant 0 : i32
        %dma_start3A_389 = tpu.memref_slice %arg6[%add3A_215, %dma_start3A_388] : memref<160x128xi32, #tpu.memory_space<vmem>> -> memref<1x128xi32, #tpu.memory_space<vmem>>
        %dma_start3A_390 = tpu.memref_squeeze %dma_start3A_389 : memref<1x128xi32, #tpu.memory_space<vmem>> -> memref<128xi32, #tpu.memory_space<vmem>>
        %dma_start3A_391 = arith.constant 0 : i32
        %dma_start3A_392 = arith.constant 0 : i32
        %dma_start3A_393 = tpu.memref_slice %arg18[%dma_start3A_391, %dma_start3A_392] : memref<10000x64xbf16, #tpu.memory_space<vmem_shared>> -> memref<10000x64xbf16, #tpu.memory_space<vmem_shared>>
        tpu.enqueue_indirect_dma source(%arg10 : memref<128x64xbf16, #tpu.memory_space<vmem>>) target(%dma_start3A_393 : memref<10000x64xbf16, #tpu.memory_space<vmem_shared>>) offsets(%dma_start3A_390 : memref<128xi32, #tpu.memory_space<vmem>>) semaphore(%run_scoped3A : memref<!tpu.dma_semaphore, #tpu.memory_space<semaphore_mem>>) {add = true}
        %dma_wait3A_394 = arith.constant 0 : i32
        %dma_wait3A_395 = tpu.memref_slice %arg6[%add3A_215, %dma_wait3A_394] : memref<160x128xi32, #tpu.memory_space<vmem>> -> memref<1x128xi32, #tpu.memory_space<vmem>>
        %dma_wait3A_396 = tpu.memref_squeeze %dma_wait3A_395 : memref<1x128xi32, #tpu.memory_space<vmem>> -> memref<128xi32, #tpu.memory_space<vmem>>
        %dma_wait3A_397 = arith.constant 0 : i32
        %dma_wait3A_398 = arith.constant 0 : i32
        %dma_wait3A_399 = tpu.memref_slice %arg18[%dma_wait3A_397, %dma_wait3A_398] : memref<10000x64xbf16, #tpu.memory_space<vmem_shared>> -> memref<10000x64xbf16, #tpu.memory_space<vmem_shared>>
        tpu.wait_indirect_dma semaphore(%run_scoped3A : memref<!tpu.dma_semaphore, #tpu.memory_space<semaphore_mem>>) src(%arg10 : memref<128x64xbf16, #tpu.memory_space<vmem>>) dst(%dma_wait3A_399 : memref<10000x64xbf16, #tpu.memory_space<vmem_shared>>)
        tpu.yield
      }) : () -> ()
      %mul3A_234 = arith.constant 10 : i32
      %mul3A_235 = arith.muli %while3A_169, %mul3A_234 : i32
      %add3A_236 = arith.constant 3 : i32
      %add3A_237 = arith.addi %mul3A_235, %add3A_236 : i32
      %dma_wait3A_238 = arith.constant 0 : i32
      %dma_wait3A_239 = tpu.memref_slice %arg5[%add3A_237, %dma_wait3A_238] : memref<160x128xi32, #tpu.memory_space<vmem>> -> memref<1x128xi32, #tpu.memory_space<vmem>>
      %dma_wait3A_240 = tpu.memref_squeeze %dma_wait3A_239 : memref<1x128xi32, #tpu.memory_space<vmem>> -> memref<128xi32, #tpu.memory_space<vmem>>
      %dma_wait3A_241 = arith.constant 0 : i32
      %dma_wait3A_242 = arith.constant 0 : i32
      %dma_wait3A_243 = tpu.memref_slice %arg2[%arg0, %dma_wait3A_241, %dma_wait3A_242] : memref<2x10000x64xbf16, #tpu.memory_space<hbm>> -> memref<1x10000x64xbf16, #tpu.memory_space<hbm>>
      %dma_wait3A_244 = tpu.memref_squeeze %dma_wait3A_243 : memref<1x10000x64xbf16, #tpu.memory_space<hbm>> -> memref<10000x64xbf16, #tpu.memory_space<hbm>>
      %dma_wait3A_245 = arith.constant 0 : i32
      %dma_wait3A_246 = arith.constant 0 : i32
      %dma_wait3A_247 = tpu.memref_slice %dma_wait3A_244[%dma_wait3A_245, %dma_wait3A_246] : memref<10000x64xbf16, #tpu.memory_space<hbm>> -> memref<10000x64xbf16, #tpu.memory_space<hbm>>
      tpu.wait_indirect_dma semaphore(%arg22 : memref<!tpu.dma_semaphore, #tpu.memory_space<semaphore_mem>>) src(%dma_wait3A_247 : memref<10000x64xbf16, #tpu.memory_space<hbm>>) dst(%arg11 : memref<128x64xbf16, #tpu.memory_space<vmem>>)
      %add3A_248 = arith.constant 10 : i32
      %add3A_249 = arith.addi %add3A_237, %add3A_248 : i32
      %sub3A_250 = arith.constant 1 : i32
      %sub3A_251 = arith.subi %add3A_249, %sub3A_250 : i32
      %lt3A_252 = arith.cmpi slt, %sub3A_251, %select_n3A_2 : i32
      %convert_element_type3A_253 = arith.extui %lt3A_252 : i1 to i32
      %cond3A_254 = arith.constant 0 : i32
      %cond3A_255 = arith.cmpi ne, %convert_element_type3A_253, %cond3A_254 : i32
      scf.if %cond3A_255 {
        %add3A_388 = arith.constant 10 : i32
        %add3A_389 = arith.addi %add3A_237, %add3A_388 : i32
        %sub3A_390 = arith.constant 1 : i32
        %sub3A_391 = arith.subi %add3A_389, %sub3A_390 : i32
        %dma_start3A_392 = arith.constant 0 : i32
        %dma_start3A_393 = tpu.memref_slice %arg5[%sub3A_391, %dma_start3A_392] : memref<160x128xi32, #tpu.memory_space<vmem>> -> memref<1x128xi32, #tpu.memory_space<vmem>>
        %dma_start3A_394 = tpu.memref_squeeze %dma_start3A_393 : memref<1x128xi32, #tpu.memory_space<vmem>> -> memref<128xi32, #tpu.memory_space<vmem>>
        %dma_start3A_395 = arith.constant 0 : i32
        %dma_start3A_396 = arith.constant 0 : i32
        %dma_start3A_397 = tpu.memref_slice %arg2[%arg0, %dma_start3A_395, %dma_start3A_396] : memref<2x10000x64xbf16, #tpu.memory_space<hbm>> -> memref<1x10000x64xbf16, #tpu.memory_space<hbm>>
        %dma_start3A_398 = tpu.memref_squeeze %dma_start3A_397 : memref<1x10000x64xbf16, #tpu.memory_space<hbm>> -> memref<10000x64xbf16, #tpu.memory_space<hbm>>
        %dma_start3A_399 = arith.constant 0 : i32
        %dma_start3A_400 = arith.constant 0 : i32
        %dma_start3A_401 = tpu.memref_slice %dma_start3A_398[%dma_start3A_399, %dma_start3A_400] : memref<10000x64xbf16, #tpu.memory_space<hbm>> -> memref<10000x64xbf16, #tpu.memory_space<hbm>>
        tpu.enqueue_indirect_dma source(%dma_start3A_401 : memref<10000x64xbf16, #tpu.memory_space<hbm>>) target(%arg10 : memref<128x64xbf16, #tpu.memory_space<vmem>>) offsets(%dma_start3A_394 : memref<128xi32, #tpu.memory_space<vmem>>) semaphore(%arg21 : memref<!tpu.dma_semaphore, #tpu.memory_space<semaphore_mem>>)
      } else {
      }
      "tpu.region"() ({
        %run_scoped3A = tpu.sem_alloc : memref<!tpu.dma_semaphore, #tpu.memory_space<semaphore_mem>>
        %dma_start3A_388 = arith.constant 0 : i32
        %dma_start3A_389 = tpu.memref_slice %arg6[%add3A_237, %dma_start3A_388] : memref<160x128xi32, #tpu.memory_space<vmem>> -> memref<1x128xi32, #tpu.memory_space<vmem>>
        %dma_start3A_390 = tpu.memref_squeeze %dma_start3A_389 : memref<1x128xi32, #tpu.memory_space<vmem>> -> memref<128xi32, #tpu.memory_space<vmem>>
        %dma_start3A_391 = arith.constant 0 : i32
        %dma_start3A_392 = arith.constant 0 : i32
        %dma_start3A_393 = tpu.memref_slice %arg18[%dma_start3A_391, %dma_start3A_392] : memref<10000x64xbf16, #tpu.memory_space<vmem_shared>> -> memref<10000x64xbf16, #tpu.memory_space<vmem_shared>>
        tpu.enqueue_indirect_dma source(%arg11 : memref<128x64xbf16, #tpu.memory_space<vmem>>) target(%dma_start3A_393 : memref<10000x64xbf16, #tpu.memory_space<vmem_shared>>) offsets(%dma_start3A_390 : memref<128xi32, #tpu.memory_space<vmem>>) semaphore(%run_scoped3A : memref<!tpu.dma_semaphore, #tpu.memory_space<semaphore_mem>>) {add = true}
        %dma_wait3A_394 = arith.constant 0 : i32
        %dma_wait3A_395 = tpu.memref_slice %arg6[%add3A_237, %dma_wait3A_394] : memref<160x128xi32, #tpu.memory_space<vmem>> -> memref<1x128xi32, #tpu.memory_space<vmem>>
        %dma_wait3A_396 = tpu.memref_squeeze %dma_wait3A_395 : memref<1x128xi32, #tpu.memory_space<vmem>> -> memref<128xi32, #tpu.memory_space<vmem>>
        %dma_wait3A_397 = arith.constant 0 : i32
        %dma_wait3A_398 = arith.constant 0 : i32
        %dma_wait3A_399 = tpu.memref_slice %arg18[%dma_wait3A_397, %dma_wait3A_398] : memref<10000x64xbf16, #tpu.memory_space<vmem_shared>> -> memref<10000x64xbf16, #tpu.memory_space<vmem_shared>>
        tpu.wait_indirect_dma semaphore(%run_scoped3A : memref<!tpu.dma_semaphore, #tpu.memory_space<semaphore_mem>>) src(%arg11 : memref<128x64xbf16, #tpu.memory_space<vmem>>) dst(%dma_wait3A_399 : memref<10000x64xbf16, #tpu.memory_space<vmem_shared>>)
        tpu.yield
      }) : () -> ()
      %mul3A_256 = arith.constant 10 : i32
      %mul3A_257 = arith.muli %while3A_169, %mul3A_256 : i32
      %add3A_258 = arith.constant 4 : i32
      %add3A_259 = arith.addi %mul3A_257, %add3A_258 : i32
      %dma_wait3A_260 = arith.constant 0 : i32
      %dma_wait3A_261 = tpu.memref_slice %arg5[%add3A_259, %dma_wait3A_260] : memref<160x128xi32, #tpu.memory_space<vmem>> -> memref<1x128xi32, #tpu.memory_space<vmem>>
      %dma_wait3A_262 = tpu.memref_squeeze %dma_wait3A_261 : memref<1x128xi32, #tpu.memory_space<vmem>> -> memref<128xi32, #tpu.memory_space<vmem>>
      %dma_wait3A_263 = arith.constant 0 : i32
      %dma_wait3A_264 = arith.constant 0 : i32
      %dma_wait3A_265 = tpu.memref_slice %arg2[%arg0, %dma_wait3A_263, %dma_wait3A_264] : memref<2x10000x64xbf16, #tpu.memory_space<hbm>> -> memref<1x10000x64xbf16, #tpu.memory_space<hbm>>
      %dma_wait3A_266 = tpu.memref_squeeze %dma_wait3A_265 : memref<1x10000x64xbf16, #tpu.memory_space<hbm>> -> memref<10000x64xbf16, #tpu.memory_space<hbm>>
      %dma_wait3A_267 = arith.constant 0 : i32
      %dma_wait3A_268 = arith.constant 0 : i32
      %dma_wait3A_269 = tpu.memref_slice %dma_wait3A_266[%dma_wait3A_267, %dma_wait3A_268] : memref<10000x64xbf16, #tpu.memory_space<hbm>> -> memref<10000x64xbf16, #tpu.memory_space<hbm>>
      tpu.wait_indirect_dma semaphore(%arg23 : memref<!tpu.dma_semaphore, #tpu.memory_space<semaphore_mem>>) src(%dma_wait3A_269 : memref<10000x64xbf16, #tpu.memory_space<hbm>>) dst(%arg12 : memref<128x64xbf16, #tpu.memory_space<vmem>>)
      %add3A_270 = arith.constant 10 : i32
      %add3A_271 = arith.addi %add3A_259, %add3A_270 : i32
      %sub3A_272 = arith.constant 1 : i32
      %sub3A_273 = arith.subi %add3A_271, %sub3A_272 : i32
      %lt3A_274 = arith.cmpi slt, %sub3A_273, %select_n3A_2 : i32
      %convert_element_type3A_275 = arith.extui %lt3A_274 : i1 to i32
      %cond3A_276 = arith.constant 0 : i32
      %cond3A_277 = arith.cmpi ne, %convert_element_type3A_275, %cond3A_276 : i32
      scf.if %cond3A_277 {
        %add3A_388 = arith.constant 10 : i32
        %add3A_389 = arith.addi %add3A_259, %add3A_388 : i32
        %sub3A_390 = arith.constant 1 : i32
        %sub3A_391 = arith.subi %add3A_389, %sub3A_390 : i32
        %dma_start3A_392 = arith.constant 0 : i32
        %dma_start3A_393 = tpu.memref_slice %arg5[%sub3A_391, %dma_start3A_392] : memref<160x128xi32, #tpu.memory_space<vmem>> -> memref<1x128xi32, #tpu.memory_space<vmem>>
        %dma_start3A_394 = tpu.memref_squeeze %dma_start3A_393 : memref<1x128xi32, #tpu.memory_space<vmem>> -> memref<128xi32, #tpu.memory_space<vmem>>
        %dma_start3A_395 = arith.constant 0 : i32
        %dma_start3A_396 = arith.constant 0 : i32
        %dma_start3A_397 = tpu.memref_slice %arg2[%arg0, %dma_start3A_395, %dma_start3A_396] : memref<2x10000x64xbf16, #tpu.memory_space<hbm>> -> memref<1x10000x64xbf16, #tpu.memory_space<hbm>>
        %dma_start3A_398 = tpu.memref_squeeze %dma_start3A_397 : memref<1x10000x64xbf16, #tpu.memory_space<hbm>> -> memref<10000x64xbf16, #tpu.memory_space<hbm>>
        %dma_start3A_399 = arith.constant 0 : i32
        %dma_start3A_400 = arith.constant 0 : i32
        %dma_start3A_401 = tpu.memref_slice %dma_start3A_398[%dma_start3A_399, %dma_start3A_400] : memref<10000x64xbf16, #tpu.memory_space<hbm>> -> memref<10000x64xbf16, #tpu.memory_space<hbm>>
        tpu.enqueue_indirect_dma source(%dma_start3A_401 : memref<10000x64xbf16, #tpu.memory_space<hbm>>) target(%arg11 : memref<128x64xbf16, #tpu.memory_space<vmem>>) offsets(%dma_start3A_394 : memref<128xi32, #tpu.memory_space<vmem>>) semaphore(%arg22 : memref<!tpu.dma_semaphore, #tpu.memory_space<semaphore_mem>>)
      } else {
      }
      "tpu.region"() ({
        %run_scoped3A = tpu.sem_alloc : memref<!tpu.dma_semaphore, #tpu.memory_space<semaphore_mem>>
        %dma_start3A_388 = arith.constant 0 : i32
        %dma_start3A_389 = tpu.memref_slice %arg6[%add3A_259, %dma_start3A_388] : memref<160x128xi32, #tpu.memory_space<vmem>> -> memref<1x128xi32, #tpu.memory_space<vmem>>
        %dma_start3A_390 = tpu.memref_squeeze %dma_start3A_389 : memref<1x128xi32, #tpu.memory_space<vmem>> -> memref<128xi32, #tpu.memory_space<vmem>>
        %dma_start3A_391 = arith.constant 0 : i32
        %dma_start3A_392 = arith.constant 0 : i32
        %dma_start3A_393 = tpu.memref_slice %arg18[%dma_start3A_391, %dma_start3A_392] : memref<10000x64xbf16, #tpu.memory_space<vmem_shared>> -> memref<10000x64xbf16, #tpu.memory_space<vmem_shared>>
        tpu.enqueue_indirect_dma source(%arg12 : memref<128x64xbf16, #tpu.memory_space<vmem>>) target(%dma_start3A_393 : memref<10000x64xbf16, #tpu.memory_space<vmem_shared>>) offsets(%dma_start3A_390 : memref<128xi32, #tpu.memory_space<vmem>>) semaphore(%run_scoped3A : memref<!tpu.dma_semaphore, #tpu.memory_space<semaphore_mem>>) {add = true}
        %dma_wait3A_394 = arith.constant 0 : i32
        %dma_wait3A_395 = tpu.memref_slice %arg6[%add3A_259, %dma_wait3A_394] : memref<160x128xi32, #tpu.memory_space<vmem>> -> memref<1x128xi32, #tpu.memory_space<vmem>>
        %dma_wait3A_396 = tpu.memref_squeeze %dma_wait3A_395 : memref<1x128xi32, #tpu.memory_space<vmem>> -> memref<128xi32, #tpu.memory_space<vmem>>
        %dma_wait3A_397 = arith.constant 0 : i32
        %dma_wait3A_398 = arith.constant 0 : i32
        %dma_wait3A_399 = tpu.memref_slice %arg18[%dma_wait3A_397, %dma_wait3A_398] : memref<10000x64xbf16, #tpu.memory_space<vmem_shared>> -> memref<10000x64xbf16, #tpu.memory_space<vmem_shared>>
        tpu.wait_indirect_dma semaphore(%run_scoped3A : memref<!tpu.dma_semaphore, #tpu.memory_space<semaphore_mem>>) src(%arg12 : memref<128x64xbf16, #tpu.memory_space<vmem>>) dst(%dma_wait3A_399 : memref<10000x64xbf16, #tpu.memory_space<vmem_shared>>)
        tpu.yield
      }) : () -> ()
      %mul3A_278 = arith.constant 10 : i32
      %mul3A_279 = arith.muli %while3A_169, %mul3A_278 : i32
      %add3A_280 = arith.constant 5 : i32
      %add3A_281 = arith.addi %mul3A_279, %add3A_280 : i32
      %dma_wait3A_282 = arith.constant 0 : i32
      %dma_wait3A_283 = tpu.memref_slice %arg5[%add3A_281, %dma_wait3A_282] : memref<160x128xi32, #tpu.memory_space<vmem>> -> memref<1x128xi32, #tpu.memory_space<vmem>>
      %dma_wait3A_284 = tpu.memref_squeeze %dma_wait3A_283 : memref<1x128xi32, #tpu.memory_space<vmem>> -> memref<128xi32, #tpu.memory_space<vmem>>
      %dma_wait3A_285 = arith.constant 0 : i32
      %dma_wait3A_286 = arith.constant 0 : i32
      %dma_wait3A_287 = tpu.memref_slice %arg2[%arg0, %dma_wait3A_285, %dma_wait3A_286] : memref<2x10000x64xbf16, #tpu.memory_space<hbm>> -> memref<1x10000x64xbf16, #tpu.memory_space<hbm>>
      %dma_wait3A_288 = tpu.memref_squeeze %dma_wait3A_287 : memref<1x10000x64xbf16, #tpu.memory_space<hbm>> -> memref<10000x64xbf16, #tpu.memory_space<hbm>>
      %dma_wait3A_289 = arith.constant 0 : i32
      %dma_wait3A_290 = arith.constant 0 : i32
      %dma_wait3A_291 = tpu.memref_slice %dma_wait3A_288[%dma_wait3A_289, %dma_wait3A_290] : memref<10000x64xbf16, #tpu.memory_space<hbm>> -> memref<10000x64xbf16, #tpu.memory_space<hbm>>
      tpu.wait_indirect_dma semaphore(%arg24 : memref<!tpu.dma_semaphore, #tpu.memory_space<semaphore_mem>>) src(%dma_wait3A_291 : memref<10000x64xbf16, #tpu.memory_space<hbm>>) dst(%arg13 : memref<128x64xbf16, #tpu.memory_space<vmem>>)
      %add3A_292 = arith.constant 10 : i32
      %add3A_293 = arith.addi %add3A_281, %add3A_292 : i32
      %sub3A_294 = arith.constant 1 : i32
      %sub3A_295 = arith.subi %add3A_293, %sub3A_294 : i32
      %lt3A_296 = arith.cmpi slt, %sub3A_295, %select_n3A_2 : i32
      %convert_element_type3A_297 = arith.extui %lt3A_296 : i1 to i32
      %cond3A_298 = arith.constant 0 : i32
      %cond3A_299 = arith.cmpi ne, %convert_element_type3A_297, %cond3A_298 : i32
      scf.if %cond3A_299 {
        %add3A_388 = arith.constant 10 : i32
        %add3A_389 = arith.addi %add3A_281, %add3A_388 : i32
        %sub3A_390 = arith.constant 1 : i32
        %sub3A_391 = arith.subi %add3A_389, %sub3A_390 : i32
        %dma_start3A_392 = arith.constant 0 : i32
        %dma_start3A_393 = tpu.memref_slice %arg5[%sub3A_391, %dma_start3A_392] : memref<160x128xi32, #tpu.memory_space<vmem>> -> memref<1x128xi32, #tpu.memory_space<vmem>>
        %dma_start3A_394 = tpu.memref_squeeze %dma_start3A_393 : memref<1x128xi32, #tpu.memory_space<vmem>> -> memref<128xi32, #tpu.memory_space<vmem>>
        %dma_start3A_395 = arith.constant 0 : i32
        %dma_start3A_396 = arith.constant 0 : i32
        %dma_start3A_397 = tpu.memref_slice %arg2[%arg0, %dma_start3A_395, %dma_start3A_396] : memref<2x10000x64xbf16, #tpu.memory_space<hbm>> -> memref<1x10000x64xbf16, #tpu.memory_space<hbm>>
        %dma_start3A_398 = tpu.memref_squeeze %dma_start3A_397 : memref<1x10000x64xbf16, #tpu.memory_space<hbm>> -> memref<10000x64xbf16, #tpu.memory_space<hbm>>
        %dma_start3A_399 = arith.constant 0 : i32
        %dma_start3A_400 = arith.constant 0 : i32
        %dma_start3A_401 = tpu.memref_slice %dma_start3A_398[%dma_start3A_399, %dma_start3A_400] : memref<10000x64xbf16, #tpu.memory_space<hbm>> -> memref<10000x64xbf16, #tpu.memory_space<hbm>>
        tpu.enqueue_indirect_dma source(%dma_start3A_401 : memref<10000x64xbf16, #tpu.memory_space<hbm>>) target(%arg12 : memref<128x64xbf16, #tpu.memory_space<vmem>>) offsets(%dma_start3A_394 : memref<128xi32, #tpu.memory_space<vmem>>) semaphore(%arg23 : memref<!tpu.dma_semaphore, #tpu.memory_space<semaphore_mem>>)
      } else {
      }
      "tpu.region"() ({
        %run_scoped3A = tpu.sem_alloc : memref<!tpu.dma_semaphore, #tpu.memory_space<semaphore_mem>>
        %dma_start3A_388 = arith.constant 0 : i32
        %dma_start3A_389 = tpu.memref_slice %arg6[%add3A_281, %dma_start3A_388] : memref<160x128xi32, #tpu.memory_space<vmem>> -> memref<1x128xi32, #tpu.memory_space<vmem>>
        %dma_start3A_390 = tpu.memref_squeeze %dma_start3A_389 : memref<1x128xi32, #tpu.memory_space<vmem>> -> memref<128xi32, #tpu.memory_space<vmem>>
        %dma_start3A_391 = arith.constant 0 : i32
        %dma_start3A_392 = arith.constant 0 : i32
        %dma_start3A_393 = tpu.memref_slice %arg18[%dma_start3A_391, %dma_start3A_392] : memref<10000x64xbf16, #tpu.memory_space<vmem_shared>> -> memref<10000x64xbf16, #tpu.memory_space<vmem_shared>>
        tpu.enqueue_indirect_dma source(%arg13 : memref<128x64xbf16, #tpu.memory_space<vmem>>) target(%dma_start3A_393 : memref<10000x64xbf16, #tpu.memory_space<vmem_shared>>) offsets(%dma_start3A_390 : memref<128xi32, #tpu.memory_space<vmem>>) semaphore(%run_scoped3A : memref<!tpu.dma_semaphore, #tpu.memory_space<semaphore_mem>>) {add = true}
        %dma_wait3A_394 = arith.constant 0 : i32
        %dma_wait3A_395 = tpu.memref_slice %arg6[%add3A_281, %dma_wait3A_394] : memref<160x128xi32, #tpu.memory_space<vmem>> -> memref<1x128xi32, #tpu.memory_space<vmem>>
        %dma_wait3A_396 = tpu.memref_squeeze %dma_wait3A_395 : memref<1x128xi32, #tpu.memory_space<vmem>> -> memref<128xi32, #tpu.memory_space<vmem>>
        %dma_wait3A_397 = arith.constant 0 : i32
        %dma_wait3A_398 = arith.constant 0 : i32
        %dma_wait3A_399 = tpu.memref_slice %arg18[%dma_wait3A_397, %dma_wait3A_398] : memref<10000x64xbf16, #tpu.memory_space<vmem_shared>> -> memref<10000x64xbf16, #tpu.memory_space<vmem_shared>>
        tpu.wait_indirect_dma semaphore(%run_scoped3A : memref<!tpu.dma_semaphore, #tpu.memory_space<semaphore_mem>>) src(%arg13 : memref<128x64xbf16, #tpu.memory_space<vmem>>) dst(%dma_wait3A_399 : memref<10000x64xbf16, #tpu.memory_space<vmem_shared>>)
        tpu.yield
      }) : () -> ()
      %mul3A_300 = arith.constant 10 : i32
      %mul3A_301 = arith.muli %while3A_169, %mul3A_300 : i32
      %add3A_302 = arith.constant 6 : i32
      %add3A_303 = arith.addi %mul3A_301, %add3A_302 : i32
      %dma_wait3A_304 = arith.constant 0 : i32
      %dma_wait3A_305 = tpu.memref_slice %arg5[%add3A_303, %dma_wait3A_304] : memref<160x128xi32, #tpu.memory_space<vmem>> -> memref<1x128xi32, #tpu.memory_space<vmem>>
      %dma_wait3A_306 = tpu.memref_squeeze %dma_wait3A_305 : memref<1x128xi32, #tpu.memory_space<vmem>> -> memref<128xi32, #tpu.memory_space<vmem>>
      %dma_wait3A_307 = arith.constant 0 : i32
      %dma_wait3A_308 = arith.constant 0 : i32
      %dma_wait3A_309 = tpu.memref_slice %arg2[%arg0, %dma_wait3A_307, %dma_wait3A_308] : memref<2x10000x64xbf16, #tpu.memory_space<hbm>> -> memref<1x10000x64xbf16, #tpu.memory_space<hbm>>
      %dma_wait3A_310 = tpu.memref_squeeze %dma_wait3A_309 : memref<1x10000x64xbf16, #tpu.memory_space<hbm>> -> memref<10000x64xbf16, #tpu.memory_space<hbm>>
      %dma_wait3A_311 = arith.constant 0 : i32
      %dma_wait3A_312 = arith.constant 0 : i32
      %dma_wait3A_313 = tpu.memref_slice %dma_wait3A_310[%dma_wait3A_311, %dma_wait3A_312] : memref<10000x64xbf16, #tpu.memory_space<hbm>> -> memref<10000x64xbf16, #tpu.memory_space<hbm>>
      tpu.wait_indirect_dma semaphore(%arg25 : memref<!tpu.dma_semaphore, #tpu.memory_space<semaphore_mem>>) src(%dma_wait3A_313 : memref<10000x64xbf16, #tpu.memory_space<hbm>>) dst(%arg14 : memref<128x64xbf16, #tpu.memory_space<vmem>>)
      %add3A_314 = arith.constant 10 : i32
      %add3A_315 = arith.addi %add3A_303, %add3A_314 : i32
      %sub3A_316 = arith.constant 1 : i32
      %sub3A_317 = arith.subi %add3A_315, %sub3A_316 : i32
      %lt3A_318 = arith.cmpi slt, %sub3A_317, %select_n3A_2 : i32
      %convert_element_type3A_319 = arith.extui %lt3A_318 : i1 to i32
      %cond3A_320 = arith.constant 0 : i32
      %cond3A_321 = arith.cmpi ne, %convert_element_type3A_319, %cond3A_320 : i32
      scf.if %cond3A_321 {
        %add3A_388 = arith.constant 10 : i32
        %add3A_389 = arith.addi %add3A_303, %add3A_388 : i32
        %sub3A_390 = arith.constant 1 : i32
        %sub3A_391 = arith.subi %add3A_389, %sub3A_390 : i32
        %dma_start3A_392 = arith.constant 0 : i32
        %dma_start3A_393 = tpu.memref_slice %arg5[%sub3A_391, %dma_start3A_392] : memref<160x128xi32, #tpu.memory_space<vmem>> -> memref<1x128xi32, #tpu.memory_space<vmem>>
        %dma_start3A_394 = tpu.memref_squeeze %dma_start3A_393 : memref<1x128xi32, #tpu.memory_space<vmem>> -> memref<128xi32, #tpu.memory_space<vmem>>
        %dma_start3A_395 = arith.constant 0 : i32
        %dma_start3A_396 = arith.constant 0 : i32
        %dma_start3A_397 = tpu.memref_slice %arg2[%arg0, %dma_start3A_395, %dma_start3A_396] : memref<2x10000x64xbf16, #tpu.memory_space<hbm>> -> memref<1x10000x64xbf16, #tpu.memory_space<hbm>>
        %dma_start3A_398 = tpu.memref_squeeze %dma_start3A_397 : memref<1x10000x64xbf16, #tpu.memory_space<hbm>> -> memref<10000x64xbf16, #tpu.memory_space<hbm>>
        %dma_start3A_399 = arith.constant 0 : i32
        %dma_start3A_400 = arith.constant 0 : i32
        %dma_start3A_401 = tpu.memref_slice %dma_start3A_398[%dma_start3A_399, %dma_start3A_400] : memref<10000x64xbf16, #tpu.memory_space<hbm>> -> memref<10000x64xbf16, #tpu.memory_space<hbm>>
        tpu.enqueue_indirect_dma source(%dma_start3A_401 : memref<10000x64xbf16, #tpu.memory_space<hbm>>) target(%arg13 : memref<128x64xbf16, #tpu.memory_space<vmem>>) offsets(%dma_start3A_394 : memref<128xi32, #tpu.memory_space<vmem>>) semaphore(%arg24 : memref<!tpu.dma_semaphore, #tpu.memory_space<semaphore_mem>>)
      } else {
      }
      "tpu.region"() ({
        %run_scoped3A = tpu.sem_alloc : memref<!tpu.dma_semaphore, #tpu.memory_space<semaphore_mem>>
        %dma_start3A_388 = arith.constant 0 : i32
        %dma_start3A_389 = tpu.memref_slice %arg6[%add3A_303, %dma_start3A_388] : memref<160x128xi32, #tpu.memory_space<vmem>> -> memref<1x128xi32, #tpu.memory_space<vmem>>
        %dma_start3A_390 = tpu.memref_squeeze %dma_start3A_389 : memref<1x128xi32, #tpu.memory_space<vmem>> -> memref<128xi32, #tpu.memory_space<vmem>>
        %dma_start3A_391 = arith.constant 0 : i32
        %dma_start3A_392 = arith.constant 0 : i32
        %dma_start3A_393 = tpu.memref_slice %arg18[%dma_start3A_391, %dma_start3A_392] : memref<10000x64xbf16, #tpu.memory_space<vmem_shared>> -> memref<10000x64xbf16, #tpu.memory_space<vmem_shared>>
        tpu.enqueue_indirect_dma source(%arg14 : memref<128x64xbf16, #tpu.memory_space<vmem>>) target(%dma_start3A_393 : memref<10000x64xbf16, #tpu.memory_space<vmem_shared>>) offsets(%dma_start3A_390 : memref<128xi32, #tpu.memory_space<vmem>>) semaphore(%run_scoped3A : memref<!tpu.dma_semaphore, #tpu.memory_space<semaphore_mem>>) {add = true}
        %dma_wait3A_394 = arith.constant 0 : i32
        %dma_wait3A_395 = tpu.memref_slice %arg6[%add3A_303, %dma_wait3A_394] : memref<160x128xi32, #tpu.memory_space<vmem>> -> memref<1x128xi32, #tpu.memory_space<vmem>>
        %dma_wait3A_396 = tpu.memref_squeeze %dma_wait3A_395 : memref<1x128xi32, #tpu.memory_space<vmem>> -> memref<128xi32, #tpu.memory_space<vmem>>
        %dma_wait3A_397 = arith.constant 0 : i32
        %dma_wait3A_398 = arith.constant 0 : i32
        %dma_wait3A_399 = tpu.memref_slice %arg18[%dma_wait3A_397, %dma_wait3A_398] : memref<10000x64xbf16, #tpu.memory_space<vmem_shared>> -> memref<10000x64xbf16, #tpu.memory_space<vmem_shared>>
        tpu.wait_indirect_dma semaphore(%run_scoped3A : memref<!tpu.dma_semaphore, #tpu.memory_space<semaphore_mem>>) src(%arg14 : memref<128x64xbf16, #tpu.memory_space<vmem>>) dst(%dma_wait3A_399 : memref<10000x64xbf16, #tpu.memory_space<vmem_shared>>)
        tpu.yield
      }) : () -> ()
      %mul3A_322 = arith.constant 10 : i32
      %mul3A_323 = arith.muli %while3A_169, %mul3A_322 : i32
      %add3A_324 = arith.constant 7 : i32
      %add3A_325 = arith.addi %mul3A_323, %add3A_324 : i32
      %dma_wait3A_326 = arith.constant 0 : i32
      %dma_wait3A_327 = tpu.memref_slice %arg5[%add3A_325, %dma_wait3A_326] : memref<160x128xi32, #tpu.memory_space<vmem>> -> memref<1x128xi32, #tpu.memory_space<vmem>>
      %dma_wait3A_328 = tpu.memref_squeeze %dma_wait3A_327 : memref<1x128xi32, #tpu.memory_space<vmem>> -> memref<128xi32, #tpu.memory_space<vmem>>
      %dma_wait3A_329 = arith.constant 0 : i32
      %dma_wait3A_330 = arith.constant 0 : i32
      %dma_wait3A_331 = tpu.memref_slice %arg2[%arg0, %dma_wait3A_329, %dma_wait3A_330] : memref<2x10000x64xbf16, #tpu.memory_space<hbm>> -> memref<1x10000x64xbf16, #tpu.memory_space<hbm>>
      %dma_wait3A_332 = tpu.memref_squeeze %dma_wait3A_331 : memref<1x10000x64xbf16, #tpu.memory_space<hbm>> -> memref<10000x64xbf16, #tpu.memory_space<hbm>>
      %dma_wait3A_333 = arith.constant 0 : i32
      %dma_wait3A_334 = arith.constant 0 : i32
      %dma_wait3A_335 = tpu.memref_slice %dma_wait3A_332[%dma_wait3A_333, %dma_wait3A_334] : memref<10000x64xbf16, #tpu.memory_space<hbm>> -> memref<10000x64xbf16, #tpu.memory_space<hbm>>
      tpu.wait_indirect_dma semaphore(%arg26 : memref<!tpu.dma_semaphore, #tpu.memory_space<semaphore_mem>>) src(%dma_wait3A_335 : memref<10000x64xbf16, #tpu.memory_space<hbm>>) dst(%arg15 : memref<128x64xbf16, #tpu.memory_space<vmem>>)
      %add3A_336 = arith.constant 10 : i32
      %add3A_337 = arith.addi %add3A_325, %add3A_336 : i32
      %sub3A_338 = arith.constant 1 : i32
      %sub3A_339 = arith.subi %add3A_337, %sub3A_338 : i32
      %lt3A_340 = arith.cmpi slt, %sub3A_339, %select_n3A_2 : i32
      %convert_element_type3A_341 = arith.extui %lt3A_340 : i1 to i32
      %cond3A_342 = arith.constant 0 : i32
      %cond3A_343 = arith.cmpi ne, %convert_element_type3A_341, %cond3A_342 : i32
      scf.if %cond3A_343 {
        %add3A_388 = arith.constant 10 : i32
        %add3A_389 = arith.addi %add3A_325, %add3A_388 : i32
        %sub3A_390 = arith.constant 1 : i32
        %sub3A_391 = arith.subi %add3A_389, %sub3A_390 : i32
        %dma_start3A_392 = arith.constant 0 : i32
        %dma_start3A_393 = tpu.memref_slice %arg5[%sub3A_391, %dma_start3A_392] : memref<160x128xi32, #tpu.memory_space<vmem>> -> memref<1x128xi32, #tpu.memory_space<vmem>>
        %dma_start3A_394 = tpu.memref_squeeze %dma_start3A_393 : memref<1x128xi32, #tpu.memory_space<vmem>> -> memref<128xi32, #tpu.memory_space<vmem>>
        %dma_start3A_395 = arith.constant 0 : i32
        %dma_start3A_396 = arith.constant 0 : i32
        %dma_start3A_397 = tpu.memref_slice %arg2[%arg0, %dma_start3A_395, %dma_start3A_396] : memref<2x10000x64xbf16, #tpu.memory_space<hbm>> -> memref<1x10000x64xbf16, #tpu.memory_space<hbm>>
        %dma_start3A_398 = tpu.memref_squeeze %dma_start3A_397 : memref<1x10000x64xbf16, #tpu.memory_space<hbm>> -> memref<10000x64xbf16, #tpu.memory_space<hbm>>
        %dma_start3A_399 = arith.constant 0 : i32
        %dma_start3A_400 = arith.constant 0 : i32
        %dma_start3A_401 = tpu.memref_slice %dma_start3A_398[%dma_start3A_399, %dma_start3A_400] : memref<10000x64xbf16, #tpu.memory_space<hbm>> -> memref<10000x64xbf16, #tpu.memory_space<hbm>>
        tpu.enqueue_indirect_dma source(%dma_start3A_401 : memref<10000x64xbf16, #tpu.memory_space<hbm>>) target(%arg14 : memref<128x64xbf16, #tpu.memory_space<vmem>>) offsets(%dma_start3A_394 : memref<128xi32, #tpu.memory_space<vmem>>) semaphore(%arg25 : memref<!tpu.dma_semaphore, #tpu.memory_space<semaphore_mem>>)
      } else {
      }
      "tpu.region"() ({
        %run_scoped3A = tpu.sem_alloc : memref<!tpu.dma_semaphore, #tpu.memory_space<semaphore_mem>>
        %dma_start3A_388 = arith.constant 0 : i32
        %dma_start3A_389 = tpu.memref_slice %arg6[%add3A_325, %dma_start3A_388] : memref<160x128xi32, #tpu.memory_space<vmem>> -> memref<1x128xi32, #tpu.memory_space<vmem>>
        %dma_start3A_390 = tpu.memref_squeeze %dma_start3A_389 : memref<1x128xi32, #tpu.memory_space<vmem>> -> memref<128xi32, #tpu.memory_space<vmem>>
        %dma_start3A_391 = arith.constant 0 : i32
        %dma_start3A_392 = arith.constant 0 : i32
        %dma_start3A_393 = tpu.memref_slice %arg18[%dma_start3A_391, %dma_start3A_392] : memref<10000x64xbf16, #tpu.memory_space<vmem_shared>> -> memref<10000x64xbf16, #tpu.memory_space<vmem_shared>>
        tpu.enqueue_indirect_dma source(%arg15 : memref<128x64xbf16, #tpu.memory_space<vmem>>) target(%dma_start3A_393 : memref<10000x64xbf16, #tpu.memory_space<vmem_shared>>) offsets(%dma_start3A_390 : memref<128xi32, #tpu.memory_space<vmem>>) semaphore(%run_scoped3A : memref<!tpu.dma_semaphore, #tpu.memory_space<semaphore_mem>>) {add = true}
        %dma_wait3A_394 = arith.constant 0 : i32
        %dma_wait3A_395 = tpu.memref_slice %arg6[%add3A_325, %dma_wait3A_394] : memref<160x128xi32, #tpu.memory_space<vmem>> -> memref<1x128xi32, #tpu.memory_space<vmem>>
        %dma_wait3A_396 = tpu.memref_squeeze %dma_wait3A_395 : memref<1x128xi32, #tpu.memory_space<vmem>> -> memref<128xi32, #tpu.memory_space<vmem>>
        %dma_wait3A_397 = arith.constant 0 : i32
        %dma_wait3A_398 = arith.constant 0 : i32
        %dma_wait3A_399 = tpu.memref_slice %arg18[%dma_wait3A_397, %dma_wait3A_398] : memref<10000x64xbf16, #tpu.memory_space<vmem_shared>> -> memref<10000x64xbf16, #tpu.memory_space<vmem_shared>>
        tpu.wait_indirect_dma semaphore(%run_scoped3A : memref<!tpu.dma_semaphore, #tpu.memory_space<semaphore_mem>>) src(%arg15 : memref<128x64xbf16, #tpu.memory_space<vmem>>) dst(%dma_wait3A_399 : memref<10000x64xbf16, #tpu.memory_space<vmem_shared>>)
        tpu.yield
      }) : () -> ()
      %mul3A_344 = arith.constant 10 : i32
      %mul3A_345 = arith.muli %while3A_169, %mul3A_344 : i32
      %add3A_346 = arith.constant 8 : i32
      %add3A_347 = arith.addi %mul3A_345, %add3A_346 : i32
      %dma_wait3A_348 = arith.constant 0 : i32
      %dma_wait3A_349 = tpu.memref_slice %arg5[%add3A_347, %dma_wait3A_348] : memref<160x128xi32, #tpu.memory_space<vmem>> -> memref<1x128xi32, #tpu.memory_space<vmem>>
      %dma_wait3A_350 = tpu.memref_squeeze %dma_wait3A_349 : memref<1x128xi32, #tpu.memory_space<vmem>> -> memref<128xi32, #tpu.memory_space<vmem>>
      %dma_wait3A_351 = arith.constant 0 : i32
      %dma_wait3A_352 = arith.constant 0 : i32
      %dma_wait3A_353 = tpu.memref_slice %arg2[%arg0, %dma_wait3A_351, %dma_wait3A_352] : memref<2x10000x64xbf16, #tpu.memory_space<hbm>> -> memref<1x10000x64xbf16, #tpu.memory_space<hbm>>
      %dma_wait3A_354 = tpu.memref_squeeze %dma_wait3A_353 : memref<1x10000x64xbf16, #tpu.memory_space<hbm>> -> memref<10000x64xbf16, #tpu.memory_space<hbm>>
      %dma_wait3A_355 = arith.constant 0 : i32
      %dma_wait3A_356 = arith.constant 0 : i32
      %dma_wait3A_357 = tpu.memref_slice %dma_wait3A_354[%dma_wait3A_355, %dma_wait3A_356] : memref<10000x64xbf16, #tpu.memory_space<hbm>> -> memref<10000x64xbf16, #tpu.memory_space<hbm>>
      tpu.wait_indirect_dma semaphore(%arg27 : memref<!tpu.dma_semaphore, #tpu.memory_space<semaphore_mem>>) src(%dma_wait3A_357 : memref<10000x64xbf16, #tpu.memory_space<hbm>>) dst(%arg16 : memref<128x64xbf16, #tpu.memory_space<vmem>>)
      %add3A_358 = arith.constant 10 : i32
      %add3A_359 = arith.addi %add3A_347, %add3A_358 : i32
      %sub3A_360 = arith.constant 1 : i32
      %sub3A_361 = arith.subi %add3A_359, %sub3A_360 : i32
      %lt3A_362 = arith.cmpi slt, %sub3A_361, %select_n3A_2 : i32
      %convert_element_type3A_363 = arith.extui %lt3A_362 : i1 to i32
      %cond3A_364 = arith.constant 0 : i32
      %cond3A_365 = arith.cmpi ne, %convert_element_type3A_363, %cond3A_364 : i32
      scf.if %cond3A_365 {
        %add3A_388 = arith.constant 10 : i32
        %add3A_389 = arith.addi %add3A_347, %add3A_388 : i32
        %sub3A_390 = arith.constant 1 : i32
        %sub3A_391 = arith.subi %add3A_389, %sub3A_390 : i32
        %dma_start3A_392 = arith.constant 0 : i32
        %dma_start3A_393 = tpu.memref_slice %arg5[%sub3A_391, %dma_start3A_392] : memref<160x128xi32, #tpu.memory_space<vmem>> -> memref<1x128xi32, #tpu.memory_space<vmem>>
        %dma_start3A_394 = tpu.memref_squeeze %dma_start3A_393 : memref<1x128xi32, #tpu.memory_space<vmem>> -> memref<128xi32, #tpu.memory_space<vmem>>
        %dma_start3A_395 = arith.constant 0 : i32
        %dma_start3A_396 = arith.constant 0 : i32
        %dma_start3A_397 = tpu.memref_slice %arg2[%arg0, %dma_start3A_395, %dma_start3A_396] : memref<2x10000x64xbf16, #tpu.memory_space<hbm>> -> memref<1x10000x64xbf16, #tpu.memory_space<hbm>>
        %dma_start3A_398 = tpu.memref_squeeze %dma_start3A_397 : memref<1x10000x64xbf16, #tpu.memory_space<hbm>> -> memref<10000x64xbf16, #tpu.memory_space<hbm>>
        %dma_start3A_399 = arith.constant 0 : i32
        %dma_start3A_400 = arith.constant 0 : i32
        %dma_start3A_401 = tpu.memref_slice %dma_start3A_398[%dma_start3A_399, %dma_start3A_400] : memref<10000x64xbf16, #tpu.memory_space<hbm>> -> memref<10000x64xbf16, #tpu.memory_space<hbm>>
        tpu.enqueue_indirect_dma source(%dma_start3A_401 : memref<10000x64xbf16, #tpu.memory_space<hbm>>) target(%arg15 : memref<128x64xbf16, #tpu.memory_space<vmem>>) offsets(%dma_start3A_394 : memref<128xi32, #tpu.memory_space<vmem>>) semaphore(%arg26 : memref<!tpu.dma_semaphore, #tpu.memory_space<semaphore_mem>>)
      } else {
      }
      "tpu.region"() ({
        %run_scoped3A = tpu.sem_alloc : memref<!tpu.dma_semaphore, #tpu.memory_space<semaphore_mem>>
        %dma_start3A_388 = arith.constant 0 : i32
        %dma_start3A_389 = tpu.memref_slice %arg6[%add3A_347, %dma_start3A_388] : memref<160x128xi32, #tpu.memory_space<vmem>> -> memref<1x128xi32, #tpu.memory_space<vmem>>
        %dma_start3A_390 = tpu.memref_squeeze %dma_start3A_389 : memref<1x128xi32, #tpu.memory_space<vmem>> -> memref<128xi32, #tpu.memory_space<vmem>>
        %dma_start3A_391 = arith.constant 0 : i32
        %dma_start3A_392 = arith.constant 0 : i32
        %dma_start3A_393 = tpu.memref_slice %arg18[%dma_start3A_391, %dma_start3A_392] : memref<10000x64xbf16, #tpu.memory_space<vmem_shared>> -> memref<10000x64xbf16, #tpu.memory_space<vmem_shared>>
        tpu.enqueue_indirect_dma source(%arg16 : memref<128x64xbf16, #tpu.memory_space<vmem>>) target(%dma_start3A_393 : memref<10000x64xbf16, #tpu.memory_space<vmem_shared>>) offsets(%dma_start3A_390 : memref<128xi32, #tpu.memory_space<vmem>>) semaphore(%run_scoped3A : memref<!tpu.dma_semaphore, #tpu.memory_space<semaphore_mem>>) {add = true}
        %dma_wait3A_394 = arith.constant 0 : i32
        %dma_wait3A_395 = tpu.memref_slice %arg6[%add3A_347, %dma_wait3A_394] : memref<160x128xi32, #tpu.memory_space<vmem>> -> memref<1x128xi32, #tpu.memory_space<vmem>>
        %dma_wait3A_396 = tpu.memref_squeeze %dma_wait3A_395 : memref<1x128xi32, #tpu.memory_space<vmem>> -> memref<128xi32, #tpu.memory_space<vmem>>
        %dma_wait3A_397 = arith.constant 0 : i32
        %dma_wait3A_398 = arith.constant 0 : i32
        %dma_wait3A_399 = tpu.memref_slice %arg18[%dma_wait3A_397, %dma_wait3A_398] : memref<10000x64xbf16, #tpu.memory_space<vmem_shared>> -> memref<10000x64xbf16, #tpu.memory_space<vmem_shared>>
        tpu.wait_indirect_dma semaphore(%run_scoped3A : memref<!tpu.dma_semaphore, #tpu.memory_space<semaphore_mem>>) src(%arg16 : memref<128x64xbf16, #tpu.memory_space<vmem>>) dst(%dma_wait3A_399 : memref<10000x64xbf16, #tpu.memory_space<vmem_shared>>)
        tpu.yield
      }) : () -> ()
      %mul3A_366 = arith.constant 10 : i32
      %mul3A_367 = arith.muli %while3A_169, %mul3A_366 : i32
      %add3A_368 = arith.constant 9 : i32
      %add3A_369 = arith.addi %mul3A_367, %add3A_368 : i32
      %dma_wait3A_370 = arith.constant 0 : i32
      %dma_wait3A_371 = tpu.memref_slice %arg5[%add3A_369, %dma_wait3A_370] : memref<160x128xi32, #tpu.memory_space<vmem>> -> memref<1x128xi32, #tpu.memory_space<vmem>>
      %dma_wait3A_372 = tpu.memref_squeeze %dma_wait3A_371 : memref<1x128xi32, #tpu.memory_space<vmem>> -> memref<128xi32, #tpu.memory_space<vmem>>
      %dma_wait3A_373 = arith.constant 0 : i32
      %dma_wait3A_374 = arith.constant 0 : i32
      %dma_wait3A_375 = tpu.memref_slice %arg2[%arg0, %dma_wait3A_373, %dma_wait3A_374] : memref<2x10000x64xbf16, #tpu.memory_space<hbm>> -> memref<1x10000x64xbf16, #tpu.memory_space<hbm>>
      %dma_wait3A_376 = tpu.memref_squeeze %dma_wait3A_375 : memref<1x10000x64xbf16, #tpu.memory_space<hbm>> -> memref<10000x64xbf16, #tpu.memory_space<hbm>>
      %dma_wait3A_377 = arith.constant 0 : i32
      %dma_wait3A_378 = arith.constant 0 : i32
      %dma_wait3A_379 = tpu.memref_slice %dma_wait3A_376[%dma_wait3A_377, %dma_wait3A_378] : memref<10000x64xbf16, #tpu.memory_space<hbm>> -> memref<10000x64xbf16, #tpu.memory_space<hbm>>
      tpu.wait_indirect_dma semaphore(%arg28 : memref<!tpu.dma_semaphore, #tpu.memory_space<semaphore_mem>>) src(%dma_wait3A_379 : memref<10000x64xbf16, #tpu.memory_space<hbm>>) dst(%arg17 : memref<128x64xbf16, #tpu.memory_space<vmem>>)
      %add3A_380 = arith.constant 10 : i32
      %add3A_381 = arith.addi %add3A_369, %add3A_380 : i32
      %sub3A_382 = arith.constant 1 : i32
      %sub3A_383 = arith.subi %add3A_381, %sub3A_382 : i32
      %lt3A_384 = arith.cmpi slt, %sub3A_383, %select_n3A_2 : i32
      %convert_element_type3A_385 = arith.extui %lt3A_384 : i1 to i32
      %cond3A_386 = arith.constant 0 : i32
      %cond3A_387 = arith.cmpi ne, %convert_element_type3A_385, %cond3A_386 : i32
      scf.if %cond3A_387 {
        %add3A_388 = arith.constant 10 : i32
        %add3A_389 = arith.addi %add3A_369, %add3A_388 : i32
        %sub3A_390 = arith.constant 1 : i32
        %sub3A_391 = arith.subi %add3A_389, %sub3A_390 : i32
        %dma_start3A_392 = arith.constant 0 : i32
        %dma_start3A_393 = tpu.memref_slice %arg5[%sub3A_391, %dma_start3A_392] : memref<160x128xi32, #tpu.memory_space<vmem>> -> memref<1x128xi32, #tpu.memory_space<vmem>>
        %dma_start3A_394 = tpu.memref_squeeze %dma_start3A_393 : memref<1x128xi32, #tpu.memory_space<vmem>> -> memref<128xi32, #tpu.memory_space<vmem>>
        %dma_start3A_395 = arith.constant 0 : i32
        %dma_start3A_396 = arith.constant 0 : i32
        %dma_start3A_397 = tpu.memref_slice %arg2[%arg0, %dma_start3A_395, %dma_start3A_396] : memref<2x10000x64xbf16, #tpu.memory_space<hbm>> -> memref<1x10000x64xbf16, #tpu.memory_space<hbm>>
        %dma_start3A_398 = tpu.memref_squeeze %dma_start3A_397 : memref<1x10000x64xbf16, #tpu.memory_space<hbm>> -> memref<10000x64xbf16, #tpu.memory_space<hbm>>
        %dma_start3A_399 = arith.constant 0 : i32
        %dma_start3A_400 = arith.constant 0 : i32
        %dma_start3A_401 = tpu.memref_slice %dma_start3A_398[%dma_start3A_399, %dma_start3A_400] : memref<10000x64xbf16, #tpu.memory_space<hbm>> -> memref<10000x64xbf16, #tpu.memory_space<hbm>>
        tpu.enqueue_indirect_dma source(%dma_start3A_401 : memref<10000x64xbf16, #tpu.memory_space<hbm>>) target(%arg16 : memref<128x64xbf16, #tpu.memory_space<vmem>>) offsets(%dma_start3A_394 : memref<128xi32, #tpu.memory_space<vmem>>) semaphore(%arg27 : memref<!tpu.dma_semaphore, #tpu.memory_space<semaphore_mem>>)
      } else {
      }
      "tpu.region"() ({
        %run_scoped3A = tpu.sem_alloc : memref<!tpu.dma_semaphore, #tpu.memory_space<semaphore_mem>>
        %dma_start3A_388 = arith.constant 0 : i32
        %dma_start3A_389 = tpu.memref_slice %arg6[%add3A_369, %dma_start3A_388] : memref<160x128xi32, #tpu.memory_space<vmem>> -> memref<1x128xi32, #tpu.memory_space<vmem>>
        %dma_start3A_390 = tpu.memref_squeeze %dma_start3A_389 : memref<1x128xi32, #tpu.memory_space<vmem>> -> memref<128xi32, #tpu.memory_space<vmem>>
        %dma_start3A_391 = arith.constant 0 : i32
        %dma_start3A_392 = arith.constant 0 : i32
        %dma_start3A_393 = tpu.memref_slice %arg18[%dma_start3A_391, %dma_start3A_392] : memref<10000x64xbf16, #tpu.memory_space<vmem_shared>> -> memref<10000x64xbf16, #tpu.memory_space<vmem_shared>>
        tpu.enqueue_indirect_dma source(%arg17 : memref<128x64xbf16, #tpu.memory_space<vmem>>) target(%dma_start3A_393 : memref<10000x64xbf16, #tpu.memory_space<vmem_shared>>) offsets(%dma_start3A_390 : memref<128xi32, #tpu.memory_space<vmem>>) semaphore(%run_scoped3A : memref<!tpu.dma_semaphore, #tpu.memory_space<semaphore_mem>>) {add = true}
        %dma_wait3A_394 = arith.constant 0 : i32
        %dma_wait3A_395 = tpu.memref_slice %arg6[%add3A_369, %dma_wait3A_394] : memref<160x128xi32, #tpu.memory_space<vmem>> -> memref<1x128xi32, #tpu.memory_space<vmem>>
        %dma_wait3A_396 = tpu.memref_squeeze %dma_wait3A_395 : memref<1x128xi32, #tpu.memory_space<vmem>> -> memref<128xi32, #tpu.memory_space<vmem>>
        %dma_wait3A_397 = arith.constant 0 : i32
        %dma_wait3A_398 = arith.constant 0 : i32
        %dma_wait3A_399 = tpu.memref_slice %arg18[%dma_wait3A_397, %dma_wait3A_398] : memref<10000x64xbf16, #tpu.memory_space<vmem_shared>> -> memref<10000x64xbf16, #tpu.memory_space<vmem_shared>>
        tpu.wait_indirect_dma semaphore(%run_scoped3A : memref<!tpu.dma_semaphore, #tpu.memory_space<semaphore_mem>>) src(%arg17 : memref<128x64xbf16, #tpu.memory_space<vmem>>) dst(%dma_wait3A_399 : memref<10000x64xbf16, #tpu.memory_space<vmem_shared>>)
        tpu.yield
      }) : () -> ()
    }
    %while3A_156 = arith.constant 1 : i32
    scf.for %while3A_169 = %while3A_154 to %while3A_150 step %while3A_156  : i32 {
      %mul3A_170 = arith.constant 10 : i32
      %mul3A_171 = arith.muli %while3A_169, %mul3A_170 : i32
      %add3A = arith.constant 0 : i32
      %add3A_172 = arith.addi %mul3A_171, %add3A : i32
      %dma_wait3A = arith.constant 0 : i32
      %dma_wait3A_173 = tpu.memref_slice %arg5[%add3A_172, %dma_wait3A] : memref<160x128xi32, #tpu.memory_space<vmem>> -> memref<1x128xi32, #tpu.memory_space<vmem>>
      %dma_wait3A_174 = tpu.memref_squeeze %dma_wait3A_173 : memref<1x128xi32, #tpu.memory_space<vmem>> -> memref<128xi32, #tpu.memory_space<vmem>>
      %dma_wait3A_175 = arith.constant 0 : i32
      %dma_wait3A_176 = arith.constant 0 : i32
      %dma_wait3A_177 = tpu.memref_slice %arg2[%arg0, %dma_wait3A_175, %dma_wait3A_176] : memref<2x10000x64xbf16, #tpu.memory_space<hbm>> -> memref<1x10000x64xbf16, #tpu.memory_space<hbm>>
      %dma_wait3A_178 = tpu.memref_squeeze %dma_wait3A_177 : memref<1x10000x64xbf16, #tpu.memory_space<hbm>> -> memref<10000x64xbf16, #tpu.memory_space<hbm>>
      %dma_wait3A_179 = arith.constant 0 : i32
      %dma_wait3A_180 = arith.constant 0 : i32
      %dma_wait3A_181 = tpu.memref_slice %dma_wait3A_178[%dma_wait3A_179, %dma_wait3A_180] : memref<10000x64xbf16, #tpu.memory_space<hbm>> -> memref<10000x64xbf16, #tpu.memory_space<hbm>>
      tpu.wait_indirect_dma semaphore(%arg19 : memref<!tpu.dma_semaphore, #tpu.memory_space<semaphore_mem>>) src(%dma_wait3A_181 : memref<10000x64xbf16, #tpu.memory_space<hbm>>) dst(%arg8 : memref<128x64xbf16, #tpu.memory_space<vmem>>)
      %add3A_182 = arith.constant 10 : i32
      %add3A_183 = arith.addi %add3A_172, %add3A_182 : i32
      %sub3A_184 = arith.constant 1 : i32
      %sub3A_185 = arith.subi %add3A_183, %sub3A_184 : i32
      %lt3A_186 = arith.cmpi slt, %sub3A_185, %select_n3A_2 : i32
      %convert_element_type3A_187 = arith.extui %lt3A_186 : i1 to i32
      %cond3A_188 = arith.constant 0 : i32
      %cond3A_189 = arith.cmpi ne, %convert_element_type3A_187, %cond3A_188 : i32
      scf.if %cond3A_189 {
        %add3A_388 = arith.constant 10 : i32
        %add3A_389 = arith.addi %add3A_172, %add3A_388 : i32
        %sub3A_390 = arith.constant 1 : i32
        %sub3A_391 = arith.subi %add3A_389, %sub3A_390 : i32
        %dma_start3A_392 = arith.constant 0 : i32
        %dma_start3A_393 = tpu.memref_slice %arg5[%sub3A_391, %dma_start3A_392] : memref<160x128xi32, #tpu.memory_space<vmem>> -> memref<1x128xi32, #tpu.memory_space<vmem>>
        %dma_start3A_394 = tpu.memref_squeeze %dma_start3A_393 : memref<1x128xi32, #tpu.memory_space<vmem>> -> memref<128xi32, #tpu.memory_space<vmem>>
        %dma_start3A_395 = arith.constant 0 : i32
        %dma_start3A_396 = arith.constant 0 : i32
        %dma_start3A_397 = tpu.memref_slice %arg2[%arg0, %dma_start3A_395, %dma_start3A_396] : memref<2x10000x64xbf16, #tpu.memory_space<hbm>> -> memref<1x10000x64xbf16, #tpu.memory_space<hbm>>
        %dma_start3A_398 = tpu.memref_squeeze %dma_start3A_397 : memref<1x10000x64xbf16, #tpu.memory_space<hbm>> -> memref<10000x64xbf16, #tpu.memory_space<hbm>>
        %dma_start3A_399 = arith.constant 0 : i32
        %dma_start3A_400 = arith.constant 0 : i32
        %dma_start3A_401 = tpu.memref_slice %dma_start3A_398[%dma_start3A_399, %dma_start3A_400] : memref<10000x64xbf16, #tpu.memory_space<hbm>> -> memref<10000x64xbf16, #tpu.memory_space<hbm>>
        tpu.enqueue_indirect_dma source(%dma_start3A_401 : memref<10000x64xbf16, #tpu.memory_space<hbm>>) target(%arg17 : memref<128x64xbf16, #tpu.memory_space<vmem>>) offsets(%dma_start3A_394 : memref<128xi32, #tpu.memory_space<vmem>>) semaphore(%arg28 : memref<!tpu.dma_semaphore, #tpu.memory_space<semaphore_mem>>)
      } else {
      }
      "tpu.region"() ({
        %run_scoped3A = tpu.sem_alloc : memref<!tpu.dma_semaphore, #tpu.memory_space<semaphore_mem>>
        %dma_start3A_388 = arith.constant 0 : i32
        %dma_start3A_389 = tpu.memref_slice %arg6[%add3A_172, %dma_start3A_388] : memref<160x128xi32, #tpu.memory_space<vmem>> -> memref<1x128xi32, #tpu.memory_space<vmem>>
        %dma_start3A_390 = tpu.memref_squeeze %dma_start3A_389 : memref<1x128xi32, #tpu.memory_space<vmem>> -> memref<128xi32, #tpu.memory_space<vmem>>
        %dma_start3A_391 = arith.constant 0 : i32
        %dma_start3A_392 = arith.constant 0 : i32
        %dma_start3A_393 = tpu.memref_slice %arg18[%dma_start3A_391, %dma_start3A_392] : memref<10000x64xbf16, #tpu.memory_space<vmem_shared>> -> memref<10000x64xbf16, #tpu.memory_space<vmem_shared>>
        tpu.enqueue_indirect_dma source(%arg8 : memref<128x64xbf16, #tpu.memory_space<vmem>>) target(%dma_start3A_393 : memref<10000x64xbf16, #tpu.memory_space<vmem_shared>>) offsets(%dma_start3A_390 : memref<128xi32, #tpu.memory_space<vmem>>) semaphore(%run_scoped3A : memref<!tpu.dma_semaphore, #tpu.memory_space<semaphore_mem>>) {add = true}
        %dma_wait3A_394 = arith.constant 0 : i32
        %dma_wait3A_395 = tpu.memref_slice %arg6[%add3A_172, %dma_wait3A_394] : memref<160x128xi32, #tpu.memory_space<vmem>> -> memref<1x128xi32, #tpu.memory_space<vmem>>
        %dma_wait3A_396 = tpu.memref_squeeze %dma_wait3A_395 : memref<1x128xi32, #tpu.memory_space<vmem>> -> memref<128xi32, #tpu.memory_space<vmem>>
        %dma_wait3A_397 = arith.constant 0 : i32
        %dma_wait3A_398 = arith.constant 0 : i32
        %dma_wait3A_399 = tpu.memref_slice %arg18[%dma_wait3A_397, %dma_wait3A_398] : memref<10000x64xbf16, #tpu.memory_space<vmem_shared>> -> memref<10000x64xbf16, #tpu.memory_space<vmem_shared>>
        tpu.wait_indirect_dma semaphore(%run_scoped3A : memref<!tpu.dma_semaphore, #tpu.memory_space<semaphore_mem>>) src(%arg8 : memref<128x64xbf16, #tpu.memory_space<vmem>>) dst(%dma_wait3A_399 : memref<10000x64xbf16, #tpu.memory_space<vmem_shared>>)
        tpu.yield
      }) : () -> ()
      %mul3A_190 = arith.constant 10 : i32
      %mul3A_191 = arith.muli %while3A_169, %mul3A_190 : i32
      %add3A_192 = arith.constant 1 : i32
      %add3A_193 = arith.addi %mul3A_191, %add3A_192 : i32
      %dma_wait3A_194 = arith.constant 0 : i32
      %dma_wait3A_195 = tpu.memref_slice %arg5[%add3A_193, %dma_wait3A_194] : memref<160x128xi32, #tpu.memory_space<vmem>> -> memref<1x128xi32, #tpu.memory_space<vmem>>
      %dma_wait3A_196 = tpu.memref_squeeze %dma_wait3A_195 : memref<1x128xi32, #tpu.memory_space<vmem>> -> memref<128xi32, #tpu.memory_space<vmem>>
      %dma_wait3A_197 = arith.constant 0 : i32
      %dma_wait3A_198 = arith.constant 0 : i32
      %dma_wait3A_199 = tpu.memref_slice %arg2[%arg0, %dma_wait3A_197, %dma_wait3A_198] : memref<2x10000x64xbf16, #tpu.memory_space<hbm>> -> memref<1x10000x64xbf16, #tpu.memory_space<hbm>>
      %dma_wait3A_200 = tpu.memref_squeeze %dma_wait3A_199 : memref<1x10000x64xbf16, #tpu.memory_space<hbm>> -> memref<10000x64xbf16, #tpu.memory_space<hbm>>
      %dma_wait3A_201 = arith.constant 0 : i32
      %dma_wait3A_202 = arith.constant 0 : i32
      %dma_wait3A_203 = tpu.memref_slice %dma_wait3A_200[%dma_wait3A_201, %dma_wait3A_202] : memref<10000x64xbf16, #tpu.memory_space<hbm>> -> memref<10000x64xbf16, #tpu.memory_space<hbm>>
      tpu.wait_indirect_dma semaphore(%arg20 : memref<!tpu.dma_semaphore, #tpu.memory_space<semaphore_mem>>) src(%dma_wait3A_203 : memref<10000x64xbf16, #tpu.memory_space<hbm>>) dst(%arg9 : memref<128x64xbf16, #tpu.memory_space<vmem>>)
      %add3A_204 = arith.constant 10 : i32
      %add3A_205 = arith.addi %add3A_193, %add3A_204 : i32
      %sub3A_206 = arith.constant 1 : i32
      %sub3A_207 = arith.subi %add3A_205, %sub3A_206 : i32
      %lt3A_208 = arith.cmpi slt, %sub3A_207, %select_n3A_2 : i32
      %convert_element_type3A_209 = arith.extui %lt3A_208 : i1 to i32
      %cond3A_210 = arith.constant 0 : i32
      %cond3A_211 = arith.cmpi ne, %convert_element_type3A_209, %cond3A_210 : i32
      scf.if %cond3A_211 {
        %add3A_388 = arith.constant 10 : i32
        %add3A_389 = arith.addi %add3A_193, %add3A_388 : i32
        %sub3A_390 = arith.constant 1 : i32
        %sub3A_391 = arith.subi %add3A_389, %sub3A_390 : i32
        %dma_start3A_392 = arith.constant 0 : i32
        %dma_start3A_393 = tpu.memref_slice %arg5[%sub3A_391, %dma_start3A_392] : memref<160x128xi32, #tpu.memory_space<vmem>> -> memref<1x128xi32, #tpu.memory_space<vmem>>
        %dma_start3A_394 = tpu.memref_squeeze %dma_start3A_393 : memref<1x128xi32, #tpu.memory_space<vmem>> -> memref<128xi32, #tpu.memory_space<vmem>>
        %dma_start3A_395 = arith.constant 0 : i32
        %dma_start3A_396 = arith.constant 0 : i32
        %dma_start3A_397 = tpu.memref_slice %arg2[%arg0, %dma_start3A_395, %dma_start3A_396] : memref<2x10000x64xbf16, #tpu.memory_space<hbm>> -> memref<1x10000x64xbf16, #tpu.memory_space<hbm>>
        %dma_start3A_398 = tpu.memref_squeeze %dma_start3A_397 : memref<1x10000x64xbf16, #tpu.memory_space<hbm>> -> memref<10000x64xbf16, #tpu.memory_space<hbm>>
        %dma_start3A_399 = arith.constant 0 : i32
        %dma_start3A_400 = arith.constant 0 : i32
        %dma_start3A_401 = tpu.memref_slice %dma_start3A_398[%dma_start3A_399, %dma_start3A_400] : memref<10000x64xbf16, #tpu.memory_space<hbm>> -> memref<10000x64xbf16, #tpu.memory_space<hbm>>
        tpu.enqueue_indirect_dma source(%dma_start3A_401 : memref<10000x64xbf16, #tpu.memory_space<hbm>>) target(%arg8 : memref<128x64xbf16, #tpu.memory_space<vmem>>) offsets(%dma_start3A_394 : memref<128xi32, #tpu.memory_space<vmem>>) semaphore(%arg19 : memref<!tpu.dma_semaphore, #tpu.memory_space<semaphore_mem>>)
      } else {
      }
      "tpu.region"() ({
        %run_scoped3A = tpu.sem_alloc : memref<!tpu.dma_semaphore, #tpu.memory_space<semaphore_mem>>
        %dma_start3A_388 = arith.constant 0 : i32
        %dma_start3A_389 = tpu.memref_slice %arg6[%add3A_193, %dma_start3A_388] : memref<160x128xi32, #tpu.memory_space<vmem>> -> memref<1x128xi32, #tpu.memory_space<vmem>>
        %dma_start3A_390 = tpu.memref_squeeze %dma_start3A_389 : memref<1x128xi32, #tpu.memory_space<vmem>> -> memref<128xi32, #tpu.memory_space<vmem>>
        %dma_start3A_391 = arith.constant 0 : i32
        %dma_start3A_392 = arith.constant 0 : i32
        %dma_start3A_393 = tpu.memref_slice %arg18[%dma_start3A_391, %dma_start3A_392] : memref<10000x64xbf16, #tpu.memory_space<vmem_shared>> -> memref<10000x64xbf16, #tpu.memory_space<vmem_shared>>
        tpu.enqueue_indirect_dma source(%arg9 : memref<128x64xbf16, #tpu.memory_space<vmem>>) target(%dma_start3A_393 : memref<10000x64xbf16, #tpu.memory_space<vmem_shared>>) offsets(%dma_start3A_390 : memref<128xi32, #tpu.memory_space<vmem>>) semaphore(%run_scoped3A : memref<!tpu.dma_semaphore, #tpu.memory_space<semaphore_mem>>) {add = true}
        %dma_wait3A_394 = arith.constant 0 : i32
        %dma_wait3A_395 = tpu.memref_slice %arg6[%add3A_193, %dma_wait3A_394] : memref<160x128xi32, #tpu.memory_space<vmem>> -> memref<1x128xi32, #tpu.memory_space<vmem>>
        %dma_wait3A_396 = tpu.memref_squeeze %dma_wait3A_395 : memref<1x128xi32, #tpu.memory_space<vmem>> -> memref<128xi32, #tpu.memory_space<vmem>>
        %dma_wait3A_397 = arith.constant 0 : i32
        %dma_wait3A_398 = arith.constant 0 : i32
        %dma_wait3A_399 = tpu.memref_slice %arg18[%dma_wait3A_397, %dma_wait3A_398] : memref<10000x64xbf16, #tpu.memory_space<vmem_shared>> -> memref<10000x64xbf16, #tpu.memory_space<vmem_shared>>
        tpu.wait_indirect_dma semaphore(%run_scoped3A : memref<!tpu.dma_semaphore, #tpu.memory_space<semaphore_mem>>) src(%arg9 : memref<128x64xbf16, #tpu.memory_space<vmem>>) dst(%dma_wait3A_399 : memref<10000x64xbf16, #tpu.memory_space<vmem_shared>>)
        tpu.yield
      }) : () -> ()
      %mul3A_212 = arith.constant 10 : i32
      %mul3A_213 = arith.muli %while3A_169, %mul3A_212 : i32
      %add3A_214 = arith.constant 2 : i32
      %add3A_215 = arith.addi %mul3A_213, %add3A_214 : i32
      %dma_wait3A_216 = arith.constant 0 : i32
      %dma_wait3A_217 = tpu.memref_slice %arg5[%add3A_215, %dma_wait3A_216] : memref<160x128xi32, #tpu.memory_space<vmem>> -> memref<1x128xi32, #tpu.memory_space<vmem>>
      %dma_wait3A_218 = tpu.memref_squeeze %dma_wait3A_217 : memref<1x128xi32, #tpu.memory_space<vmem>> -> memref<128xi32, #tpu.memory_space<vmem>>
      %dma_wait3A_219 = arith.constant 0 : i32
      %dma_wait3A_220 = arith.constant 0 : i32
      %dma_wait3A_221 = tpu.memref_slice %arg2[%arg0, %dma_wait3A_219, %dma_wait3A_220] : memref<2x10000x64xbf16, #tpu.memory_space<hbm>> -> memref<1x10000x64xbf16, #tpu.memory_space<hbm>>
      %dma_wait3A_222 = tpu.memref_squeeze %dma_wait3A_221 : memref<1x10000x64xbf16, #tpu.memory_space<hbm>> -> memref<10000x64xbf16, #tpu.memory_space<hbm>>
      %dma_wait3A_223 = arith.constant 0 : i32
      %dma_wait3A_224 = arith.constant 0 : i32
      %dma_wait3A_225 = tpu.memref_slice %dma_wait3A_222[%dma_wait3A_223, %dma_wait3A_224] : memref<10000x64xbf16, #tpu.memory_space<hbm>> -> memref<10000x64xbf16, #tpu.memory_space<hbm>>
      tpu.wait_indirect_dma semaphore(%arg21 : memref<!tpu.dma_semaphore, #tpu.memory_space<semaphore_mem>>) src(%dma_wait3A_225 : memref<10000x64xbf16, #tpu.memory_space<hbm>>) dst(%arg10 : memref<128x64xbf16, #tpu.memory_space<vmem>>)
      %add3A_226 = arith.constant 10 : i32
      %add3A_227 = arith.addi %add3A_215, %add3A_226 : i32
      %sub3A_228 = arith.constant 1 : i32
      %sub3A_229 = arith.subi %add3A_227, %sub3A_228 : i32
      %lt3A_230 = arith.cmpi slt, %sub3A_229, %select_n3A_2 : i32
      %convert_element_type3A_231 = arith.extui %lt3A_230 : i1 to i32
      %cond3A_232 = arith.constant 0 : i32
      %cond3A_233 = arith.cmpi ne, %convert_element_type3A_231, %cond3A_232 : i32
      scf.if %cond3A_233 {
        %add3A_388 = arith.constant 10 : i32
        %add3A_389 = arith.addi %add3A_215, %add3A_388 : i32
        %sub3A_390 = arith.constant 1 : i32
        %sub3A_391 = arith.subi %add3A_389, %sub3A_390 : i32
        %dma_start3A_392 = arith.constant 0 : i32
        %dma_start3A_393 = tpu.memref_slice %arg5[%sub3A_391, %dma_start3A_392] : memref<160x128xi32, #tpu.memory_space<vmem>> -> memref<1x128xi32, #tpu.memory_space<vmem>>
        %dma_start3A_394 = tpu.memref_squeeze %dma_start3A_393 : memref<1x128xi32, #tpu.memory_space<vmem>> -> memref<128xi32, #tpu.memory_space<vmem>>
        %dma_start3A_395 = arith.constant 0 : i32
        %dma_start3A_396 = arith.constant 0 : i32
        %dma_start3A_397 = tpu.memref_slice %arg2[%arg0, %dma_start3A_395, %dma_start3A_396] : memref<2x10000x64xbf16, #tpu.memory_space<hbm>> -> memref<1x10000x64xbf16, #tpu.memory_space<hbm>>
        %dma_start3A_398 = tpu.memref_squeeze %dma_start3A_397 : memref<1x10000x64xbf16, #tpu.memory_space<hbm>> -> memref<10000x64xbf16, #tpu.memory_space<hbm>>
        %dma_start3A_399 = arith.constant 0 : i32
        %dma_start3A_400 = arith.constant 0 : i32
        %dma_start3A_401 = tpu.memref_slice %dma_start3A_398[%dma_start3A_399, %dma_start3A_400] : memref<10000x64xbf16, #tpu.memory_space<hbm>> -> memref<10000x64xbf16, #tpu.memory_space<hbm>>
        tpu.enqueue_indirect_dma source(%dma_start3A_401 : memref<10000x64xbf16, #tpu.memory_space<hbm>>) target(%arg9 : memref<128x64xbf16, #tpu.memory_space<vmem>>) offsets(%dma_start3A_394 : memref<128xi32, #tpu.memory_space<vmem>>) semaphore(%arg20 : memref<!tpu.dma_semaphore, #tpu.memory_space<semaphore_mem>>)
      } else {
      }
      "tpu.region"() ({
        %run_scoped3A = tpu.sem_alloc : memref<!tpu.dma_semaphore, #tpu.memory_space<semaphore_mem>>
        %dma_start3A_388 = arith.constant 0 : i32
        %dma_start3A_389 = tpu.memref_slice %arg6[%add3A_215, %dma_start3A_388] : memref<160x128xi32, #tpu.memory_space<vmem>> -> memref<1x128xi32, #tpu.memory_space<vmem>>
        %dma_start3A_390 = tpu.memref_squeeze %dma_start3A_389 : memref<1x128xi32, #tpu.memory_space<vmem>> -> memref<128xi32, #tpu.memory_space<vmem>>
        %dma_start3A_391 = arith.constant 0 : i32
        %dma_start3A_392 = arith.constant 0 : i32
        %dma_start3A_393 = tpu.memref_slice %arg18[%dma_start3A_391, %dma_start3A_392] : memref<10000x64xbf16, #tpu.memory_space<vmem_shared>> -> memref<10000x64xbf16, #tpu.memory_space<vmem_shared>>
        tpu.enqueue_indirect_dma source(%arg10 : memref<128x64xbf16, #tpu.memory_space<vmem>>) target(%dma_start3A_393 : memref<10000x64xbf16, #tpu.memory_space<vmem_shared>>) offsets(%dma_start3A_390 : memref<128xi32, #tpu.memory_space<vmem>>) semaphore(%run_scoped3A : memref<!tpu.dma_semaphore, #tpu.memory_space<semaphore_mem>>) {add = true}
        %dma_wait3A_394 = arith.constant 0 : i32
        %dma_wait3A_395 = tpu.memref_slice %arg6[%add3A_215, %dma_wait3A_394] : memref<160x128xi32, #tpu.memory_space<vmem>> -> memref<1x128xi32, #tpu.memory_space<vmem>>
        %dma_wait3A_396 = tpu.memref_squeeze %dma_wait3A_395 : memref<1x128xi32, #tpu.memory_space<vmem>> -> memref<128xi32, #tpu.memory_space<vmem>>
        %dma_wait3A_397 = arith.constant 0 : i32
        %dma_wait3A_398 = arith.constant 0 : i32
        %dma_wait3A_399 = tpu.memref_slice %arg18[%dma_wait3A_397, %dma_wait3A_398] : memref<10000x64xbf16, #tpu.memory_space<vmem_shared>> -> memref<10000x64xbf16, #tpu.memory_space<vmem_shared>>
        tpu.wait_indirect_dma semaphore(%run_scoped3A : memref<!tpu.dma_semaphore, #tpu.memory_space<semaphore_mem>>) src(%arg10 : memref<128x64xbf16, #tpu.memory_space<vmem>>) dst(%dma_wait3A_399 : memref<10000x64xbf16, #tpu.memory_space<vmem_shared>>)
        tpu.yield
      }) : () -> ()
      %mul3A_234 = arith.constant 10 : i32
      %mul3A_235 = arith.muli %while3A_169, %mul3A_234 : i32
      %add3A_236 = arith.constant 3 : i32
      %add3A_237 = arith.addi %mul3A_235, %add3A_236 : i32
      %dma_wait3A_238 = arith.constant 0 : i32
      %dma_wait3A_239 = tpu.memref_slice %arg5[%add3A_237, %dma_wait3A_238] : memref<160x128xi32, #tpu.memory_space<vmem>> -> memref<1x128xi32, #tpu.memory_space<vmem>>
      %dma_wait3A_240 = tpu.memref_squeeze %dma_wait3A_239 : memref<1x128xi32, #tpu.memory_space<vmem>> -> memref<128xi32, #tpu.memory_space<vmem>>
      %dma_wait3A_241 = arith.constant 0 : i32
      %dma_wait3A_242 = arith.constant 0 : i32
      %dma_wait3A_243 = tpu.memref_slice %arg2[%arg0, %dma_wait3A_241, %dma_wait3A_242] : memref<2x10000x64xbf16, #tpu.memory_space<hbm>> -> memref<1x10000x64xbf16, #tpu.memory_space<hbm>>
      %dma_wait3A_244 = tpu.memref_squeeze %dma_wait3A_243 : memref<1x10000x64xbf16, #tpu.memory_space<hbm>> -> memref<10000x64xbf16, #tpu.memory_space<hbm>>
      %dma_wait3A_245 = arith.constant 0 : i32
      %dma_wait3A_246 = arith.constant 0 : i32
      %dma_wait3A_247 = tpu.memref_slice %dma_wait3A_244[%dma_wait3A_245, %dma_wait3A_246] : memref<10000x64xbf16, #tpu.memory_space<hbm>> -> memref<10000x64xbf16, #tpu.memory_space<hbm>>
      tpu.wait_indirect_dma semaphore(%arg22 : memref<!tpu.dma_semaphore, #tpu.memory_space<semaphore_mem>>) src(%dma_wait3A_247 : memref<10000x64xbf16, #tpu.memory_space<hbm>>) dst(%arg11 : memref<128x64xbf16, #tpu.memory_space<vmem>>)
      %add3A_248 = arith.constant 10 : i32
      %add3A_249 = arith.addi %add3A_237, %add3A_248 : i32
      %sub3A_250 = arith.constant 1 : i32
      %sub3A_251 = arith.subi %add3A_249, %sub3A_250 : i32
      %lt3A_252 = arith.cmpi slt, %sub3A_251, %select_n3A_2 : i32
      %convert_element_type3A_253 = arith.extui %lt3A_252 : i1 to i32
      %cond3A_254 = arith.constant 0 : i32
      %cond3A_255 = arith.cmpi ne, %convert_element_type3A_253, %cond3A_254 : i32
      scf.if %cond3A_255 {
        %add3A_388 = arith.constant 10 : i32
        %add3A_389 = arith.addi %add3A_237, %add3A_388 : i32
        %sub3A_390 = arith.constant 1 : i32
        %sub3A_391 = arith.subi %add3A_389, %sub3A_390 : i32
        %dma_start3A_392 = arith.constant 0 : i32
        %dma_start3A_393 = tpu.memref_slice %arg5[%sub3A_391, %dma_start3A_392] : memref<160x128xi32, #tpu.memory_space<vmem>> -> memref<1x128xi32, #tpu.memory_space<vmem>>
        %dma_start3A_394 = tpu.memref_squeeze %dma_start3A_393 : memref<1x128xi32, #tpu.memory_space<vmem>> -> memref<128xi32, #tpu.memory_space<vmem>>
        %dma_start3A_395 = arith.constant 0 : i32
        %dma_start3A_396 = arith.constant 0 : i32
        %dma_start3A_397 = tpu.memref_slice %arg2[%arg0, %dma_start3A_395, %dma_start3A_396] : memref<2x10000x64xbf16, #tpu.memory_space<hbm>> -> memref<1x10000x64xbf16, #tpu.memory_space<hbm>>
        %dma_start3A_398 = tpu.memref_squeeze %dma_start3A_397 : memref<1x10000x64xbf16, #tpu.memory_space<hbm>> -> memref<10000x64xbf16, #tpu.memory_space<hbm>>
        %dma_start3A_399 = arith.constant 0 : i32
        %dma_start3A_400 = arith.constant 0 : i32
        %dma_start3A_401 = tpu.memref_slice %dma_start3A_398[%dma_start3A_399, %dma_start3A_400] : memref<10000x64xbf16, #tpu.memory_space<hbm>> -> memref<10000x64xbf16, #tpu.memory_space<hbm>>
        tpu.enqueue_indirect_dma source(%dma_start3A_401 : memref<10000x64xbf16, #tpu.memory_space<hbm>>) target(%arg10 : memref<128x64xbf16, #tpu.memory_space<vmem>>) offsets(%dma_start3A_394 : memref<128xi32, #tpu.memory_space<vmem>>) semaphore(%arg21 : memref<!tpu.dma_semaphore, #tpu.memory_space<semaphore_mem>>)
      } else {
      }
      "tpu.region"() ({
        %run_scoped3A = tpu.sem_alloc : memref<!tpu.dma_semaphore, #tpu.memory_space<semaphore_mem>>
        %dma_start3A_388 = arith.constant 0 : i32
        %dma_start3A_389 = tpu.memref_slice %arg6[%add3A_237, %dma_start3A_388] : memref<160x128xi32, #tpu.memory_space<vmem>> -> memref<1x128xi32, #tpu.memory_space<vmem>>
        %dma_start3A_390 = tpu.memref_squeeze %dma_start3A_389 : memref<1x128xi32, #tpu.memory_space<vmem>> -> memref<128xi32, #tpu.memory_space<vmem>>
        %dma_start3A_391 = arith.constant 0 : i32
        %dma_start3A_392 = arith.constant 0 : i32
        %dma_start3A_393 = tpu.memref_slice %arg18[%dma_start3A_391, %dma_start3A_392] : memref<10000x64xbf16, #tpu.memory_space<vmem_shared>> -> memref<10000x64xbf16, #tpu.memory_space<vmem_shared>>
        tpu.enqueue_indirect_dma source(%arg11 : memref<128x64xbf16, #tpu.memory_space<vmem>>) target(%dma_start3A_393 : memref<10000x64xbf16, #tpu.memory_space<vmem_shared>>) offsets(%dma_start3A_390 : memref<128xi32, #tpu.memory_space<vmem>>) semaphore(%run_scoped3A : memref<!tpu.dma_semaphore, #tpu.memory_space<semaphore_mem>>) {add = true}
        %dma_wait3A_394 = arith.constant 0 : i32
        %dma_wait3A_395 = tpu.memref_slice %arg6[%add3A_237, %dma_wait3A_394] : memref<160x128xi32, #tpu.memory_space<vmem>> -> memref<1x128xi32, #tpu.memory_space<vmem>>
        %dma_wait3A_396 = tpu.memref_squeeze %dma_wait3A_395 : memref<1x128xi32, #tpu.memory_space<vmem>> -> memref<128xi32, #tpu.memory_space<vmem>>
        %dma_wait3A_397 = arith.constant 0 : i32
        %dma_wait3A_398 = arith.constant 0 : i32
        %dma_wait3A_399 = tpu.memref_slice %arg18[%dma_wait3A_397, %dma_wait3A_398] : memref<10000x64xbf16, #tpu.memory_space<vmem_shared>> -> memref<10000x64xbf16, #tpu.memory_space<vmem_shared>>
        tpu.wait_indirect_dma semaphore(%run_scoped3A : memref<!tpu.dma_semaphore, #tpu.memory_space<semaphore_mem>>) src(%arg11 : memref<128x64xbf16, #tpu.memory_space<vmem>>) dst(%dma_wait3A_399 : memref<10000x64xbf16, #tpu.memory_space<vmem_shared>>)
        tpu.yield
      }) : () -> ()
      %mul3A_256 = arith.constant 10 : i32
      %mul3A_257 = arith.muli %while3A_169, %mul3A_256 : i32
      %add3A_258 = arith.constant 4 : i32
      %add3A_259 = arith.addi %mul3A_257, %add3A_258 : i32
      %dma_wait3A_260 = arith.constant 0 : i32
      %dma_wait3A_261 = tpu.memref_slice %arg5[%add3A_259, %dma_wait3A_260] : memref<160x128xi32, #tpu.memory_space<vmem>> -> memref<1x128xi32, #tpu.memory_space<vmem>>
      %dma_wait3A_262 = tpu.memref_squeeze %dma_wait3A_261 : memref<1x128xi32, #tpu.memory_space<vmem>> -> memref<128xi32, #tpu.memory_space<vmem>>
      %dma_wait3A_263 = arith.constant 0 : i32
      %dma_wait3A_264 = arith.constant 0 : i32
      %dma_wait3A_265 = tpu.memref_slice %arg2[%arg0, %dma_wait3A_263, %dma_wait3A_264] : memref<2x10000x64xbf16, #tpu.memory_space<hbm>> -> memref<1x10000x64xbf16, #tpu.memory_space<hbm>>
      %dma_wait3A_266 = tpu.memref_squeeze %dma_wait3A_265 : memref<1x10000x64xbf16, #tpu.memory_space<hbm>> -> memref<10000x64xbf16, #tpu.memory_space<hbm>>
      %dma_wait3A_267 = arith.constant 0 : i32
      %dma_wait3A_268 = arith.constant 0 : i32
      %dma_wait3A_269 = tpu.memref_slice %dma_wait3A_266[%dma_wait3A_267, %dma_wait3A_268] : memref<10000x64xbf16, #tpu.memory_space<hbm>> -> memref<10000x64xbf16, #tpu.memory_space<hbm>>
      tpu.wait_indirect_dma semaphore(%arg23 : memref<!tpu.dma_semaphore, #tpu.memory_space<semaphore_mem>>) src(%dma_wait3A_269 : memref<10000x64xbf16, #tpu.memory_space<hbm>>) dst(%arg12 : memref<128x64xbf16, #tpu.memory_space<vmem>>)
      %add3A_270 = arith.constant 10 : i32
      %add3A_271 = arith.addi %add3A_259, %add3A_270 : i32
      %sub3A_272 = arith.constant 1 : i32
      %sub3A_273 = arith.subi %add3A_271, %sub3A_272 : i32
      %lt3A_274 = arith.cmpi slt, %sub3A_273, %select_n3A_2 : i32
      %convert_element_type3A_275 = arith.extui %lt3A_274 : i1 to i32
      %cond3A_276 = arith.constant 0 : i32
      %cond3A_277 = arith.cmpi ne, %convert_element_type3A_275, %cond3A_276 : i32
      scf.if %cond3A_277 {
        %add3A_388 = arith.constant 10 : i32
        %add3A_389 = arith.addi %add3A_259, %add3A_388 : i32
        %sub3A_390 = arith.constant 1 : i32
        %sub3A_391 = arith.subi %add3A_389, %sub3A_390 : i32
        %dma_start3A_392 = arith.constant 0 : i32
        %dma_start3A_393 = tpu.memref_slice %arg5[%sub3A_391, %dma_start3A_392] : memref<160x128xi32, #tpu.memory_space<vmem>> -> memref<1x128xi32, #tpu.memory_space<vmem>>
        %dma_start3A_394 = tpu.memref_squeeze %dma_start3A_393 : memref<1x128xi32, #tpu.memory_space<vmem>> -> memref<128xi32, #tpu.memory_space<vmem>>
        %dma_start3A_395 = arith.constant 0 : i32
        %dma_start3A_396 = arith.constant 0 : i32
        %dma_start3A_397 = tpu.memref_slice %arg2[%arg0, %dma_start3A_395, %dma_start3A_396] : memref<2x10000x64xbf16, #tpu.memory_space<hbm>> -> memref<1x10000x64xbf16, #tpu.memory_space<hbm>>
        %dma_start3A_398 = tpu.memref_squeeze %dma_start3A_397 : memref<1x10000x64xbf16, #tpu.memory_space<hbm>> -> memref<10000x64xbf16, #tpu.memory_space<hbm>>
        %dma_start3A_399 = arith.constant 0 : i32
        %dma_start3A_400 = arith.constant 0 : i32
        %dma_start3A_401 = tpu.memref_slice %dma_start3A_398[%dma_start3A_399, %dma_start3A_400] : memref<10000x64xbf16, #tpu.memory_space<hbm>> -> memref<10000x64xbf16, #tpu.memory_space<hbm>>
        tpu.enqueue_indirect_dma source(%dma_start3A_401 : memref<10000x64xbf16, #tpu.memory_space<hbm>>) target(%arg11 : memref<128x64xbf16, #tpu.memory_space<vmem>>) offsets(%dma_start3A_394 : memref<128xi32, #tpu.memory_space<vmem>>) semaphore(%arg22 : memref<!tpu.dma_semaphore, #tpu.memory_space<semaphore_mem>>)
      } else {
      }
      "tpu.region"() ({
        %run_scoped3A = tpu.sem_alloc : memref<!tpu.dma_semaphore, #tpu.memory_space<semaphore_mem>>
        %dma_start3A_388 = arith.constant 0 : i32
        %dma_start3A_389 = tpu.memref_slice %arg6[%add3A_259, %dma_start3A_388] : memref<160x128xi32, #tpu.memory_space<vmem>> -> memref<1x128xi32, #tpu.memory_space<vmem>>
        %dma_start3A_390 = tpu.memref_squeeze %dma_start3A_389 : memref<1x128xi32, #tpu.memory_space<vmem>> -> memref<128xi32, #tpu.memory_space<vmem>>
        %dma_start3A_391 = arith.constant 0 : i32
        %dma_start3A_392 = arith.constant 0 : i32
        %dma_start3A_393 = tpu.memref_slice %arg18[%dma_start3A_391, %dma_start3A_392] : memref<10000x64xbf16, #tpu.memory_space<vmem_shared>> -> memref<10000x64xbf16, #tpu.memory_space<vmem_shared>>
        tpu.enqueue_indirect_dma source(%arg12 : memref<128x64xbf16, #tpu.memory_space<vmem>>) target(%dma_start3A_393 : memref<10000x64xbf16, #tpu.memory_space<vmem_shared>>) offsets(%dma_start3A_390 : memref<128xi32, #tpu.memory_space<vmem>>) semaphore(%run_scoped3A : memref<!tpu.dma_semaphore, #tpu.memory_space<semaphore_mem>>) {add = true}
        %dma_wait3A_394 = arith.constant 0 : i32
        %dma_wait3A_395 = tpu.memref_slice %arg6[%add3A_259, %dma_wait3A_394] : memref<160x128xi32, #tpu.memory_space<vmem>> -> memref<1x128xi32, #tpu.memory_space<vmem>>
        %dma_wait3A_396 = tpu.memref_squeeze %dma_wait3A_395 : memref<1x128xi32, #tpu.memory_space<vmem>> -> memref<128xi32, #tpu.memory_space<vmem>>
        %dma_wait3A_397 = arith.constant 0 : i32
        %dma_wait3A_398 = arith.constant 0 : i32
        %dma_wait3A_399 = tpu.memref_slice %arg18[%dma_wait3A_397, %dma_wait3A_398] : memref<10000x64xbf16, #tpu.memory_space<vmem_shared>> -> memref<10000x64xbf16, #tpu.memory_space<vmem_shared>>
        tpu.wait_indirect_dma semaphore(%run_scoped3A : memref<!tpu.dma_semaphore, #tpu.memory_space<semaphore_mem>>) src(%arg12 : memref<128x64xbf16, #tpu.memory_space<vmem>>) dst(%dma_wait3A_399 : memref<10000x64xbf16, #tpu.memory_space<vmem_shared>>)
        tpu.yield
      }) : () -> ()
      %mul3A_278 = arith.constant 10 : i32
      %mul3A_279 = arith.muli %while3A_169, %mul3A_278 : i32
      %add3A_280 = arith.constant 5 : i32
      %add3A_281 = arith.addi %mul3A_279, %add3A_280 : i32
      %dma_wait3A_282 = arith.constant 0 : i32
      %dma_wait3A_283 = tpu.memref_slice %arg5[%add3A_281, %dma_wait3A_282] : memref<160x128xi32, #tpu.memory_space<vmem>> -> memref<1x128xi32, #tpu.memory_space<vmem>>
      %dma_wait3A_284 = tpu.memref_squeeze %dma_wait3A_283 : memref<1x128xi32, #tpu.memory_space<vmem>> -> memref<128xi32, #tpu.memory_space<vmem>>
      %dma_wait3A_285 = arith.constant 0 : i32
      %dma_wait3A_286 = arith.constant 0 : i32
      %dma_wait3A_287 = tpu.memref_slice %arg2[%arg0, %dma_wait3A_285, %dma_wait3A_286] : memref<2x10000x64xbf16, #tpu.memory_space<hbm>> -> memref<1x10000x64xbf16, #tpu.memory_space<hbm>>
      %dma_wait3A_288 = tpu.memref_squeeze %dma_wait3A_287 : memref<1x10000x64xbf16, #tpu.memory_space<hbm>> -> memref<10000x64xbf16, #tpu.memory_space<hbm>>
      %dma_wait3A_289 = arith.constant 0 : i32
      %dma_wait3A_290 = arith.constant 0 : i32
      %dma_wait3A_291 = tpu.memref_slice %dma_wait3A_288[%dma_wait3A_289, %dma_wait3A_290] : memref<10000x64xbf16, #tpu.memory_space<hbm>> -> memref<10000x64xbf16, #tpu.memory_space<hbm>>
      tpu.wait_indirect_dma semaphore(%arg24 : memref<!tpu.dma_semaphore, #tpu.memory_space<semaphore_mem>>) src(%dma_wait3A_291 : memref<10000x64xbf16, #tpu.memory_space<hbm>>) dst(%arg13 : memref<128x64xbf16, #tpu.memory_space<vmem>>)
      %add3A_292 = arith.constant 10 : i32
      %add3A_293 = arith.addi %add3A_281, %add3A_292 : i32
      %sub3A_294 = arith.constant 1 : i32
      %sub3A_295 = arith.subi %add3A_293, %sub3A_294 : i32
      %lt3A_296 = arith.cmpi slt, %sub3A_295, %select_n3A_2 : i32
      %convert_element_type3A_297 = arith.extui %lt3A_296 : i1 to i32
      %cond3A_298 = arith.constant 0 : i32
      %cond3A_299 = arith.cmpi ne, %convert_element_type3A_297, %cond3A_298 : i32
      scf.if %cond3A_299 {
        %add3A_388 = arith.constant 10 : i32
        %add3A_389 = arith.addi %add3A_281, %add3A_388 : i32
        %sub3A_390 = arith.constant 1 : i32
        %sub3A_391 = arith.subi %add3A_389, %sub3A_390 : i32
        %dma_start3A_392 = arith.constant 0 : i32
        %dma_start3A_393 = tpu.memref_slice %arg5[%sub3A_391, %dma_start3A_392] : memref<160x128xi32, #tpu.memory_space<vmem>> -> memref<1x128xi32, #tpu.memory_space<vmem>>
        %dma_start3A_394 = tpu.memref_squeeze %dma_start3A_393 : memref<1x128xi32, #tpu.memory_space<vmem>> -> memref<128xi32, #tpu.memory_space<vmem>>
        %dma_start3A_395 = arith.constant 0 : i32
        %dma_start3A_396 = arith.constant 0 : i32
        %dma_start3A_397 = tpu.memref_slice %arg2[%arg0, %dma_start3A_395, %dma_start3A_396] : memref<2x10000x64xbf16, #tpu.memory_space<hbm>> -> memref<1x10000x64xbf16, #tpu.memory_space<hbm>>
        %dma_start3A_398 = tpu.memref_squeeze %dma_start3A_397 : memref<1x10000x64xbf16, #tpu.memory_space<hbm>> -> memref<10000x64xbf16, #tpu.memory_space<hbm>>
        %dma_start3A_399 = arith.constant 0 : i32
        %dma_start3A_400 = arith.constant 0 : i32
        %dma_start3A_401 = tpu.memref_slice %dma_start3A_398[%dma_start3A_399, %dma_start3A_400] : memref<10000x64xbf16, #tpu.memory_space<hbm>> -> memref<10000x64xbf16, #tpu.memory_space<hbm>>
        tpu.enqueue_indirect_dma source(%dma_start3A_401 : memref<10000x64xbf16, #tpu.memory_space<hbm>>) target(%arg12 : memref<128x64xbf16, #tpu.memory_space<vmem>>) offsets(%dma_start3A_394 : memref<128xi32, #tpu.memory_space<vmem>>) semaphore(%arg23 : memref<!tpu.dma_semaphore, #tpu.memory_space<semaphore_mem>>)
      } else {
      }
      "tpu.region"() ({
        %run_scoped3A = tpu.sem_alloc : memref<!tpu.dma_semaphore, #tpu.memory_space<semaphore_mem>>
        %dma_start3A_388 = arith.constant 0 : i32
        %dma_start3A_389 = tpu.memref_slice %arg6[%add3A_281, %dma_start3A_388] : memref<160x128xi32, #tpu.memory_space<vmem>> -> memref<1x128xi32, #tpu.memory_space<vmem>>
        %dma_start3A_390 = tpu.memref_squeeze %dma_start3A_389 : memref<1x128xi32, #tpu.memory_space<vmem>> -> memref<128xi32, #tpu.memory_space<vmem>>
        %dma_start3A_391 = arith.constant 0 : i32
        %dma_start3A_392 = arith.constant 0 : i32
        %dma_start3A_393 = tpu.memref_slice %arg18[%dma_start3A_391, %dma_start3A_392] : memref<10000x64xbf16, #tpu.memory_space<vmem_shared>> -> memref<10000x64xbf16, #tpu.memory_space<vmem_shared>>
        tpu.enqueue_indirect_dma source(%arg13 : memref<128x64xbf16, #tpu.memory_space<vmem>>) target(%dma_start3A_393 : memref<10000x64xbf16, #tpu.memory_space<vmem_shared>>) offsets(%dma_start3A_390 : memref<128xi32, #tpu.memory_space<vmem>>) semaphore(%run_scoped3A : memref<!tpu.dma_semaphore, #tpu.memory_space<semaphore_mem>>) {add = true}
        %dma_wait3A_394 = arith.constant 0 : i32
        %dma_wait3A_395 = tpu.memref_slice %arg6[%add3A_281, %dma_wait3A_394] : memref<160x128xi32, #tpu.memory_space<vmem>> -> memref<1x128xi32, #tpu.memory_space<vmem>>
        %dma_wait3A_396 = tpu.memref_squeeze %dma_wait3A_395 : memref<1x128xi32, #tpu.memory_space<vmem>> -> memref<128xi32, #tpu.memory_space<vmem>>
        %dma_wait3A_397 = arith.constant 0 : i32
        %dma_wait3A_398 = arith.constant 0 : i32
        %dma_wait3A_399 = tpu.memref_slice %arg18[%dma_wait3A_397, %dma_wait3A_398] : memref<10000x64xbf16, #tpu.memory_space<vmem_shared>> -> memref<10000x64xbf16, #tpu.memory_space<vmem_shared>>
        tpu.wait_indirect_dma semaphore(%run_scoped3A : memref<!tpu.dma_semaphore, #tpu.memory_space<semaphore_mem>>) src(%arg13 : memref<128x64xbf16, #tpu.memory_space<vmem>>) dst(%dma_wait3A_399 : memref<10000x64xbf16, #tpu.memory_space<vmem_shared>>)
        tpu.yield
      }) : () -> ()
      %mul3A_300 = arith.constant 10 : i32
      %mul3A_301 = arith.muli %while3A_169, %mul3A_300 : i32
      %add3A_302 = arith.constant 6 : i32
      %add3A_303 = arith.addi %mul3A_301, %add3A_302 : i32
      %dma_wait3A_304 = arith.constant 0 : i32
      %dma_wait3A_305 = tpu.memref_slice %arg5[%add3A_303, %dma_wait3A_304] : memref<160x128xi32, #tpu.memory_space<vmem>> -> memref<1x128xi32, #tpu.memory_space<vmem>>
      %dma_wait3A_306 = tpu.memref_squeeze %dma_wait3A_305 : memref<1x128xi32, #tpu.memory_space<vmem>> -> memref<128xi32, #tpu.memory_space<vmem>>
      %dma_wait3A_307 = arith.constant 0 : i32
      %dma_wait3A_308 = arith.constant 0 : i32
      %dma_wait3A_309 = tpu.memref_slice %arg2[%arg0, %dma_wait3A_307, %dma_wait3A_308] : memref<2x10000x64xbf16, #tpu.memory_space<hbm>> -> memref<1x10000x64xbf16, #tpu.memory_space<hbm>>
      %dma_wait3A_310 = tpu.memref_squeeze %dma_wait3A_309 : memref<1x10000x64xbf16, #tpu.memory_space<hbm>> -> memref<10000x64xbf16, #tpu.memory_space<hbm>>
      %dma_wait3A_311 = arith.constant 0 : i32
      %dma_wait3A_312 = arith.constant 0 : i32
      %dma_wait3A_313 = tpu.memref_slice %dma_wait3A_310[%dma_wait3A_311, %dma_wait3A_312] : memref<10000x64xbf16, #tpu.memory_space<hbm>> -> memref<10000x64xbf16, #tpu.memory_space<hbm>>
      tpu.wait_indirect_dma semaphore(%arg25 : memref<!tpu.dma_semaphore, #tpu.memory_space<semaphore_mem>>) src(%dma_wait3A_313 : memref<10000x64xbf16, #tpu.memory_space<hbm>>) dst(%arg14 : memref<128x64xbf16, #tpu.memory_space<vmem>>)
      %add3A_314 = arith.constant 10 : i32
      %add3A_315 = arith.addi %add3A_303, %add3A_314 : i32
      %sub3A_316 = arith.constant 1 : i32
      %sub3A_317 = arith.subi %add3A_315, %sub3A_316 : i32
      %lt3A_318 = arith.cmpi slt, %sub3A_317, %select_n3A_2 : i32
      %convert_element_type3A_319 = arith.extui %lt3A_318 : i1 to i32
      %cond3A_320 = arith.constant 0 : i32
      %cond3A_321 = arith.cmpi ne, %convert_element_type3A_319, %cond3A_320 : i32
      scf.if %cond3A_321 {
        %add3A_388 = arith.constant 10 : i32
        %add3A_389 = arith.addi %add3A_303, %add3A_388 : i32
        %sub3A_390 = arith.constant 1 : i32
        %sub3A_391 = arith.subi %add3A_389, %sub3A_390 : i32
        %dma_start3A_392 = arith.constant 0 : i32
        %dma_start3A_393 = tpu.memref_slice %arg5[%sub3A_391, %dma_start3A_392] : memref<160x128xi32, #tpu.memory_space<vmem>> -> memref<1x128xi32, #tpu.memory_space<vmem>>
        %dma_start3A_394 = tpu.memref_squeeze %dma_start3A_393 : memref<1x128xi32, #tpu.memory_space<vmem>> -> memref<128xi32, #tpu.memory_space<vmem>>
        %dma_start3A_395 = arith.constant 0 : i32
        %dma_start3A_396 = arith.constant 0 : i32
        %dma_start3A_397 = tpu.memref_slice %arg2[%arg0, %dma_start3A_395, %dma_start3A_396] : memref<2x10000x64xbf16, #tpu.memory_space<hbm>> -> memref<1x10000x64xbf16, #tpu.memory_space<hbm>>
        %dma_start3A_398 = tpu.memref_squeeze %dma_start3A_397 : memref<1x10000x64xbf16, #tpu.memory_space<hbm>> -> memref<10000x64xbf16, #tpu.memory_space<hbm>>
        %dma_start3A_399 = arith.constant 0 : i32
        %dma_start3A_400 = arith.constant 0 : i32
        %dma_start3A_401 = tpu.memref_slice %dma_start3A_398[%dma_start3A_399, %dma_start3A_400] : memref<10000x64xbf16, #tpu.memory_space<hbm>> -> memref<10000x64xbf16, #tpu.memory_space<hbm>>
        tpu.enqueue_indirect_dma source(%dma_start3A_401 : memref<10000x64xbf16, #tpu.memory_space<hbm>>) target(%arg13 : memref<128x64xbf16, #tpu.memory_space<vmem>>) offsets(%dma_start3A_394 : memref<128xi32, #tpu.memory_space<vmem>>) semaphore(%arg24 : memref<!tpu.dma_semaphore, #tpu.memory_space<semaphore_mem>>)
      } else {
      }
      "tpu.region"() ({
        %run_scoped3A = tpu.sem_alloc : memref<!tpu.dma_semaphore, #tpu.memory_space<semaphore_mem>>
        %dma_start3A_388 = arith.constant 0 : i32
        %dma_start3A_389 = tpu.memref_slice %arg6[%add3A_303, %dma_start3A_388] : memref<160x128xi32, #tpu.memory_space<vmem>> -> memref<1x128xi32, #tpu.memory_space<vmem>>
        %dma_start3A_390 = tpu.memref_squeeze %dma_start3A_389 : memref<1x128xi32, #tpu.memory_space<vmem>> -> memref<128xi32, #tpu.memory_space<vmem>>
        %dma_start3A_391 = arith.constant 0 : i32
        %dma_start3A_392 = arith.constant 0 : i32
        %dma_start3A_393 = tpu.memref_slice %arg18[%dma_start3A_391, %dma_start3A_392] : memref<10000x64xbf16, #tpu.memory_space<vmem_shared>> -> memref<10000x64xbf16, #tpu.memory_space<vmem_shared>>
        tpu.enqueue_indirect_dma source(%arg14 : memref<128x64xbf16, #tpu.memory_space<vmem>>) target(%dma_start3A_393 : memref<10000x64xbf16, #tpu.memory_space<vmem_shared>>) offsets(%dma_start3A_390 : memref<128xi32, #tpu.memory_space<vmem>>) semaphore(%run_scoped3A : memref<!tpu.dma_semaphore, #tpu.memory_space<semaphore_mem>>) {add = true}
        %dma_wait3A_394 = arith.constant 0 : i32
        %dma_wait3A_395 = tpu.memref_slice %arg6[%add3A_303, %dma_wait3A_394] : memref<160x128xi32, #tpu.memory_space<vmem>> -> memref<1x128xi32, #tpu.memory_space<vmem>>
        %dma_wait3A_396 = tpu.memref_squeeze %dma_wait3A_395 : memref<1x128xi32, #tpu.memory_space<vmem>> -> memref<128xi32, #tpu.memory_space<vmem>>
        %dma_wait3A_397 = arith.constant 0 : i32
        %dma_wait3A_398 = arith.constant 0 : i32
        %dma_wait3A_399 = tpu.memref_slice %arg18[%dma_wait3A_397, %dma_wait3A_398] : memref<10000x64xbf16, #tpu.memory_space<vmem_shared>> -> memref<10000x64xbf16, #tpu.memory_space<vmem_shared>>
        tpu.wait_indirect_dma semaphore(%run_scoped3A : memref<!tpu.dma_semaphore, #tpu.memory_space<semaphore_mem>>) src(%arg14 : memref<128x64xbf16, #tpu.memory_space<vmem>>) dst(%dma_wait3A_399 : memref<10000x64xbf16, #tpu.memory_space<vmem_shared>>)
        tpu.yield
      }) : () -> ()
      %mul3A_322 = arith.constant 10 : i32
      %mul3A_323 = arith.muli %while3A_169, %mul3A_322 : i32
      %add3A_324 = arith.constant 7 : i32
      %add3A_325 = arith.addi %mul3A_323, %add3A_324 : i32
      %dma_wait3A_326 = arith.constant 0 : i32
      %dma_wait3A_327 = tpu.memref_slice %arg5[%add3A_325, %dma_wait3A_326] : memref<160x128xi32, #tpu.memory_space<vmem>> -> memref<1x128xi32, #tpu.memory_space<vmem>>
      %dma_wait3A_328 = tpu.memref_squeeze %dma_wait3A_327 : memref<1x128xi32, #tpu.memory_space<vmem>> -> memref<128xi32, #tpu.memory_space<vmem>>
      %dma_wait3A_329 = arith.constant 0 : i32
      %dma_wait3A_330 = arith.constant 0 : i32
      %dma_wait3A_331 = tpu.memref_slice %arg2[%arg0, %dma_wait3A_329, %dma_wait3A_330] : memref<2x10000x64xbf16, #tpu.memory_space<hbm>> -> memref<1x10000x64xbf16, #tpu.memory_space<hbm>>
      %dma_wait3A_332 = tpu.memref_squeeze %dma_wait3A_331 : memref<1x10000x64xbf16, #tpu.memory_space<hbm>> -> memref<10000x64xbf16, #tpu.memory_space<hbm>>
      %dma_wait3A_333 = arith.constant 0 : i32
      %dma_wait3A_334 = arith.constant 0 : i32
      %dma_wait3A_335 = tpu.memref_slice %dma_wait3A_332[%dma_wait3A_333, %dma_wait3A_334] : memref<10000x64xbf16, #tpu.memory_space<hbm>> -> memref<10000x64xbf16, #tpu.memory_space<hbm>>
      tpu.wait_indirect_dma semaphore(%arg26 : memref<!tpu.dma_semaphore, #tpu.memory_space<semaphore_mem>>) src(%dma_wait3A_335 : memref<10000x64xbf16, #tpu.memory_space<hbm>>) dst(%arg15 : memref<128x64xbf16, #tpu.memory_space<vmem>>)
      %add3A_336 = arith.constant 10 : i32
      %add3A_337 = arith.addi %add3A_325, %add3A_336 : i32
      %sub3A_338 = arith.constant 1 : i32
      %sub3A_339 = arith.subi %add3A_337, %sub3A_338 : i32
      %lt3A_340 = arith.cmpi slt, %sub3A_339, %select_n3A_2 : i32
      %convert_element_type3A_341 = arith.extui %lt3A_340 : i1 to i32
      %cond3A_342 = arith.constant 0 : i32
      %cond3A_343 = arith.cmpi ne, %convert_element_type3A_341, %cond3A_342 : i32
      scf.if %cond3A_343 {
        %add3A_388 = arith.constant 10 : i32
        %add3A_389 = arith.addi %add3A_325, %add3A_388 : i32
        %sub3A_390 = arith.constant 1 : i32
        %sub3A_391 = arith.subi %add3A_389, %sub3A_390 : i32
        %dma_start3A_392 = arith.constant 0 : i32
        %dma_start3A_393 = tpu.memref_slice %arg5[%sub3A_391, %dma_start3A_392] : memref<160x128xi32, #tpu.memory_space<vmem>> -> memref<1x128xi32, #tpu.memory_space<vmem>>
        %dma_start3A_394 = tpu.memref_squeeze %dma_start3A_393 : memref<1x128xi32, #tpu.memory_space<vmem>> -> memref<128xi32, #tpu.memory_space<vmem>>
        %dma_start3A_395 = arith.constant 0 : i32
        %dma_start3A_396 = arith.constant 0 : i32
        %dma_start3A_397 = tpu.memref_slice %arg2[%arg0, %dma_start3A_395, %dma_start3A_396] : memref<2x10000x64xbf16, #tpu.memory_space<hbm>> -> memref<1x10000x64xbf16, #tpu.memory_space<hbm>>
        %dma_start3A_398 = tpu.memref_squeeze %dma_start3A_397 : memref<1x10000x64xbf16, #tpu.memory_space<hbm>> -> memref<10000x64xbf16, #tpu.memory_space<hbm>>
        %dma_start3A_399 = arith.constant 0 : i32
        %dma_start3A_400 = arith.constant 0 : i32
        %dma_start3A_401 = tpu.memref_slice %dma_start3A_398[%dma_start3A_399, %dma_start3A_400] : memref<10000x64xbf16, #tpu.memory_space<hbm>> -> memref<10000x64xbf16, #tpu.memory_space<hbm>>
        tpu.enqueue_indirect_dma source(%dma_start3A_401 : memref<10000x64xbf16, #tpu.memory_space<hbm>>) target(%arg14 : memref<128x64xbf16, #tpu.memory_space<vmem>>) offsets(%dma_start3A_394 : memref<128xi32, #tpu.memory_space<vmem>>) semaphore(%arg25 : memref<!tpu.dma_semaphore, #tpu.memory_space<semaphore_mem>>)
      } else {
      }
      "tpu.region"() ({
        %run_scoped3A = tpu.sem_alloc : memref<!tpu.dma_semaphore, #tpu.memory_space<semaphore_mem>>
        %dma_start3A_388 = arith.constant 0 : i32
        %dma_start3A_389 = tpu.memref_slice %arg6[%add3A_325, %dma_start3A_388] : memref<160x128xi32, #tpu.memory_space<vmem>> -> memref<1x128xi32, #tpu.memory_space<vmem>>
        %dma_start3A_390 = tpu.memref_squeeze %dma_start3A_389 : memref<1x128xi32, #tpu.memory_space<vmem>> -> memref<128xi32, #tpu.memory_space<vmem>>
        %dma_start3A_391 = arith.constant 0 : i32
        %dma_start3A_392 = arith.constant 0 : i32
        %dma_start3A_393 = tpu.memref_slice %arg18[%dma_start3A_391, %dma_start3A_392] : memref<10000x64xbf16, #tpu.memory_space<vmem_shared>> -> memref<10000x64xbf16, #tpu.memory_space<vmem_shared>>
        tpu.enqueue_indirect_dma source(%arg15 : memref<128x64xbf16, #tpu.memory_space<vmem>>) target(%dma_start3A_393 : memref<10000x64xbf16, #tpu.memory_space<vmem_shared>>) offsets(%dma_start3A_390 : memref<128xi32, #tpu.memory_space<vmem>>) semaphore(%run_scoped3A : memref<!tpu.dma_semaphore, #tpu.memory_space<semaphore_mem>>) {add = true}
        %dma_wait3A_394 = arith.constant 0 : i32
        %dma_wait3A_395 = tpu.memref_slice %arg6[%add3A_325, %dma_wait3A_394] : memref<160x128xi32, #tpu.memory_space<vmem>> -> memref<1x128xi32, #tpu.memory_space<vmem>>
        %dma_wait3A_396 = tpu.memref_squeeze %dma_wait3A_395 : memref<1x128xi32, #tpu.memory_space<vmem>> -> memref<128xi32, #tpu.memory_space<vmem>>
        %dma_wait3A_397 = arith.constant 0 : i32
        %dma_wait3A_398 = arith.constant 0 : i32
        %dma_wait3A_399 = tpu.memref_slice %arg18[%dma_wait3A_397, %dma_wait3A_398] : memref<10000x64xbf16, #tpu.memory_space<vmem_shared>> -> memref<10000x64xbf16, #tpu.memory_space<vmem_shared>>
        tpu.wait_indirect_dma semaphore(%run_scoped3A : memref<!tpu.dma_semaphore, #tpu.memory_space<semaphore_mem>>) src(%arg15 : memref<128x64xbf16, #tpu.memory_space<vmem>>) dst(%dma_wait3A_399 : memref<10000x64xbf16, #tpu.memory_space<vmem_shared>>)
        tpu.yield
      }) : () -> ()
      %mul3A_344 = arith.constant 10 : i32
      %mul3A_345 = arith.muli %while3A_169, %mul3A_344 : i32
      %add3A_346 = arith.constant 8 : i32
      %add3A_347 = arith.addi %mul3A_345, %add3A_346 : i32
      %dma_wait3A_348 = arith.constant 0 : i32
      %dma_wait3A_349 = tpu.memref_slice %arg5[%add3A_347, %dma_wait3A_348] : memref<160x128xi32, #tpu.memory_space<vmem>> -> memref<1x128xi32, #tpu.memory_space<vmem>>
      %dma_wait3A_350 = tpu.memref_squeeze %dma_wait3A_349 : memref<1x128xi32, #tpu.memory_space<vmem>> -> memref<128xi32, #tpu.memory_space<vmem>>
      %dma_wait3A_351 = arith.constant 0 : i32
      %dma_wait3A_352 = arith.constant 0 : i32
      %dma_wait3A_353 = tpu.memref_slice %arg2[%arg0, %dma_wait3A_351, %dma_wait3A_352] : memref<2x10000x64xbf16, #tpu.memory_space<hbm>> -> memref<1x10000x64xbf16, #tpu.memory_space<hbm>>
      %dma_wait3A_354 = tpu.memref_squeeze %dma_wait3A_353 : memref<1x10000x64xbf16, #tpu.memory_space<hbm>> -> memref<10000x64xbf16, #tpu.memory_space<hbm>>
      %dma_wait3A_355 = arith.constant 0 : i32
      %dma_wait3A_356 = arith.constant 0 : i32
      %dma_wait3A_357 = tpu.memref_slice %dma_wait3A_354[%dma_wait3A_355, %dma_wait3A_356] : memref<10000x64xbf16, #tpu.memory_space<hbm>> -> memref<10000x64xbf16, #tpu.memory_space<hbm>>
      tpu.wait_indirect_dma semaphore(%arg27 : memref<!tpu.dma_semaphore, #tpu.memory_space<semaphore_mem>>) src(%dma_wait3A_357 : memref<10000x64xbf16, #tpu.memory_space<hbm>>) dst(%arg16 : memref<128x64xbf16, #tpu.memory_space<vmem>>)
      %add3A_358 = arith.constant 10 : i32
      %add3A_359 = arith.addi %add3A_347, %add3A_358 : i32
      %sub3A_360 = arith.constant 1 : i32
      %sub3A_361 = arith.subi %add3A_359, %sub3A_360 : i32
      %lt3A_362 = arith.cmpi slt, %sub3A_361, %select_n3A_2 : i32
      %convert_element_type3A_363 = arith.extui %lt3A_362 : i1 to i32
      %cond3A_364 = arith.constant 0 : i32
      %cond3A_365 = arith.cmpi ne, %convert_element_type3A_363, %cond3A_364 : i32
      scf.if %cond3A_365 {
        %add3A_388 = arith.constant 10 : i32
        %add3A_389 = arith.addi %add3A_347, %add3A_388 : i32
        %sub3A_390 = arith.constant 1 : i32
        %sub3A_391 = arith.subi %add3A_389, %sub3A_390 : i32
        %dma_start3A_392 = arith.constant 0 : i32
        %dma_start3A_393 = tpu.memref_slice %arg5[%sub3A_391, %dma_start3A_392] : memref<160x128xi32, #tpu.memory_space<vmem>> -> memref<1x128xi32, #tpu.memory_space<vmem>>
        %dma_start3A_394 = tpu.memref_squeeze %dma_start3A_393 : memref<1x128xi32, #tpu.memory_space<vmem>> -> memref<128xi32, #tpu.memory_space<vmem>>
        %dma_start3A_395 = arith.constant 0 : i32
        %dma_start3A_396 = arith.constant 0 : i32
        %dma_start3A_397 = tpu.memref_slice %arg2[%arg0, %dma_start3A_395, %dma_start3A_396] : memref<2x10000x64xbf16, #tpu.memory_space<hbm>> -> memref<1x10000x64xbf16, #tpu.memory_space<hbm>>
        %dma_start3A_398 = tpu.memref_squeeze %dma_start3A_397 : memref<1x10000x64xbf16, #tpu.memory_space<hbm>> -> memref<10000x64xbf16, #tpu.memory_space<hbm>>
        %dma_start3A_399 = arith.constant 0 : i32
        %dma_start3A_400 = arith.constant 0 : i32
        %dma_start3A_401 = tpu.memref_slice %dma_start3A_398[%dma_start3A_399, %dma_start3A_400] : memref<10000x64xbf16, #tpu.memory_space<hbm>> -> memref<10000x64xbf16, #tpu.memory_space<hbm>>
        tpu.enqueue_indirect_dma source(%dma_start3A_401 : memref<10000x64xbf16, #tpu.memory_space<hbm>>) target(%arg15 : memref<128x64xbf16, #tpu.memory_space<vmem>>) offsets(%dma_start3A_394 : memref<128xi32, #tpu.memory_space<vmem>>) semaphore(%arg26 : memref<!tpu.dma_semaphore, #tpu.memory_space<semaphore_mem>>)
      } else {
      }
      "tpu.region"() ({
        %run_scoped3A = tpu.sem_alloc : memref<!tpu.dma_semaphore, #tpu.memory_space<semaphore_mem>>
        %dma_start3A_388 = arith.constant 0 : i32
        %dma_start3A_389 = tpu.memref_slice %arg6[%add3A_347, %dma_start3A_388] : memref<160x128xi32, #tpu.memory_space<vmem>> -> memref<1x128xi32, #tpu.memory_space<vmem>>
        %dma_start3A_390 = tpu.memref_squeeze %dma_start3A_389 : memref<1x128xi32, #tpu.memory_space<vmem>> -> memref<128xi32, #tpu.memory_space<vmem>>
        %dma_start3A_391 = arith.constant 0 : i32
        %dma_start3A_392 = arith.constant 0 : i32
        %dma_start3A_393 = tpu.memref_slice %arg18[%dma_start3A_391, %dma_start3A_392] : memref<10000x64xbf16, #tpu.memory_space<vmem_shared>> -> memref<10000x64xbf16, #tpu.memory_space<vmem_shared>>
        tpu.enqueue_indirect_dma source(%arg16 : memref<128x64xbf16, #tpu.memory_space<vmem>>) target(%dma_start3A_393 : memref<10000x64xbf16, #tpu.memory_space<vmem_shared>>) offsets(%dma_start3A_390 : memref<128xi32, #tpu.memory_space<vmem>>) semaphore(%run_scoped3A : memref<!tpu.dma_semaphore, #tpu.memory_space<semaphore_mem>>) {add = true}
        %dma_wait3A_394 = arith.constant 0 : i32
        %dma_wait3A_395 = tpu.memref_slice %arg6[%add3A_347, %dma_wait3A_394] : memref<160x128xi32, #tpu.memory_space<vmem>> -> memref<1x128xi32, #tpu.memory_space<vmem>>
        %dma_wait3A_396 = tpu.memref_squeeze %dma_wait3A_395 : memref<1x128xi32, #tpu.memory_space<vmem>> -> memref<128xi32, #tpu.memory_space<vmem>>
        %dma_wait3A_397 = arith.constant 0 : i32
        %dma_wait3A_398 = arith.constant 0 : i32
        %dma_wait3A_399 = tpu.memref_slice %arg18[%dma_wait3A_397, %dma_wait3A_398] : memref<10000x64xbf16, #tpu.memory_space<vmem_shared>> -> memref<10000x64xbf16, #tpu.memory_space<vmem_shared>>
        tpu.wait_indirect_dma semaphore(%run_scoped3A : memref<!tpu.dma_semaphore, #tpu.memory_space<semaphore_mem>>) src(%arg16 : memref<128x64xbf16, #tpu.memory_space<vmem>>) dst(%dma_wait3A_399 : memref<10000x64xbf16, #tpu.memory_space<vmem_shared>>)
        tpu.yield
      }) : () -> ()
      %mul3A_366 = arith.constant 10 : i32
      %mul3A_367 = arith.muli %while3A_169, %mul3A_366 : i32
      %add3A_368 = arith.constant 9 : i32
      %add3A_369 = arith.addi %mul3A_367, %add3A_368 : i32
      %dma_wait3A_370 = arith.constant 0 : i32
      %dma_wait3A_371 = tpu.memref_slice %arg5[%add3A_369, %dma_wait3A_370] : memref<160x128xi32, #tpu.memory_space<vmem>> -> memref<1x128xi32, #tpu.memory_space<vmem>>
      %dma_wait3A_372 = tpu.memref_squeeze %dma_wait3A_371 : memref<1x128xi32, #tpu.memory_space<vmem>> -> memref<128xi32, #tpu.memory_space<vmem>>
      %dma_wait3A_373 = arith.constant 0 : i32
      %dma_wait3A_374 = arith.constant 0 : i32
      %dma_wait3A_375 = tpu.memref_slice %arg2[%arg0, %dma_wait3A_373, %dma_wait3A_374] : memref<2x10000x64xbf16, #tpu.memory_space<hbm>> -> memref<1x10000x64xbf16, #tpu.memory_space<hbm>>
      %dma_wait3A_376 = tpu.memref_squeeze %dma_wait3A_375 : memref<1x10000x64xbf16, #tpu.memory_space<hbm>> -> memref<10000x64xbf16, #tpu.memory_space<hbm>>
      %dma_wait3A_377 = arith.constant 0 : i32
      %dma_wait3A_378 = arith.constant 0 : i32
      %dma_wait3A_379 = tpu.memref_slice %dma_wait3A_376[%dma_wait3A_377, %dma_wait3A_378] : memref<10000x64xbf16, #tpu.memory_space<hbm>> -> memref<10000x64xbf16, #tpu.memory_space<hbm>>
      tpu.wait_indirect_dma semaphore(%arg28 : memref<!tpu.dma_semaphore, #tpu.memory_space<semaphore_mem>>) src(%dma_wait3A_379 : memref<10000x64xbf16, #tpu.memory_space<hbm>>) dst(%arg17 : memref<128x64xbf16, #tpu.memory_space<vmem>>)
      %add3A_380 = arith.constant 10 : i32
      %add3A_381 = arith.addi %add3A_369, %add3A_380 : i32
      %sub3A_382 = arith.constant 1 : i32
      %sub3A_383 = arith.subi %add3A_381, %sub3A_382 : i32
      %lt3A_384 = arith.cmpi slt, %sub3A_383, %select_n3A_2 : i32
      %convert_element_type3A_385 = arith.extui %lt3A_384 : i1 to i32
      %cond3A_386 = arith.constant 0 : i32
      %cond3A_387 = arith.cmpi ne, %convert_element_type3A_385, %cond3A_386 : i32
      scf.if %cond3A_387 {
        %add3A_388 = arith.constant 10 : i32
        %add3A_389 = arith.addi %add3A_369, %add3A_388 : i32
        %sub3A_390 = arith.constant 1 : i32
        %sub3A_391 = arith.subi %add3A_389, %sub3A_390 : i32
        %dma_start3A_392 = arith.constant 0 : i32
        %dma_start3A_393 = tpu.memref_slice %arg5[%sub3A_391, %dma_start3A_392] : memref<160x128xi32, #tpu.memory_space<vmem>> -> memref<1x128xi32, #tpu.memory_space<vmem>>
        %dma_start3A_394 = tpu.memref_squeeze %dma_start3A_393 : memref<1x128xi32, #tpu.memory_space<vmem>> -> memref<128xi32, #tpu.memory_space<vmem>>
        %dma_start3A_395 = arith.constant 0 : i32
        %dma_start3A_396 = arith.constant 0 : i32
        %dma_start3A_397 = tpu.memref_slice %arg2[%arg0, %dma_start3A_395, %dma_start3A_396] : memref<2x10000x64xbf16, #tpu.memory_space<hbm>> -> memref<1x10000x64xbf16, #tpu.memory_space<hbm>>
        %dma_start3A_398 = tpu.memref_squeeze %dma_start3A_397 : memref<1x10000x64xbf16, #tpu.memory_space<hbm>> -> memref<10000x64xbf16, #tpu.memory_space<hbm>>
        %dma_start3A_399 = arith.constant 0 : i32
        %dma_start3A_400 = arith.constant 0 : i32
        %dma_start3A_401 = tpu.memref_slice %dma_start3A_398[%dma_start3A_399, %dma_start3A_400] : memref<10000x64xbf16, #tpu.memory_space<hbm>> -> memref<10000x64xbf16, #tpu.memory_space<hbm>>
        tpu.enqueue_indirect_dma source(%dma_start3A_401 : memref<10000x64xbf16, #tpu.memory_space<hbm>>) target(%arg16 : memref<128x64xbf16, #tpu.memory_space<vmem>>) offsets(%dma_start3A_394 : memref<128xi32, #tpu.memory_space<vmem>>) semaphore(%arg27 : memref<!tpu.dma_semaphore, #tpu.memory_space<semaphore_mem>>)
      } else {
      }
      "tpu.region"() ({
        %run_scoped3A = tpu.sem_alloc : memref<!tpu.dma_semaphore, #tpu.memory_space<semaphore_mem>>
        %dma_start3A_388 = arith.constant 0 : i32
        %dma_start3A_389 = tpu.memref_slice %arg6[%add3A_369, %dma_start3A_388] : memref<160x128xi32, #tpu.memory_space<vmem>> -> memref<1x128xi32, #tpu.memory_space<vmem>>
        %dma_start3A_390 = tpu.memref_squeeze %dma_start3A_389 : memref<1x128xi32, #tpu.memory_space<vmem>> -> memref<128xi32, #tpu.memory_space<vmem>>
        %dma_start3A_391 = arith.constant 0 : i32
        %dma_start3A_392 = arith.constant 0 : i32
        %dma_start3A_393 = tpu.memref_slice %arg18[%dma_start3A_391, %dma_start3A_392] : memref<10000x64xbf16, #tpu.memory_space<vmem_shared>> -> memref<10000x64xbf16, #tpu.memory_space<vmem_shared>>
        tpu.enqueue_indirect_dma source(%arg17 : memref<128x64xbf16, #tpu.memory_space<vmem>>) target(%dma_start3A_393 : memref<10000x64xbf16, #tpu.memory_space<vmem_shared>>) offsets(%dma_start3A_390 : memref<128xi32, #tpu.memory_space<vmem>>) semaphore(%run_scoped3A : memref<!tpu.dma_semaphore, #tpu.memory_space<semaphore_mem>>) {add = true}
        %dma_wait3A_394 = arith.constant 0 : i32
        %dma_wait3A_395 = tpu.memref_slice %arg6[%add3A_369, %dma_wait3A_394] : memref<160x128xi32, #tpu.memory_space<vmem>> -> memref<1x128xi32, #tpu.memory_space<vmem>>
        %dma_wait3A_396 = tpu.memref_squeeze %dma_wait3A_395 : memref<1x128xi32, #tpu.memory_space<vmem>> -> memref<128xi32, #tpu.memory_space<vmem>>
        %dma_wait3A_397 = arith.constant 0 : i32
        %dma_wait3A_398 = arith.constant 0 : i32
        %dma_wait3A_399 = tpu.memref_slice %arg18[%dma_wait3A_397, %dma_wait3A_398] : memref<10000x64xbf16, #tpu.memory_space<vmem_shared>> -> memref<10000x64xbf16, #tpu.memory_space<vmem_shared>>
        tpu.wait_indirect_dma semaphore(%run_scoped3A : memref<!tpu.dma_semaphore, #tpu.memory_space<semaphore_mem>>) src(%arg17 : memref<128x64xbf16, #tpu.memory_space<vmem>>) dst(%dma_wait3A_399 : memref<10000x64xbf16, #tpu.memory_space<vmem_shared>>)
        tpu.yield
      }) : () -> ()
    }
    %barrier3A_157 = arith.constant 0 : index
    tpu.barrier barrier_id(%barrier3A_157)
    %mul3A = arith.constant 64 : i32
    %mul3A_158 = arith.muli %arg0, %mul3A : i32
    %lt3A_159 = arith.constant 15 : i32
    %lt3A_160 = arith.cmpi slt, %arg1, %lt3A_159 : i32
    %convert_element_type3A_161 = arith.extui %lt3A_160 : i1 to i32
    %cond3A_162 = arith.constant 0 : i32
    %cond3A_163 = arith.cmpi ne, %convert_element_type3A_161, %cond3A_162 : i32
    scf.if %cond3A_163 {
      %mul3A_169 = arith.constant 632 : i32
      %mul3A_170 = arith.muli %arg1, %mul3A_169 : i32
      %mul3A_171 = arith.constant 632 : i32
      %mul3A_172 = arith.muli %arg1, %mul3A_171 : i32
      "tpu.region"() ({
        %run_scoped3A = tpu.sem_alloc : memref<!tpu.dma_semaphore, #tpu.memory_space<semaphore_mem>>
        %dma_start3A_173 = tpu.memref_slice %arg4[%mul3A_172, %mul3A_158] : memref<10000x128xbf16, #tpu.memory_space<hbm>> -> memref<632x64xbf16, #tpu.memory_space<hbm>>
        %dma_start3A_174 = arith.constant 0 : i32
        %dma_start3A_175 = tpu.memref_slice %arg18[%mul3A_170, %dma_start3A_174] : memref<10000x64xbf16, #tpu.memory_space<vmem_shared>> -> memref<632x64xbf16, #tpu.memory_space<vmem_shared>>
        tpu.enqueue_dma source(%dma_start3A_175 : memref<632x64xbf16, #tpu.memory_space<vmem_shared>>) target(%dma_start3A_173 : memref<632x64xbf16, #tpu.memory_space<hbm>>) target_semaphore(%run_scoped3A : memref<!tpu.dma_semaphore, #tpu.memory_space<semaphore_mem>>)
        %dma_wait3A = tpu.memref_slice %arg4[%mul3A_172, %mul3A_158] : memref<10000x128xbf16, #tpu.memory_space<hbm>> -> memref<632x64xbf16, #tpu.memory_space<hbm>>
        %dma_wait3A_176 = arith.constant 0 : i32
        %dma_wait3A_177 = tpu.memref_slice %arg18[%mul3A_170, %dma_wait3A_176] : memref<10000x64xbf16, #tpu.memory_space<vmem_shared>> -> memref<632x64xbf16, #tpu.memory_space<vmem_shared>>
        tpu.wait_dma2 semaphore(%run_scoped3A : memref<!tpu.dma_semaphore, #tpu.memory_space<semaphore_mem>>) src(%dma_wait3A_177 : memref<632x64xbf16, #tpu.memory_space<vmem_shared>>) dst(%dma_wait3A : memref<632x64xbf16, #tpu.memory_space<hbm>>)
        tpu.yield
      }) : () -> ()
    } else {
    }
    %eq3A_164 = arith.constant 15 : i32
    %eq3A_165 = arith.cmpi eq, %arg1, %eq3A_164 : i32
    %convert_element_type3A_166 = arith.extui %eq3A_165 : i1 to i32
    %cond3A_167 = arith.constant 0 : i32
    %cond3A_168 = arith.cmpi ne, %convert_element_type3A_166, %cond3A_167 : i32
    scf.if %cond3A_168 {
      "tpu.region"() ({
        %run_scoped3A = tpu.sem_alloc : memref<!tpu.dma_semaphore, #tpu.memory_space<semaphore_mem>>
        %dma_start3A_169 = arith.constant 9480 : i32
        %dma_start3A_170 = tpu.memref_slice %arg4[%dma_start3A_169, %mul3A_158] : memref<10000x128xbf16, #tpu.memory_space<hbm>> -> memref<520x64xbf16, #tpu.memory_space<hbm>>
        %dma_start3A_171 = arith.constant 9480 : i32
        %dma_start3A_172 = arith.constant 0 : i32
        %dma_start3A_173 = tpu.memref_slice %arg18[%dma_start3A_171, %dma_start3A_172] : memref<10000x64xbf16, #tpu.memory_space<vmem_shared>> -> memref<520x64xbf16, #tpu.memory_space<vmem_shared>>
        tpu.enqueue_dma source(%dma_start3A_173 : memref<520x64xbf16, #tpu.memory_space<vmem_shared>>) target(%dma_start3A_170 : memref<520x64xbf16, #tpu.memory_space<hbm>>) target_semaphore(%run_scoped3A : memref<!tpu.dma_semaphore, #tpu.memory_space<semaphore_mem>>)
        %dma_wait3A = arith.constant 9480 : i32
        %dma_wait3A_174 = tpu.memref_slice %arg4[%dma_wait3A, %mul3A_158] : memref<10000x128xbf16, #tpu.memory_space<hbm>> -> memref<520x64xbf16, #tpu.memory_space<hbm>>
        %dma_wait3A_175 = arith.constant 9480 : i32
        %dma_wait3A_176 = arith.constant 0 : i32
        %dma_wait3A_177 = tpu.memref_slice %arg18[%dma_wait3A_175, %dma_wait3A_176] : memref<10000x64xbf16, #tpu.memory_space<vmem_shared>> -> memref<520x64xbf16, #tpu.memory_space<vmem_shared>>
        tpu.wait_dma2 semaphore(%run_scoped3A : memref<!tpu.dma_semaphore, #tpu.memory_space<semaphore_mem>>) src(%dma_wait3A_177 : memref<520x64xbf16, #tpu.memory_space<vmem_shared>>) dst(%dma_wait3A_174 : memref<520x64xbf16, #tpu.memory_space<hbm>>)
        tpu.yield
      }) : () -> ()
    } else {
    }
    return
  }
}

#map = affine_map<(d0, d1) -> (0, 0, 0)>
#map1 = affine_map<(d0, d1) -> (0, 0)>
module attributes {stable_mosaic.version = 14 : i64} {
  func.func @deg_kernel(%arg0: i32, %arg1: i32, %arg2: memref<2x2500x128xi32, #tpu.memory_space<hbm>>, %arg3: memref<2x10000xf32, #tpu.memory_space<hbm>>, %arg4: memref<80x128xi32, #tpu.memory_space<vmem>>, %arg5: memref<128xf32, #tpu.memory_space<vmem>>, %arg6: memref<640xf32, #tpu.memory_space<vmem>>, %arg7: memref<10000xf32, #tpu.memory_space<vmem_shared>>, %arg8: memref<!tpu.dma_semaphore, #tpu.memory_space<semaphore_mem>>) attributes {dimension_semantics = [#tpu.dimension_semantics<core_parallel>, #tpu.dimension_semantics<subcore_parallel>], iteration_bounds = array<i64: 2, 16>, scalar_prefetch = 0 : i64, scratch_operands = 5 : i64, tpu.core_type = #tpu.core_type<sc_vector_subcore>, window_params = [{transform_indices = #map}, {transform_indices = #map1}]} {
    %mul3A = arith.constant 16 : i32
    %mul3A_0 = arith.muli %arg0, %mul3A : i32
    %add3A = arith.addi %mul3A_0, %arg1 : i32
    %lt3A = arith.constant 31 : i32
    %lt3A_1 = arith.cmpi slt, %add3A, %lt3A : i32
    %select_n3A = arith.constant 20 : i32
    %select_n3A_2 = arith.constant 80 : i32
    %select_n3A_3 = arith.select %lt3A_1, %select_n3A_2, %select_n3A : i32
    %broadcast_in_dim3A = arith.constant 1.000000e+00 : f32
    %broadcast_in_dim3A_4 = vector.broadcast %broadcast_in_dim3A : f32 to vector<16xf32>
    %swap3A = arith.constant 0 : index
    %swap3A_5 = tpu.vector_load %arg5[%swap3A] {strides = array<i32>} : memref<128xf32, #tpu.memory_space<vmem>>, vector<16xf32>,
    %swap3A_6 = vector.shape_cast %swap3A_5 : vector<16xf32> to vector<16xf32>
    %swap3A_7 = vector.shape_cast %broadcast_in_dim3A_4 : vector<16xf32> to vector<16xf32>
    tpu.vector_store %arg5[%swap3A], %swap3A_7 {strides = array<i32>} : memref<128xf32, #tpu.memory_space<vmem>>, vector<16xf32>,
    %broadcast_in_dim3A_8 = arith.constant 1.000000e+00 : f32
    %broadcast_in_dim3A_9 = vector.broadcast %broadcast_in_dim3A_8 : f32 to vector<16xf32>
    %swap3A_10 = arith.constant 16 : index
    %swap3A_11 = tpu.vector_load %arg5[%swap3A_10] {strides = array<i32>} : memref<128xf32, #tpu.memory_space<vmem>>, vector<16xf32>,
    %swap3A_12 = vector.shape_cast %swap3A_11 : vector<16xf32> to vector<16xf32>
    %swap3A_13 = vector.shape_cast %broadcast_in_dim3A_9 : vector<16xf32> to vector<16xf32>
    tpu.vector_store %arg5[%swap3A_10], %swap3A_13 {strides = array<i32>} : memref<128xf32, #tpu.memory_space<vmem>>, vector<16xf32>,
    %broadcast_in_dim3A_14 = arith.constant 1.000000e+00 : f32
    %broadcast_in_dim3A_15 = vector.broadcast %broadcast_in_dim3A_14 : f32 to vector<16xf32>
    %swap3A_16 = arith.constant 32 : index
    %swap3A_17 = tpu.vector_load %arg5[%swap3A_16] {strides = array<i32>} : memref<128xf32, #tpu.memory_space<vmem>>, vector<16xf32>,
    %swap3A_18 = vector.shape_cast %swap3A_17 : vector<16xf32> to vector<16xf32>
    %swap3A_19 = vector.shape_cast %broadcast_in_dim3A_15 : vector<16xf32> to vector<16xf32>
    tpu.vector_store %arg5[%swap3A_16], %swap3A_19 {strides = array<i32>} : memref<128xf32, #tpu.memory_space<vmem>>, vector<16xf32>,
    %broadcast_in_dim3A_20 = arith.constant 1.000000e+00 : f32
    %broadcast_in_dim3A_21 = vector.broadcast %broadcast_in_dim3A_20 : f32 to vector<16xf32>
    %swap3A_22 = arith.constant 48 : index
    %swap3A_23 = tpu.vector_load %arg5[%swap3A_22] {strides = array<i32>} : memref<128xf32, #tpu.memory_space<vmem>>, vector<16xf32>,
    %swap3A_24 = vector.shape_cast %swap3A_23 : vector<16xf32> to vector<16xf32>
    %swap3A_25 = vector.shape_cast %broadcast_in_dim3A_21 : vector<16xf32> to vector<16xf32>
    tpu.vector_store %arg5[%swap3A_22], %swap3A_25 {strides = array<i32>} : memref<128xf32, #tpu.memory_space<vmem>>, vector<16xf32>,
    %broadcast_in_dim3A_26 = arith.constant 1.000000e+00 : f32
    %broadcast_in_dim3A_27 = vector.broadcast %broadcast_in_dim3A_26 : f32 to vector<16xf32>
    %swap3A_28 = arith.constant 64 : index
    %swap3A_29 = tpu.vector_load %arg5[%swap3A_28] {strides = array<i32>} : memref<128xf32, #tpu.memory_space<vmem>>, vector<16xf32>,
    %swap3A_30 = vector.shape_cast %swap3A_29 : vector<16xf32> to vector<16xf32>
    %swap3A_31 = vector.shape_cast %broadcast_in_dim3A_27 : vector<16xf32> to vector<16xf32>
    tpu.vector_store %arg5[%swap3A_28], %swap3A_31 {strides = array<i32>} : memref<128xf32, #tpu.memory_space<vmem>>, vector<16xf32>,
    %broadcast_in_dim3A_32 = arith.constant 1.000000e+00 : f32
    %broadcast_in_dim3A_33 = vector.broadcast %broadcast_in_dim3A_32 : f32 to vector<16xf32>
    %swap3A_34 = arith.constant 80 : index
    %swap3A_35 = tpu.vector_load %arg5[%swap3A_34] {strides = array<i32>} : memref<128xf32, #tpu.memory_space<vmem>>, vector<16xf32>,
    %swap3A_36 = vector.shape_cast %swap3A_35 : vector<16xf32> to vector<16xf32>
    %swap3A_37 = vector.shape_cast %broadcast_in_dim3A_33 : vector<16xf32> to vector<16xf32>
    tpu.vector_store %arg5[%swap3A_34], %swap3A_37 {strides = array<i32>} : memref<128xf32, #tpu.memory_space<vmem>>, vector<16xf32>,
    %broadcast_in_dim3A_38 = arith.constant 1.000000e+00 : f32
    %broadcast_in_dim3A_39 = vector.broadcast %broadcast_in_dim3A_38 : f32 to vector<16xf32>
    %swap3A_40 = arith.constant 96 : index
    %swap3A_41 = tpu.vector_load %arg5[%swap3A_40] {strides = array<i32>} : memref<128xf32, #tpu.memory_space<vmem>>, vector<16xf32>,
    %swap3A_42 = vector.shape_cast %swap3A_41 : vector<16xf32> to vector<16xf32>
    %swap3A_43 = vector.shape_cast %broadcast_in_dim3A_39 : vector<16xf32> to vector<16xf32>
    tpu.vector_store %arg5[%swap3A_40], %swap3A_43 {strides = array<i32>} : memref<128xf32, #tpu.memory_space<vmem>>, vector<16xf32>,
    %broadcast_in_dim3A_44 = arith.constant 1.000000e+00 : f32
    %broadcast_in_dim3A_45 = vector.broadcast %broadcast_in_dim3A_44 : f32 to vector<16xf32>
    %swap3A_46 = arith.constant 112 : index
    %swap3A_47 = tpu.vector_load %arg5[%swap3A_46] {strides = array<i32>} : memref<128xf32, #tpu.memory_space<vmem>>, vector<16xf32>,
    %swap3A_48 = vector.shape_cast %swap3A_47 : vector<16xf32> to vector<16xf32>
    %swap3A_49 = vector.shape_cast %broadcast_in_dim3A_45 : vector<16xf32> to vector<16xf32>
    tpu.vector_store %arg5[%swap3A_46], %swap3A_49 {strides = array<i32>} : memref<128xf32, #tpu.memory_space<vmem>>, vector<16xf32>,
    %broadcast_in_dim3A_50 = arith.constant 0.000000e+00 : f32
    %broadcast_in_dim3A_51 = vector.broadcast %broadcast_in_dim3A_50 : f32 to vector<16xf32>
    %swap3A_52 = arith.constant 0 : index
    %swap3A_53 = tpu.vector_load %arg6[%swap3A_52] {strides = array<i32>} : memref<640xf32, #tpu.memory_space<vmem>>, vector<16xf32>,
    %swap3A_54 = vector.shape_cast %swap3A_53 : vector<16xf32> to vector<16xf32>
    %swap3A_55 = vector.shape_cast %broadcast_in_dim3A_51 : vector<16xf32> to vector<16xf32>
    tpu.vector_store %arg6[%swap3A_52], %swap3A_55 {strides = array<i32>} : memref<640xf32, #tpu.memory_space<vmem>>, vector<16xf32>,
    %broadcast_in_dim3A_56 = arith.constant 0.000000e+00 : f32
    %broadcast_in_dim3A_57 = vector.broadcast %broadcast_in_dim3A_56 : f32 to vector<16xf32>
    %swap3A_58 = arith.constant 16 : index
    %swap3A_59 = tpu.vector_load %arg6[%swap3A_58] {strides = array<i32>} : memref<640xf32, #tpu.memory_space<vmem>>, vector<16xf32>,
    %swap3A_60 = vector.shape_cast %swap3A_59 : vector<16xf32> to vector<16xf32>
    %swap3A_61 = vector.shape_cast %broadcast_in_dim3A_57 : vector<16xf32> to vector<16xf32>
    tpu.vector_store %arg6[%swap3A_58], %swap3A_61 {strides = array<i32>} : memref<640xf32, #tpu.memory_space<vmem>>, vector<16xf32>,
    %broadcast_in_dim3A_62 = arith.constant 0.000000e+00 : f32
    %broadcast_in_dim3A_63 = vector.broadcast %broadcast_in_dim3A_62 : f32 to vector<16xf32>
    %swap3A_64 = arith.constant 32 : index
    %swap3A_65 = tpu.vector_load %arg6[%swap3A_64] {strides = array<i32>} : memref<640xf32, #tpu.memory_space<vmem>>, vector<16xf32>,
    %swap3A_66 = vector.shape_cast %swap3A_65 : vector<16xf32> to vector<16xf32>
    %swap3A_67 = vector.shape_cast %broadcast_in_dim3A_63 : vector<16xf32> to vector<16xf32>
    tpu.vector_store %arg6[%swap3A_64], %swap3A_67 {strides = array<i32>} : memref<640xf32, #tpu.memory_space<vmem>>, vector<16xf32>,
    %broadcast_in_dim3A_68 = arith.constant 0.000000e+00 : f32
    %broadcast_in_dim3A_69 = vector.broadcast %broadcast_in_dim3A_68 : f32 to vector<16xf32>
    %swap3A_70 = arith.constant 48 : index
    %swap3A_71 = tpu.vector_load %arg6[%swap3A_70] {strides = array<i32>} : memref<640xf32, #tpu.memory_space<vmem>>, vector<16xf32>,
    %swap3A_72 = vector.shape_cast %swap3A_71 : vector<16xf32> to vector<16xf32>
    %swap3A_73 = vector.shape_cast %broadcast_in_dim3A_69 : vector<16xf32> to vector<16xf32>
    tpu.vector_store %arg6[%swap3A_70], %swap3A_73 {strides = array<i32>} : memref<640xf32, #tpu.memory_space<vmem>>, vector<16xf32>,
    %broadcast_in_dim3A_74 = arith.constant 0.000000e+00 : f32
    %broadcast_in_dim3A_75 = vector.broadcast %broadcast_in_dim3A_74 : f32 to vector<16xf32>
    %swap3A_76 = arith.constant 64 : index
    %swap3A_77 = tpu.vector_load %arg6[%swap3A_76] {strides = array<i32>} : memref<640xf32, #tpu.memory_space<vmem>>, vector<16xf32>,
    %swap3A_78 = vector.shape_cast %swap3A_77 : vector<16xf32> to vector<16xf32>
    %swap3A_79 = vector.shape_cast %broadcast_in_dim3A_75 : vector<16xf32> to vector<16xf32>
    tpu.vector_store %arg6[%swap3A_76], %swap3A_79 {strides = array<i32>} : memref<640xf32, #tpu.memory_space<vmem>>, vector<16xf32>,
    %broadcast_in_dim3A_80 = arith.constant 0.000000e+00 : f32
    %broadcast_in_dim3A_81 = vector.broadcast %broadcast_in_dim3A_80 : f32 to vector<16xf32>
    %swap3A_82 = arith.constant 80 : index
    %swap3A_83 = tpu.vector_load %arg6[%swap3A_82] {strides = array<i32>} : memref<640xf32, #tpu.memory_space<vmem>>, vector<16xf32>,
    %swap3A_84 = vector.shape_cast %swap3A_83 : vector<16xf32> to vector<16xf32>
    %swap3A_85 = vector.shape_cast %broadcast_in_dim3A_81 : vector<16xf32> to vector<16xf32>
    tpu.vector_store %arg6[%swap3A_82], %swap3A_85 {strides = array<i32>} : memref<640xf32, #tpu.memory_space<vmem>>, vector<16xf32>,
    %broadcast_in_dim3A_86 = arith.constant 0.000000e+00 : f32
    %broadcast_in_dim3A_87 = vector.broadcast %broadcast_in_dim3A_86 : f32 to vector<16xf32>
    %swap3A_88 = arith.constant 96 : index
    %swap3A_89 = tpu.vector_load %arg6[%swap3A_88] {strides = array<i32>} : memref<640xf32, #tpu.memory_space<vmem>>, vector<16xf32>,
    %swap3A_90 = vector.shape_cast %swap3A_89 : vector<16xf32> to vector<16xf32>
    %swap3A_91 = vector.shape_cast %broadcast_in_dim3A_87 : vector<16xf32> to vector<16xf32>
    tpu.vector_store %arg6[%swap3A_88], %swap3A_91 {strides = array<i32>} : memref<640xf32, #tpu.memory_space<vmem>>, vector<16xf32>,
    %broadcast_in_dim3A_92 = arith.constant 0.000000e+00 : f32
    %broadcast_in_dim3A_93 = vector.broadcast %broadcast_in_dim3A_92 : f32 to vector<16xf32>
    %swap3A_94 = arith.constant 112 : index
    %swap3A_95 = tpu.vector_load %arg6[%swap3A_94] {strides = array<i32>} : memref<640xf32, #tpu.memory_space<vmem>>, vector<16xf32>,
    %swap3A_96 = vector.shape_cast %swap3A_95 : vector<16xf32> to vector<16xf32>
    %swap3A_97 = vector.shape_cast %broadcast_in_dim3A_93 : vector<16xf32> to vector<16xf32>
    tpu.vector_store %arg6[%swap3A_94], %swap3A_97 {strides = array<i32>} : memref<640xf32, #tpu.memory_space<vmem>>, vector<16xf32>,
    %broadcast_in_dim3A_98 = arith.constant 0.000000e+00 : f32
    %broadcast_in_dim3A_99 = vector.broadcast %broadcast_in_dim3A_98 : f32 to vector<16xf32>
    %swap3A_100 = arith.constant 128 : index
    %swap3A_101 = tpu.vector_load %arg6[%swap3A_100] {strides = array<i32>} : memref<640xf32, #tpu.memory_space<vmem>>, vector<16xf32>,
    %swap3A_102 = vector.shape_cast %swap3A_101 : vector<16xf32> to vector<16xf32>
    %swap3A_103 = vector.shape_cast %broadcast_in_dim3A_99 : vector<16xf32> to vector<16xf32>
    tpu.vector_store %arg6[%swap3A_100], %swap3A_103 {strides = array<i32>} : memref<640xf32, #tpu.memory_space<vmem>>, vector<16xf32>,
    %broadcast_in_dim3A_104 = arith.constant 0.000000e+00 : f32
    %broadcast_in_dim3A_105 = vector.broadcast %broadcast_in_dim3A_104 : f32 to vector<16xf32>
    %swap3A_106 = arith.constant 144 : index
    %swap3A_107 = tpu.vector_load %arg6[%swap3A_106] {strides = array<i32>} : memref<640xf32, #tpu.memory_space<vmem>>, vector<16xf32>,
    %swap3A_108 = vector.shape_cast %swap3A_107 : vector<16xf32> to vector<16xf32>
    %swap3A_109 = vector.shape_cast %broadcast_in_dim3A_105 : vector<16xf32> to vector<16xf32>
    tpu.vector_store %arg6[%swap3A_106], %swap3A_109 {strides = array<i32>} : memref<640xf32, #tpu.memory_space<vmem>>, vector<16xf32>,
    %broadcast_in_dim3A_110 = arith.constant 0.000000e+00 : f32
    %broadcast_in_dim3A_111 = vector.broadcast %broadcast_in_dim3A_110 : f32 to vector<16xf32>
    %swap3A_112 = arith.constant 160 : index
    %swap3A_113 = tpu.vector_load %arg6[%swap3A_112] {strides = array<i32>} : memref<640xf32, #tpu.memory_space<vmem>>, vector<16xf32>,
    %swap3A_114 = vector.shape_cast %swap3A_113 : vector<16xf32> to vector<16xf32>
    %swap3A_115 = vector.shape_cast %broadcast_in_dim3A_111 : vector<16xf32> to vector<16xf32>
    tpu.vector_store %arg6[%swap3A_112], %swap3A_115 {strides = array<i32>} : memref<640xf32, #tpu.memory_space<vmem>>, vector<16xf32>,
    %broadcast_in_dim3A_116 = arith.constant 0.000000e+00 : f32
    %broadcast_in_dim3A_117 = vector.broadcast %broadcast_in_dim3A_116 : f32 to vector<16xf32>
    %swap3A_118 = arith.constant 176 : index
    %swap3A_119 = tpu.vector_load %arg6[%swap3A_118] {strides = array<i32>} : memref<640xf32, #tpu.memory_space<vmem>>, vector<16xf32>,
    %swap3A_120 = vector.shape_cast %swap3A_119 : vector<16xf32> to vector<16xf32>
    %swap3A_121 = vector.shape_cast %broadcast_in_dim3A_117 : vector<16xf32> to vector<16xf32>
    tpu.vector_store %arg6[%swap3A_118], %swap3A_121 {strides = array<i32>} : memref<640xf32, #tpu.memory_space<vmem>>, vector<16xf32>,
    %broadcast_in_dim3A_122 = arith.constant 0.000000e+00 : f32
    %broadcast_in_dim3A_123 = vector.broadcast %broadcast_in_dim3A_122 : f32 to vector<16xf32>
    %swap3A_124 = arith.constant 192 : index
    %swap3A_125 = tpu.vector_load %arg6[%swap3A_124] {strides = array<i32>} : memref<640xf32, #tpu.memory_space<vmem>>, vector<16xf32>,
    %swap3A_126 = vector.shape_cast %swap3A_125 : vector<16xf32> to vector<16xf32>
    %swap3A_127 = vector.shape_cast %broadcast_in_dim3A_123 : vector<16xf32> to vector<16xf32>
    tpu.vector_store %arg6[%swap3A_124], %swap3A_127 {strides = array<i32>} : memref<640xf32, #tpu.memory_space<vmem>>, vector<16xf32>,
    %broadcast_in_dim3A_128 = arith.constant 0.000000e+00 : f32
    %broadcast_in_dim3A_129 = vector.broadcast %broadcast_in_dim3A_128 : f32 to vector<16xf32>
    %swap3A_130 = arith.constant 208 : index
    %swap3A_131 = tpu.vector_load %arg6[%swap3A_130] {strides = array<i32>} : memref<640xf32, #tpu.memory_space<vmem>>, vector<16xf32>,
    %swap3A_132 = vector.shape_cast %swap3A_131 : vector<16xf32> to vector<16xf32>
    %swap3A_133 = vector.shape_cast %broadcast_in_dim3A_129 : vector<16xf32> to vector<16xf32>
    tpu.vector_store %arg6[%swap3A_130], %swap3A_133 {strides = array<i32>} : memref<640xf32, #tpu.memory_space<vmem>>, vector<16xf32>,
    %broadcast_in_dim3A_134 = arith.constant 0.000000e+00 : f32
    %broadcast_in_dim3A_135 = vector.broadcast %broadcast_in_dim3A_134 : f32 to vector<16xf32>
    %swap3A_136 = arith.constant 224 : index
    %swap3A_137 = tpu.vector_load %arg6[%swap3A_136] {strides = array<i32>} : memref<640xf32, #tpu.memory_space<vmem>>, vector<16xf32>,
    %swap3A_138 = vector.shape_cast %swap3A_137 : vector<16xf32> to vector<16xf32>
    %swap3A_139 = vector.shape_cast %broadcast_in_dim3A_135 : vector<16xf32> to vector<16xf32>
    tpu.vector_store %arg6[%swap3A_136], %swap3A_139 {strides = array<i32>} : memref<640xf32, #tpu.memory_space<vmem>>, vector<16xf32>,
    %broadcast_in_dim3A_140 = arith.constant 0.000000e+00 : f32
    %broadcast_in_dim3A_141 = vector.broadcast %broadcast_in_dim3A_140 : f32 to vector<16xf32>
    %swap3A_142 = arith.constant 240 : index
    %swap3A_143 = tpu.vector_load %arg6[%swap3A_142] {strides = array<i32>} : memref<640xf32, #tpu.memory_space<vmem>>, vector<16xf32>,
    %swap3A_144 = vector.shape_cast %swap3A_143 : vector<16xf32> to vector<16xf32>
    %swap3A_145 = vector.shape_cast %broadcast_in_dim3A_141 : vector<16xf32> to vector<16xf32>
    tpu.vector_store %arg6[%swap3A_142], %swap3A_145 {strides = array<i32>} : memref<640xf32, #tpu.memory_space<vmem>>, vector<16xf32>,
    %broadcast_in_dim3A_146 = arith.constant 0.000000e+00 : f32
    %broadcast_in_dim3A_147 = vector.broadcast %broadcast_in_dim3A_146 : f32 to vector<16xf32>
    %swap3A_148 = arith.constant 256 : index
    %swap3A_149 = tpu.vector_load %arg6[%swap3A_148] {strides = array<i32>} : memref<640xf32, #tpu.memory_space<vmem>>, vector<16xf32>,
    %swap3A_150 = vector.shape_cast %swap3A_149 : vector<16xf32> to vector<16xf32>
    %swap3A_151 = vector.shape_cast %broadcast_in_dim3A_147 : vector<16xf32> to vector<16xf32>
    tpu.vector_store %arg6[%swap3A_148], %swap3A_151 {strides = array<i32>} : memref<640xf32, #tpu.memory_space<vmem>>, vector<16xf32>,
    %broadcast_in_dim3A_152 = arith.constant 0.000000e+00 : f32
    %broadcast_in_dim3A_153 = vector.broadcast %broadcast_in_dim3A_152 : f32 to vector<16xf32>
    %swap3A_154 = arith.constant 272 : index
    %swap3A_155 = tpu.vector_load %arg6[%swap3A_154] {strides = array<i32>} : memref<640xf32, #tpu.memory_space<vmem>>, vector<16xf32>,
    %swap3A_156 = vector.shape_cast %swap3A_155 : vector<16xf32> to vector<16xf32>
    %swap3A_157 = vector.shape_cast %broadcast_in_dim3A_153 : vector<16xf32> to vector<16xf32>
    tpu.vector_store %arg6[%swap3A_154], %swap3A_157 {strides = array<i32>} : memref<640xf32, #tpu.memory_space<vmem>>, vector<16xf32>,
    %broadcast_in_dim3A_158 = arith.constant 0.000000e+00 : f32
    %broadcast_in_dim3A_159 = vector.broadcast %broadcast_in_dim3A_158 : f32 to vector<16xf32>
    %swap3A_160 = arith.constant 288 : index
    %swap3A_161 = tpu.vector_load %arg6[%swap3A_160] {strides = array<i32>} : memref<640xf32, #tpu.memory_space<vmem>>, vector<16xf32>,
    %swap3A_162 = vector.shape_cast %swap3A_161 : vector<16xf32> to vector<16xf32>
    %swap3A_163 = vector.shape_cast %broadcast_in_dim3A_159 : vector<16xf32> to vector<16xf32>
    tpu.vector_store %arg6[%swap3A_160], %swap3A_163 {strides = array<i32>} : memref<640xf32, #tpu.memory_space<vmem>>, vector<16xf32>,
    %broadcast_in_dim3A_164 = arith.constant 0.000000e+00 : f32
    %broadcast_in_dim3A_165 = vector.broadcast %broadcast_in_dim3A_164 : f32 to vector<16xf32>
    %swap3A_166 = arith.constant 304 : index
    %swap3A_167 = tpu.vector_load %arg6[%swap3A_166] {strides = array<i32>} : memref<640xf32, #tpu.memory_space<vmem>>, vector<16xf32>,
    %swap3A_168 = vector.shape_cast %swap3A_167 : vector<16xf32> to vector<16xf32>
    %swap3A_169 = vector.shape_cast %broadcast_in_dim3A_165 : vector<16xf32> to vector<16xf32>
    tpu.vector_store %arg6[%swap3A_166], %swap3A_169 {strides = array<i32>} : memref<640xf32, #tpu.memory_space<vmem>>, vector<16xf32>,
    %broadcast_in_dim3A_170 = arith.constant 0.000000e+00 : f32
    %broadcast_in_dim3A_171 = vector.broadcast %broadcast_in_dim3A_170 : f32 to vector<16xf32>
    %swap3A_172 = arith.constant 320 : index
    %swap3A_173 = tpu.vector_load %arg6[%swap3A_172] {strides = array<i32>} : memref<640xf32, #tpu.memory_space<vmem>>, vector<16xf32>,
    %swap3A_174 = vector.shape_cast %swap3A_173 : vector<16xf32> to vector<16xf32>
    %swap3A_175 = vector.shape_cast %broadcast_in_dim3A_171 : vector<16xf32> to vector<16xf32>
    tpu.vector_store %arg6[%swap3A_172], %swap3A_175 {strides = array<i32>} : memref<640xf32, #tpu.memory_space<vmem>>, vector<16xf32>,
    %broadcast_in_dim3A_176 = arith.constant 0.000000e+00 : f32
    %broadcast_in_dim3A_177 = vector.broadcast %broadcast_in_dim3A_176 : f32 to vector<16xf32>
    %swap3A_178 = arith.constant 336 : index
    %swap3A_179 = tpu.vector_load %arg6[%swap3A_178] {strides = array<i32>} : memref<640xf32, #tpu.memory_space<vmem>>, vector<16xf32>,
    %swap3A_180 = vector.shape_cast %swap3A_179 : vector<16xf32> to vector<16xf32>
    %swap3A_181 = vector.shape_cast %broadcast_in_dim3A_177 : vector<16xf32> to vector<16xf32>
    tpu.vector_store %arg6[%swap3A_178], %swap3A_181 {strides = array<i32>} : memref<640xf32, #tpu.memory_space<vmem>>, vector<16xf32>,
    %broadcast_in_dim3A_182 = arith.constant 0.000000e+00 : f32
    %broadcast_in_dim3A_183 = vector.broadcast %broadcast_in_dim3A_182 : f32 to vector<16xf32>
    %swap3A_184 = arith.constant 352 : index
    %swap3A_185 = tpu.vector_load %arg6[%swap3A_184] {strides = array<i32>} : memref<640xf32, #tpu.memory_space<vmem>>, vector<16xf32>,
    %swap3A_186 = vector.shape_cast %swap3A_185 : vector<16xf32> to vector<16xf32>
    %swap3A_187 = vector.shape_cast %broadcast_in_dim3A_183 : vector<16xf32> to vector<16xf32>
    tpu.vector_store %arg6[%swap3A_184], %swap3A_187 {strides = array<i32>} : memref<640xf32, #tpu.memory_space<vmem>>, vector<16xf32>,
    %broadcast_in_dim3A_188 = arith.constant 0.000000e+00 : f32
    %broadcast_in_dim3A_189 = vector.broadcast %broadcast_in_dim3A_188 : f32 to vector<16xf32>
    %swap3A_190 = arith.constant 368 : index
    %swap3A_191 = tpu.vector_load %arg6[%swap3A_190] {strides = array<i32>} : memref<640xf32, #tpu.memory_space<vmem>>, vector<16xf32>,
    %swap3A_192 = vector.shape_cast %swap3A_191 : vector<16xf32> to vector<16xf32>
    %swap3A_193 = vector.shape_cast %broadcast_in_dim3A_189 : vector<16xf32> to vector<16xf32>
    tpu.vector_store %arg6[%swap3A_190], %swap3A_193 {strides = array<i32>} : memref<640xf32, #tpu.memory_space<vmem>>, vector<16xf32>,
    %broadcast_in_dim3A_194 = arith.constant 0.000000e+00 : f32
    %broadcast_in_dim3A_195 = vector.broadcast %broadcast_in_dim3A_194 : f32 to vector<16xf32>
    %swap3A_196 = arith.constant 384 : index
    %swap3A_197 = tpu.vector_load %arg6[%swap3A_196] {strides = array<i32>} : memref<640xf32, #tpu.memory_space<vmem>>, vector<16xf32>,
    %swap3A_198 = vector.shape_cast %swap3A_197 : vector<16xf32> to vector<16xf32>
    %swap3A_199 = vector.shape_cast %broadcast_in_dim3A_195 : vector<16xf32> to vector<16xf32>
    tpu.vector_store %arg6[%swap3A_196], %swap3A_199 {strides = array<i32>} : memref<640xf32, #tpu.memory_space<vmem>>, vector<16xf32>,
    %broadcast_in_dim3A_200 = arith.constant 0.000000e+00 : f32
    %broadcast_in_dim3A_201 = vector.broadcast %broadcast_in_dim3A_200 : f32 to vector<16xf32>
    %swap3A_202 = arith.constant 400 : index
    %swap3A_203 = tpu.vector_load %arg6[%swap3A_202] {strides = array<i32>} : memref<640xf32, #tpu.memory_space<vmem>>, vector<16xf32>,
    %swap3A_204 = vector.shape_cast %swap3A_203 : vector<16xf32> to vector<16xf32>
    %swap3A_205 = vector.shape_cast %broadcast_in_dim3A_201 : vector<16xf32> to vector<16xf32>
    tpu.vector_store %arg6[%swap3A_202], %swap3A_205 {strides = array<i32>} : memref<640xf32, #tpu.memory_space<vmem>>, vector<16xf32>,
    %broadcast_in_dim3A_206 = arith.constant 0.000000e+00 : f32
    %broadcast_in_dim3A_207 = vector.broadcast %broadcast_in_dim3A_206 : f32 to vector<16xf32>
    %swap3A_208 = arith.constant 416 : index
    %swap3A_209 = tpu.vector_load %arg6[%swap3A_208] {strides = array<i32>} : memref<640xf32, #tpu.memory_space<vmem>>, vector<16xf32>,
    %swap3A_210 = vector.shape_cast %swap3A_209 : vector<16xf32> to vector<16xf32>
    %swap3A_211 = vector.shape_cast %broadcast_in_dim3A_207 : vector<16xf32> to vector<16xf32>
    tpu.vector_store %arg6[%swap3A_208], %swap3A_211 {strides = array<i32>} : memref<640xf32, #tpu.memory_space<vmem>>, vector<16xf32>,
    %broadcast_in_dim3A_212 = arith.constant 0.000000e+00 : f32
    %broadcast_in_dim3A_213 = vector.broadcast %broadcast_in_dim3A_212 : f32 to vector<16xf32>
    %swap3A_214 = arith.constant 432 : index
    %swap3A_215 = tpu.vector_load %arg6[%swap3A_214] {strides = array<i32>} : memref<640xf32, #tpu.memory_space<vmem>>, vector<16xf32>,
    %swap3A_216 = vector.shape_cast %swap3A_215 : vector<16xf32> to vector<16xf32>
    %swap3A_217 = vector.shape_cast %broadcast_in_dim3A_213 : vector<16xf32> to vector<16xf32>
    tpu.vector_store %arg6[%swap3A_214], %swap3A_217 {strides = array<i32>} : memref<640xf32, #tpu.memory_space<vmem>>, vector<16xf32>,
    %broadcast_in_dim3A_218 = arith.constant 0.000000e+00 : f32
    %broadcast_in_dim3A_219 = vector.broadcast %broadcast_in_dim3A_218 : f32 to vector<16xf32>
    %swap3A_220 = arith.constant 448 : index
    %swap3A_221 = tpu.vector_load %arg6[%swap3A_220] {strides = array<i32>} : memref<640xf32, #tpu.memory_space<vmem>>, vector<16xf32>,
    %swap3A_222 = vector.shape_cast %swap3A_221 : vector<16xf32> to vector<16xf32>
    %swap3A_223 = vector.shape_cast %broadcast_in_dim3A_219 : vector<16xf32> to vector<16xf32>
    tpu.vector_store %arg6[%swap3A_220], %swap3A_223 {strides = array<i32>} : memref<640xf32, #tpu.memory_space<vmem>>, vector<16xf32>,
    %broadcast_in_dim3A_224 = arith.constant 0.000000e+00 : f32
    %broadcast_in_dim3A_225 = vector.broadcast %broadcast_in_dim3A_224 : f32 to vector<16xf32>
    %swap3A_226 = arith.constant 464 : index
    %swap3A_227 = tpu.vector_load %arg6[%swap3A_226] {strides = array<i32>} : memref<640xf32, #tpu.memory_space<vmem>>, vector<16xf32>,
    %swap3A_228 = vector.shape_cast %swap3A_227 : vector<16xf32> to vector<16xf32>
    %swap3A_229 = vector.shape_cast %broadcast_in_dim3A_225 : vector<16xf32> to vector<16xf32>
    tpu.vector_store %arg6[%swap3A_226], %swap3A_229 {strides = array<i32>} : memref<640xf32, #tpu.memory_space<vmem>>, vector<16xf32>,
    %broadcast_in_dim3A_230 = arith.constant 0.000000e+00 : f32
    %broadcast_in_dim3A_231 = vector.broadcast %broadcast_in_dim3A_230 : f32 to vector<16xf32>
    %swap3A_232 = arith.constant 480 : index
    %swap3A_233 = tpu.vector_load %arg6[%swap3A_232] {strides = array<i32>} : memref<640xf32, #tpu.memory_space<vmem>>, vector<16xf32>,
    %swap3A_234 = vector.shape_cast %swap3A_233 : vector<16xf32> to vector<16xf32>
    %swap3A_235 = vector.shape_cast %broadcast_in_dim3A_231 : vector<16xf32> to vector<16xf32>
    tpu.vector_store %arg6[%swap3A_232], %swap3A_235 {strides = array<i32>} : memref<640xf32, #tpu.memory_space<vmem>>, vector<16xf32>,
    %broadcast_in_dim3A_236 = arith.constant 0.000000e+00 : f32
    %broadcast_in_dim3A_237 = vector.broadcast %broadcast_in_dim3A_236 : f32 to vector<16xf32>
    %swap3A_238 = arith.constant 496 : index
    %swap3A_239 = tpu.vector_load %arg6[%swap3A_238] {strides = array<i32>} : memref<640xf32, #tpu.memory_space<vmem>>, vector<16xf32>,
    %swap3A_240 = vector.shape_cast %swap3A_239 : vector<16xf32> to vector<16xf32>
    %swap3A_241 = vector.shape_cast %broadcast_in_dim3A_237 : vector<16xf32> to vector<16xf32>
    tpu.vector_store %arg6[%swap3A_238], %swap3A_241 {strides = array<i32>} : memref<640xf32, #tpu.memory_space<vmem>>, vector<16xf32>,
    %broadcast_in_dim3A_242 = arith.constant 0.000000e+00 : f32
    %broadcast_in_dim3A_243 = vector.broadcast %broadcast_in_dim3A_242 : f32 to vector<16xf32>
    %swap3A_244 = arith.constant 512 : index
    %swap3A_245 = tpu.vector_load %arg6[%swap3A_244] {strides = array<i32>} : memref<640xf32, #tpu.memory_space<vmem>>, vector<16xf32>,
    %swap3A_246 = vector.shape_cast %swap3A_245 : vector<16xf32> to vector<16xf32>
    %swap3A_247 = vector.shape_cast %broadcast_in_dim3A_243 : vector<16xf32> to vector<16xf32>
    tpu.vector_store %arg6[%swap3A_244], %swap3A_247 {strides = array<i32>} : memref<640xf32, #tpu.memory_space<vmem>>, vector<16xf32>,
    %broadcast_in_dim3A_248 = arith.constant 0.000000e+00 : f32
    %broadcast_in_dim3A_249 = vector.broadcast %broadcast_in_dim3A_248 : f32 to vector<16xf32>
    %swap3A_250 = arith.constant 528 : index
    %swap3A_251 = tpu.vector_load %arg6[%swap3A_250] {strides = array<i32>} : memref<640xf32, #tpu.memory_space<vmem>>, vector<16xf32>,
    %swap3A_252 = vector.shape_cast %swap3A_251 : vector<16xf32> to vector<16xf32>
    %swap3A_253 = vector.shape_cast %broadcast_in_dim3A_249 : vector<16xf32> to vector<16xf32>
    tpu.vector_store %arg6[%swap3A_250], %swap3A_253 {strides = array<i32>} : memref<640xf32, #tpu.memory_space<vmem>>, vector<16xf32>,
    %broadcast_in_dim3A_254 = arith.constant 0.000000e+00 : f32
    %broadcast_in_dim3A_255 = vector.broadcast %broadcast_in_dim3A_254 : f32 to vector<16xf32>
    %swap3A_256 = arith.constant 544 : index
    %swap3A_257 = tpu.vector_load %arg6[%swap3A_256] {strides = array<i32>} : memref<640xf32, #tpu.memory_space<vmem>>, vector<16xf32>,
    %swap3A_258 = vector.shape_cast %swap3A_257 : vector<16xf32> to vector<16xf32>
    %swap3A_259 = vector.shape_cast %broadcast_in_dim3A_255 : vector<16xf32> to vector<16xf32>
    tpu.vector_store %arg6[%swap3A_256], %swap3A_259 {strides = array<i32>} : memref<640xf32, #tpu.memory_space<vmem>>, vector<16xf32>,
    %broadcast_in_dim3A_260 = arith.constant 0.000000e+00 : f32
    %broadcast_in_dim3A_261 = vector.broadcast %broadcast_in_dim3A_260 : f32 to vector<16xf32>
    %swap3A_262 = arith.constant 560 : index
    %swap3A_263 = tpu.vector_load %arg6[%swap3A_262] {strides = array<i32>} : memref<640xf32, #tpu.memory_space<vmem>>, vector<16xf32>,
    %swap3A_264 = vector.shape_cast %swap3A_263 : vector<16xf32> to vector<16xf32>
    %swap3A_265 = vector.shape_cast %broadcast_in_dim3A_261 : vector<16xf32> to vector<16xf32>
    tpu.vector_store %arg6[%swap3A_262], %swap3A_265 {strides = array<i32>} : memref<640xf32, #tpu.memory_space<vmem>>, vector<16xf32>,
    %broadcast_in_dim3A_266 = arith.constant 0.000000e+00 : f32
    %broadcast_in_dim3A_267 = vector.broadcast %broadcast_in_dim3A_266 : f32 to vector<16xf32>
    %swap3A_268 = arith.constant 576 : index
    %swap3A_269 = tpu.vector_load %arg6[%swap3A_268] {strides = array<i32>} : memref<640xf32, #tpu.memory_space<vmem>>, vector<16xf32>,
    %swap3A_270 = vector.shape_cast %swap3A_269 : vector<16xf32> to vector<16xf32>
    %swap3A_271 = vector.shape_cast %broadcast_in_dim3A_267 : vector<16xf32> to vector<16xf32>
    tpu.vector_store %arg6[%swap3A_268], %swap3A_271 {strides = array<i32>} : memref<640xf32, #tpu.memory_space<vmem>>, vector<16xf32>,
    %broadcast_in_dim3A_272 = arith.constant 0.000000e+00 : f32
    %broadcast_in_dim3A_273 = vector.broadcast %broadcast_in_dim3A_272 : f32 to vector<16xf32>
    %swap3A_274 = arith.constant 592 : index
    %swap3A_275 = tpu.vector_load %arg6[%swap3A_274] {strides = array<i32>} : memref<640xf32, #tpu.memory_space<vmem>>, vector<16xf32>,
    %swap3A_276 = vector.shape_cast %swap3A_275 : vector<16xf32> to vector<16xf32>
    %swap3A_277 = vector.shape_cast %broadcast_in_dim3A_273 : vector<16xf32> to vector<16xf32>
    tpu.vector_store %arg6[%swap3A_274], %swap3A_277 {strides = array<i32>} : memref<640xf32, #tpu.memory_space<vmem>>, vector<16xf32>,
    %broadcast_in_dim3A_278 = arith.constant 0.000000e+00 : f32
    %broadcast_in_dim3A_279 = vector.broadcast %broadcast_in_dim3A_278 : f32 to vector<16xf32>
    %swap3A_280 = arith.constant 608 : index
    %swap3A_281 = tpu.vector_load %arg6[%swap3A_280] {strides = array<i32>} : memref<640xf32, #tpu.memory_space<vmem>>, vector<16xf32>,
    %swap3A_282 = vector.shape_cast %swap3A_281 : vector<16xf32> to vector<16xf32>
    %swap3A_283 = vector.shape_cast %broadcast_in_dim3A_279 : vector<16xf32> to vector<16xf32>
    tpu.vector_store %arg6[%swap3A_280], %swap3A_283 {strides = array<i32>} : memref<640xf32, #tpu.memory_space<vmem>>, vector<16xf32>,
    %broadcast_in_dim3A_284 = arith.constant 0.000000e+00 : f32
    %broadcast_in_dim3A_285 = vector.broadcast %broadcast_in_dim3A_284 : f32 to vector<16xf32>
    %swap3A_286 = arith.constant 624 : index
    %swap3A_287 = tpu.vector_load %arg6[%swap3A_286] {strides = array<i32>} : memref<640xf32, #tpu.memory_space<vmem>>, vector<16xf32>,
    %swap3A_288 = vector.shape_cast %swap3A_287 : vector<16xf32> to vector<16xf32>
    %swap3A_289 = vector.shape_cast %broadcast_in_dim3A_285 : vector<16xf32> to vector<16xf32>
    tpu.vector_store %arg6[%swap3A_286], %swap3A_289 {strides = array<i32>} : memref<640xf32, #tpu.memory_space<vmem>>, vector<16xf32>,
    %mul3A_290 = arith.constant 80 : i32
    %mul3A_291 = arith.muli %add3A, %mul3A_290 : i32
    %run_scoped3A = arith.constant 1 : i32
    "tpu.region"() ({
      %run_scoped3A_324 = tpu.sem_alloc : memref<!tpu.dma_semaphore, #tpu.memory_space<semaphore_mem>>
      %dma_start3A = arith.constant 0 : i32
      %dma_start3A_325 = tpu.memref_slice %arg2[%run_scoped3A, %mul3A_291, %dma_start3A] : memref<2x2500x128xi32, #tpu.memory_space<hbm>> -> memref<1x80x128xi32, #tpu.memory_space<hbm>>
      %dma_start3A_326 = tpu.memref_squeeze %dma_start3A_325 : memref<1x80x128xi32, #tpu.memory_space<hbm>> -> memref<80x128xi32, #tpu.memory_space<hbm>>
      %dma_start3A_327 = arith.constant 0 : i32
      %dma_start3A_328 = tpu.memref_slice %arg2[%run_scoped3A, %mul3A_291, %dma_start3A_327] : memref<2x2500x128xi32, #tpu.memory_space<hbm>> -> memref<1x80x128xi32, #tpu.memory_space<hbm>>
      %dma_start3A_329 = tpu.memref_squeeze %dma_start3A_328 : memref<1x80x128xi32, #tpu.memory_space<hbm>> -> memref<80x128xi32, #tpu.memory_space<hbm>>
      tpu.enqueue_dma source(%dma_start3A_329 : memref<80x128xi32, #tpu.memory_space<hbm>>) target(%arg4 : memref<80x128xi32, #tpu.memory_space<vmem>>) target_semaphore(%run_scoped3A_324 : memref<!tpu.dma_semaphore, #tpu.memory_space<semaphore_mem>>)
      %dma_wait3A = arith.constant 0 : i32
      %dma_wait3A_330 = tpu.memref_slice %arg2[%run_scoped3A, %mul3A_291, %dma_wait3A] : memref<2x2500x128xi32, #tpu.memory_space<hbm>> -> memref<1x80x128xi32, #tpu.memory_space<hbm>>
      %dma_wait3A_331 = tpu.memref_squeeze %dma_wait3A_330 : memref<1x80x128xi32, #tpu.memory_space<hbm>> -> memref<80x128xi32, #tpu.memory_space<hbm>>
      %dma_wait3A_332 = arith.constant 0 : i32
      %dma_wait3A_333 = tpu.memref_slice %arg2[%run_scoped3A, %mul3A_291, %dma_wait3A_332] : memref<2x2500x128xi32, #tpu.memory_space<hbm>> -> memref<1x80x128xi32, #tpu.memory_space<hbm>>
      %dma_wait3A_334 = tpu.memref_squeeze %dma_wait3A_333 : memref<1x80x128xi32, #tpu.memory_space<hbm>> -> memref<80x128xi32, #tpu.memory_space<hbm>>
      tpu.wait_dma2 semaphore(%run_scoped3A_324 : memref<!tpu.dma_semaphore, #tpu.memory_space<semaphore_mem>>) src(%dma_wait3A_334 : memref<80x128xi32, #tpu.memory_space<hbm>>) dst(%arg4 : memref<80x128xi32, #tpu.memory_space<vmem>>)
      tpu.yield
    }) : () -> ()
    %lt3A_292 = arith.constant 15 : i32
    %lt3A_293 = arith.cmpi slt, %arg1, %lt3A_292 : i32
    %convert_element_type3A = arith.extui %lt3A_293 : i1 to i32
    %cond3A = arith.constant 0 : i32
    %cond3A_294 = arith.cmpi ne, %convert_element_type3A, %cond3A : i32
    scf.if %cond3A_294 {
      %mul3A_324 = arith.constant 640 : i32
      %mul3A_325 = arith.muli %arg1, %mul3A_324 : i32
      "tpu.region"() ({
        %run_scoped3A_326 = tpu.sem_alloc : memref<!tpu.dma_semaphore, #tpu.memory_space<semaphore_mem>>
        %dma_start3A = tpu.memref_slice %arg7[%mul3A_325] : memref<10000xf32, #tpu.memory_space<vmem_shared>> -> memref<640xf32, #tpu.memory_space<vmem_shared>>
        %dma_start3A_327 = tpu.memref_slice %arg7[%mul3A_325] : memref<10000xf32, #tpu.memory_space<vmem_shared>> -> memref<640xf32, #tpu.memory_space<vmem_shared>>
        tpu.enqueue_dma source(%arg6 : memref<640xf32, #tpu.memory_space<vmem>>) target(%dma_start3A_327 : memref<640xf32, #tpu.memory_space<vmem_shared>>) target_semaphore(%run_scoped3A_326 : memref<!tpu.dma_semaphore, #tpu.memory_space<semaphore_mem>>)
        %dma_wait3A = tpu.memref_slice %arg7[%mul3A_325] : memref<10000xf32, #tpu.memory_space<vmem_shared>> -> memref<640xf32, #tpu.memory_space<vmem_shared>>
        %dma_wait3A_328 = tpu.memref_slice %arg7[%mul3A_325] : memref<10000xf32, #tpu.memory_space<vmem_shared>> -> memref<640xf32, #tpu.memory_space<vmem_shared>>
        tpu.wait_dma2 semaphore(%run_scoped3A_326 : memref<!tpu.dma_semaphore, #tpu.memory_space<semaphore_mem>>) src(%arg6 : memref<640xf32, #tpu.memory_space<vmem>>) dst(%dma_wait3A_328 : memref<640xf32, #tpu.memory_space<vmem_shared>>)
        tpu.yield
      }) : () -> ()
    } else {
    }
    %eq3A = arith.constant 15 : i32
    %eq3A_295 = arith.cmpi eq, %arg1, %eq3A : i32
    %convert_element_type3A_296 = arith.extui %eq3A_295 : i1 to i32
    %cond3A_297 = arith.constant 0 : i32
    %cond3A_298 = arith.cmpi ne, %convert_element_type3A_296, %cond3A_297 : i32
    scf.if %cond3A_298 {
      "tpu.region"() ({
        %run_scoped3A_324 = tpu.sem_alloc : memref<!tpu.dma_semaphore, #tpu.memory_space<semaphore_mem>>
        %dma_start3A = arith.constant 0 : i32
        %dma_start3A_325 = tpu.memref_slice %arg6[%dma_start3A] : memref<640xf32, #tpu.memory_space<vmem>> -> memref<400xf32, #tpu.memory_space<vmem>>
        %dma_start3A_326 = arith.constant 9600 : i32
        %dma_start3A_327 = tpu.memref_slice %arg7[%dma_start3A_326] : memref<10000xf32, #tpu.memory_space<vmem_shared>> -> memref<400xf32, #tpu.memory_space<vmem_shared>>
        %dma_start3A_328 = arith.constant 9600 : i32
        %dma_start3A_329 = tpu.memref_slice %arg7[%dma_start3A_328] : memref<10000xf32, #tpu.memory_space<vmem_shared>> -> memref<400xf32, #tpu.memory_space<vmem_shared>>
        %dma_start3A_330 = arith.constant 0 : i32
        %dma_start3A_331 = tpu.memref_slice %arg6[%dma_start3A_330] : memref<640xf32, #tpu.memory_space<vmem>> -> memref<400xf32, #tpu.memory_space<vmem>>
        tpu.enqueue_dma source(%dma_start3A_331 : memref<400xf32, #tpu.memory_space<vmem>>) target(%dma_start3A_329 : memref<400xf32, #tpu.memory_space<vmem_shared>>) target_semaphore(%run_scoped3A_324 : memref<!tpu.dma_semaphore, #tpu.memory_space<semaphore_mem>>)
        %dma_wait3A = arith.constant 0 : i32
        %dma_wait3A_332 = tpu.memref_slice %arg6[%dma_wait3A] : memref<640xf32, #tpu.memory_space<vmem>> -> memref<400xf32, #tpu.memory_space<vmem>>
        %dma_wait3A_333 = arith.constant 9600 : i32
        %dma_wait3A_334 = tpu.memref_slice %arg7[%dma_wait3A_333] : memref<10000xf32, #tpu.memory_space<vmem_shared>> -> memref<400xf32, #tpu.memory_space<vmem_shared>>
        %dma_wait3A_335 = arith.constant 9600 : i32
        %dma_wait3A_336 = tpu.memref_slice %arg7[%dma_wait3A_335] : memref<10000xf32, #tpu.memory_space<vmem_shared>> -> memref<400xf32, #tpu.memory_space<vmem_shared>>
        %dma_wait3A_337 = arith.constant 0 : i32
        %dma_wait3A_338 = tpu.memref_slice %arg6[%dma_wait3A_337] : memref<640xf32, #tpu.memory_space<vmem>> -> memref<400xf32, #tpu.memory_space<vmem>>
        tpu.wait_dma2 semaphore(%run_scoped3A_324 : memref<!tpu.dma_semaphore, #tpu.memory_space<semaphore_mem>>) src(%dma_wait3A_338 : memref<400xf32, #tpu.memory_space<vmem>>) dst(%dma_wait3A_336 : memref<400xf32, #tpu.memory_space<vmem_shared>>)
        tpu.yield
      }) : () -> ()
    } else {
    }
    %barrier3A = arith.constant 0 : index
    tpu.barrier barrier_id(%barrier3A)
    %while3A = arith.constant 0 : i32
    %while3A_299 = arith.constant 0 : i32
    %while3A_300 = arith.subi %select_n3A_3, %while3A_299 : i32
    %while3A_301 = arith.addi %while3A_299, %while3A_300 : i32
    %while3A_302 = arith.constant 1 : i32
    %while3A_303 = arith.divsi %while3A_300, %while3A_302 : i32
    %while3A_304 = arith.muli %while3A_303, %while3A_302 : i32
    %while3A_305 = arith.addi %while3A_299, %while3A_304 : i32
    %while3A_306 = arith.constant 1 : i32
    scf.for %while3A_324 = %while3A_299 to %while3A_305 step %while3A_306  : i32 {
      %dma_start3A = arith.constant 0 : i32
      %dma_start3A_325 = tpu.memref_slice %arg4[%while3A_324, %dma_start3A] : memref<80x128xi32, #tpu.memory_space<vmem>> -> memref<1x128xi32, #tpu.memory_space<vmem>>
      %dma_start3A_326 = tpu.memref_squeeze %dma_start3A_325 : memref<1x128xi32, #tpu.memory_space<vmem>> -> memref<128xi32, #tpu.memory_space<vmem>>
      %dma_start3A_327 = arith.constant 0 : i32
      %dma_start3A_328 = tpu.memref_slice %arg7[%dma_start3A_327] : memref<10000xf32, #tpu.memory_space<vmem_shared>> -> memref<10000xf32, #tpu.memory_space<vmem_shared>>
      tpu.enqueue_indirect_dma source(%arg5 : memref<128xf32, #tpu.memory_space<vmem>>) target(%dma_start3A_328 : memref<10000xf32, #tpu.memory_space<vmem_shared>>) offsets(%dma_start3A_326 : memref<128xi32, #tpu.memory_space<vmem>>) semaphore(%arg8 : memref<!tpu.dma_semaphore, #tpu.memory_space<semaphore_mem>>) {add = true}
    }
    %while3A_307 = arith.constant 1 : i32
    scf.for %while3A_324 = %while3A_305 to %while3A_301 step %while3A_307  : i32 {
      %dma_start3A = arith.constant 0 : i32
      %dma_start3A_325 = tpu.memref_slice %arg4[%while3A_324, %dma_start3A] : memref<80x128xi32, #tpu.memory_space<vmem>> -> memref<1x128xi32, #tpu.memory_space<vmem>>
      %dma_start3A_326 = tpu.memref_squeeze %dma_start3A_325 : memref<1x128xi32, #tpu.memory_space<vmem>> -> memref<128xi32, #tpu.memory_space<vmem>>
      %dma_start3A_327 = arith.constant 0 : i32
      %dma_start3A_328 = tpu.memref_slice %arg7[%dma_start3A_327] : memref<10000xf32, #tpu.memory_space<vmem_shared>> -> memref<10000xf32, #tpu.memory_space<vmem_shared>>
      tpu.enqueue_indirect_dma source(%arg5 : memref<128xf32, #tpu.memory_space<vmem>>) target(%dma_start3A_328 : memref<10000xf32, #tpu.memory_space<vmem_shared>>) offsets(%dma_start3A_326 : memref<128xi32, #tpu.memory_space<vmem>>) semaphore(%arg8 : memref<!tpu.dma_semaphore, #tpu.memory_space<semaphore_mem>>) {add = true}
    }
    %while3A_308 = arith.constant 0 : i32
    %while3A_309 = arith.constant 0 : i32
    %while3A_310 = arith.subi %select_n3A_3, %while3A_309 : i32
    %while3A_311 = arith.addi %while3A_309, %while3A_310 : i32
    %while3A_312 = arith.constant 1 : i32
    %while3A_313 = arith.divsi %while3A_310, %while3A_312 : i32
    %while3A_314 = arith.muli %while3A_313, %while3A_312 : i32
    %while3A_315 = arith.addi %while3A_309, %while3A_314 : i32
    %while3A_316 = arith.constant 1 : i32
    scf.for %while3A_324 = %while3A_309 to %while3A_315 step %while3A_316  : i32 {
      %dma_wait3A = arith.constant 0 : i32
      %dma_wait3A_325 = tpu.memref_slice %arg4[%while3A_324, %dma_wait3A] : memref<80x128xi32, #tpu.memory_space<vmem>> -> memref<1x128xi32, #tpu.memory_space<vmem>>
      %dma_wait3A_326 = tpu.memref_squeeze %dma_wait3A_325 : memref<1x128xi32, #tpu.memory_space<vmem>> -> memref<128xi32, #tpu.memory_space<vmem>>
      %dma_wait3A_327 = arith.constant 0 : i32
      %dma_wait3A_328 = tpu.memref_slice %arg7[%dma_wait3A_327] : memref<10000xf32, #tpu.memory_space<vmem_shared>> -> memref<10000xf32, #tpu.memory_space<vmem_shared>>
      tpu.wait_indirect_dma semaphore(%arg8 : memref<!tpu.dma_semaphore, #tpu.memory_space<semaphore_mem>>) src(%arg5 : memref<128xf32, #tpu.memory_space<vmem>>) dst(%dma_wait3A_328 : memref<10000xf32, #tpu.memory_space<vmem_shared>>)
    }
    %while3A_317 = arith.constant 1 : i32
    scf.for %while3A_324 = %while3A_315 to %while3A_311 step %while3A_317  : i32 {
      %dma_wait3A = arith.constant 0 : i32
      %dma_wait3A_325 = tpu.memref_slice %arg4[%while3A_324, %dma_wait3A] : memref<80x128xi32, #tpu.memory_space<vmem>> -> memref<1x128xi32, #tpu.memory_space<vmem>>
      %dma_wait3A_326 = tpu.memref_squeeze %dma_wait3A_325 : memref<1x128xi32, #tpu.memory_space<vmem>> -> memref<128xi32, #tpu.memory_space<vmem>>
      %dma_wait3A_327 = arith.constant 0 : i32
      %dma_wait3A_328 = tpu.memref_slice %arg7[%dma_wait3A_327] : memref<10000xf32, #tpu.memory_space<vmem_shared>> -> memref<10000xf32, #tpu.memory_space<vmem_shared>>
      tpu.wait_indirect_dma semaphore(%arg8 : memref<!tpu.dma_semaphore, #tpu.memory_space<semaphore_mem>>) src(%arg5 : memref<128xf32, #tpu.memory_space<vmem>>) dst(%dma_wait3A_328 : memref<10000xf32, #tpu.memory_space<vmem_shared>>)
    }
    %barrier3A_318 = arith.constant 0 : index
    tpu.barrier barrier_id(%barrier3A_318)
    %eq3A_319 = arith.constant 0 : i32
    %eq3A_320 = arith.cmpi eq, %arg1, %eq3A_319 : i32
    %convert_element_type3A_321 = arith.extui %eq3A_320 : i1 to i32
    %cond3A_322 = arith.constant 0 : i32
    %cond3A_323 = arith.cmpi ne, %convert_element_type3A_321, %cond3A_322 : i32
    scf.if %cond3A_323 {
      "tpu.region"() ({
        %run_scoped3A_324 = tpu.sem_alloc : memref<!tpu.dma_semaphore, #tpu.memory_space<semaphore_mem>>
        %dma_start3A = arith.constant 0 : i32
        %dma_start3A_325 = tpu.memref_slice %arg3[%arg0, %dma_start3A] : memref<2x10000xf32, #tpu.memory_space<hbm>> -> memref<1x10000xf32, #tpu.memory_space<hbm>>
        %dma_start3A_326 = tpu.memref_squeeze %dma_start3A_325 : memref<1x10000xf32, #tpu.memory_space<hbm>> -> memref<10000xf32, #tpu.memory_space<hbm>>
        tpu.enqueue_dma source(%arg7 : memref<10000xf32, #tpu.memory_space<vmem_shared>>) target(%dma_start3A_326 : memref<10000xf32, #tpu.memory_space<hbm>>) target_semaphore(%run_scoped3A_324 : memref<!tpu.dma_semaphore, #tpu.memory_space<semaphore_mem>>)
        %dma_wait3A = arith.constant 0 : i32
        %dma_wait3A_327 = tpu.memref_slice %arg3[%arg0, %dma_wait3A] : memref<2x10000xf32, #tpu.memory_space<hbm>> -> memref<1x10000xf32, #tpu.memory_space<hbm>>
        %dma_wait3A_328 = tpu.memref_squeeze %dma_wait3A_327 : memref<1x10000xf32, #tpu.memory_space<hbm>> -> memref<10000xf32, #tpu.memory_space<hbm>>
        tpu.wait_dma2 semaphore(%run_scoped3A_324 : memref<!tpu.dma_semaphore, #tpu.memory_space<semaphore_mem>>) src(%arg7 : memref<10000xf32, #tpu.memory_space<vmem_shared>>) dst(%dma_wait3A_328 : memref<10000xf32, #tpu.memory_space<hbm>>)
        tpu.yield
      }) : () -> ()
    } else {
    }
    return
  }
}

module attributes {stable_mosaic.version = 14 : i64} {
  func.func @_k1_body(%arg0: memref<10000x128xf32, #tpu.memory_space<vmem>>, %arg1: memref<128x128xf32, #tpu.memory_space<vmem>>, %arg2: memref<2x10000xf32, #tpu.memory_space<vmem>>, %arg3: memref<10000xf32, #tpu.memory_space<vmem>>, %arg4: memref<2x10000x64xbf16, #tpu.memory_space<vmem>>) attributes {dimension_semantics = [], scalar_prefetch = 0 : i64, scratch_operands = 0 : i64, tpu.core_type = #tpu.core_type<tc>} {
    %get3A = arith.constant 0 : index
    %get3A_0 = arith.constant 0 : index
    %get3A_1 = vector.load %arg2[%get3A, %get3A_0] : memref<2x10000xf32, #tpu.memory_space<vmem>>, vector<1x10000xf32>
    %get3A_2 = vector.shape_cast %get3A_1 : vector<1x10000xf32> to vector<10000xf32>
    %get3A_3 = arith.constant 1 : index
    %get3A_4 = arith.constant 0 : index
    %get3A_5 = vector.load %arg2[%get3A_3, %get3A_4] : memref<2x10000xf32, #tpu.memory_space<vmem>>, vector<1x10000xf32>
    %get3A_6 = vector.shape_cast %get3A_5 : vector<1x10000xf32> to vector<10000xf32>
    %add3A = arith.addf %get3A_2, %get3A_6 : vector<10000xf32>
    %add3A_7 = arith.constant 1.000000e+00 : f32
    %add3A_8 = vector.broadcast %add3A_7 : f32 to vector<10000xf32>
    %add3A_9 = arith.addf %add3A, %add3A_8 : vector<10000xf32>
    %rsqrt3A = math.rsqrt %add3A_9 : vector<10000xf32>
    %swap3A = arith.constant 0 : index
    %swap3A_10 = vector.load %arg3[%swap3A] : memref<10000xf32, #tpu.memory_space<vmem>>, vector<10000xf32>
    tpu.vector_store %arg3[%swap3A], %rsqrt3A {strides = array<i32>} : memref<10000xf32, #tpu.memory_space<vmem>>, vector<10000xf32>,
    %get3A_11 = arith.constant 0 : index
    %get3A_12 = arith.constant 0 : index
    %get3A_13 = vector.load %arg0[%get3A_11, %get3A_12] : memref<10000x128xf32, #tpu.memory_space<vmem>>, vector<10000x128xf32>
    %get3A_14 = arith.constant 0 : index
    %get3A_15 = arith.constant 0 : index
    %get3A_16 = vector.load %arg1[%get3A_14, %get3A_15] : memref<128x128xf32, #tpu.memory_space<vmem>>, vector<128x128xf32>
    %dot_general3A = arith.constant dense<0.000000e+00> : vector<10000x128xf32>
    %dot_general3A_17 = tpu.matmul %get3A_13, %get3A_16, %dot_general3A {dimension_numbers = #tpu.dot_dimension_numbers<[1], [0], [0], [1], [0, 0, 1, 1], [], []>, transpose_lhs_hint = false} : vector<10000x128xf32>, vector<128x128xf32>, vector<10000x128xf32> -> vector<10000x128xf32>
    %broadcast_in_dim3A = vector.shape_cast %rsqrt3A : vector<10000xf32> to vector<10000x1xf32>
    %broadcast_in_dim3A_18 = vector.broadcast %broadcast_in_dim3A : vector<10000x1xf32> to vector<10000x128xf32>
    %mul3A = arith.mulf %dot_general3A_17, %broadcast_in_dim3A_18 : vector<10000x128xf32>
    %convert_element_type3A = arith.truncf %mul3A : vector<10000x128xf32> to vector<10000x128xbf16>
    %slice3A = vector.extract_strided_slice %convert_element_type3A {offsets = [0, 0], sizes = [10000, 64], strides = [1, 1]} : vector<10000x128xbf16> to vector<10000x64xbf16>
    %swap3A_19 = arith.constant 0 : index
    %swap3A_20 = arith.constant 0 : index
    %swap3A_21 = arith.constant 0 : index
    %swap3A_22 = vector.load %arg4[%swap3A_19, %swap3A_20, %swap3A_21] : memref<2x10000x64xbf16, #tpu.memory_space<vmem>>, vector<1x10000x64xbf16>
    %swap3A_23 = vector.shape_cast %swap3A_22 : vector<1x10000x64xbf16> to vector<10000x64xbf16>
    %swap3A_24 = vector.shape_cast %slice3A : vector<10000x64xbf16> to vector<1x10000x64xbf16>
    tpu.vector_store %arg4[%swap3A_19, %swap3A_20, %swap3A_21], %swap3A_24 {strides = array<i32>} : memref<2x10000x64xbf16, #tpu.memory_space<vmem>>, vector<1x10000x64xbf16>,
    %slice3A_25 = vector.extract_strided_slice %convert_element_type3A {offsets = [0, 64], sizes = [10000, 64], strides = [1, 1]} : vector<10000x128xbf16> to vector<10000x64xbf16>
    %swap3A_26 = arith.constant 1 : index
    %swap3A_27 = arith.constant 0 : index
    %swap3A_28 = arith.constant 0 : index
    %swap3A_29 = vector.load %arg4[%swap3A_26, %swap3A_27, %swap3A_28] : memref<2x10000x64xbf16, #tpu.memory_space<vmem>>, vector<1x10000x64xbf16>
    %swap3A_30 = vector.shape_cast %swap3A_29 : vector<1x10000x64xbf16> to vector<10000x64xbf16>
    %swap3A_31 = vector.shape_cast %slice3A_25 : vector<10000x64xbf16> to vector<1x10000x64xbf16>
    tpu.vector_store %arg4[%swap3A_26, %swap3A_27, %swap3A_28], %swap3A_31 {strides = array<i32>} : memref<2x10000x64xbf16, #tpu.memory_space<vmem>>, vector<1x10000x64xbf16>,
    return
  }
}

module attributes {stable_mosaic.version = 14 : i64} {
  func.func @_k2_body(%arg0: memref<10000x128xbf16, #tpu.memory_space<vmem>>, %arg1: memref<2x10000x64xbf16, #tpu.memory_space<vmem>>, %arg2: memref<10000xf32, #tpu.memory_space<vmem>>, %arg3: memref<128xf32, #tpu.memory_space<vmem>>, %arg4: memref<128x128xf32, #tpu.memory_space<vmem>>, %arg5: memref<2x10000x64xbf16, #tpu.memory_space<vmem>>) attributes {dimension_semantics = [], scalar_prefetch = 0 : i64, scratch_operands = 0 : i64, tpu.core_type = #tpu.core_type<tc>} {
    %get3A = arith.constant 0 : index
    %get3A_0 = vector.load %arg2[%get3A] : memref<10000xf32, #tpu.memory_space<vmem>>, vector<10000xf32>
    %broadcast_in_dim3A = vector.shape_cast %get3A_0 : vector<10000xf32> to vector<10000x1xf32>
    %broadcast_in_dim3A_1 = vector.broadcast %broadcast_in_dim3A : vector<10000x1xf32> to vector<10000x128xf32>
    %get3A_2 = arith.constant 0 : index
    %get3A_3 = arith.constant 0 : index
    %get3A_4 = arith.constant 0 : index
    %get3A_5 = vector.load %arg1[%get3A_2, %get3A_3, %get3A_4] : memref<2x10000x64xbf16, #tpu.memory_space<vmem>>, vector<1x10000x64xbf16>
    %get3A_6 = vector.shape_cast %get3A_5 : vector<1x10000x64xbf16> to vector<10000x64xbf16>
    %get3A_7 = arith.constant 1 : index
    %get3A_8 = arith.constant 0 : index
    %get3A_9 = arith.constant 0 : index
    %get3A_10 = vector.load %arg1[%get3A_7, %get3A_8, %get3A_9] : memref<2x10000x64xbf16, #tpu.memory_space<vmem>>, vector<1x10000x64xbf16>
    %get3A_11 = vector.shape_cast %get3A_10 : vector<1x10000x64xbf16> to vector<10000x64xbf16>
    %concatenate3A = tpu.concatenate %get3A_6, %get3A_11 in 1 : vector<10000x64xbf16>, vector<10000x64xbf16> -> vector<10000x128xbf16>
    %get3A_12 = arith.constant 0 : index
    %get3A_13 = arith.constant 0 : index
    %get3A_14 = vector.load %arg0[%get3A_12, %get3A_13] : memref<10000x128xbf16, #tpu.memory_space<vmem>>, vector<10000x128xbf16>
    %convert_element_type3A = arith.extf %get3A_14 : vector<10000x128xbf16> to vector<10000x128xf32>
    %convert_element_type3A_15 = arith.extf %concatenate3A : vector<10000x128xbf16> to vector<10000x128xf32>
    %add3A = arith.addf %convert_element_type3A, %convert_element_type3A_15 : vector<10000x128xf32>
    %mul3A = arith.mulf %add3A, %broadcast_in_dim3A_1 : vector<10000x128xf32>
    %get3A_16 = arith.constant 0 : index
    %get3A_17 = vector.load %arg3[%get3A_16] : memref<128xf32, #tpu.memory_space<vmem>>, vector<128xf32>
    %broadcast_in_dim3A_18 = vector.shape_cast %get3A_17 : vector<128xf32> to vector<1x128xf32>
    %add3A_19 = vector.broadcast %broadcast_in_dim3A_18 : vector<1x128xf32> to vector<10000x128xf32>
    %add3A_20 = arith.addf %mul3A, %add3A_19 : vector<10000x128xf32>
    %max3A = arith.constant 0.000000e+00 : f32
    %max3A_21 = vector.broadcast %max3A : f32 to vector<10000x128xf32>
    %max3A_22 = arith.maximumf %add3A_20, %max3A_21 : vector<10000x128xf32>
    %get3A_23 = arith.constant 0 : index
    %get3A_24 = arith.constant 0 : index
    %get3A_25 = vector.load %arg4[%get3A_23, %get3A_24] : memref<128x128xf32, #tpu.memory_space<vmem>>, vector<128x128xf32>
    %dot_general3A = arith.constant dense<0.000000e+00> : vector<10000x128xf32>
    %dot_general3A_26 = tpu.matmul %max3A_22, %get3A_25, %dot_general3A {dimension_numbers = #tpu.dot_dimension_numbers<[1], [0], [0], [1], [0, 0, 1, 1], [], []>, transpose_lhs_hint = false} : vector<10000x128xf32>, vector<128x128xf32>, vector<10000x128xf32> -> vector<10000x128xf32>
    %mul3A_27 = arith.mulf %dot_general3A_26, %broadcast_in_dim3A_1 : vector<10000x128xf32>
    %convert_element_type3A_28 = arith.truncf %mul3A_27 : vector<10000x128xf32> to vector<10000x128xbf16>
    %slice3A = vector.extract_strided_slice %convert_element_type3A_28 {offsets = [0, 0], sizes = [10000, 64], strides = [1, 1]} : vector<10000x128xbf16> to vector<10000x64xbf16>
    %swap3A = arith.constant 0 : index
    %swap3A_29 = arith.constant 0 : index
    %swap3A_30 = arith.constant 0 : index
    %swap3A_31 = vector.load %arg5[%swap3A, %swap3A_29, %swap3A_30] : memref<2x10000x64xbf16, #tpu.memory_space<vmem>>, vector<1x10000x64xbf16>
    %swap3A_32 = vector.shape_cast %swap3A_31 : vector<1x10000x64xbf16> to vector<10000x64xbf16>
    %swap3A_33 = vector.shape_cast %slice3A : vector<10000x64xbf16> to vector<1x10000x64xbf16>
    tpu.vector_store %arg5[%swap3A, %swap3A_29, %swap3A_30], %swap3A_33 {strides = array<i32>} : memref<2x10000x64xbf16, #tpu.memory_space<vmem>>, vector<1x10000x64xbf16>,
    %slice3A_34 = vector.extract_strided_slice %convert_element_type3A_28 {offsets = [0, 64], sizes = [10000, 64], strides = [1, 1]} : vector<10000x128xbf16> to vector<10000x64xbf16>
    %swap3A_35 = arith.constant 1 : index
    %swap3A_36 = arith.constant 0 : index
    %swap3A_37 = arith.constant 0 : index
    %swap3A_38 = vector.load %arg5[%swap3A_35, %swap3A_36, %swap3A_37] : memref<2x10000x64xbf16, #tpu.memory_space<vmem>>, vector<1x10000x64xbf16>
    %swap3A_39 = vector.shape_cast %swap3A_38 : vector<1x10000x64xbf16> to vector<10000x64xbf16>
    %swap3A_40 = vector.shape_cast %slice3A_34 : vector<10000x64xbf16> to vector<1x10000x64xbf16>
    tpu.vector_store %arg5[%swap3A_35, %swap3A_36, %swap3A_37], %swap3A_40 {strides = array<i32>} : memref<2x10000x64xbf16, #tpu.memory_space<vmem>>, vector<1x10000x64xbf16>,
    return
  }
}

module attributes {stable_mosaic.version = 14 : i64} {
  func.func @_k3_body(%arg0: memref<10000x128xbf16, #tpu.memory_space<vmem>>, %arg1: memref<2x10000x64xbf16, #tpu.memory_space<vmem>>, %arg2: memref<10000xf32, #tpu.memory_space<vmem>>, %arg3: memref<128xf32, #tpu.memory_space<vmem>>, %arg4: memref<128x64xf32, #tpu.memory_space<vmem>>, %arg5: memref<64xf32, #tpu.memory_space<vmem>>, %arg6: memref<64xf32, #tpu.memory_space<vmem>>) attributes {dimension_semantics = [], scalar_prefetch = 0 : i64, scratch_operands = 0 : i64, tpu.core_type = #tpu.core_type<tc>} {
    %get3A = arith.constant 0 : index
    %get3A_0 = vector.load %arg2[%get3A] : memref<10000xf32, #tpu.memory_space<vmem>>, vector<10000xf32>
    %broadcast_in_dim3A = vector.shape_cast %get3A_0 : vector<10000xf32> to vector<10000x1xf32>
    %broadcast_in_dim3A_1 = vector.broadcast %broadcast_in_dim3A : vector<10000x1xf32> to vector<10000x128xf32>
    %get3A_2 = arith.constant 0 : index
    %get3A_3 = arith.constant 0 : index
    %get3A_4 = arith.constant 0 : index
    %get3A_5 = vector.load %arg1[%get3A_2, %get3A_3, %get3A_4] : memref<2x10000x64xbf16, #tpu.memory_space<vmem>>, vector<1x10000x64xbf16>
    %get3A_6 = vector.shape_cast %get3A_5 : vector<1x10000x64xbf16> to vector<10000x64xbf16>
    %get3A_7 = arith.constant 1 : index
    %get3A_8 = arith.constant 0 : index
    %get3A_9 = arith.constant 0 : index
    %get3A_10 = vector.load %arg1[%get3A_7, %get3A_8, %get3A_9] : memref<2x10000x64xbf16, #tpu.memory_space<vmem>>, vector<1x10000x64xbf16>
    %get3A_11 = vector.shape_cast %get3A_10 : vector<1x10000x64xbf16> to vector<10000x64xbf16>
    %concatenate3A = tpu.concatenate %get3A_6, %get3A_11 in 1 : vector<10000x64xbf16>, vector<10000x64xbf16> -> vector<10000x128xbf16>
    %get3A_12 = arith.constant 0 : index
    %get3A_13 = arith.constant 0 : index
    %get3A_14 = vector.load %arg0[%get3A_12, %get3A_13] : memref<10000x128xbf16, #tpu.memory_space<vmem>>, vector<10000x128xbf16>
    %convert_element_type3A = arith.extf %get3A_14 : vector<10000x128xbf16> to vector<10000x128xf32>
    %convert_element_type3A_15 = arith.extf %concatenate3A : vector<10000x128xbf16> to vector<10000x128xf32>
    %add3A = arith.addf %convert_element_type3A, %convert_element_type3A_15 : vector<10000x128xf32>
    %mul3A = arith.mulf %add3A, %broadcast_in_dim3A_1 : vector<10000x128xf32>
    %get3A_16 = arith.constant 0 : index
    %get3A_17 = vector.load %arg3[%get3A_16] : memref<128xf32, #tpu.memory_space<vmem>>, vector<128xf32>
    %broadcast_in_dim3A_18 = vector.shape_cast %get3A_17 : vector<128xf32> to vector<1x128xf32>
    %add3A_19 = vector.broadcast %broadcast_in_dim3A_18 : vector<1x128xf32> to vector<10000x128xf32>
    %add3A_20 = arith.addf %mul3A, %add3A_19 : vector<10000x128xf32>
    %max3A = arith.constant 0.000000e+00 : f32
    %max3A_21 = vector.broadcast %max3A : f32 to vector<10000x128xf32>
    %max3A_22 = arith.maximumf %add3A_20, %max3A_21 : vector<10000x128xf32>
    %reduce_sum3A = arith.constant dense<0.000000e+00> : vector<128xf32>
    %reduce_sum3A_23 = vector.multi_reduction <add>, %max3A_22, %reduce_sum3A [0] : vector<10000x128xf32> to vector<128xf32>
    %mul3A_24 = arith.constant 9.99999974E-5 : f32
    %mul3A_25 = vector.broadcast %mul3A_24 : f32 to vector<128xf32>
    %mul3A_26 = arith.mulf %reduce_sum3A_23, %mul3A_25 : vector<128xf32>
    %broadcast_in_dim3A_27 = vector.shape_cast %mul3A_26 : vector<128xf32> to vector<1x128xf32>
    %get3A_28 = arith.constant 0 : index
    %get3A_29 = arith.constant 0 : index
    %get3A_30 = vector.load %arg4[%get3A_28, %get3A_29] : memref<128x64xf32, #tpu.memory_space<vmem>>, vector<128x64xf32>
    %dot_general3A = arith.constant dense<0.000000e+00> : vector<1x64xf32>
    %dot_general3A_31 = tpu.matmul %broadcast_in_dim3A_27, %get3A_30, %dot_general3A {dimension_numbers = #tpu.dot_dimension_numbers<[1], [0], [0], [1], [0, 0, 1, 1], [], []>, transpose_lhs_hint = false} : vector<1x128xf32>, vector<128x64xf32>, vector<1x64xf32> -> vector<1x64xf32>
    %squeeze3A = vector.shape_cast %dot_general3A_31 : vector<1x64xf32> to vector<64xf32>
    %get3A_32 = arith.constant 0 : index
    %get3A_33 = vector.load %arg5[%get3A_32] : memref<64xf32, #tpu.memory_space<vmem>>, vector<64xf32>
    %add3A_34 = arith.addf %squeeze3A, %get3A_33 : vector<64xf32>
    %swap3A = arith.constant 0 : index
    %swap3A_35 = vector.load %arg6[%swap3A] : memref<64xf32, #tpu.memory_space<vmem>>, vector<64xf32>
    tpu.vector_store %arg6[%swap3A], %add3A_34 {strides = array<i32>} : memref<64xf32, #tpu.memory_space<vmem>>, vector<64xf32>,
    return
  }
}

</mosaic_0001>

<sc_bundles>
// kernel: kernel.11.cloned.1.call-start
scs
__scs_entry_jumppad:
0x0: {  	(pc) =	sbr.rel $0x88, $3  }
0x1: {  	(tag) =	ssettag $0x0;
	lr =	simm.s32 $0x1  }
0x2: {  	[smem:$0x3F99] =	sst lr;
	_ =	strace $0xD0000000  }
0x3: {  	_ = 	snop  }
0x4: {  	_ = 	snop  }
0x5: {  	_ = 	snop  }
0x6: {  	_ = 	snop  }
0x7: {  	_ = 	snop  }
__scs_overlays_trampoline_lowered:
0x8: {  	[smem:$0x3FA8] =	sst s0  }
0x9: {  	[smem:$0x3FA9] =	sst s1  }
0xa: {  	[smem:$0x3FAA] =	sst s2  }
0xb: {  	[smem:$0x3FAB] =	sst s3  }
0xc: {  	[smem:$0x3FAC] =	sst s4  }
0xd: {  	[smem:$0x3FAD] =	sst s5  }
0xe: {  	[smem:$0x3FAE] =	sst s6  }
0xf: {  	[smem:$0x3FAF] =	sst s7  }
0x10: {  	[smem:$0x3FB0] =	sst s8  }
0x11: {  	[smem:$0x3FB1] =	sst s9;
	s0 =	simm.s32 @!p0 $0x0  }
0x12: {  	s1 =	sld [smem:$0x3F97];
	s0 =	simm.s32 @p0 $0x1  }
0x13: {  	[smem:$0x3FB2] =	sst s0;
	s0 =	simm.s32 @!p1 $0x0  }
0x14: {  	s2 =	sld [smem:$0x3F96];
	s0 =	simm.s32 @p1 $0x1  }
0x15: {  	[smem:$0x3FB3] =	sst s0;
	s0 =	simm.s32 @!p2 $0x0  }
0x16: {  	s3 =	sld [smem:$0x3FDB];
	s0 =	simm.s32 @p2 $0x1  }
0x17: {  	s4 =	simm.s32 $0x1BF5;
	[smem:$0x3FB5] =	sst s0  }
0x18: {  	s0 =	sld [smem:$0x3F98];
	_ =	swait.ge [sflag:s4], $0x0  }
0x19: {  	s7 =	sld [smem:$0x3F99]  }
0x1a: {  	s8 =	sadd.s32 $0xFFFFE003, lr  }
0x1b: {  	s9 =	sadd.s32 $0xFFFFFEF7, lr;
	s5 =	simm.s32 $0xFFFFFFFF;
	p2 =	slt.u32 s8, $0xFFFFF086  }
0x1c: {  	p1 =	slt.u32 s9, $0xF7A;
	s5 =	simm.s32 @!p2 $0x0  }
0x1d: {  	s5 =	simm.s32 @p1 $0x1;
	p0 =	seq.s32 s7, s2  }
0x1e: {  	s7 =	smul.u32 @!p0 $0xF7A, s2;
	p2 =	seq.s32 @!p0 s5, $0x0  }
0x1f: {  	s9 =	smul.u32 $0xF7A, s1;
	s8 =	simm.s32 @!p0 $0x1BF5;
	p2 =	por !p2, p0  }
0x20: {  	[sflag:s8] =	ssyncset.s32 @!p0 $0xFFFFF086;
	s6 =	sadd.s32 @!p0 s3, s7;
	s7 =	simm.s32 @!p0 $0x108  }
0x21: {  	s3 =	sadd.s32 s3, s9;
	s6 =	sadd.s32 @!p0 $0x88, s6;
	s7 =	simm.s32 @p2 $0x1082  }
0x22: {  	[simem:s7], [sflag:s8] =	dma.local @!p0 [hbm:s6], $0xF7A  }
0x23: {  	s9 =	sor.u32 $0xD0000000, s2;
	s6 =	simm.s32 $0x108;
	_ =	swait.ge @!p0 [sflag:s8], $0x0  }
0x24: {  	s3 =	sadd.s32 $0x88, s3;
	s6 =	simm.s32 @!p1 $0x1082;
	[sflag:s4] =	ssyncset.s32 $0xFFFFF086  }
0x25: {  	[simem:s6], [sflag:s4] =	dma.local [hbm:s3], $0xF7A  }
0x26: {  	[smem:$0x3F99] =	sst s1;
	(tag) =	ssettag s2;
	_ =	strace s9  }
0x27: {  	s1 =	sld [smem:$0x3FA9]  }
0x28: {  	s2 =	sld [smem:$0x3FAA]  }
0x29: {  	s4 =	sld [smem:$0x3FAC]  }
0x2a: {  	p0 =	seq.s32 s5, $0x0;
	s5 =	sld [smem:$0x3FAD]  }
0x2b: {  	s6 =	sld [smem:$0x3FAE]  }
0x2c: {  	s7 =	sld [smem:$0x3FAF]  }
0x2d: {  	s3 =	simm.s32 $0x108;
	s8 =	sld [smem:$0x3FB0]  }
0x2e: {  	s3 =	simm.s32 @!p0 $0x1082;
	s9 =	sld [smem:$0x3FB1]  }
0x2f: {  	lr =	sadd.s32 s0, s3;
	s0 =	sld [smem:$0x3FA8]  }
0x30: {  	s3 =	sld [smem:$0x3FAB]  }
0x31: {  	[smem:$0x3FB4] =	sst s10  }
0x32: {  	s10 =	sld [smem:$0x3FB2];
	_ =	sdelay $0x3  }
0x33: {  	p0 =	seq.s32 s10, $0x1;
	s10 =	sld [smem:$0x3FB4];
	_ =	sdelay $0x3  }
0x34: {  	[smem:$0x3FB4] =	sst s10  }
0x35: {  	s10 =	sld [smem:$0x3FB3];
	_ =	sdelay $0x3  }
0x36: {  	p1 =	seq.s32 s10, $0x1;
	s10 =	sld [smem:$0x3FB4];
	_ =	sdelay $0x3  }
0x37: {  	[smem:$0x3FB4] =	sst s10  }
0x38: {  	s10 =	sld [smem:$0x3FB5]  }
0x39: {  	_ = 	snop;
	(pc) =	sbr.ind lr, $3  }
0x3a: {  	_ = 	snop  }
0x3b: {  	_ = 	snop  }
0x3c: {  	p2 =	seq.s32 s10, $0x1;
	s10 =	sld [smem:$0x3FB4]  }
0x3d: {  	_ =	shalt  }
0x3e: {  	_ =	shalt  }
0x3f: {  	_ =	shalt  }
0x40: {  	_ =	shalt  }
0x41: {  	_ =	shalt  }
0x42: {  	_ =	shalt  }
0x43: {  	_ =	shalt  }
0x44: {  	_ =	shalt  }
0x45: {  	_ =	shalt  }
0x46: {  	_ =	shalt  }
0x47: {  	_ =	shalt  }
0x48: {  	_ =	shalt  }
0x49: {  	_ =	shalt  }
0x4a: {  	_ =	shalt  }
0x4b: {  	_ =	shalt  }
0x4c: {  	_ =	shalt  }
0x4d: {  	_ =	shalt  }
0x4e: {  	_ =	shalt  }
0x4f: {  	_ =	shalt  }
0x50: {  	_ =	shalt  }
0x51: {  	_ =	shalt  }
0x52: {  	_ =	shalt  }
0x53: {  	_ =	shalt  }
0x54: {  	_ =	shalt  }
0x55: {  	_ =	shalt  }
0x56: {  	_ =	shalt  }
0x57: {  	_ =	shalt  }
0x58: {  	_ =	shalt  }
0x59: {  	_ =	shalt  }
0x5a: {  	_ =	shalt  }
0x5b: {  	_ =	shalt  }
0x5c: {  	_ =	shalt  }
0x5d: {  	_ =	shalt  }
0x5e: {  	_ =	shalt  }
0x5f: {  	_ =	shalt  }
0x60: {  	_ =	shalt  }
0x61: {  	_ =	shalt  }
0x62: {  	_ =	shalt  }
0x63: {  	_ =	shalt  }
0x64: {  	_ =	shalt  }
0x65: {  	_ =	shalt  }
0x66: {  	_ =	shalt  }
0x67: {  	_ =	shalt  }
0x68: {  	_ =	shalt  }
0x69: {  	_ =	shalt  }
0x6a: {  	_ =	shalt  }
0x6b: {  	_ =	shalt  }
0x6c: {  	_ =	shalt  }
0x6d: {  	_ =	shalt  }
0x6e: {  	_ =	shalt  }
0x6f: {  	_ =	shalt  }
0x70: {  	_ =	shalt  }
0x71: {  	_ =	shalt  }
0x72: {  	_ =	shalt  }
0x73: {  	_ =	shalt  }
0x74: {  	_ =	shalt  }
0x75: {  	_ =	shalt  }
0x76: {  	_ =	shalt  }
0x77: {  	_ =	shalt  }
0x78: {  	_ =	shalt  }
0x79: {  	_ =	shalt  }
0x7a: {  	_ =	shalt  }
0x7b: {  	_ =	shalt  }
0x7c: {  	_ =	shalt  }
0x7d: {  	_ =	shalt  }
0x7e: {  	_ =	shalt  }
0x7f: {  	_ =	shalt  }
0x80: {  	_ =	shalt  }
0x81: {  	_ =	shalt  }
0x82: {  	_ =	shalt  }
0x83: {  	_ =	shalt  }
0x84: {  	_ =	shalt  }
0x85: {  	_ =	shalt  }
0x86: {  	_ =	shalt  }
0x87: {  	_ =	shalt  }
.Lfunc_end0:
.L_simem_size_0:
called_computation.1_lowered:
.L_overlay_start_0:
0x88: {  	s2 =	sld [smem:$0x3FD9]  }
0x89: {  	s3 =	sld [smem:$0x3FFE];
	_ =	sdelay $0x1  }
0x8a: {  	s1 =	srdreg.scid  }
0x8b: {  	s0 =	sand.u32 $0x1, s1  }
0x8c: {  	s16 =	sshll.u32 s0, $0xA;
	s2 =	sadd.s32 s3, s2  }
0x8d: {  	s2 =	sadd.s32 s2, s16  }
0x8e: {  	[smem:$0x3FC0] =	sst s2  }
0x8f: {  	_ = 	snop  }
0x90: {  	(tm) =	ssettm $0x1  }
0x91: {  	s17 =	sld [smem:$0x3FFB];
	_ =	sdelay $0x3  }
0x92: {  	_ =	strace s17  }
0x93: {  	s2 =	sld [smem:$0x3FFC];
	_ =	sdelay $0x3  }
0x94: {  	_ =	strace s2  }
0x95: {  	s2 =	sld [smem:$0x3FFD];
	_ =	sdelay $0x3  }
0x96: {  	_ =	strace s2  }
0x97: {  	_ =	strace $0x8FFFFFFF  }
0x98: {  	s18 =	sld [smem:$0x3FDB];
	_ =	sdelay $0x1  }
0x99: {  	s19 =	simm.s32 $_scs_section_size  }
0x9a: {  	s4 =	simm.s32 $_size__tile_overlayer_lowered;
	s5 =	simm.s32 $_tile_overlayer_lowered  }
0x9b: {  	s22 =	simm.s32 $0x1BFF;
	s21 =	sshll.u32 s5, $0x1;
	s2 =	sadd.s32 s19, s18  }
0x9c: {  	s6 =	simm.s32 $0x0;
	s20 =	sshll.u32 s4, $0x1;
	s4 =	sadd.s32 s21, s2  }
0x9d: {  	[timem:s6], [sflag:s22] =	dma.local [hbm:s4], s20  }
0x9e: {  	_ =	swait.ge [sflag:s22], s20  }
0x9f: {  	s3 =	ssub.s32 $0x0, s20;
	[sflag:s22] =	ssyncset.done $0x0  }
0xa0: {  	[sflag:s22] =	ssyncadd.s32 s3;
	_ =	sdelay $0x1  }
0xa1: {  	s23 =	simm.s32 $0x1B8B  }
0xa2: {  	_ =	swait.ge [sflag:s23], $0x1  }
0xa3: {  	[sflag:s23] =	ssyncset.done $0x0  }
0xa4: {  	s25 =	simm.s32 $0x1B8E;
	s24 =	sld [smem:$0x3FFE];
	[sflag:s23] =	ssyncadd.s32 $0xFFFFFFFF  }
0xa5: {  	s26 =	simm.s32 $execute0_lowered;
	[smem:$0x3FD2] =	sst s25  }
0xa6: {  	s4 =	sshll.u32 s26, $0x1;
	_ =	strace $0x80000049;
	[dreg:$0x1] =	wrdreg $0xFFFFFFFF  }
0xa7: {  	s28 =	simm.s32 $_size_execute0_lowered;
	s2 =	sadd.s32 s2, s4;
	[dreg:$0x0] =	wrdreg $0x0  }
0xa8: {  	s4 =	sshll.u32 s28, $0x1;
	[dreg:$0x2] =	wrdreg s2  }
0xa9: {  	[dreg:$0x3] =	wrdreg s4  }
0xaa: {  	[dreg:$0x4] =	wrdreg $0xC0  }
0xab: {  	_ =	task [dreg:s6], $0x5FFFF  }
0xac: {  	[dreg:$0x1] =	wrdreg $0xFFFFFFFF  }
0xad: {  	[dreg:$0x0] =	wrdreg $0x60  }
0xae: {  	[dreg:$0x2] =	wrdreg s24  }
0xaf: {  	[dreg:$0x3] =	wrdreg $0x150000  }
0xb0: {  	[dreg:$0x4] =	wrdreg $0x9  }
0xb1: {  	_ =	task.clear_ibuf [dreg:s6], $0x5FFFF;
	_ =	strace $0x90000049  }
0xb2: {  	s29 =	simm.s32 $0x9;
	_ =	strace $0x8000004B  }
0xb3: {  	_ =	swait.ge [sflag:s29], $0x1  }
0xb4: {  	[sflag:s29] =	ssyncadd.s32 $0xFFFFFFFF  }
0xb5: {  	_ =	strace $0x9000004B  }
0xb6: {  	_ =	sfence  }
0xb7: {  	s30 =	sld [smem:$0x0];
	_ =	sdelay $0x2  }
0xb8: {  	s31 =	sshll.u32 s1, $0xD;
	s1 =	sshrl.u32 s1, $0x2  }
0xb9: {  	s3 =	sand.u32 $0x4000, s31;
	s1 =	sadd.s32 s1, s30  }
0xba: {  	s0 =	sor.u32 s3, s0;
	s1 =	sshll.u32 s1, $0x11  }
0xbb: {  	s0 =	sor.u32 s1, s0  }
0xbc: {  	s0 =	sadd.s32 $0x8F2B, s0  }
0xbd: {  	[sflag:s0] =	ssyncadd.remote.s32 $0x1  }
0xbe: {  	_ =	sfence.sel $0xFFFF  }
0xbf: {  	[dreg:$0x0] =	wrdreg $0xFFFFFFFF;
	(pc) =	sbr.abs _section_cstart, $3  }
0xc0: {  	[dreg:$0x1] =	wrdreg $0xFFFFFFFF  }
0xc1: {  	_ =	task.clear_ibuf [dreg:s6], $0x2FFFF;
	_ =	strace $0x9FFFFFFF  }
0xc2: {  	(tm) =	ssettm $0x7FFFFFFF  }
0xc3: {  	_ =	shalt  }
tec
execute0_lowered:
.L_overlay_start_1:
0x0: {  	(tag) =	ssettag $0x1  }
0x1: {  	s0 =	rddreg [dreg:$0x0]  }
0x2: {  	s2 =	rddreg [dreg:$0x1];
	s1 =	srdreg.scid  }
0x3: {  	s3 =	stileid.u32;
	s9 =	simm.s32 $0x0;
	s29 =	simm.s32 $0xE000  }
0x4: {  	s31 =	simm.s32 $0xF000;
	s28 =	simm.s32 $0x11000;
	s30 =	simm.s32 $0x13000  }
0x5: {  	s1 =	sand.u32 $0x1, s1;
	s4 =	smul.u32 $0x5000, s3;
	[smem:$0x7FF] =	sst s9  }
0x6: {  	p0 =	seq.s32 s3, $0xF;
	s10 =	smul.u32 $0x13C00, s3;
	s11 =	sadd.s32 $0x29600, s0  }
0x7: {  	s13 =	sadd.s32 $0xB800, s0;
	s15 =	sadd.s32 $0x4E100, s2;
	s5 =	smul.u32 $0x9C40, s1  }
0x8: {  	_ =	strace $0x8000004A;
	s6 =	ssub.s32 $0x2, s1;
	[dreg:$0x8] =	wrdreg s13  }
0x9: {  	[dreg:$0xc] =	wrdreg s15;
	s16 =	sshll.u32 s1, $0x6;
	s1 =	sshll.u32 s1, $0x2  }
0xa: {  	s13 =	simm.s32 $0x8;
	s15 =	simm.s32 $0xA;
	s4 =	sshrl.u32 s4, $0x3  }
0xb: {  	s8 =	sshrl.u32 s6, $0x1;
	s12 =	sshrl.u32 s10, $0x2;
	s1 =	sadd.s32 s1, s11  }
0xc: {  	s5 =	sadd.s32 s5, s0;
	s7 =	sadd.s32 s4, s0;
	s4 =	simm.s32 $0x64  }
0xd: {  	s6 =	ssub.s32 s6, s8;
	s0 =	sadd.s32 $0x15440, s0;
	s19 =	sadd.s32 s12, s2  }
0xe: {  	s20 =	sadd.s32 $0x12840, s1;
	s1 =	simm.s32 $0x10000;
	[dreg:$0x9] =	wrdreg s0  }
0xf: {  	s4 =	simm.s32 @!p0 $0xA0;
	s26 =	sadd.s32 $0x2200, s7;
	[dreg:$0xe] =	wrdreg s20  }
0x10: {  	s8 =	sadd.s32 $0xBE40, s7;
	s14 =	sadd.s32 $0x4000, s19;
	[dreg:$0xa] =	wrdreg s19  }
0x11: {  	s0 =	sor.u32 s16, s10;
	s12 =	sadd.s32 $0x15C00, s5;
	[dreg:$0x6] =	wrdreg s26  }
0x12: {  	s21 =	smax.u32 s6, $0x1;
	s23 =	sadd.s32 $0x1000, s19;
	[dreg:$0x7] =	wrdreg s8  }
0x13: {  	s24 =	sadd.s32 $0x2000, s19;
	s25 =	sadd.s32 $0x3000, s19;
	[dreg:$0xb] =	wrdreg s14  }
0x14: {  	s20 =	simm.s32 $0xB;
	s5 =	simm.s32 $0x2;
	[dreg:$0xf] =	wrdreg s21  }
0x15: {  	s6 =	simm.s32 $0x3;
	s7 =	simm.s32 $0x4;
	[dreg:$0x10] =	wrdreg s23  }
0x16: {  	s10 =	simm.s32 $0x6;
	s17 =	smul.u32 $0xCD, s4;
	[dreg:$0x11] =	wrdreg s24  }
0x17: {  	s0 =	sshrl.u32 s0, $0x4;
	[dreg:$0x12] =	wrdreg s25;
	s21 =	simm.s32 $0x80  }
0x18: {  	s26 =	simm.s32 $0x14000;
	s23 =	simm.s32 $0xC000;
	s24 =	simm.s32 $0x1  }
0x19: {  	s8 =	simm.s32 $0x5;
	s14 =	simm.s32 $0x9;
	s0 =	sadd.s32 s11, s0  }
0x1a: {  	s18 =	sshrl.u32 s17, $0xB;
	[dreg:$0xd] =	wrdreg s0;
	s0 =	sadd.s32 $0x4A100, s2  }
0x1b: {  	[dreg:$0x4] =	wrdreg s26;
	s22 =	smul.u32 $0x1400, s18;
	s0 =	sshrl.u32 @p0 s0, $0x3  }
0x1c: {  	s26 =	simm.s32 $0xD000;
	s11 =	simm.s32 $0x7;
	[dreg:$0x13] =	wrdreg s0  }
0x1d: {  	v0 =	vimm.bf16 $0.0e+00;
	s0 =	simm.s32 $0x12000;
	[dreg:$0x3] =	wrdreg s22;
	s22 =	simm.s32 $0xB000  }
.LBB2_1:
0x1e: {  	s16 =	simm.s32 @p0 $0x0;
	s3 =	rddreg [dreg:$0x8];
	s17 =	simm.s32 @p0 $0xB  }
0x1f: {  	[tilespmem:s16], [sflag:$0xB] =	stream.linear.gather @p0 [hbm4b:s3+s16], $0x3200, $0x38;
	[tilespmem:$0x19E20] =	vst v63  }
0x20: {  	_ =	swait.ge @p0 [sflag:s17], $0x3200  }
0x21: {  	[sflag:s17] =	ssyncset.done @p0 $0x0  }
0x22: {  	s18 =	simm.s32 @p0 $0x5000;
	s3 =	rddreg [dreg:$0x9];
	[sflag:s17] =	ssyncadd.s32 @p0 $0xFFFFCE00  }
0x23: {  	[tilespmem:s18], [sflag:$0xB] =	stream.linear.gather @p0 [hbm4b:s3+s16], $0x3200, $0x38;
	[tilespmem:$0x19E20] =	vst v63  }
0x24: {  	_ =	swait.ge @p0 [sflag:s17], $0x3200  }
0x25: {  	s16 =	simm.s32 @!p0 $0x0;
	[sflag:s17] =	ssyncset.done @p0 $0x0  }
0x26: {  	s3 =	rddreg [dreg:$0x6];
	[sflag:s17] =	ssyncadd.s32 @p0 $0xFFFFCE00;
	s17 =	simm.s32 @!p0 $0xB  }
0x27: {  	[tilespmem:s16], [sflag:$0xB] =	stream.linear.gather @!p0 [hbm4b:s3+s16], $0x5000, $0x38;
	[tilespmem:$0x19E20] =	vst v63  }
0x28: {  	_ =	swait.ge @!p0 [sflag:s17], $0x5000  }
0x29: {  	[sflag:s17] =	ssyncset.done @!p0 $0x0  }
0x2a: {  	s18 =	simm.s32 @!p0 $0x5000;
	s3 =	rddreg [dreg:$0x7];
	[sflag:s17] =	ssyncadd.s32 @!p0 $0xFFFFB000  }
0x2b: {  	[tilespmem:s18], [sflag:$0xB] =	stream.linear.gather @!p0 [hbm4b:s3+s16], $0x5000, $0x38;
	[tilespmem:$0x19E20] =	vst v63  }
0x2c: {  	_ =	swait.ge @!p0 [sflag:s17], $0x5000  }
0x2d: {  	[sflag:s17] =	ssyncset.done @!p0 $0x0  }
0x2e: {  	s16 =	simm.s32 @p0 $0x0;
	[sflag:s17] =	ssyncadd.s32 @!p0 $0xFFFFB000  }
.LBB2_2:
0x2f: {  	p1 =	seq.s32 s16, $0x3F80  }
.Ltmp0:
0x30: {  	_ = 	snop;
	(pc) =	sbr.rel @!p1 .LBB2_2-.Ltmp0, $4  }
0x31: {  	_ = 	snop  }
0x32: {  	s17 =	sshra.s32 s16, $0x2  }
0x33: {  	[tilespmem:s17+$0xA000] =	vst v0  }
0x34: {  	s16 =	sadd.s32 $0x80, s16;
	[tilespmem:s17+$0xA010] =	vst v0  }
0x35: {  	s16 =	simm.s32 $0xA000  }
0x36: {  	[spmem:s19] =	stream.linear.scatter [tilespmem:s16], [sflag:$0xB], $0x1000, $0x38;
	[tilespmem:$0x19E20] =	vst v63  }
0x37: {  	_ =	swait.ge [sflag:s20], $0x1000  }
0x38: {  	[sflag:s20] =	ssyncset.done $0x0  }
0x39: {  	s3 =	rddreg [dreg:$0x10];
	[sflag:s20] =	ssyncadd.s32 $0xFFFFF000  }
0x3a: {  	[spmem:s3] =	stream.linear.scatter [tilespmem:s16], [sflag:$0xB], $0x1000, $0x38;
	[tilespmem:$0x19E20] =	vst v63  }
0x3b: {  	_ =	swait.ge [sflag:s20], $0x1000  }
0x3c: {  	[sflag:s20] =	ssyncset.done $0x0  }
0x3d: {  	s17 =	rddreg [dreg:$0x11];
	[sflag:s20] =	ssyncadd.s32 $0xFFFFF000  }
0x3e: {  	[spmem:s17] =	stream.linear.scatter [tilespmem:s16], [sflag:$0xB], $0x1000, $0x38;
	[tilespmem:$0x19E20] =	vst v63  }
0x3f: {  	_ =	swait.ge [sflag:s20], $0x1000  }
0x40: {  	[sflag:s20] =	ssyncset.done $0x0  }
0x41: {  	s18 =	rddreg [dreg:$0x12];
	[sflag:s20] =	ssyncadd.s32 $0xFFFFF000  }
0x42: {  	[spmem:s18] =	stream.linear.scatter [tilespmem:s16], [sflag:$0xB], $0x1000, $0x38;
	[tilespmem:$0x19E20] =	vst v63  }
0x43: {  	_ =	swait.ge [sflag:s20], $0x1000  }
0x44: {  	[sflag:s20] =	ssyncset.done $0x0  }
0x45: {  	s16 =	simm.s32 @p0 $0xA000;
	s3 =	rddreg [dreg:$0xc];
	[sflag:s20] =	ssyncadd.s32 $0xFFFFF000  }
0x46: {  	[spmem:s3] =	stream.linear.scatter @p0 [tilespmem:s16], [sflag:$0xB], $0x100, $0x38;
	[tilespmem:$0x19E20] =	vst v63  }
0x47: {  	s16 =	simm.s32 @p0 $0xB  }
0x48: {  	_ =	swait.ge @p0 [sflag:s16], $0x100  }
0x49: {  	[sflag:s16] =	ssyncset.done @p0 $0x0  }
0x4a: {  	s3 =	rddreg [dreg:$0xb];
	[sflag:s16] =	ssyncadd.s32 @p0 $0xFFFFFF00;
	s16 =	simm.s32 @!p0 $0xA000  }
0x4b: {  	[spmem:s3] =	stream.linear.scatter @!p0 [tilespmem:s16], [sflag:$0xB], $0xF00, $0x38;
	[tilespmem:$0x19E20] =	vst v63  }
0x4c: {  	s16 =	simm.s32 @!p0 $0xB  }
0x4d: {  	_ =	swait.ge @!p0 [sflag:s16], $0xF00  }
0x4e: {  	[sflag:s16] =	ssyncset.done @!p0 $0x0  }
0x4f: {  	[dreg:$0x5] =	wrdreg s9;
	[sflag:s16] =	ssyncadd.s32 @!p0 $0xFFFFF100  }
0x50: {  	s16 =	simm.s32 $0x0;
	[bflag:$0x0] =	sbarrier.arrive $0xFFFF  }
0x51: {  	[tilespmem:s22], [sflag:$0x1] =	stream.indirect.gather [hbm4b:s12+s21], $0x20, s16, s21, $0xb8;
	[tilespmem:$0x19E20] =	vst v63  }
0x52: {  	_ = 	snop  }
0x53: {  	[tilespmem:s23], [sflag:$0x2] =	stream.indirect.gather [hbm4b:s12+s21], $0x20, s21, s21, $0xb8;
	[tilespmem:$0x19E20] =	vst v63  }
0x54: {  	s19 =	simm.s32 $0x100  }
0x55: {  	[tilespmem:s26], [sflag:$0x3] =	stream.indirect.gather [hbm4b:s12+s21], $0x20, s19, s21, $0xb8;
	[tilespmem:$0x19E20] =	vst v63  }
0x56: {  	s25 =	simm.s32 $0x180  }
0x57: {  	[tilespmem:s29], [sflag:$0x4] =	stream.indirect.gather [hbm4b:s12+s21], $0x20, s25, s21, $0xb8;
	[tilespmem:$0x19E20] =	vst v63  }
0x58: {  	s9 =	simm.s32 $0x200  }
0x59: {  	[tilespmem:s31], [sflag:$0x5] =	stream.indirect.gather [hbm4b:s12+s21], $0x20, s9, s21, $0xb8;
	[tilespmem:$0x19E20] =	vst v63  }
0x5a: {  	s17 =	simm.s32 $0x280  }
0x5b: {  	[tilespmem:s1], [sflag:$0x6] =	stream.indirect.gather [hbm4b:s12+s21], $0x20, s17, s21, $0xb8;
	[tilespmem:$0x19E20] =	vst v63  }
0x5c: {  	s18 =	simm.s32 $0x300  }
0x5d: {  	[tilespmem:s28], [sflag:$0x7] =	stream.indirect.gather [hbm4b:s12+s21], $0x20, s18, s21, $0xb8;
	[tilespmem:$0x19E20] =	vst v63  }
0x5e: {  	s19 =	simm.s32 $0x380  }
0x5f: {  	[tilespmem:s0], [sflag:$0x8] =	stream.indirect.gather [hbm4b:s12+s21], $0x20, s19, s21, $0xb8;
	[tilespmem:$0x19E20] =	vst v63  }
0x60: {  	s25 =	simm.s32 $0x400;
	s17 =	simm.s32 $0x12  }
0x61: {  	[tilespmem:s30], [sflag:$0x9] =	stream.indirect.gather [hbm4b:s12+s21], $0x20, s25, s21, $0xb8;
	[tilespmem:$0x19E20] =	vst v63  }
.LBB2_4:
0x62: {  	_ =	swait.ge [sflag:s24], $0x1000;
	s18 =	sadd.s32 $0xFFFFFFF7, s17  }
0x63: {  	[sflag:s24] =	ssyncset.done $0x0;
	p1 =	sge.u32 s18, s4  }
0x64: {  	[sflag:s24] =	ssyncadd.s32 $0xFFFFF000;
	s18 =	sshra.s32 @!p1 s16, $0x2  }
0x65: {  	s25 =	simm.s32 @!p1 $0x80;
	s19 =	simm.s32 @!p1 $0x14000;
	s18 =	sadd.s32 @!p1 $0x480, s18  }
0x66: {  	[tilespmem:s19], [sflag:$0xA] =	stream.indirect.gather @!p1 [hbm4b:s12+s25], $0x20, s18, s25, $0xb8;
	[tilespmem:$0x19E20] =	vst v63  }
0x67: {  	s18 =	sshra.s32 s16, $0x2  }
0x68: {  	s3 =	sadd.s32 $0x5000, s18  }
0x69: {  	[spmem:s2] =	stream.indirect.scatter.add.bf16 [tilespmem:s22], [sflag:$0xB], $0x20, s3, s21, $0xb8;
	[tilespmem:$0x19E20] =	vst v63  }
0x6a: {  	_ =	swait.ge [sflag:s20], $0x1000  }
0x6b: {  	[sflag:s20] =	ssyncset.done $0x0  }
0x6c: {  	s9 =	sadd.s32 $0xFFFFFFF8, s17;
	[sflag:s20] =	ssyncadd.s32 $0xFFFFF000  }
0x6d: {  	p1 =	sge.u32 s9, s4;
	_ =	swait.ge [sflag:s5], $0x1000  }
0x6e: {  	s19 =	sshra.s32 @!p1 s16, $0x2;
	s25 =	simm.s32 @!p1 $0x80;
	[sflag:s5] =	ssyncset.done $0x0  }
0x6f: {  	s9 =	simm.s32 @!p1 $0xB000;
	s19 =	sadd.s32 @!p1 $0x500, s19;
	[sflag:s5] =	ssyncadd.s32 $0xFFFFF000  }
0x70: {  	[tilespmem:s9], [sflag:$0x1] =	stream.indirect.gather @!p1 [hbm4b:s12+s25], $0x20, s19, s25, $0xb8;
	[tilespmem:$0x19E20] =	vst v63  }
0x71: {  	s19 =	sadd.s32 $0x5080, s18  }
0x72: {  	[spmem:s2] =	stream.indirect.scatter.add.bf16 [tilespmem:s23], [sflag:$0xB], $0x20, s19, s21, $0xb8;
	[tilespmem:$0x19E20] =	vst v63  }
0x73: {  	_ =	swait.ge [sflag:s20], $0x1000  }
0x74: {  	[sflag:s20] =	ssyncset.done $0x0  }
0x75: {  	s25 =	sadd.s32 $0xFFFFFFF9, s17;
	[sflag:s20] =	ssyncadd.s32 $0xFFFFF000  }
0x76: {  	p1 =	sge.u32 s25, s4;
	_ =	swait.ge [sflag:s6], $0x1000  }
0x77: {  	s9 =	sshra.s32 @!p1 s16, $0x2;
	s19 =	simm.s32 @!p1 $0x80;
	[sflag:s6] =	ssyncset.done $0x0  }
0x78: {  	s25 =	simm.s32 @!p1 $0xC000;
	s9 =	sadd.s32 @!p1 $0x580, s9;
	[sflag:s6] =	ssyncadd.s32 $0xFFFFF000  }
0x79: {  	[tilespmem:s25], [sflag:$0x2] =	stream.indirect.gather @!p1 [hbm4b:s12+s19], $0x20, s9, s19, $0xb8;
	[tilespmem:$0x19E20] =	vst v63  }
0x7a: {  	s3 =	sadd.s32 $0x5100, s18  }
0x7b: {  	[spmem:s2] =	stream.indirect.scatter.add.bf16 [tilespmem:s26], [sflag:$0xB], $0x20, s3, s21, $0xb8;
	[tilespmem:$0x19E20] =	vst v63  }
0x7c: {  	_ =	swait.ge [sflag:s20], $0x1000  }
0x7d: {  	[sflag:s20] =	ssyncset.done $0x0  }
0x7e: {  	s19 =	sadd.s32 $0xFFFFFFFA, s17;
	[sflag:s20] =	ssyncadd.s32 $0xFFFFF000  }
0x7f: {  	p1 =	sge.u32 s19, s4;
	_ =	swait.ge [sflag:s7], $0x1000  }
0x80: {  	s9 =	sshra.s32 @!p1 s16, $0x2;
	s19 =	simm.s32 @!p1 $0x80;
	[sflag:s7] =	ssyncset.done $0x0  }
0x81: {  	s25 =	simm.s32 @!p1 $0xD000;
	s9 =	sadd.s32 @!p1 $0x600, s9;
	[sflag:s7] =	ssyncadd.s32 $0xFFFFF000  }
0x82: {  	[tilespmem:s25], [sflag:$0x3] =	stream.indirect.gather @!p1 [hbm4b:s12+s19], $0x20, s9, s19, $0xb8;
	[tilespmem:$0x19E20] =	vst v63  }
0x83: {  	s25 =	sadd.s32 $0x5180, s18  }
0x84: {  	[spmem:s2] =	stream.indirect.scatter.add.bf16 [tilespmem:s29], [sflag:$0xB], $0x20, s25, s21, $0xb8;
	[tilespmem:$0x19E20] =	vst v63  }
0x85: {  	_ =	swait.ge [sflag:s20], $0x1000  }
0x86: {  	[sflag:s20] =	ssyncset.done $0x0  }
0x87: {  	s3 =	sadd.s32 $0xFFFFFFFB, s17;
	[sflag:s20] =	ssyncadd.s32 $0xFFFFF000  }
0x88: {  	p1 =	sge.u32 s3, s4;
	_ =	swait.ge [sflag:s8], $0x1000  }
0x89: {  	s9 =	sshra.s32 @!p1 s16, $0x2;
	s19 =	simm.s32 @!p1 $0x80;
	[sflag:s8] =	ssyncset.done $0x0  }
0x8a: {  	s9 =	sadd.s32 @!p1 $0x680, s9;
	s25 =	simm.s32 @!p1 $0xE000;
	[sflag:s8] =	ssyncadd.s32 $0xFFFFF000  }
0x8b: {  	[tilespmem:s25], [sflag:$0x4] =	stream.indirect.gather @!p1 [hbm4b:s12+s19], $0x20, s9, s19, $0xb8;
	[tilespmem:$0x19E20] =	vst v63  }
0x8c: {  	s19 =	sadd.s32 $0x5200, s18  }
0x8d: {  	[spmem:s2] =	stream.indirect.scatter.add.bf16 [tilespmem:s31], [sflag:$0xB], $0x20, s19, s21, $0xb8;
	[tilespmem:$0x19E20] =	vst v63  }
0x8e: {  	_ =	swait.ge [sflag:s20], $0x1000  }
0x8f: {  	[sflag:s20] =	ssyncset.done $0x0  }
0x90: {  	s25 =	sadd.s32 $0xFFFFFFFC, s17;
	[sflag:s20] =	ssyncadd.s32 $0xFFFFF000  }
0x91: {  	p1 =	sge.u32 s25, s4;
	_ =	swait.ge [sflag:s10], $0x1000  }
0x92: {  	s9 =	sshra.s32 @!p1 s16, $0x2;
	s19 =	simm.s32 @!p1 $0x80;
	[sflag:s10] =	ssyncset.done $0x0  }
0x93: {  	s25 =	simm.s32 @!p1 $0xF000;
	s9 =	sadd.s32 @!p1 $0x700, s9;
	[sflag:s10] =	ssyncadd.s32 $0xFFFFF000  }
0x94: {  	[tilespmem:s25], [sflag:$0x5] =	stream.indirect.gather @!p1 [hbm4b:s12+s19], $0x20, s9, s19, $0xb8;
	[tilespmem:$0x19E20] =	vst v63  }
0x95: {  	s3 =	sadd.s32 $0x5280, s18  }
0x96: {  	[spmem:s2] =	stream.indirect.scatter.add.bf16 [tilespmem:s1], [sflag:$0xB], $0x20, s3, s21, $0xb8;
	[tilespmem:$0x19E20] =	vst v63  }
0x97: {  	_ =	swait.ge [sflag:s20], $0x1000  }
0x98: {  	[sflag:s20] =	ssyncset.done $0x0  }
0x99: {  	s19 =	sadd.s32 $0xFFFFFFFD, s17;
	[sflag:s20] =	ssyncadd.s32 $0xFFFFF000  }
0x9a: {  	p1 =	sge.u32 s19, s4;
	_ =	swait.ge [sflag:s11], $0x1000  }
0x9b: {  	s9 =	sshra.s32 @!p1 s16, $0x2;
	s19 =	simm.s32 @!p1 $0x80;
	[sflag:s11] =	ssyncset.done $0x0  }
0x9c: {  	s25 =	simm.s32 @!p1 $0x10000;
	s9 =	sadd.s32 @!p1 $0x780, s9;
	[sflag:s11] =	ssyncadd.s32 $0xFFFFF000  }
0x9d: {  	[tilespmem:s25], [sflag:$0x6] =	stream.indirect.gather @!p1 [hbm4b:s12+s19], $0x20, s9, s19, $0xb8;
	[tilespmem:$0x19E20] =	vst v63  }
0x9e: {  	s25 =	sadd.s32 $0x5300, s18  }
0x9f: {  	[spmem:s2] =	stream.indirect.scatter.add.bf16 [tilespmem:s28], [sflag:$0xB], $0x20, s25, s21, $0xb8;
	[tilespmem:$0x19E20] =	vst v63  }
0xa0: {  	_ =	swait.ge [sflag:s20], $0x1000  }
0xa1: {  	[sflag:s20] =	ssyncset.done $0x0  }
0xa2: {  	s3 =	sadd.s32 $0xFFFFFFFE, s17;
	[sflag:s20] =	ssyncadd.s32 $0xFFFFF000  }
0xa3: {  	p1 =	sge.u32 s3, s4;
	_ =	swait.ge [sflag:s13], $0x1000  }
0xa4: {  	s9 =	sshra.s32 @!p1 s16, $0x2;
	s19 =	simm.s32 @!p1 $0x80;
	[sflag:s13] =	ssyncset.done $0x0  }
0xa5: {  	s9 =	sadd.s32 @!p1 $0x800, s9;
	s25 =	simm.s32 @!p1 $0x11000;
	[sflag:s13] =	ssyncadd.s32 $0xFFFFF000  }
0xa6: {  	[tilespmem:s25], [sflag:$0x7] =	stream.indirect.gather @!p1 [hbm4b:s12+s19], $0x20, s9, s19, $0xb8;
	[tilespmem:$0x19E20] =	vst v63  }
0xa7: {  	s19 =	sadd.s32 $0x5380, s18  }
0xa8: {  	[spmem:s2] =	stream.indirect.scatter.add.bf16 [tilespmem:s0], [sflag:$0xB], $0x20, s19, s21, $0xb8;
	[tilespmem:$0x19E20] =	vst v63  }
0xa9: {  	_ =	swait.ge [sflag:s20], $0x1000  }
0xaa: {  	[sflag:s20] =	ssyncset.done $0x0  }
0xab: {  	s25 =	sadd.s32 $0xFFFFFFFF, s17;
	[sflag:s20] =	ssyncadd.s32 $0xFFFFF000  }
0xac: {  	p1 =	sge.u32 s25, s4;
	_ =	swait.ge [sflag:s14], $0x1000  }
0xad: {  	s9 =	sshra.s32 @!p1 s16, $0x2;
	s19 =	simm.s32 @!p1 $0x80;
	[sflag:s14] =	ssyncset.done $0x0  }
0xae: {  	s25 =	simm.s32 @!p1 $0x12000;
	s9 =	sadd.s32 @!p1 $0x880, s9;
	[sflag:s14] =	ssyncadd.s32 $0xFFFFF000  }
0xaf: {  	[tilespmem:s25], [sflag:$0x8] =	stream.indirect.gather @!p1 [hbm4b:s12+s19], $0x20, s9, s19, $0xb8;
	[tilespmem:$0x19E20] =	vst v63  }
0xb0: {  	s3 =	sadd.s32 $0x5400, s18  }
0xb1: {  	[spmem:s2] =	stream.indirect.scatter.add.bf16 [tilespmem:s30], [sflag:$0xB], $0x20, s3, s21, $0xb8;
	[tilespmem:$0x19E20] =	vst v63  }
0xb2: {  	_ =	swait.ge [sflag:s20], $0x1000  }
0xb3: {  	[sflag:s20] =	ssyncset.done $0x0  }
0xb4: {  	[sflag:s20] =	ssyncadd.s32 $0xFFFFF000  }
0xb5: {  	p1 =	sge.u32 s17, s4;
	_ =	swait.ge [sflag:s15], $0x1000  }
0xb6: {  	s9 =	sshra.s32 @!p1 s16, $0x2;
	s19 =	simm.s32 @!p1 $0x80;
	[sflag:s15] =	ssyncset.done $0x0  }
0xb7: {  	s25 =	simm.s32 @!p1 $0x13000;
	s9 =	sadd.s32 @!p1 $0x900, s9;
	[sflag:s15] =	ssyncadd.s32 $0xFFFFF000  }
0xb8: {  	[tilespmem:s25], [sflag:$0x9] =	stream.indirect.gather @!p1 [hbm4b:s12+s19], $0x20, s9, s19, $0xb8;
	[tilespmem:$0x19E20] =	vst v63  }
0xb9: {  	s3 =	rddreg [dreg:$0x4];
	s19 =	sadd.s32 $0x5480, s18  }
0xba: {  	[spmem:s2] =	stream.indirect.scatter.add.bf16 [tilespmem:s3], [sflag:$0xB], $0x20, s19, s21, $0xb8;
	[tilespmem:$0x19E20] =	vst v63  }
0xbb: {  	_ =	swait.ge [sflag:s20], $0x1000  }
0xbc: {  	s16 =	sadd.s32 $0x1400, s16;
	s25 =	rddreg [dreg:$0x3]  }
0xbd: {  	p1 =	sne.s32 s25, s16  }
.Ltmp1:
0xbe: {  	_ = 	snop;
	(pc) =	sbr.rel @p1 .LBB2_4-.Ltmp1, $3  }
0xbf: {  	_ =	sdelay $0x1  }
0xc0: {  	[sflag:s20] =	ssyncset.done $0x0  }
0xc1: {  	s17 =	sadd.s32 $0xA, s17;
	[sflag:s20] =	ssyncadd.s32 $0xFFFFF000  }
0xc2: {  	[bflag:$0x0] =	sbarrier.arrive $0xFFFF  }
0xc3: {  	s3 =	simm.s32 @p0 $0x1;
	s9 =	simm.s32 @p0 $0x8;
	s18 =	rddreg [dreg:$0xe]  }
0xc4: {  	s16 =	simm.s32 @p0 $0x4;
	s17 =	simm.s32 @p0 $0x1FCB;
	s19 =	rddreg [dreg:$0x13]  }
0xc5: {  	[hbm:s18@s9], [sflag:s17] =	dma.strided @p0 [spmem:s19@s16], $0x820, s3, $0x4   }
0xc6: {  	s3 =	simm.s32 @p0 $0xB  }
0xc7: {  	s9 =	stileid.u32;
	s16 =	simm.s32 @!p0 $0x1;
	_ =	swait.ge @p0 [sflag:s3], $0x820  }
0xc8: {  	s17 =	simm.s32 @!p0 $0x8;
	s18 =	simm.s32 @!p0 $0x4;
	s19 =	rddreg [dreg:$0xa]  }
0xc9: {  	s9 =	sshll.u32 @!p0 s9, $0x6;
	[sflag:s3] =	ssyncset.done @p0 $0x0;
	s25 =	rddreg [dreg:$0xd]  }
0xca: {  	[sflag:s3] =	ssyncadd.s32 @p0 $0xFFFFF7E0;
	s3 =	sor.u32 @!p0 $0x1C0B, s9;
	s9 =	sshrl.u32 @!p0 s19, $0x3  }
0xcb: {  	[hbm:s25@s17], [sflag:s3] =	dma.strided @!p0 [spmem:s9@s18], $0x9E0, s16, $0x4   }
0xcc: {  	s3 =	simm.s32 @!p0 $0xB  }
0xcd: {  	_ =	swait.ge @!p0 [sflag:s3], $0x9E0  }
0xce: {  	s18 =	rddreg [dreg:$0x5]  }
0xcf: {  	s25 =	rddreg [dreg:$0xf];
	s9 =	sadd.s32 $0x1, s18  }
0xd0: {  	p1 =	sne.s32 s9, s25  }
.Ltmp2:
0xd1: {  	_ = 	snop;
	(pc) =	sbr.rel @p1 .LBB2_1-.Ltmp2, $3  }
0xd2: {  	_ =	sdelay $0x1  }
0xd3: {  	[sflag:s3] =	ssyncset.done @!p0 $0x0  }
0xd4: {  	[sflag:s3] =	ssyncadd.s32 @!p0 $0xFFFFF620  }
0xd5: {  	_ =	sfence.sel $0x180000  }
0xd6: {  	[bflag:$0x0] =	sbarrier.arrive $0xFFFF  }
0xd7: {  	_ =	strace $0x9000004A  }
0xd8: {  	s0 =	stileid.u32;
	[bflag:$0x2] =	sbarrier.arrive $0xFFFF  }
0xd9: {  	p0 =	sne.s32 s0, $0x0;
	s0 =	rddreg [dreg:$0x2]  }
0xda: {  	s0 =	sadd.s32 @!p0 $0x100000, s0  }
0xdb: {  	[sflag:s0] =	ssyncadd.tile.s32 @!p0 $0x1;
	_ =	shalt  }
.Lfunc_end2:
_tile_overlayer_lowered:
.L_overlay_start_2:
0xdc: {  	(tag) =	ssettag $0x2  }
0xdd: {  	s0 =	rddreg [dreg:$0x0];
	s2 =	stileid.u32  }
0xde: {  	s1 =	rddreg [dreg:$0x1];
	p0 =	sne.s32 s2, $0x0  }
0xdf: {  	s3 =	rddreg [dreg:$0x2];
	[bflag:$0x3] =	sbarrier.arrive $0xFFFF;
	s2 =	simm.s32 @!p0 $0x1C0B  }
0xe0: {  	[timem:s3], [sflag:s2] =	dma.local @!p0 [hbm:s0], s1  }
0xe1: {  	s0 =	simm.s32 @!p0 $0xB  }
0xe2: {  	_ =	swait.ge @!p0 [sflag:s0], s1  }
0xe3: {  	s1 =	ssub.s32 @!p0 $0x0, s1;
	[sflag:s0] =	ssyncset.done @!p0 $0x0  }
0xe4: {  	[sflag:s0] =	ssyncadd.s32 @!p0 s1  }
0xe5: {  	[bflag:$0x3] =	sbarrier.arrive $0xFFFF  }
0xe6: {  	_ =	shalt  }

// kernel: kernel.14.cloned.1.call-start
scs
__scs_entry_jumppad:
0x0: {  	(pc) =	sbr.rel $0x88, $3  }
0x1: {  	(tag) =	ssettag $0x0;
	lr =	simm.s32 $0x1  }
0x2: {  	[smem:$0x3F99] =	sst lr;
	_ =	strace $0xD0000000  }
0x3: {  	_ = 	snop  }
0x4: {  	_ = 	snop  }
0x5: {  	_ = 	snop  }
0x6: {  	_ = 	snop  }
0x7: {  	_ = 	snop  }
__scs_overlays_trampoline_lowered:
0x8: {  	[smem:$0x3FA8] =	sst s0  }
0x9: {  	[smem:$0x3FA9] =	sst s1  }
0xa: {  	[smem:$0x3FAA] =	sst s2  }
0xb: {  	[smem:$0x3FAB] =	sst s3  }
0xc: {  	[smem:$0x3FAC] =	sst s4  }
0xd: {  	[smem:$0x3FAD] =	sst s5  }
0xe: {  	[smem:$0x3FAE] =	sst s6  }
0xf: {  	[smem:$0x3FAF] =	sst s7  }
0x10: {  	[smem:$0x3FB0] =	sst s8  }
0x11: {  	[smem:$0x3FB1] =	sst s9;
	s0 =	simm.s32 @!p0 $0x0  }
0x12: {  	s1 =	sld [smem:$0x3F97];
	s0 =	simm.s32 @p0 $0x1  }
0x13: {  	[smem:$0x3FB2] =	sst s0;
	s0 =	simm.s32 @!p1 $0x0  }
0x14: {  	s2 =	sld [smem:$0x3F96];
	s0 =	simm.s32 @p1 $0x1  }
0x15: {  	[smem:$0x3FB3] =	sst s0;
	s0 =	simm.s32 @!p2 $0x0  }
0x16: {  	s3 =	sld [smem:$0x3FDB];
	s0 =	simm.s32 @p2 $0x1  }
0x17: {  	s4 =	simm.s32 $0x1BF5;
	[smem:$0x3FB5] =	sst s0  }
0x18: {  	s0 =	sld [smem:$0x3F98];
	_ =	swait.ge [sflag:s4], $0x0  }
0x19: {  	s7 =	sld [smem:$0x3F99]  }
0x1a: {  	s8 =	sadd.s32 $0xFFFFE003, lr  }
0x1b: {  	s9 =	sadd.s32 $0xFFFFFEF7, lr;
	s5 =	simm.s32 $0xFFFFFFFF;
	p2 =	slt.u32 s8, $0xFFFFF086  }
0x1c: {  	p1 =	slt.u32 s9, $0xF7A;
	s5 =	simm.s32 @!p2 $0x0  }
0x1d: {  	s5 =	simm.s32 @p1 $0x1;
	p0 =	seq.s32 s7, s2  }
0x1e: {  	s7 =	smul.u32 @!p0 $0xF7A, s2;
	p2 =	seq.s32 @!p0 s5, $0x0  }
0x1f: {  	s9 =	smul.u32 $0xF7A, s1;
	s8 =	simm.s32 @!p0 $0x1BF5;
	p2 =	por !p2, p0  }
0x20: {  	[sflag:s8] =	ssyncset.s32 @!p0 $0xFFFFF086;
	s6 =	sadd.s32 @!p0 s3, s7;
	s7 =	simm.s32 @!p0 $0x108  }
0x21: {  	s3 =	sadd.s32 s3, s9;
	s6 =	sadd.s32 @!p0 $0x88, s6;
	s7 =	simm.s32 @p2 $0x1082  }
0x22: {  	[simem:s7], [sflag:s8] =	dma.local @!p0 [hbm:s6], $0xF7A  }
0x23: {  	s9 =	sor.u32 $0xD0000000, s2;
	s6 =	simm.s32 $0x108;
	_ =	swait.ge @!p0 [sflag:s8], $0x0  }
0x24: {  	s3 =	sadd.s32 $0x88, s3;
	s6 =	simm.s32 @!p1 $0x1082;
	[sflag:s4] =	ssyncset.s32 $0xFFFFF086  }
0x25: {  	[simem:s6], [sflag:s4] =	dma.local [hbm:s3], $0xF7A  }
0x26: {  	[smem:$0x3F99] =	sst s1;
	(tag) =	ssettag s2;
	_ =	strace s9  }
0x27: {  	s1 =	sld [smem:$0x3FA9]  }
0x28: {  	s2 =	sld [smem:$0x3FAA]  }
0x29: {  	s4 =	sld [smem:$0x3FAC]  }
0x2a: {  	p0 =	seq.s32 s5, $0x0;
	s5 =	sld [smem:$0x3FAD]  }
0x2b: {  	s6 =	sld [smem:$0x3FAE]  }
0x2c: {  	s7 =	sld [smem:$0x3FAF]  }
0x2d: {  	s3 =	simm.s32 $0x108;
	s8 =	sld [smem:$0x3FB0]  }
0x2e: {  	s3 =	simm.s32 @!p0 $0x1082;
	s9 =	sld [smem:$0x3FB1]  }
0x2f: {  	lr =	sadd.s32 s0, s3;
	s0 =	sld [smem:$0x3FA8]  }
0x30: {  	s3 =	sld [smem:$0x3FAB]  }
0x31: {  	[smem:$0x3FB4] =	sst s10  }
0x32: {  	s10 =	sld [smem:$0x3FB2];
	_ =	sdelay $0x3  }
0x33: {  	p0 =	seq.s32 s10, $0x1;
	s10 =	sld [smem:$0x3FB4];
	_ =	sdelay $0x3  }
0x34: {  	[smem:$0x3FB4] =	sst s10  }
0x35: {  	s10 =	sld [smem:$0x3FB3];
	_ =	sdelay $0x3  }
0x36: {  	p1 =	seq.s32 s10, $0x1;
	s10 =	sld [smem:$0x3FB4];
	_ =	sdelay $0x3  }
0x37: {  	[smem:$0x3FB4] =	sst s10  }
0x38: {  	s10 =	sld [smem:$0x3FB5]  }
0x39: {  	_ = 	snop;
	(pc) =	sbr.ind lr, $3  }
0x3a: {  	_ = 	snop  }
0x3b: {  	_ = 	snop  }
0x3c: {  	p2 =	seq.s32 s10, $0x1;
	s10 =	sld [smem:$0x3FB4]  }
0x3d: {  	_ =	shalt  }
0x3e: {  	_ =	shalt  }
0x3f: {  	_ =	shalt  }
0x40: {  	_ =	shalt  }
0x41: {  	_ =	shalt  }
0x42: {  	_ =	shalt  }
0x43: {  	_ =	shalt  }
0x44: {  	_ =	shalt  }
0x45: {  	_ =	shalt  }
0x46: {  	_ =	shalt  }
0x47: {  	_ =	shalt  }
0x48: {  	_ =	shalt  }
0x49: {  	_ =	shalt  }
0x4a: {  	_ =	shalt  }
0x4b: {  	_ =	shalt  }
0x4c: {  	_ =	shalt  }
0x4d: {  	_ =	shalt  }
0x4e: {  	_ =	shalt  }
0x4f: {  	_ =	shalt  }
0x50: {  	_ =	shalt  }
0x51: {  	_ =	shalt  }
0x52: {  	_ =	shalt  }
0x53: {  	_ =	shalt  }
0x54: {  	_ =	shalt  }
0x55: {  	_ =	shalt  }
0x56: {  	_ =	shalt  }
0x57: {  	_ =	shalt  }
0x58: {  	_ =	shalt  }
0x59: {  	_ =	shalt  }
0x5a: {  	_ =	shalt  }
0x5b: {  	_ =	shalt  }
0x5c: {  	_ =	shalt  }
0x5d: {  	_ =	shalt  }
0x5e: {  	_ =	shalt  }
0x5f: {  	_ =	shalt  }
0x60: {  	_ =	shalt  }
0x61: {  	_ =	shalt  }
0x62: {  	_ =	shalt  }
0x63: {  	_ =	shalt  }
0x64: {  	_ =	shalt  }
0x65: {  	_ =	shalt  }
0x66: {  	_ =	shalt  }
0x67: {  	_ =	shalt  }
0x68: {  	_ =	shalt  }
0x69: {  	_ =	shalt  }
0x6a: {  	_ =	shalt  }
0x6b: {  	_ =	shalt  }
0x6c: {  	_ =	shalt  }
0x6d: {  	_ =	shalt  }
0x6e: {  	_ =	shalt  }
0x6f: {  	_ =	shalt  }
0x70: {  	_ =	shalt  }
0x71: {  	_ =	shalt  }
0x72: {  	_ =	shalt  }
0x73: {  	_ =	shalt  }
0x74: {  	_ =	shalt  }
0x75: {  	_ =	shalt  }
0x76: {  	_ =	shalt  }
0x77: {  	_ =	shalt  }
0x78: {  	_ =	shalt  }
0x79: {  	_ =	shalt  }
0x7a: {  	_ =	shalt  }
0x7b: {  	_ =	shalt  }
0x7c: {  	_ =	shalt  }
0x7d: {  	_ =	shalt  }
0x7e: {  	_ =	shalt  }
0x7f: {  	_ =	shalt  }
0x80: {  	_ =	shalt  }
0x81: {  	_ =	shalt  }
0x82: {  	_ =	shalt  }
0x83: {  	_ =	shalt  }
0x84: {  	_ =	shalt  }
0x85: {  	_ =	shalt  }
0x86: {  	_ =	shalt  }
0x87: {  	_ =	shalt  }
.Lfunc_end0:
.L_simem_size_0:
called_computation.2_lowered:
.L_overlay_start_0:
0x88: {  	s2 =	sld [smem:$0x3FD9]  }
0x89: {  	s3 =	sld [smem:$0x3FFE];
	_ =	sdelay $0x1  }
0x8a: {  	s1 =	srdreg.scid  }
0x8b: {  	s0 =	sand.u32 $0x1, s1  }
0x8c: {  	s16 =	sshll.u32 s0, $0xA;
	s2 =	sadd.s32 s3, s2  }
0x8d: {  	s2 =	sadd.s32 s2, s16  }
0x8e: {  	[smem:$0x3FC0] =	sst s2  }
0x8f: {  	_ = 	snop  }
0x90: {  	(tm) =	ssettm $0x1  }
0x91: {  	s17 =	sld [smem:$0x3FFB];
	_ =	sdelay $0x3  }
0x92: {  	_ =	strace s17  }
0x93: {  	s2 =	sld [smem:$0x3FFC];
	_ =	sdelay $0x3  }
0x94: {  	_ =	strace s2  }
0x95: {  	s2 =	sld [smem:$0x3FFD];
	_ =	sdelay $0x3  }
0x96: {  	_ =	strace s2  }
0x97: {  	_ =	strace $0x8FFFFFFF  }
0x98: {  	s18 =	sld [smem:$0x3FDB];
	_ =	sdelay $0x1  }
0x99: {  	s19 =	simm.s32 $_scs_section_size  }
0x9a: {  	s4 =	simm.s32 $_size__tile_overlayer_lowered;
	s5 =	simm.s32 $_tile_overlayer_lowered  }
0x9b: {  	s22 =	simm.s32 $0x1BFF;
	s21 =	sshll.u32 s5, $0x1;
	s2 =	sadd.s32 s19, s18  }
0x9c: {  	s6 =	simm.s32 $0x0;
	s20 =	sshll.u32 s4, $0x1;
	s4 =	sadd.s32 s21, s2  }
0x9d: {  	[timem:s6], [sflag:s22] =	dma.local [hbm:s4], s20  }
0x9e: {  	_ =	swait.ge [sflag:s22], s20  }
0x9f: {  	s3 =	ssub.s32 $0x0, s20;
	[sflag:s22] =	ssyncset.done $0x0  }
0xa0: {  	[sflag:s22] =	ssyncadd.s32 s3;
	_ =	sdelay $0x1  }
0xa1: {  	s23 =	simm.s32 $0x1B8B  }
0xa2: {  	_ =	swait.ge [sflag:s23], $0x1  }
0xa3: {  	[sflag:s23] =	ssyncset.done $0x0  }
0xa4: {  	s25 =	simm.s32 $0x1B8E;
	s24 =	sld [smem:$0x3FFE];
	[sflag:s23] =	ssyncadd.s32 $0xFFFFFFFF  }
0xa5: {  	s26 =	simm.s32 $execute0_lowered;
	[smem:$0x3FD2] =	sst s25  }
0xa6: {  	s4 =	sshll.u32 s26, $0x1;
	_ =	strace $0x8000004C;
	[dreg:$0x1] =	wrdreg $0xFFFFFFFF  }
0xa7: {  	s28 =	simm.s32 $_size_execute0_lowered;
	s2 =	sadd.s32 s2, s4;
	[dreg:$0x0] =	wrdreg $0x0  }
0xa8: {  	s4 =	sshll.u32 s28, $0x1;
	[dreg:$0x2] =	wrdreg s2  }
0xa9: {  	[dreg:$0x3] =	wrdreg s4  }
0xaa: {  	[dreg:$0x4] =	wrdreg $0xC0  }
0xab: {  	_ =	task [dreg:s6], $0x5FFFF  }
0xac: {  	[dreg:$0x1] =	wrdreg $0xFFFFFFFF  }
0xad: {  	[dreg:$0x0] =	wrdreg $0x60  }
0xae: {  	[dreg:$0x2] =	wrdreg s24  }
0xaf: {  	[dreg:$0x3] =	wrdreg $0x150000  }
0xb0: {  	[dreg:$0x4] =	wrdreg $0x9  }
0xb1: {  	_ =	task.clear_ibuf [dreg:s6], $0x5FFFF;
	_ =	strace $0x9000004C  }
0xb2: {  	s29 =	simm.s32 $0x9;
	_ =	strace $0x8000004E  }
0xb3: {  	_ =	swait.ge [sflag:s29], $0x1  }
0xb4: {  	[sflag:s29] =	ssyncadd.s32 $0xFFFFFFFF  }
0xb5: {  	_ =	strace $0x9000004E  }
0xb6: {  	_ =	sfence  }
0xb7: {  	s30 =	sld [smem:$0x0];
	_ =	sdelay $0x2  }
0xb8: {  	s31 =	sshll.u32 s1, $0xD;
	s1 =	sshrl.u32 s1, $0x2  }
0xb9: {  	s3 =	sand.u32 $0x4000, s31;
	s1 =	sadd.s32 s1, s30  }
0xba: {  	s0 =	sor.u32 s3, s0;
	s1 =	sshll.u32 s1, $0x11  }
0xbb: {  	s0 =	sor.u32 s1, s0  }
0xbc: {  	s0 =	sadd.s32 $0x8F2B, s0  }
0xbd: {  	[sflag:s0] =	ssyncadd.remote.s32 $0x1  }
0xbe: {  	_ =	sfence.sel $0xFFFF  }
0xbf: {  	[dreg:$0x0] =	wrdreg $0xFFFFFFFF;
	(pc) =	sbr.abs _section_cstart, $3  }
0xc0: {  	[dreg:$0x1] =	wrdreg $0xFFFFFFFF  }
0xc1: {  	_ =	task.clear_ibuf [dreg:s6], $0x2FFFF;
	_ =	strace $0x9FFFFFFF  }
0xc2: {  	(tm) =	ssettm $0x7FFFFFFF  }
0xc3: {  	_ =	shalt  }
tec
execute0_lowered:
.L_overlay_start_1:
0x0: {  	(tag) =	ssettag $0x1  }
0x1: {  	s0 =	rddreg [dreg:$0x0]  }
0x2: {  	s2 =	rddreg [dreg:$0x1];
	s1 =	srdreg.scid  }
0x3: {  	s3 =	stileid.u32;
	s9 =	simm.s32 $0x0;
	s29 =	simm.s32 $0xE000  }
0x4: {  	s31 =	simm.s32 $0xF000;
	s28 =	simm.s32 $0x11000;
	s30 =	simm.s32 $0x13000  }
0x5: {  	s1 =	sand.u32 $0x1, s1;
	s4 =	smul.u32 $0x5000, s3;
	[smem:$0x7FF] =	sst s9  }
0x6: {  	p0 =	seq.s32 s3, $0xF;
	s10 =	smul.u32 $0x13C00, s3;
	s11 =	sadd.s32 $0x29600, s0  }
0x7: {  	s13 =	sadd.s32 $0xB800, s0;
	s15 =	sadd.s32 $0x4E100, s2;
	s5 =	smul.u32 $0x9C40, s1  }
0x8: {  	_ =	strace $0x8000004D;
	s6 =	ssub.s32 $0x2, s1;
	[dreg:$0x8] =	wrdreg s13  }
0x9: {  	[dreg:$0xc] =	wrdreg s15;
	s16 =	sshll.u32 s1, $0x6;
	s1 =	sshll.u32 s1, $0x2  }
0xa: {  	s13 =	simm.s32 $0x8;
	s15 =	simm.s32 $0xA;
	s4 =	sshrl.u32 s4, $0x3  }
0xb: {  	s8 =	sshrl.u32 s6, $0x1;
	s12 =	sshrl.u32 s10, $0x2;
	s1 =	sadd.s32 s1, s11  }
0xc: {  	s5 =	sadd.s32 s5, s0;
	s7 =	sadd.s32 s4, s0;
	s4 =	simm.s32 $0x64  }
0xd: {  	s6 =	ssub.s32 s6, s8;
	s0 =	sadd.s32 $0x15440, s0;
	s19 =	sadd.s32 s12, s2  }
0xe: {  	s20 =	sadd.s32 $0x12840, s1;
	s1 =	simm.s32 $0x10000;
	[dreg:$0x9] =	wrdreg s0  }
0xf: {  	s4 =	simm.s32 @!p0 $0xA0;
	s26 =	sadd.s32 $0x2200, s7;
	[dreg:$0xe] =	wrdreg s20  }
0x10: {  	s8 =	sadd.s32 $0xBE40, s7;
	s14 =	sadd.s32 $0x4000, s19;
	[dreg:$0xa] =	wrdreg s19  }
0x11: {  	s0 =	sor.u32 s16, s10;
	s12 =	sadd.s32 $0x15C00, s5;
	[dreg:$0x6] =	wrdreg s26  }
0x12: {  	s21 =	smax.u32 s6, $0x1;
	s23 =	sadd.s32 $0x1000, s19;
	[dreg:$0x7] =	wrdreg s8  }
0x13: {  	s24 =	sadd.s32 $0x2000, s19;
	s25 =	sadd.s32 $0x3000, s19;
	[dreg:$0xb] =	wrdreg s14  }
0x14: {  	s20 =	simm.s32 $0xB;
	s5 =	simm.s32 $0x2;
	[dreg:$0xf] =	wrdreg s21  }
0x15: {  	s6 =	simm.s32 $0x3;
	s7 =	simm.s32 $0x4;
	[dreg:$0x10] =	wrdreg s23  }
0x16: {  	s10 =	simm.s32 $0x6;
	s17 =	smul.u32 $0xCD, s4;
	[dreg:$0x11] =	wrdreg s24  }
0x17: {  	s0 =	sshrl.u32 s0, $0x4;
	[dreg:$0x12] =	wrdreg s25;
	s21 =	simm.s32 $0x80  }
0x18: {  	s26 =	simm.s32 $0x14000;
	s23 =	simm.s32 $0xC000;
	s24 =	simm.s32 $0x1  }
0x19: {  	s8 =	simm.s32 $0x5;
	s14 =	simm.s32 $0x9;
	s0 =	sadd.s32 s11, s0  }
0x1a: {  	s18 =	sshrl.u32 s17, $0xB;
	[dreg:$0xd] =	wrdreg s0;
	s0 =	sadd.s32 $0x4A100, s2  }
0x1b: {  	[dreg:$0x4] =	wrdreg s26;
	s22 =	smul.u32 $0x1400, s18;
	s0 =	sshrl.u32 @p0 s0, $0x3  }
0x1c: {  	s26 =	simm.s32 $0xD000;
	s11 =	simm.s32 $0x7;
	[dreg:$0x13] =	wrdreg s0  }
0x1d: {  	v0 =	vimm.bf16 $0.0e+00;
	s0 =	simm.s32 $0x12000;
	[dreg:$0x3] =	wrdreg s22;
	s22 =	simm.s32 $0xB000  }
.LBB2_1:
0x1e: {  	s16 =	simm.s32 @p0 $0x0;
	s3 =	rddreg [dreg:$0x8];
	s17 =	simm.s32 @p0 $0xB  }
0x1f: {  	[tilespmem:s16], [sflag:$0xB] =	stream.linear.gather @p0 [hbm4b:s3+s16], $0x3200, $0x38;
	[tilespmem:$0x19E20] =	vst v63  }
0x20: {  	_ =	swait.ge @p0 [sflag:s17], $0x3200  }
0x21: {  	[sflag:s17] =	ssyncset.done @p0 $0x0  }
0x22: {  	s18 =	simm.s32 @p0 $0x5000;
	s3 =	rddreg [dreg:$0x9];
	[sflag:s17] =	ssyncadd.s32 @p0 $0xFFFFCE00  }
0x23: {  	[tilespmem:s18], [sflag:$0xB] =	stream.linear.gather @p0 [hbm4b:s3+s16], $0x3200, $0x38;
	[tilespmem:$0x19E20] =	vst v63  }
0x24: {  	_ =	swait.ge @p0 [sflag:s17], $0x3200  }
0x25: {  	s16 =	simm.s32 @!p0 $0x0;
	[sflag:s17] =	ssyncset.done @p0 $0x0  }
0x26: {  	s3 =	rddreg [dreg:$0x6];
	[sflag:s17] =	ssyncadd.s32 @p0 $0xFFFFCE00;
	s17 =	simm.s32 @!p0 $0xB  }
0x27: {  	[tilespmem:s16], [sflag:$0xB] =	stream.linear.gather @!p0 [hbm4b:s3+s16], $0x5000, $0x38;
	[tilespmem:$0x19E20] =	vst v63  }
0x28: {  	_ =	swait.ge @!p0 [sflag:s17], $0x5000  }
0x29: {  	[sflag:s17] =	ssyncset.done @!p0 $0x0  }
0x2a: {  	s18 =	simm.s32 @!p0 $0x5000;
	s3 =	rddreg [dreg:$0x7];
	[sflag:s17] =	ssyncadd.s32 @!p0 $0xFFFFB000  }
0x2b: {  	[tilespmem:s18], [sflag:$0xB] =	stream.linear.gather @!p0 [hbm4b:s3+s16], $0x5000, $0x38;
	[tilespmem:$0x19E20] =	vst v63  }
0x2c: {  	_ =	swait.ge @!p0 [sflag:s17], $0x5000  }
0x2d: {  	[sflag:s17] =	ssyncset.done @!p0 $0x0  }
0x2e: {  	s16 =	simm.s32 @p0 $0x0;
	[sflag:s17] =	ssyncadd.s32 @!p0 $0xFFFFB000  }
.LBB2_2:
0x2f: {  	p1 =	seq.s32 s16, $0x3F80  }
.Ltmp0:
0x30: {  	_ = 	snop;
	(pc) =	sbr.rel @!p1 .LBB2_2-.Ltmp0, $4  }
0x31: {  	_ = 	snop  }
0x32: {  	s17 =	sshra.s32 s16, $0x2  }
0x33: {  	[tilespmem:s17+$0xA000] =	vst v0  }
0x34: {  	s16 =	sadd.s32 $0x80, s16;
	[tilespmem:s17+$0xA010] =	vst v0  }
0x35: {  	s16 =	simm.s32 $0xA000  }
0x36: {  	[spmem:s19] =	stream.linear.scatter [tilespmem:s16], [sflag:$0xB], $0x1000, $0x38;
	[tilespmem:$0x19E20] =	vst v63  }
0x37: {  	_ =	swait.ge [sflag:s20], $0x1000  }
0x38: {  	[sflag:s20] =	ssyncset.done $0x0  }
0x39: {  	s3 =	rddreg [dreg:$0x10];
	[sflag:s20] =	ssyncadd.s32 $0xFFFFF000  }
0x3a: {  	[spmem:s3] =	stream.linear.scatter [tilespmem:s16], [sflag:$0xB], $0x1000, $0x38;
	[tilespmem:$0x19E20] =	vst v63  }
0x3b: {  	_ =	swait.ge [sflag:s20], $0x1000  }
0x3c: {  	[sflag:s20] =	ssyncset.done $0x0  }
0x3d: {  	s17 =	rddreg [dreg:$0x11];
	[sflag:s20] =	ssyncadd.s32 $0xFFFFF000  }
0x3e: {  	[spmem:s17] =	stream.linear.scatter [tilespmem:s16], [sflag:$0xB], $0x1000, $0x38;
	[tilespmem:$0x19E20] =	vst v63  }
0x3f: {  	_ =	swait.ge [sflag:s20], $0x1000  }
0x40: {  	[sflag:s20] =	ssyncset.done $0x0  }
0x41: {  	s18 =	rddreg [dreg:$0x12];
	[sflag:s20] =	ssyncadd.s32 $0xFFFFF000  }
0x42: {  	[spmem:s18] =	stream.linear.scatter [tilespmem:s16], [sflag:$0xB], $0x1000, $0x38;
	[tilespmem:$0x19E20] =	vst v63  }
0x43: {  	_ =	swait.ge [sflag:s20], $0x1000  }
0x44: {  	[sflag:s20] =	ssyncset.done $0x0  }
0x45: {  	s16 =	simm.s32 @p0 $0xA000;
	s3 =	rddreg [dreg:$0xc];
	[sflag:s20] =	ssyncadd.s32 $0xFFFFF000  }
0x46: {  	[spmem:s3] =	stream.linear.scatter @p0 [tilespmem:s16], [sflag:$0xB], $0x100, $0x38;
	[tilespmem:$0x19E20] =	vst v63  }
0x47: {  	s16 =	simm.s32 @p0 $0xB  }
0x48: {  	_ =	swait.ge @p0 [sflag:s16], $0x100  }
0x49: {  	[sflag:s16] =	ssyncset.done @p0 $0x0  }
0x4a: {  	s3 =	rddreg [dreg:$0xb];
	[sflag:s16] =	ssyncadd.s32 @p0 $0xFFFFFF00;
	s16 =	simm.s32 @!p0 $0xA000  }
0x4b: {  	[spmem:s3] =	stream.linear.scatter @!p0 [tilespmem:s16], [sflag:$0xB], $0xF00, $0x38;
	[tilespmem:$0x19E20] =	vst v63  }
0x4c: {  	s16 =	simm.s32 @!p0 $0xB  }
0x4d: {  	_ =	swait.ge @!p0 [sflag:s16], $0xF00  }
0x4e: {  	[sflag:s16] =	ssyncset.done @!p0 $0x0  }
0x4f: {  	[dreg:$0x5] =	wrdreg s9;
	[sflag:s16] =	ssyncadd.s32 @!p0 $0xFFFFF100  }
0x50: {  	s16 =	simm.s32 $0x0;
	[bflag:$0x0] =	sbarrier.arrive $0xFFFF  }
0x51: {  	[tilespmem:s22], [sflag:$0x1] =	stream.indirect.gather [hbm4b:s12+s21], $0x20, s16, s21, $0xb8;
	[tilespmem:$0x19E20] =	vst v63  }
0x52: {  	_ = 	snop  }
0x53: {  	[tilespmem:s23], [sflag:$0x2] =	stream.indirect.gather [hbm4b:s12+s21], $0x20, s21, s21, $0xb8;
	[tilespmem:$0x19E20] =	vst v63  }
0x54: {  	s19 =	simm.s32 $0x100  }
0x55: {  	[tilespmem:s26], [sflag:$0x3] =	stream.indirect.gather [hbm4b:s12+s21], $0x20, s19, s21, $0xb8;
	[tilespmem:$0x19E20] =	vst v63  }
0x56: {  	s25 =	simm.s32 $0x180  }
0x57: {  	[tilespmem:s29], [sflag:$0x4] =	stream.indirect.gather [hbm4b:s12+s21], $0x20, s25, s21, $0xb8;
	[tilespmem:$0x19E20] =	vst v63  }
0x58: {  	s9 =	simm.s32 $0x200  }
0x59: {  	[tilespmem:s31], [sflag:$0x5] =	stream.indirect.gather [hbm4b:s12+s21], $0x20, s9, s21, $0xb8;
	[tilespmem:$0x19E20] =	vst v63  }
0x5a: {  	s17 =	simm.s32 $0x280  }
0x5b: {  	[tilespmem:s1], [sflag:$0x6] =	stream.indirect.gather [hbm4b:s12+s21], $0x20, s17, s21, $0xb8;
	[tilespmem:$0x19E20] =	vst v63  }
0x5c: {  	s18 =	simm.s32 $0x300  }
0x5d: {  	[tilespmem:s28], [sflag:$0x7] =	stream.indirect.gather [hbm4b:s12+s21], $0x20, s18, s21, $0xb8;
	[tilespmem:$0x19E20] =	vst v63  }
0x5e: {  	s19 =	simm.s32 $0x380  }
0x5f: {  	[tilespmem:s0], [sflag:$0x8] =	stream.indirect.gather [hbm4b:s12+s21], $0x20, s19, s21, $0xb8;
	[tilespmem:$0x19E20] =	vst v63  }
0x60: {  	s25 =	simm.s32 $0x400;
	s17 =	simm.s32 $0x12  }
0x61: {  	[tilespmem:s30], [sflag:$0x9] =	stream.indirect.gather [hbm4b:s12+s21], $0x20, s25, s21, $0xb8;
	[tilespmem:$0x19E20] =	vst v63  }
.LBB2_4:
0x62: {  	_ =	swait.ge [sflag:s24], $0x1000;
	s18 =	sadd.s32 $0xFFFFFFF7, s17  }
0x63: {  	[sflag:s24] =	ssyncset.done $0x0;
	p1 =	sge.u32 s18, s4  }
0x64: {  	[sflag:s24] =	ssyncadd.s32 $0xFFFFF000;
	s18 =	sshra.s32 @!p1 s16, $0x2  }
0x65: {  	s25 =	simm.s32 @!p1 $0x80;
	s19 =	simm.s32 @!p1 $0x14000;
	s18 =	sadd.s32 @!p1 $0x480, s18  }
0x66: {  	[tilespmem:s19], [sflag:$0xA] =	stream.indirect.gather @!p1 [hbm4b:s12+s25], $0x20, s18, s25, $0xb8;
	[tilespmem:$0x19E20] =	vst v63  }
0x67: {  	s18 =	sshra.s32 s16, $0x2  }
0x68: {  	s3 =	sadd.s32 $0x5000, s18  }
0x69: {  	[spmem:s2] =	stream.indirect.scatter.add.bf16 [tilespmem:s22], [sflag:$0xB], $0x20, s3, s21, $0xb8;
	[tilespmem:$0x19E20] =	vst v63  }
0x6a: {  	_ =	swait.ge [sflag:s20], $0x1000  }
0x6b: {  	[sflag:s20] =	ssyncset.done $0x0  }
0x6c: {  	s9 =	sadd.s32 $0xFFFFFFF8, s17;
	[sflag:s20] =	ssyncadd.s32 $0xFFFFF000  }
0x6d: {  	p1 =	sge.u32 s9, s4;
	_ =	swait.ge [sflag:s5], $0x1000  }
0x6e: {  	s19 =	sshra.s32 @!p1 s16, $0x2;
	s25 =	simm.s32 @!p1 $0x80;
	[sflag:s5] =	ssyncset.done $0x0  }
0x6f: {  	s9 =	simm.s32 @!p1 $0xB000;
	s19 =	sadd.s32 @!p1 $0x500, s19;
	[sflag:s5] =	ssyncadd.s32 $0xFFFFF000  }
0x70: {  	[tilespmem:s9], [sflag:$0x1] =	stream.indirect.gather @!p1 [hbm4b:s12+s25], $0x20, s19, s25, $0xb8;
	[tilespmem:$0x19E20] =	vst v63  }
0x71: {  	s19 =	sadd.s32 $0x5080, s18  }
0x72: {  	[spmem:s2] =	stream.indirect.scatter.add.bf16 [tilespmem:s23], [sflag:$0xB], $0x20, s19, s21, $0xb8;
	[tilespmem:$0x19E20] =	vst v63  }
0x73: {  	_ =	swait.ge [sflag:s20], $0x1000  }
0x74: {  	[sflag:s20] =	ssyncset.done $0x0  }
0x75: {  	s25 =	sadd.s32 $0xFFFFFFF9, s17;
	[sflag:s20] =	ssyncadd.s32 $0xFFFFF000  }
0x76: {  	p1 =	sge.u32 s25, s4;
	_ =	swait.ge [sflag:s6], $0x1000  }
0x77: {  	s9 =	sshra.s32 @!p1 s16, $0x2;
	s19 =	simm.s32 @!p1 $0x80;
	[sflag:s6] =	ssyncset.done $0x0  }
0x78: {  	s25 =	simm.s32 @!p1 $0xC000;
	s9 =	sadd.s32 @!p1 $0x580, s9;
	[sflag:s6] =	ssyncadd.s32 $0xFFFFF000  }
0x79: {  	[tilespmem:s25], [sflag:$0x2] =	stream.indirect.gather @!p1 [hbm4b:s12+s19], $0x20, s9, s19, $0xb8;
	[tilespmem:$0x19E20] =	vst v63  }
0x7a: {  	s3 =	sadd.s32 $0x5100, s18  }
0x7b: {  	[spmem:s2] =	stream.indirect.scatter.add.bf16 [tilespmem:s26], [sflag:$0xB], $0x20, s3, s21, $0xb8;
	[tilespmem:$0x19E20] =	vst v63  }
0x7c: {  	_ =	swait.ge [sflag:s20], $0x1000  }
0x7d: {  	[sflag:s20] =	ssyncset.done $0x0  }
0x7e: {  	s19 =	sadd.s32 $0xFFFFFFFA, s17;
	[sflag:s20] =	ssyncadd.s32 $0xFFFFF000  }
0x7f: {  	p1 =	sge.u32 s19, s4;
	_ =	swait.ge [sflag:s7], $0x1000  }
0x80: {  	s9 =	sshra.s32 @!p1 s16, $0x2;
	s19 =	simm.s32 @!p1 $0x80;
	[sflag:s7] =	ssyncset.done $0x0  }
0x81: {  	s25 =	simm.s32 @!p1 $0xD000;
	s9 =	sadd.s32 @!p1 $0x600, s9;
	[sflag:s7] =	ssyncadd.s32 $0xFFFFF000  }
0x82: {  	[tilespmem:s25], [sflag:$0x3] =	stream.indirect.gather @!p1 [hbm4b:s12+s19], $0x20, s9, s19, $0xb8;
	[tilespmem:$0x19E20] =	vst v63  }
0x83: {  	s25 =	sadd.s32 $0x5180, s18  }
0x84: {  	[spmem:s2] =	stream.indirect.scatter.add.bf16 [tilespmem:s29], [sflag:$0xB], $0x20, s25, s21, $0xb8;
	[tilespmem:$0x19E20] =	vst v63  }
0x85: {  	_ =	swait.ge [sflag:s20], $0x1000  }
0x86: {  	[sflag:s20] =	ssyncset.done $0x0  }
0x87: {  	s3 =	sadd.s32 $0xFFFFFFFB, s17;
	[sflag:s20] =	ssyncadd.s32 $0xFFFFF000  }
0x88: {  	p1 =	sge.u32 s3, s4;
	_ =	swait.ge [sflag:s8], $0x1000  }
0x89: {  	s9 =	sshra.s32 @!p1 s16, $0x2;
	s19 =	simm.s32 @!p1 $0x80;
	[sflag:s8] =	ssyncset.done $0x0  }
0x8a: {  	s9 =	sadd.s32 @!p1 $0x680, s9;
	s25 =	simm.s32 @!p1 $0xE000;
	[sflag:s8] =	ssyncadd.s32 $0xFFFFF000  }
0x8b: {  	[tilespmem:s25], [sflag:$0x4] =	stream.indirect.gather @!p1 [hbm4b:s12+s19], $0x20, s9, s19, $0xb8;
	[tilespmem:$0x19E20] =	vst v63  }
0x8c: {  	s19 =	sadd.s32 $0x5200, s18  }
0x8d: {  	[spmem:s2] =	stream.indirect.scatter.add.bf16 [tilespmem:s31], [sflag:$0xB], $0x20, s19, s21, $0xb8;
	[tilespmem:$0x19E20] =	vst v63  }
0x8e: {  	_ =	swait.ge [sflag:s20], $0x1000  }
0x8f: {  	[sflag:s20] =	ssyncset.done $0x0  }
0x90: {  	s25 =	sadd.s32 $0xFFFFFFFC, s17;
	[sflag:s20] =	ssyncadd.s32 $0xFFFFF000  }
0x91: {  	p1 =	sge.u32 s25, s4;
	_ =	swait.ge [sflag:s10], $0x1000  }
0x92: {  	s9 =	sshra.s32 @!p1 s16, $0x2;
	s19 =	simm.s32 @!p1 $0x80;
	[sflag:s10] =	ssyncset.done $0x0  }
0x93: {  	s25 =	simm.s32 @!p1 $0xF000;
	s9 =	sadd.s32 @!p1 $0x700, s9;
	[sflag:s10] =	ssyncadd.s32 $0xFFFFF000  }
0x94: {  	[tilespmem:s25], [sflag:$0x5] =	stream.indirect.gather @!p1 [hbm4b:s12+s19], $0x20, s9, s19, $0xb8;
	[tilespmem:$0x19E20] =	vst v63  }
0x95: {  	s3 =	sadd.s32 $0x5280, s18  }
0x96: {  	[spmem:s2] =	stream.indirect.scatter.add.bf16 [tilespmem:s1], [sflag:$0xB], $0x20, s3, s21, $0xb8;
	[tilespmem:$0x19E20] =	vst v63  }
0x97: {  	_ =	swait.ge [sflag:s20], $0x1000  }
0x98: {  	[sflag:s20] =	ssyncset.done $0x0  }
0x99: {  	s19 =	sadd.s32 $0xFFFFFFFD, s17;
	[sflag:s20] =	ssyncadd.s32 $0xFFFFF000  }
0x9a: {  	p1 =	sge.u32 s19, s4;
	_ =	swait.ge [sflag:s11], $0x1000  }
0x9b: {  	s9 =	sshra.s32 @!p1 s16, $0x2;
	s19 =	simm.s32 @!p1 $0x80;
	[sflag:s11] =	ssyncset.done $0x0  }
0x9c: {  	s25 =	simm.s32 @!p1 $0x10000;
	s9 =	sadd.s32 @!p1 $0x780, s9;
	[sflag:s11] =	ssyncadd.s32 $0xFFFFF000  }
0x9d: {  	[tilespmem:s25], [sflag:$0x6] =	stream.indirect.gather @!p1 [hbm4b:s12+s19], $0x20, s9, s19, $0xb8;
	[tilespmem:$0x19E20] =	vst v63  }
0x9e: {  	s25 =	sadd.s32 $0x5300, s18  }
0x9f: {  	[spmem:s2] =	stream.indirect.scatter.add.bf16 [tilespmem:s28], [sflag:$0xB], $0x20, s25, s21, $0xb8;
	[tilespmem:$0x19E20] =	vst v63  }
0xa0: {  	_ =	swait.ge [sflag:s20], $0x1000  }
0xa1: {  	[sflag:s20] =	ssyncset.done $0x0  }
0xa2: {  	s3 =	sadd.s32 $0xFFFFFFFE, s17;
	[sflag:s20] =	ssyncadd.s32 $0xFFFFF000  }
0xa3: {  	p1 =	sge.u32 s3, s4;
	_ =	swait.ge [sflag:s13], $0x1000  }
0xa4: {  	s9 =	sshra.s32 @!p1 s16, $0x2;
	s19 =	simm.s32 @!p1 $0x80;
	[sflag:s13] =	ssyncset.done $0x0  }
0xa5: {  	s9 =	sadd.s32 @!p1 $0x800, s9;
	s25 =	simm.s32 @!p1 $0x11000;
	[sflag:s13] =	ssyncadd.s32 $0xFFFFF000  }
0xa6: {  	[tilespmem:s25], [sflag:$0x7] =	stream.indirect.gather @!p1 [hbm4b:s12+s19], $0x20, s9, s19, $0xb8;
	[tilespmem:$0x19E20] =	vst v63  }
0xa7: {  	s19 =	sadd.s32 $0x5380, s18  }
0xa8: {  	[spmem:s2] =	stream.indirect.scatter.add.bf16 [tilespmem:s0], [sflag:$0xB], $0x20, s19, s21, $0xb8;
	[tilespmem:$0x19E20] =	vst v63  }
0xa9: {  	_ =	swait.ge [sflag:s20], $0x1000  }
0xaa: {  	[sflag:s20] =	ssyncset.done $0x0  }
0xab: {  	s25 =	sadd.s32 $0xFFFFFFFF, s17;
	[sflag:s20] =	ssyncadd.s32 $0xFFFFF000  }
0xac: {  	p1 =	sge.u32 s25, s4;
	_ =	swait.ge [sflag:s14], $0x1000  }
0xad: {  	s9 =	sshra.s32 @!p1 s16, $0x2;
	s19 =	simm.s32 @!p1 $0x80;
	[sflag:s14] =	ssyncset.done $0x0  }
0xae: {  	s25 =	simm.s32 @!p1 $0x12000;
	s9 =	sadd.s32 @!p1 $0x880, s9;
	[sflag:s14] =	ssyncadd.s32 $0xFFFFF000  }
0xaf: {  	[tilespmem:s25], [sflag:$0x8] =	stream.indirect.gather @!p1 [hbm4b:s12+s19], $0x20, s9, s19, $0xb8;
	[tilespmem:$0x19E20] =	vst v63  }
0xb0: {  	s3 =	sadd.s32 $0x5400, s18  }
0xb1: {  	[spmem:s2] =	stream.indirect.scatter.add.bf16 [tilespmem:s30], [sflag:$0xB], $0x20, s3, s21, $0xb8;
	[tilespmem:$0x19E20] =	vst v63  }
0xb2: {  	_ =	swait.ge [sflag:s20], $0x1000  }
0xb3: {  	[sflag:s20] =	ssyncset.done $0x0  }
0xb4: {  	[sflag:s20] =	ssyncadd.s32 $0xFFFFF000  }
0xb5: {  	p1 =	sge.u32 s17, s4;
	_ =	swait.ge [sflag:s15], $0x1000  }
0xb6: {  	s9 =	sshra.s32 @!p1 s16, $0x2;
	s19 =	simm.s32 @!p1 $0x80;
	[sflag:s15] =	ssyncset.done $0x0  }
0xb7: {  	s25 =	simm.s32 @!p1 $0x13000;
	s9 =	sadd.s32 @!p1 $0x900, s9;
	[sflag:s15] =	ssyncadd.s32 $0xFFFFF000  }
0xb8: {  	[tilespmem:s25], [sflag:$0x9] =	stream.indirect.gather @!p1 [hbm4b:s12+s19], $0x20, s9, s19, $0xb8;
	[tilespmem:$0x19E20] =	vst v63  }
0xb9: {  	s3 =	rddreg [dreg:$0x4];
	s19 =	sadd.s32 $0x5480, s18  }
0xba: {  	[spmem:s2] =	stream.indirect.scatter.add.bf16 [tilespmem:s3], [sflag:$0xB], $0x20, s19, s21, $0xb8;
	[tilespmem:$0x19E20] =	vst v63  }
0xbb: {  	_ =	swait.ge [sflag:s20], $0x1000  }
0xbc: {  	s16 =	sadd.s32 $0x1400, s16;
	s25 =	rddreg [dreg:$0x3]  }
0xbd: {  	p1 =	sne.s32 s25, s16  }
.Ltmp1:
0xbe: {  	_ = 	snop;
	(pc) =	sbr.rel @p1 .LBB2_4-.Ltmp1, $3  }
0xbf: {  	_ =	sdelay $0x1  }
0xc0: {  	[sflag:s20] =	ssyncset.done $0x0  }
0xc1: {  	s17 =	sadd.s32 $0xA, s17;
	[sflag:s20] =	ssyncadd.s32 $0xFFFFF000  }
0xc2: {  	[bflag:$0x0] =	sbarrier.arrive $0xFFFF  }
0xc3: {  	s3 =	simm.s32 @p0 $0x1;
	s9 =	simm.s32 @p0 $0x8;
	s18 =	rddreg [dreg:$0xe]  }
0xc4: {  	s16 =	simm.s32 @p0 $0x4;
	s17 =	simm.s32 @p0 $0x1FCB;
	s19 =	rddreg [dreg:$0x13]  }
0xc5: {  	[hbm:s18@s9], [sflag:s17] =	dma.strided @p0 [spmem:s19@s16], $0x820, s3, $0x4   }
0xc6: {  	s3 =	simm.s32 @p0 $0xB  }
0xc7: {  	s9 =	stileid.u32;
	s16 =	simm.s32 @!p0 $0x1;
	_ =	swait.ge @p0 [sflag:s3], $0x820  }
0xc8: {  	s17 =	simm.s32 @!p0 $0x8;
	s18 =	simm.s32 @!p0 $0x4;
	s19 =	rddreg [dreg:$0xa]  }
0xc9: {  	s9 =	sshll.u32 @!p0 s9, $0x6;
	[sflag:s3] =	ssyncset.done @p0 $0x0;
	s25 =	rddreg [dreg:$0xd]  }
0xca: {  	[sflag:s3] =	ssyncadd.s32 @p0 $0xFFFFF7E0;
	s3 =	sor.u32 @!p0 $0x1C0B, s9;
	s9 =	sshrl.u32 @!p0 s19, $0x3  }
0xcb: {  	[hbm:s25@s17], [sflag:s3] =	dma.strided @!p0 [spmem:s9@s18], $0x9E0, s16, $0x4   }
0xcc: {  	s3 =	simm.s32 @!p0 $0xB  }
0xcd: {  	_ =	swait.ge @!p0 [sflag:s3], $0x9E0  }
0xce: {  	s18 =	rddreg [dreg:$0x5]  }
0xcf: {  	s25 =	rddreg [dreg:$0xf];
	s9 =	sadd.s32 $0x1, s18  }
0xd0: {  	p1 =	sne.s32 s9, s25  }
.Ltmp2:
0xd1: {  	_ = 	snop;
	(pc) =	sbr.rel @p1 .LBB2_1-.Ltmp2, $3  }
0xd2: {  	_ =	sdelay $0x1  }
0xd3: {  	[sflag:s3] =	ssyncset.done @!p0 $0x0  }
0xd4: {  	[sflag:s3] =	ssyncadd.s32 @!p0 $0xFFFFF620  }
0xd5: {  	_ =	sfence.sel $0x180000  }
0xd6: {  	[bflag:$0x0] =	sbarrier.arrive $0xFFFF  }
0xd7: {  	_ =	strace $0x9000004D  }
0xd8: {  	s0 =	stileid.u32;
	[bflag:$0x2] =	sbarrier.arrive $0xFFFF  }
0xd9: {  	p0 =	sne.s32 s0, $0x0;
	s0 =	rddreg [dreg:$0x2]  }
0xda: {  	s0 =	sadd.s32 @!p0 $0x100000, s0  }
0xdb: {  	[sflag:s0] =	ssyncadd.tile.s32 @!p0 $0x1;
	_ =	shalt  }
.Lfunc_end2:
_tile_overlayer_lowered:
.L_overlay_start_2:
0xdc: {  	(tag) =	ssettag $0x2  }
0xdd: {  	s0 =	rddreg [dreg:$0x0];
	s2 =	stileid.u32  }
0xde: {  	s1 =	rddreg [dreg:$0x1];
	p0 =	sne.s32 s2, $0x0  }
0xdf: {  	s3 =	rddreg [dreg:$0x2];
	[bflag:$0x3] =	sbarrier.arrive $0xFFFF;
	s2 =	simm.s32 @!p0 $0x1C0B  }
0xe0: {  	[timem:s3], [sflag:s2] =	dma.local @!p0 [hbm:s0], s1  }
0xe1: {  	s0 =	simm.s32 @!p0 $0xB  }
0xe2: {  	_ =	swait.ge @!p0 [sflag:s0], s1  }
0xe3: {  	s1 =	ssub.s32 @!p0 $0x0, s1;
	[sflag:s0] =	ssyncset.done @!p0 $0x0  }
0xe4: {  	[sflag:s0] =	ssyncadd.s32 @!p0 s1  }
0xe5: {  	[bflag:$0x3] =	sbarrier.arrive $0xFFFF  }
0xe6: {  	_ =	shalt  }

// kernel: kernel.8.cloned.1.call-start
scs
__scs_entry_jumppad:
0x0: {  	(pc) =	sbr.rel $0x88, $3  }
0x1: {  	(tag) =	ssettag $0x0;
	lr =	simm.s32 $0x1  }
0x2: {  	[smem:$0x3F99] =	sst lr;
	_ =	strace $0xD0000000  }
0x3: {  	_ = 	snop  }
0x4: {  	_ = 	snop  }
0x5: {  	_ = 	snop  }
0x6: {  	_ = 	snop  }
0x7: {  	_ = 	snop  }
__scs_overlays_trampoline_lowered:
0x8: {  	[smem:$0x3FA8] =	sst s0  }
0x9: {  	[smem:$0x3FA9] =	sst s1  }
0xa: {  	[smem:$0x3FAA] =	sst s2  }
0xb: {  	[smem:$0x3FAB] =	sst s3  }
0xc: {  	[smem:$0x3FAC] =	sst s4  }
0xd: {  	[smem:$0x3FAD] =	sst s5  }
0xe: {  	[smem:$0x3FAE] =	sst s6  }
0xf: {  	[smem:$0x3FAF] =	sst s7  }
0x10: {  	[smem:$0x3FB0] =	sst s8  }
0x11: {  	[smem:$0x3FB1] =	sst s9;
	s0 =	simm.s32 @!p0 $0x0  }
0x12: {  	s1 =	sld [smem:$0x3F97];
	s0 =	simm.s32 @p0 $0x1  }
0x13: {  	[smem:$0x3FB2] =	sst s0;
	s0 =	simm.s32 @!p1 $0x0  }
0x14: {  	s2 =	sld [smem:$0x3F96];
	s0 =	simm.s32 @p1 $0x1  }
0x15: {  	[smem:$0x3FB3] =	sst s0;
	s0 =	simm.s32 @!p2 $0x0  }
0x16: {  	s3 =	sld [smem:$0x3FDB];
	s0 =	simm.s32 @p2 $0x1  }
0x17: {  	s4 =	simm.s32 $0x1BF5;
	[smem:$0x3FB5] =	sst s0  }
0x18: {  	s0 =	sld [smem:$0x3F98];
	_ =	swait.ge [sflag:s4], $0x0  }
0x19: {  	s7 =	sld [smem:$0x3F99]  }
0x1a: {  	s8 =	sadd.s32 $0xFFFFE003, lr  }
0x1b: {  	s9 =	sadd.s32 $0xFFFFFEF7, lr;
	s5 =	simm.s32 $0xFFFFFFFF;
	p2 =	slt.u32 s8, $0xFFFFF086  }
0x1c: {  	p1 =	slt.u32 s9, $0xF7A;
	s5 =	simm.s32 @!p2 $0x0  }
0x1d: {  	s5 =	simm.s32 @p1 $0x1;
	p0 =	seq.s32 s7, s2  }
0x1e: {  	s7 =	smul.u32 @!p0 $0xF7A, s2;
	p2 =	seq.s32 @!p0 s5, $0x0  }
0x1f: {  	s9 =	smul.u32 $0xF7A, s1;
	s8 =	simm.s32 @!p0 $0x1BF5;
	p2 =	por !p2, p0  }
0x20: {  	[sflag:s8] =	ssyncset.s32 @!p0 $0xFFFFF086;
	s6 =	sadd.s32 @!p0 s3, s7;
	s7 =	simm.s32 @!p0 $0x108  }
0x21: {  	s3 =	sadd.s32 s3, s9;
	s6 =	sadd.s32 @!p0 $0x88, s6;
	s7 =	simm.s32 @p2 $0x1082  }
0x22: {  	[simem:s7], [sflag:s8] =	dma.local @!p0 [hbm:s6], $0xF7A  }
0x23: {  	s9 =	sor.u32 $0xD0000000, s2;
	s6 =	simm.s32 $0x108;
	_ =	swait.ge @!p0 [sflag:s8], $0x0  }
0x24: {  	s3 =	sadd.s32 $0x88, s3;
	s6 =	simm.s32 @!p1 $0x1082;
	[sflag:s4] =	ssyncset.s32 $0xFFFFF086  }
0x25: {  	[simem:s6], [sflag:s4] =	dma.local [hbm:s3], $0xF7A  }
0x26: {  	[smem:$0x3F99] =	sst s1;
	(tag) =	ssettag s2;
	_ =	strace s9  }
0x27: {  	s1 =	sld [smem:$0x3FA9]  }
0x28: {  	s2 =	sld [smem:$0x3FAA]  }
0x29: {  	s4 =	sld [smem:$0x3FAC]  }
0x2a: {  	p0 =	seq.s32 s5, $0x0;
	s5 =	sld [smem:$0x3FAD]  }
0x2b: {  	s6 =	sld [smem:$0x3FAE]  }
0x2c: {  	s7 =	sld [smem:$0x3FAF]  }
0x2d: {  	s3 =	simm.s32 $0x108;
	s8 =	sld [smem:$0x3FB0]  }
0x2e: {  	s3 =	simm.s32 @!p0 $0x1082;
	s9 =	sld [smem:$0x3FB1]  }
0x2f: {  	lr =	sadd.s32 s0, s3;
	s0 =	sld [smem:$0x3FA8]  }
0x30: {  	s3 =	sld [smem:$0x3FAB]  }
0x31: {  	[smem:$0x3FB4] =	sst s10  }
0x32: {  	s10 =	sld [smem:$0x3FB2];
	_ =	sdelay $0x3  }
0x33: {  	p0 =	seq.s32 s10, $0x1;
	s10 =	sld [smem:$0x3FB4];
	_ =	sdelay $0x3  }
0x34: {  	[smem:$0x3FB4] =	sst s10  }
0x35: {  	s10 =	sld [smem:$0x3FB3];
	_ =	sdelay $0x3  }
0x36: {  	p1 =	seq.s32 s10, $0x1;
	s10 =	sld [smem:$0x3FB4];
	_ =	sdelay $0x3  }
0x37: {  	[smem:$0x3FB4] =	sst s10  }
0x38: {  	s10 =	sld [smem:$0x3FB5]  }
0x39: {  	_ = 	snop;
	(pc) =	sbr.ind lr, $3  }
0x3a: {  	_ = 	snop  }
0x3b: {  	_ = 	snop  }
0x3c: {  	p2 =	seq.s32 s10, $0x1;
	s10 =	sld [smem:$0x3FB4]  }
0x3d: {  	_ =	shalt  }
0x3e: {  	_ =	shalt  }
0x3f: {  	_ =	shalt  }
0x40: {  	_ =	shalt  }
0x41: {  	_ =	shalt  }
0x42: {  	_ =	shalt  }
0x43: {  	_ =	shalt  }
0x44: {  	_ =	shalt  }
0x45: {  	_ =	shalt  }
0x46: {  	_ =	shalt  }
0x47: {  	_ =	shalt  }
0x48: {  	_ =	shalt  }
0x49: {  	_ =	shalt  }
0x4a: {  	_ =	shalt  }
0x4b: {  	_ =	shalt  }
0x4c: {  	_ =	shalt  }
0x4d: {  	_ =	shalt  }
0x4e: {  	_ =	shalt  }
0x4f: {  	_ =	shalt  }
0x50: {  	_ =	shalt  }
0x51: {  	_ =	shalt  }
0x52: {  	_ =	shalt  }
0x53: {  	_ =	shalt  }
0x54: {  	_ =	shalt  }
0x55: {  	_ =	shalt  }
0x56: {  	_ =	shalt  }
0x57: {  	_ =	shalt  }
0x58: {  	_ =	shalt  }
0x59: {  	_ =	shalt  }
0x5a: {  	_ =	shalt  }
0x5b: {  	_ =	shalt  }
0x5c: {  	_ =	shalt  }
0x5d: {  	_ =	shalt  }
0x5e: {  	_ =	shalt  }
0x5f: {  	_ =	shalt  }
0x60: {  	_ =	shalt  }
0x61: {  	_ =	shalt  }
0x62: {  	_ =	shalt  }
0x63: {  	_ =	shalt  }
0x64: {  	_ =	shalt  }
0x65: {  	_ =	shalt  }
0x66: {  	_ =	shalt  }
0x67: {  	_ =	shalt  }
0x68: {  	_ =	shalt  }
0x69: {  	_ =	shalt  }
0x6a: {  	_ =	shalt  }
0x6b: {  	_ =	shalt  }
0x6c: {  	_ =	shalt  }
0x6d: {  	_ =	shalt  }
0x6e: {  	_ =	shalt  }
0x6f: {  	_ =	shalt  }
0x70: {  	_ =	shalt  }
0x71: {  	_ =	shalt  }
0x72: {  	_ =	shalt  }
0x73: {  	_ =	shalt  }
0x74: {  	_ =	shalt  }
0x75: {  	_ =	shalt  }
0x76: {  	_ =	shalt  }
0x77: {  	_ =	shalt  }
0x78: {  	_ =	shalt  }
0x79: {  	_ =	shalt  }
0x7a: {  	_ =	shalt  }
0x7b: {  	_ =	shalt  }
0x7c: {  	_ =	shalt  }
0x7d: {  	_ =	shalt  }
0x7e: {  	_ =	shalt  }
0x7f: {  	_ =	shalt  }
0x80: {  	_ =	shalt  }
0x81: {  	_ =	shalt  }
0x82: {  	_ =	shalt  }
0x83: {  	_ =	shalt  }
0x84: {  	_ =	shalt  }
0x85: {  	_ =	shalt  }
0x86: {  	_ =	shalt  }
0x87: {  	_ =	shalt  }
.Lfunc_end0:
.L_simem_size_0:
called_computation_lowered:
.L_overlay_start_0:
0x88: {  	s2 =	sld [smem:$0x3FD9]  }
0x89: {  	s3 =	sld [smem:$0x3FFE];
	_ =	sdelay $0x1  }
0x8a: {  	s1 =	srdreg.scid  }
0x8b: {  	s0 =	sand.u32 $0x1, s1  }
0x8c: {  	s16 =	sshll.u32 s0, $0xA;
	s2 =	sadd.s32 s3, s2  }
0x8d: {  	s2 =	sadd.s32 s2, s16  }
0x8e: {  	[smem:$0x3FC0] =	sst s2  }
0x8f: {  	_ = 	snop  }
0x90: {  	(tm) =	ssettm $0x1  }
0x91: {  	s17 =	sld [smem:$0x3FFB];
	_ =	sdelay $0x3  }
0x92: {  	_ =	strace s17  }
0x93: {  	s2 =	sld [smem:$0x3FFC];
	_ =	sdelay $0x3  }
0x94: {  	_ =	strace s2  }
0x95: {  	s2 =	sld [smem:$0x3FFD];
	_ =	sdelay $0x3  }
0x96: {  	_ =	strace s2  }
0x97: {  	_ =	strace $0x8FFFFFFF  }
0x98: {  	s18 =	sld [smem:$0x3FDB];
	_ =	sdelay $0x1  }
0x99: {  	s19 =	simm.s32 $_scs_section_size  }
0x9a: {  	s4 =	simm.s32 $_size__tile_overlayer_lowered;
	s5 =	simm.s32 $_tile_overlayer_lowered  }
0x9b: {  	s22 =	simm.s32 $0x1BFF;
	s21 =	sshll.u32 s5, $0x1;
	s2 =	sadd.s32 s19, s18  }
0x9c: {  	s6 =	simm.s32 $0x0;
	s20 =	sshll.u32 s4, $0x1;
	s4 =	sadd.s32 s21, s2  }
0x9d: {  	[timem:s6], [sflag:s22] =	dma.local [hbm:s4], s20  }
0x9e: {  	_ =	swait.ge [sflag:s22], s20  }
0x9f: {  	s3 =	ssub.s32 $0x0, s20;
	[sflag:s22] =	ssyncset.done $0x0  }
0xa0: {  	[sflag:s22] =	ssyncadd.s32 s3;
	_ =	sdelay $0x1  }
0xa1: {  	s23 =	simm.s32 $0x1B8B  }
0xa2: {  	_ =	swait.ge [sflag:s23], $0x1  }
0xa3: {  	[sflag:s23] =	ssyncset.done $0x0  }
0xa4: {  	s25 =	simm.s32 $0x1B8E;
	s24 =	sld [smem:$0x3FFE];
	[sflag:s23] =	ssyncadd.s32 $0xFFFFFFFF  }
0xa5: {  	s26 =	simm.s32 $execute0_lowered;
	[smem:$0x3FD2] =	sst s25  }
0xa6: {  	s4 =	sshll.u32 s26, $0x1;
	_ =	strace $0x80000046;
	[dreg:$0x1] =	wrdreg $0xFFFFFFFF  }
0xa7: {  	s28 =	simm.s32 $_size_execute0_lowered;
	s2 =	sadd.s32 s2, s4;
	[dreg:$0x0] =	wrdreg $0x0  }
0xa8: {  	s4 =	sshll.u32 s28, $0x1;
	[dreg:$0x2] =	wrdreg s2  }
0xa9: {  	[dreg:$0x3] =	wrdreg s4  }
0xaa: {  	[dreg:$0x4] =	wrdreg $0xC0  }
0xab: {  	_ =	task [dreg:s6], $0x5FFFF  }
0xac: {  	[dreg:$0x1] =	wrdreg $0xFFFFFFFF  }
0xad: {  	[dreg:$0x0] =	wrdreg $0x60  }
0xae: {  	[dreg:$0x2] =	wrdreg s24  }
0xaf: {  	[dreg:$0x3] =	wrdreg $0x2B000  }
0xb0: {  	[dreg:$0x4] =	wrdreg $0x9  }
0xb1: {  	_ =	task.clear_ibuf [dreg:s6], $0x5FFFF;
	_ =	strace $0x90000046  }
0xb2: {  	s29 =	simm.s32 $0x9;
	_ =	strace $0x80000048  }
0xb3: {  	_ =	swait.ge [sflag:s29], $0x1  }
0xb4: {  	[sflag:s29] =	ssyncadd.s32 $0xFFFFFFFF  }
0xb5: {  	_ =	strace $0x90000048  }
0xb6: {  	_ =	sfence  }
0xb7: {  	s30 =	sld [smem:$0x0];
	_ =	sdelay $0x2  }
0xb8: {  	s31 =	sshll.u32 s1, $0xD;
	s1 =	sshrl.u32 s1, $0x2  }
0xb9: {  	s3 =	sand.u32 $0x4000, s31;
	s1 =	sadd.s32 s1, s30  }
0xba: {  	s0 =	sor.u32 s3, s0;
	s1 =	sshll.u32 s1, $0x11  }
0xbb: {  	s0 =	sor.u32 s1, s0  }
0xbc: {  	s0 =	sadd.s32 $0x8F2B, s0  }
0xbd: {  	[sflag:s0] =	ssyncadd.remote.s32 $0x1  }
0xbe: {  	_ =	sfence.sel $0xFFFF  }
0xbf: {  	[dreg:$0x0] =	wrdreg $0xFFFFFFFF;
	(pc) =	sbr.abs _section_cstart, $3  }
0xc0: {  	[dreg:$0x1] =	wrdreg $0xFFFFFFFF  }
0xc1: {  	_ =	task.clear_ibuf [dreg:s6], $0x2FFFF;
	_ =	strace $0x9FFFFFFF  }
0xc2: {  	(tm) =	ssettm $0x7FFFFFFF  }
0xc3: {  	_ =	shalt  }
tec
execute0_lowered:
.L_overlay_start_1:
0x0: {  	(tag) =	ssettag $0x1  }
0x1: {  	s4 =	rddreg [dreg:$0x0];
	s0 =	srdreg.scid  }
0x2: {  	s1 =	rddreg [dreg:$0x1];
	s12 =	stileid.u32  }
0x3: {  	s2 =	simm.s32 $0x0;
	s10 =	simm.s32 $0x80;
	s11 =	simm.s32 $0x2800  }
0x4: {  	s14 =	simm.s32 $0x0;
	s3 =	sand.u32 $0x1, s0;
	s0 =	rddreg [dreg:$0x2]  }
0x5: {  	[smem:$0x7FF] =	sst s2;
	s30 =	smul.u32 $0xA00, s12;
	p1 =	seq.s32 s12, $0xF  }
0x6: {  	s5 =	sshll.u32 s3, $0x4;
	s6 =	smul.u32 $0x4E2, s3;
	s3 =	ssub.s32 $0x2, s3  }
0x7: {  	_ =	strace $0x80000047;
	s5 =	sor.u32 s12, s5;
	s28 =	sshrl.u32 s3, $0x1  }
0x8: {  	s31 =	sshrl.u32 s30, $0x2;
	s7 =	smul.u32 $0x2800, s5;
	s8 =	sadd.s32 s6, s4  }
0x9: {  	s9 =	ssub.s32 s3, s28;
	p0 =	seq.s32 s5, $0x1F;
	s3 =	simm.s32 $0x14  }
0xa: {  	s5 =	sadd.s32 s31, s1;
	s6 =	sadd.s32 $0x2580, s1;
	s3 =	simm.s32 @!p0 $0x50  }
0xb: {  	p0 =	sne.s32 s12, $0x0;
	s12 =	simm.s32 $0x1;
	s29 =	sshrl.u32 s7, $0x3  }
0xc: {  	s7 =	sadd.s32 $0x15C00, s8;
	s8 =	smax.u32 s9, $0x1;
	s4 =	sadd.s32 s4, s29  }
0xd: {  	v0 =	vimm.f32 $1.000000000e+00;
	v1 =	vimm.f32 $0.0e+00;
	s9 =	simm.s32 $0x2;
	s13 =	sshrl.u32 @!p0 s1, $0x3;
	s4 =	sadd.s32 $0xBE40, s4  }
.LBB2_1:
0xe: {  	[tilespmem:$0x2800] =	vst v0  }
0xf: {  	[tilespmem:$0x2810] =	vst v0  }
0x10: {  	[tilespmem:$0x2820] =	vst v0  }
0x11: {  	[tilespmem:$0x2830] =	vst v0  }
0x12: {  	[tilespmem:$0x2840] =	vst v0  }
0x13: {  	[tilespmem:$0x2850] =	vst v0  }
0x14: {  	[tilespmem:$0x2860] =	vst v0  }
0x15: {  	[tilespmem:$0x2870] =	vst v0  }
0x16: {  	[tilespmem:$0x2880] =	vst v1  }
0x17: {  	[tilespmem:$0x2890] =	vst v1  }
0x18: {  	[tilespmem:$0x28A0] =	vst v1  }
0x19: {  	[tilespmem:$0x28B0] =	vst v1  }
0x1a: {  	[tilespmem:$0x28C0] =	vst v1  }
0x1b: {  	[tilespmem:$0x28D0] =	vst v1  }
0x1c: {  	[tilespmem:$0x28E0] =	vst v1  }
0x1d: {  	[tilespmem:$0x28F0] =	vst v1  }
0x1e: {  	[tilespmem:$0x2900] =	vst v1  }
0x1f: {  	[tilespmem:$0x2910] =	vst v1  }
0x20: {  	[tilespmem:$0x2920] =	vst v1  }
0x21: {  	[tilespmem:$0x2930] =	vst v1  }
0x22: {  	[tilespmem:$0x2940] =	vst v1  }
0x23: {  	[tilespmem:$0x2950] =	vst v1  }
0x24: {  	[tilespmem:$0x2960] =	vst v1  }
0x25: {  	[tilespmem:$0x2970] =	vst v1  }
0x26: {  	[tilespmem:$0x2980] =	vst v1  }
0x27: {  	[tilespmem:$0x2990] =	vst v1  }
0x28: {  	[tilespmem:$0x29A0] =	vst v1  }
0x29: {  	[tilespmem:$0x29B0] =	vst v1  }
0x2a: {  	[tilespmem:$0x29C0] =	vst v1  }
0x2b: {  	[tilespmem:$0x29D0] =	vst v1  }
0x2c: {  	[tilespmem:$0x29E0] =	vst v1  }
0x2d: {  	[tilespmem:$0x29F0] =	vst v1  }
0x2e: {  	[tilespmem:$0x2A00] =	vst v1  }
0x2f: {  	[tilespmem:$0x2A10] =	vst v1  }
0x30: {  	[tilespmem:$0x2A20] =	vst v1  }
0x31: {  	[tilespmem:$0x2A30] =	vst v1  }
0x32: {  	[tilespmem:$0x2A40] =	vst v1  }
0x33: {  	[tilespmem:$0x2A50] =	vst v1  }
0x34: {  	[tilespmem:$0x2A60] =	vst v1  }
0x35: {  	[tilespmem:$0x2A70] =	vst v1  }
0x36: {  	[tilespmem:$0x2A80] =	vst v1  }
0x37: {  	[tilespmem:$0x2A90] =	vst v1  }
0x38: {  	[tilespmem:$0x2AA0] =	vst v1  }
0x39: {  	[tilespmem:$0x2AB0] =	vst v1  }
0x3a: {  	[tilespmem:$0x2AC0] =	vst v1  }
0x3b: {  	[tilespmem:$0x2AD0] =	vst v1  }
0x3c: {  	[tilespmem:$0x2AE0] =	vst v1  }
0x3d: {  	[tilespmem:$0x2AF0] =	vst v1  }
0x3e: {  	[tilespmem:s2], [sflag:$0x2] =	stream.linear.gather [hbm4b:s4+s2], $0x2800, $0x38;
	[tilespmem:$0x2D78] =	vst v63  }
0x3f: {  	_ =	swait.ge [sflag:s9], $0x2800  }
0x40: {  	[sflag:s9] =	ssyncset.done $0x0  }
0x41: {  	s15 =	simm.s32 @p1 $0x2880;
	[sflag:s9] =	ssyncadd.s32 $0xFFFFD800  }
0x42: {  	[spmem:s6] =	stream.linear.scatter @p1 [tilespmem:s15], [sflag:$0x2], $0x190, $0x38;
	[tilespmem:$0x2D78] =	vst v63  }
0x43: {  	s15 =	simm.s32 @p1 $0x2  }
0x44: {  	_ =	swait.ge @p1 [sflag:s15], $0x190  }
0x45: {  	[sflag:s15] =	ssyncset.done @p1 $0x0  }
0x46: {  	[sflag:s15] =	ssyncadd.s32 @p1 $0xFFFFFE70;
	s15 =	simm.s32 @!p1 $0x2880  }
0x47: {  	[spmem:s5] =	stream.linear.scatter @!p1 [tilespmem:s15], [sflag:$0x2], $0x280, $0x38;
	[tilespmem:$0x2D78] =	vst v63  }
0x48: {  	p2 =	sne.s32 s3, $0x1;
	s15 =	simm.s32 @!p1 $0x2  }
.Ltmp0:
0x49: {  	_ =	swait.ge @!p1 [sflag:s15], $0x280;
	(pc) =	sbr.rel @!p2 .LBB2_3-.Ltmp0, $4  }
0x4a: {  	[sflag:s15] =	ssyncset.done @!p1 $0x0  }
0x4b: {  	[sflag:s15] =	ssyncadd.s32 @!p1 $0xFFFFFD80  }
0x4c: {  	s16 =	simm.s32 $0x0;
	s15 =	sadd.s32 $0xFFFFFFFF, s3;
	[bflag:$0x0] =	sbarrier.arrive $0xFFFF  }
0x4d: {  	[spmem:s1] =	stream.indirect.scatter.add.f32 [tilespmem:s11], [sflag:$0x1], $0x1, s2, s10, $0xb8;
	[tilespmem:$0x2D78] =	vst v63  }
.LBB2_2:
0x4e: {  	p3 =	sne.s32 s15, $0x1  }
.Ltmp1:
0x4f: {  	_ = 	snop;
	(pc) =	sbr.rel @p3 .LBB2_2-.Ltmp1, $3  }
0x50: {  	_ = 	snop  }
0x51: {  	s15 =	sadd.s32 $0xFFFFFFFF, s15;
	s16 =	sadd.s32 $0x80, s16;
	_ =	sdelay $0x1  }
0x52: {  	[spmem:s1] =	stream.indirect.scatter.add.f32 [tilespmem:s11], [sflag:$0x1], $0x1, s16, s10, $0xb8;
	[tilespmem:$0x2D78] =	vst v63  }
.LBB2_3:
.Ltmp2:
0x53: {  	(pc) =	sbr.rel @!p2 .LBB2_5-.Ltmp2, $3  }
0x54: {  	_ =	sdelay $0x1  }
0x55: {  	_ =	swait.ge [sflag:s12], $0x80  }
0x56: {  	s15 =	sadd.s32 $0xFFFFFFFF, s3;
	[sflag:s12] =	ssyncset.done $0x0  }
.LBB2_4:
0x57: {  	p2 =	sne.s32 s15, $0x1;
	s15 =	sadd.s32 $0xFFFFFFFF, s15;
	[sflag:s12] =	ssyncadd.s32 $0xFFFFFF80  }
.Ltmp3:
0x58: {  	(pc) =	sbr.rel @p2 .LBB2_4-.Ltmp3, $3  }
0x59: {  	_ =	sdelay $0x1  }
0x5a: {  	_ =	swait.ge [sflag:s12], $0x80  }
0x5b: {  	[sflag:s12] =	ssyncset.done $0x0  }
.LBB2_5:
0x5c: {  	[sflag:s12] =	ssyncadd.s32 $0xFFFFFF80;
	s14 =	sadd.s32 $0x1, s14  }
0x5d: {  	s15 =	simm.s32 @!p0 $0x1C02;
	[bflag:$0x0] =	sbarrier.arrive $0xFFFF;
	p2 =	sne.s32 s14, s8  }
0x5e: {  	[hbm:s7], [sflag:s15] =	dma.local @!p0 [spmem:s13], $0x4E2  }
.Ltmp4:
0x5f: {  	_ = 	snop;
	(pc) =	sbr.rel @p2 .LBB2_1-.Ltmp4, $4  }
0x60: {  	s15 =	simm.s32 @!p0 $0x2  }
0x61: {  	_ =	swait.ge @!p0 [sflag:s15], $0x4E2  }
0x62: {  	[sflag:s15] =	ssyncset.done @!p0 $0x0  }
0x63: {  	[sflag:s15] =	ssyncadd.s32 @!p0 $0xFFFFFB1E  }
0x64: {  	_ =	sfence.sel $0x180000  }
0x65: {  	[bflag:$0x0] =	sbarrier.arrive $0xFFFF  }
0x66: {  	_ =	strace $0x90000047  }
0x67: {  	s0 =	sadd.s32 @!p0 $0x100000, s0;
	[bflag:$0x2] =	sbarrier.arrive $0xFFFF  }
0x68: {  	[sflag:s0] =	ssyncadd.tile.s32 @!p0 $0x1;
	_ =	shalt  }
.Lfunc_end2:
_tile_overlayer_lowered:
.L_overlay_start_2:
0x69: {  	(tag) =	ssettag $0x2  }
0x6a: {  	s0 =	rddreg [dreg:$0x0];
	s2 =	stileid.u32  }
0x6b: {  	s1 =	rddreg [dreg:$0x1];
	p0 =	sne.s32 s2, $0x0  }
0x6c: {  	s3 =	rddreg [dreg:$0x2];
	[bflag:$0x3] =	sbarrier.arrive $0xFFFF;
	s2 =	simm.s32 @!p0 $0x1C02  }
0x6d: {  	[timem:s3], [sflag:s2] =	dma.local @!p0 [hbm:s0], s1  }
0x6e: {  	s0 =	simm.s32 @!p0 $0x2  }
0x6f: {  	_ =	swait.ge @!p0 [sflag:s0], s1  }
0x70: {  	s1 =	ssub.s32 @!p0 $0x0, s1;
	[sflag:s0] =	ssyncset.done @!p0 $0x0  }
0x71: {  	[sflag:s0] =	ssyncadd.s32 @!p0 s1  }
0x72: {  	[bflag:$0x3] =	sbarrier.arrive $0xFFFF  }
0x73: {  	_ =	shalt  }

</sc_bundles>
